<compile_context>
chip_gen: v7x
topology: tpu7x:2x2x1
jax: 0.10.2.dev20260603
libtpu: 0.0.44.dev20260713+nightly
codegen_flags: <defaults>
</compile_context>

<pallas_src>
import functools

import jax
import jax.numpy as jnp
from jax import lax
from jax.experimental import pallas as pl
from jax.experimental.pallas import tpu as pltpu
import jax.experimental.pallas.tpu_sc as plsc

D_IN = 1024
D_HID = 2816
D_OUT = 1024
E = 8
K = 2
T = 4096
TILE = 256
P = T * K + E * TILE
NT = P // TILE
GATE_BLK = 512
NG = T // GATE_BLK
EPS = 1e-10
LOSS_W = 0.01


def _gate_body(x_ref, wg_ref, ltri_ref, utri_ref,
               e0_ref, e1_ref, r0_ref, r1_ref, w0_ref, w1_ref,
               imp_ref, load_ref, loss_ref, pad_off_ref, tile_e_ref):
    i = pl.program_id(0)

    @pl.when(i == 0)
    def _init():
        imp_ref[...] = jnp.zeros_like(imp_ref)
        load_ref[...] = jnp.zeros_like(load_ref)

    x = x_ref[...]
    wg = wg_ref[...]
    logits = jnp.dot(x.astype(jnp.bfloat16), wg.astype(jnp.bfloat16),
                     preferred_element_type=jnp.float32)
    iota_e = lax.broadcasted_iota(jnp.int32, (GATE_BLK, E), 1)
    m0 = jnp.max(logits, axis=1, keepdims=True)
    e0 = jnp.min(jnp.where(logits == m0, iota_e, E), axis=1, keepdims=True)
    l2 = jnp.where(iota_e == e0, -jnp.inf, logits)
    m1 = jnp.max(l2, axis=1, keepdims=True)
    e1 = jnp.min(jnp.where(l2 == m1, iota_e, E), axis=1, keepdims=True)
    z = jnp.exp(m1 - m0)
    w0 = 1.0 / (1.0 + z)
    w1 = z / (1.0 + z)

    oh0 = (iota_e == e0).astype(jnp.float32)
    oh1 = (iota_e == e1).astype(jnp.float32)
    c01 = oh0 + oh1
    excl = jnp.dot(ltri_ref[...], c01, preferred_element_type=jnp.float32,
                   precision=lax.Precision.HIGHEST)
    carry = load_ref[...]
    rank = excl + carry
    r0 = jnp.sum(rank * oh0, axis=1, keepdims=True)
    r1 = jnp.sum(rank * oh1, axis=1, keepdims=True)

    e0_ref[...] = e0.astype(jnp.int32).reshape(1, 1, GATE_BLK)
    e1_ref[...] = e1.astype(jnp.int32).reshape(1, 1, GATE_BLK)
    r0_ref[...] = r0.astype(jnp.int32).reshape(1, 1, GATE_BLK)
    r1_ref[...] = r1.astype(jnp.int32).reshape(1, 1, GATE_BLK)
    w0_ref[...] = w0.reshape(1, 1, GATE_BLK)
    w1_ref[...] = w1.reshape(1, 1, GATE_BLK)

    load_ref[...] = carry + jnp.sum(c01, axis=0, keepdims=True)
    imp_ref[...] = imp_ref[...] + jnp.sum(oh0 * w0 + oh1 * w1, axis=0,
                                          keepdims=True)

    @pl.when(i == NG - 1)
    def _final():
        counts = load_ref[...]
        ci = counts.astype(jnp.int32)
        pad = ((ci + (TILE - 1)) // TILE) * TILE
        incl = jnp.dot(pad.astype(jnp.float32), utri_ref[...],
                       preferred_element_type=jnp.float32,
                       precision=lax.Precision.HIGHEST).astype(jnp.int32)
        pad_off_ref[...] = incl - pad
        starts = lax.broadcasted_iota(jnp.int32, (1, NT), 1) * TILE
        te = jnp.sum((incl.reshape(E, 1) <= starts).astype(jnp.int32),
                     axis=0, keepdims=True)
        tile_e_ref[...] = jnp.minimum(te, E - 1)

        imp = imp_ref[...]
        ld = load_ref[...]

        def cv_sq(v):
            m = jnp.sum(v) / E
            var = jnp.sum((v - m) ** 2) / (E - 1)
            return var / (m * m + EPS)

        loss_ref[...] = ((cv_sq(imp) + cv_sq(ld)) * LOSS_W).reshape(1, 1)


def _run_gate(xt, Wg, interpret=False):
    ltri = jnp.tril(jnp.ones((GATE_BLK, GATE_BLK), jnp.float32), -1)
    utri = jnp.triu(jnp.ones((E, E), jnp.float32), 0)
    outs = pl.pallas_call(
        _gate_body,
        grid=(NG,),
        in_specs=[
            pl.BlockSpec((GATE_BLK, D_IN), lambda i: (i, 0)),
            pl.BlockSpec((D_IN, E), lambda i: (0, 0)),
            pl.BlockSpec((GATE_BLK, GATE_BLK), lambda i: (0, 0)),
            pl.BlockSpec((E, E), lambda i: (0, 0)),
        ],
        out_specs=[
            pl.BlockSpec((1, 1, GATE_BLK), lambda i: (i, 0, 0)),
            pl.BlockSpec((1, 1, GATE_BLK), lambda i: (i, 0, 0)),
            pl.BlockSpec((1, 1, GATE_BLK), lambda i: (i, 0, 0)),
            pl.BlockSpec((1, 1, GATE_BLK), lambda i: (i, 0, 0)),
            pl.BlockSpec((1, 1, GATE_BLK), lambda i: (i, 0, 0)),
            pl.BlockSpec((1, 1, GATE_BLK), lambda i: (i, 0, 0)),
            pl.BlockSpec((1, E), lambda i: (0, 0)),
            pl.BlockSpec((1, E), lambda i: (0, 0)),
            pl.BlockSpec((1, 1), lambda i: (0, 0)),
            pl.BlockSpec((1, E), lambda i: (0, 0)),
            pl.BlockSpec((1, NT), lambda i: (0, 0)),
        ],
        out_shape=[
            jax.ShapeDtypeStruct((NG, 1, GATE_BLK), jnp.int32),
            jax.ShapeDtypeStruct((NG, 1, GATE_BLK), jnp.int32),
            jax.ShapeDtypeStruct((NG, 1, GATE_BLK), jnp.int32),
            jax.ShapeDtypeStruct((NG, 1, GATE_BLK), jnp.int32),
            jax.ShapeDtypeStruct((NG, 1, GATE_BLK), jnp.float32),
            jax.ShapeDtypeStruct((NG, 1, GATE_BLK), jnp.float32),
            jax.ShapeDtypeStruct((1, E), jnp.float32),
            jax.ShapeDtypeStruct((1, E), jnp.float32),
            jax.ShapeDtypeStruct((1, 1), jnp.float32),
            jax.ShapeDtypeStruct((1, E), jnp.int32),
            jax.ShapeDtypeStruct((1, NT), jnp.int32),
        ],
        compiler_params=pltpu.CompilerParams(
            dimension_semantics=("arbitrary",)),
        interpret=interpret,
    )(xt, Wg, ltri, utri)
    return outs


NH = 2
HBLK = D_HID // NH


def _gemm_body_h0(te_ref, x_ref, wg_ref, bg_ref, wu_ref, bu_ref, wd_ref,
                  *rest):
    o_ref = rest[-1]
    xb = x_ref[...]
    g = jnp.dot(xb, wg_ref[0], preferred_element_type=jnp.float32)
    g = g + bg_ref[0]
    u = jnp.dot(xb, wu_ref[0], preferred_element_type=jnp.float32)
    u = u + bu_ref[0]
    h = (g * jax.nn.sigmoid(g)) * u
    o_ref[...] = jnp.dot(h, wd_ref[0], preferred_element_type=jnp.float32)


def _gemm_body_h1(te_ref, x_ref, wg_ref, bg_ref, wu_ref, bu_ref, wd_ref,
                  bd_ref, sw_ref, op_ref, o_ref):
    xb = x_ref[...]
    g = jnp.dot(xb, wg_ref[0], preferred_element_type=jnp.float32)
    g = g + bg_ref[0]
    u = jnp.dot(xb, wu_ref[0], preferred_element_type=jnp.float32)
    u = u + bu_ref[0]
    h = (g * jax.nn.sigmoid(g)) * u
    o = jnp.dot(h, wd_ref[0], preferred_element_type=jnp.float32)
    sw = sw_ref[0, 0, :][:, None]
    o_ref[...] = (op_ref[...] + o + bd_ref[0]) * sw


def _gemm_quarter(xs_half, o_prev, t0, nt, h, slot_w3, tile_expert,
                  W_gate_proj, b_gate_proj, W_up, b_up, W_down, b_down,
                  interpret=False):
    body = _gemm_body_h0 if h == 0 else _gemm_body_h1
    wsp = [
        pl.BlockSpec((1, D_IN, HBLK), lambda i, te: (te[t0 + i], 0, h)),
        pl.BlockSpec((1, 1, HBLK), lambda i, te: (te[t0 + i], 0, h)),
        pl.BlockSpec((1, D_IN, HBLK), lambda i, te: (te[t0 + i], 0, h)),
        pl.BlockSpec((1, 1, HBLK), lambda i, te: (te[t0 + i], 0, h)),
        pl.BlockSpec((1, HBLK, D_OUT), lambda i, te: (te[t0 + i], h, 0)),
    ]
    xspec = pl.BlockSpec((TILE, D_IN), lambda i, te: (i, 0))
    ospec = pl.BlockSpec((TILE, D_OUT), lambda i, te: (t0 + i, 0))
    cp = pltpu.CompilerParams(dimension_semantics=("arbitrary",),
                              vmem_limit_bytes=128 * 1024 * 1024)
    args = [tile_expert, xs_half, W_gate_proj, b_gate_proj, W_up, b_up,
            W_down]
    in_specs = [xspec] + wsp
    if h == 0:
        alias = {} if o_prev is None else {7: 0}
        if o_prev is not None:
            in_specs = in_specs + [ospec]
            args = args + [o_prev]
    else:
        in_specs = in_specs + [
            pl.BlockSpec((1, 1, D_OUT), lambda i, te: (te[t0 + i], 0, 0)),
            pl.BlockSpec((1, 1, TILE), lambda i, te: (t0 + i, 0, 0)),
            ospec,
        ]
        args = args + [b_down, slot_w3, o_prev]
        alias = {9: 0}
    gs = pltpu.PrefetchScalarGridSpec(
        num_scalar_prefetch=1, grid=(nt,),
        in_specs=in_specs, out_specs=ospec)
    return pl.pallas_call(
        body, grid_spec=gs,
        out_shape=jax.ShapeDtypeStruct((P, D_OUT), jnp.float32),
        input_output_aliases=alias,
        compiler_params=cp, interpret=interpret,
    )(*args)


_SC_INFO = None


def _sc_mesh():
    return plsc.VectorSubcoreMesh(core_axis_name="c", subcore_axis_name="s")


def _wid():
    info = plsc.get_sparse_core_info()
    return lax.axis_index("s") * info.num_cores + lax.axis_index("c")


def _run_routing(e0, e1, r0, r1, w0, w1, pad_off16):
    @functools.partial(
        pl.kernel,
        out_type=(
            jax.ShapeDtypeStruct((P,), jnp.int32),
            jax.ShapeDtypeStruct((P,), jnp.float32),
            jax.ShapeDtypeStruct((T,), jnp.int32),
            jax.ShapeDtypeStruct((T,), jnp.int32),
        ),
        mesh=_sc_mesh(),
        compiler_params=pltpu.CompilerParams(needs_layout_passes=False),
        scratch_types=[
            pltpu.VMEM((T,), jnp.int32),
            pltpu.VMEM((T,), jnp.int32),
            pltpu.VMEM((T,), jnp.float32),
            pltpu.VMEM((16,), jnp.int32),
            pltpu.VMEM((P,), jnp.int32),
            pltpu.VMEM((P,), jnp.float32),
            pltpu.VMEM((T,), jnp.int32),
        ],
    )
    def route(e0_h, e1_h, r0_h, r1_h, w0_h, w1_h, off_h,
              st_h, sw_h, d0_h, d1_h,
              e_v, r_v, w_v, off_v, st_v, sw_v, d_v):
        w = _wid()

        @pl.when(w == 0)
        def _():
            pltpu.sync_copy(off_h, off_v)

            def zero_body(j, _):
                st_v[pl.ds(j * 16, 16)] = jnp.zeros((16,), jnp.int32)
                sw_v[pl.ds(j * 16, 16)] = jnp.zeros((16,), jnp.float32)
                return 0

            lax.fori_loop(0, P // 16, zero_body, 0)

            def one_k(e_h, r_h, w_h, d_h):
                pltpu.sync_copy(e_h, e_v)
                pltpu.sync_copy(r_h, r_v)
                pltpu.sync_copy(w_h, w_v)

                def body(j, _):
                    sl = pl.ds(j * 16, 16)
                    idx = e_v[sl]
                    off = plsc.load_gather(off_v, [idx])
                    dest = off + r_v[sl]
                    tok = lax.iota(jnp.int32, 16) + j * 16
                    plsc.store_scatter(st_v, [dest], tok)
                    plsc.store_scatter(sw_v, [dest], w_v[sl])
                    d_v[sl] = dest
                    return 0

                lax.fori_loop(0, T // 16, body, 0)
                pltpu.sync_copy(d_v, d_h)

            one_k(e0_h, r0_h, w0_h, d0_h)
            one_k(e1_h, r1_h, w1_h, d1_h)
            pltpu.sync_copy(st_v, st_h)
            pltpu.sync_copy(sw_v, sw_h)

    return route(e0, e1, r0, r1, w0, w1, pad_off16)


_GCHUNK = 16
_GNBUF = 6
_NBUF = 3


def _run_gather(xt, slot_token, lo, nrows):
    info = plsc.get_sparse_core_info()
    nw = info.num_cores * info.num_subcores
    rows_per_w = nrows // nw
    nch = rows_per_w // _GCHUNK
    lead = 4

    @functools.partial(
        pl.kernel,
        out_type=jax.ShapeDtypeStruct((nrows, D_IN), jnp.float32),
        mesh=_sc_mesh(),
        compiler_params=pltpu.CompilerParams(needs_layout_passes=False),
        scratch_types=(
            [pltpu.VMEM((rows_per_w,), jnp.int32)]
            + [pltpu.VMEM((_GCHUNK, D_IN), jnp.float32)] * _GNBUF
            + [pltpu.SemaphoreType.DMA] * (2 * _GNBUF)
        ),
    )
    def gather(x_h, st_h, out_h, idx_all, b0, b1, b2, b3, b4, b5,
               g0, g1, g2, g3, g4, g5, w0, w1, w2, w3, w4, w5):
        base = _wid() * rows_per_w
        bufs = (b0, b1, b2, b3, b4, b5)
        gsem = (g0, g1, g2, g3, g4, g5)
        wsem = (w0, w1, w2, w3, w4, w5)
        pltpu.sync_copy(st_h.at[pl.ds(lo + base, rows_per_w)], idx_all)

        pg, pw = {}, {}

        def start_gather(c):
            b = c % _GNBUF
            pg[c] = pltpu.async_copy(
                x_h.at[idx_all.at[pl.ds(c * _GCHUNK, _GCHUNK)]],
                bufs[b], gsem[b])

        for c in range(min(lead, nch)):
            start_gather(c)
        for c in range(nch):
            b = c % _GNBUF
            pg[c].wait()
            pw[c] = pltpu.async_copy(
                bufs[b], out_h.at[pl.ds(base + c * _GCHUNK, _GCHUNK)],
                wsem[b])
            nxt = c + lead
            if nxt < nch:
                if nxt - _GNBUF >= 0:
                    pw[nxt - _GNBUF].wait()
                start_gather(nxt)
        for c in range(max(0, nch - _GNBUF), nch):
            pw[c].wait()

    return gather(xt, slot_token)


_CCHUNK = 16


def _run_combine(o_sorted, dest0, dest1):
    info = plsc.get_sparse_core_info()
    nw = info.num_cores * info.num_subcores
    tok_per_w = T // nw
    nch = tok_per_w // _CCHUNK
    nseg = D_OUT // 16

    @functools.partial(
        pl.kernel,
        out_type=jax.ShapeDtypeStruct((T, D_OUT), jnp.float32),
        mesh=_sc_mesh(),
        compiler_params=pltpu.CompilerParams(needs_layout_passes=False),
        scratch_types=(
            [pltpu.VMEM((tok_per_w,), jnp.int32)] * 2
            + [pltpu.VMEM((_CCHUNK, D_OUT), jnp.float32)] * (2 * _NBUF)
            + [pltpu.SemaphoreType.DMA] * (3 * _NBUF)
        ),
    )
    def combine(o_h, d0_h, d1_h, y_h, i0_all, i1_all,
                a0, a1, a2, c0, c1, c2,
                ga0, ga1, ga2, gb0, gb1, gb2, ws0, ws1, ws2):
        base = _wid() * tok_per_w
        abuf = (a0, a1, a2)
        bbuf = (c0, c1, c2)
        gsa = (ga0, ga1, ga2)
        gsb = (gb0, gb1, gb2)
        wsem = (ws0, ws1, ws2)
        pltpu.sync_copy(d0_h.at[pl.ds(base, tok_per_w)], i0_all)
        pltpu.sync_copy(d1_h.at[pl.ds(base, tok_per_w)], i1_all)

        pga, pgb, pw = {}, {}, {}

        def start(c):
            b = c % _NBUF
            sl = pl.ds(c * _CCHUNK, _CCHUNK)
            pga[c] = pltpu.async_copy(o_h.at[i0_all.at[sl]], abuf[b], gsa[b])
            pgb[c] = pltpu.async_copy(o_h.at[i1_all.at[sl]], bbuf[b], gsb[b])

        start(0)
        if nch > 1:
            start(1)
        for c in range(nch):
            b = c % _NBUF
            pga[c].wait()
            pgb[c].wait()
            A = abuf[b]
            Bv = bbuf[b]

            nq = nseg // 4

            def _add(j, _):
                row = j // nq
                s = (j % nq) * 4
                for k in range(4):
                    sl = pl.ds((s + k) * 16, 16)
                    A[row, sl] = A[row, sl] + Bv[row, sl]
                return 0

            lax.fori_loop(0, _CCHUNK * nq, _add, 0)

            pw[c] = pltpu.async_copy(
                A, y_h.at[pl.ds(base + c * _CCHUNK, _CCHUNK)], wsem[b])
            nxt = c + 2
            if nxt < nch:
                if nxt - _NBUF >= 0:
                    pw[nxt - _NBUF].wait()
                start(nxt)
        for c in range(max(0, nch - _NBUF), nch):
            pw[c].wait()

    return combine(o_sorted, dest0, dest1)


def kernel(x, Wg, W_gate_proj, b_gate_proj, W_up, b_up, W_down, b_down):
    B, S, _ = x.shape
    xt = x.reshape(T, D_IN)

    (e0, e1, r0, r1, w0, w1, imp, load, loss, pad_off,
     tile_expert) = _run_gate(xt, Wg)

    e0 = e0.reshape(T)
    e1 = e1.reshape(T)
    r0 = r0.reshape(T)
    r1 = r1.reshape(T)
    w0 = w0.reshape(T)
    w1 = w1.reshape(T)
    pad_off16 = jnp.pad(pad_off.reshape(E), (0, 8))
    tile_expert = tile_expert.reshape(NT)

    slot_token, slot_w, dest0, dest1 = _run_routing(
        e0, e1, r0, r1, w0, w1, pad_off16)

    HALF = P // 2
    NTH = NT // 2
    xsA = _run_gather(xt, slot_token, 0, HALF)
    xsB = _run_gather(xt, slot_token, HALF, HALF)

    slot_w3 = slot_w.reshape(NT, 1, TILE)
    b_gate_proj = b_gate_proj.reshape(E, 1, D_HID)
    b_up = b_up.reshape(E, 1, D_HID)
    b_down = b_down.reshape(E, 1, D_OUT)
    gq = functools.partial(
        _gemm_quarter, slot_w3=slot_w3, tile_expert=tile_expert,
        W_gate_proj=W_gate_proj, b_gate_proj=b_gate_proj, W_up=W_up,
        b_up=b_up, W_down=W_down, b_down=b_down)
    o1 = gq(xsA, None, 0, NTH, 0)
    o2 = gq(xsB, o1, NTH, NTH, 0)
    o3 = gq(xsA, o2, 0, NTH, 1)
    o_sorted = gq(xsB, o3, NTH, NTH, 1)

    y = _run_combine(o_sorted, dest0, dest1)

    return (y.reshape(B, S, D_OUT), loss.reshape(()))

# --- scband reference (transcript-rebuilt; emitter-appended) ---
"""Pipeline reference for scband-linear-glumo-elayer-1924145348663 (READ-ONLY COPY).

The authoritative reference and input builder live on the scoring server;
editing this copy changes nothing except your own understanding.
"""

import jax, jax.numpy as jnp
import numpy as np

INPUT_SIZE = 1024
HIDDEN_SIZE = 2816
OUTPUT_SIZE = 1024
NUM_EXPERTS = 8
NUM_SELECTS = 2
BALANCE_LOSS_WEIGHT = 0.01
EPS = 1e-10


def setup_inputs(seed: int = 0) -> dict:
    key = jax.random.key(seed)
    ks = jax.random.split(key, 9)
    x = jax.random.normal(ks[0], (2, 2048, INPUT_SIZE), dtype=jnp.float32)
    # gate network: Linear(input_size, num_experts, bias=False)
    Wg = jax.random.normal(ks[1], (INPUT_SIZE, NUM_EXPERTS), dtype=jnp.float32) * 0.02
    # per-expert GLU weights (stacked over expert dim)
    W_gate_proj = jax.random.normal(ks[2], (NUM_EXPERTS, INPUT_SIZE, HIDDEN_SIZE), dtype=jnp.float32) * 0.02
    b_gate_proj = jax.random.normal(ks[3], (NUM_EXPERTS, HIDDEN_SIZE), dtype=jnp.float32) * 0.02
    W_up = jax.random.normal(ks[4], (NUM_EXPERTS, INPUT_SIZE, HIDDEN_SIZE), dtype=jnp.float32) * 0.02
    b_up = jax.random.normal(ks[5], (NUM_EXPERTS, HIDDEN_SIZE), dtype=jnp.float32) * 0.02
    W_down = jax.random.normal(ks[6], (NUM_EXPERTS, HIDDEN_SIZE, OUTPUT_SIZE), dtype=jnp.float32) * 0.02
    b_down = jax.random.normal(ks[7], (NUM_EXPERTS, OUTPUT_SIZE), dtype=jnp.float32) * 0.02
    return {"x": x, "Wg": Wg, "W_gate_proj": W_gate_proj, "b_gate_proj": b_gate_proj,
            "W_up": W_up, "b_up": b_up, "W_down": W_down, "b_down": b_down}


def _cv_squared(v):
    # torch: x.var() / (x.mean()**2 + eps), unbiased var
    m = jnp.mean(v)
    var = jnp.var(v, ddof=1)
    return var / (m * m + EPS)


def reference(x, Wg, W_gate_proj, b_gate_proj, W_up, b_up, W_down, b_down):
    B, S, _ = x.shape
    xt = x.reshape(-1, INPUT_SIZE)  # [T, d]
    T = xt.shape[0]
    # ---- TopKBalancedNoisyGate (eval / no-noise path) ----
    logits = xt @ Wg  # [T, E]
    top_logits, top_idx = jax.lax.top_k(logits, NUM_SELECTS)
    scores = jax.nn.softmax(top_logits, axis=-1)  # [T, K]
    rows = jnp.arange(T)[:, None]
    combine = jnp.zeros((T, NUM_EXPERTS), dtype=xt.dtype).at[rows, top_idx].set(scores)  # scatter
    importance = combine.sum(axis=0)
    load = (combine > 0).sum(axis=0).astype(jnp.float32)
    gate_loss = (_cv_squared(importance) + _cv_squared(load)) * BALANCE_LOSS_WEIGHT
    # ---- UniversalCalculator over LinearGLUExperts ----
    # mathematically identical to gather-per-expert dispatch + index_add combine:
    # y[t] = sum_e combine[t,e] * down_e(silu(gate_e(x_t)) * up_e(x_t))
    y = jnp.zeros((T, OUTPUT_SIZE), dtype=xt.dtype)
    for e in range(NUM_EXPERTS):
        h = jax.nn.silu(xt @ W_gate_proj[e] + b_gate_proj[e]) * (xt @ W_up[e] + b_up[e])
        o = h @ W_down[e] + b_down[e]
        y = y + combine[:, e:e + 1] * o
    y = y.reshape(B, S, OUTPUT_SIZE)
    return (y, gate_loss)

if __name__ == "__main__":
    import jax
    _d = setup_inputs()
    print(jax.jit(kernel)(*tuple(_d.values())))

</pallas_src>

<mosaic_0001>
#map = affine_map<(d0, d1) -> (0, 0)>
#map1 = affine_map<(d0, d1) -> (0)>
module attributes {stable_mosaic.version = 14 : i64} {
  func.func @gather(%arg0: i32, %arg1: i32, %arg2: memref<4096x1024xf32, #tpu.memory_space<hbm>>, %arg3: memref<10240xi32, #tpu.memory_space<hbm>>, %arg4: memref<5120x1024xf32, #tpu.memory_space<hbm>>, %arg5: memref<160xi32, #tpu.memory_space<vmem>>, %arg6: memref<16x1024xf32, #tpu.memory_space<vmem>>, %arg7: memref<16x1024xf32, #tpu.memory_space<vmem>>, %arg8: memref<16x1024xf32, #tpu.memory_space<vmem>>, %arg9: memref<16x1024xf32, #tpu.memory_space<vmem>>, %arg10: memref<16x1024xf32, #tpu.memory_space<vmem>>, %arg11: memref<16x1024xf32, #tpu.memory_space<vmem>>, %arg12: memref<!tpu.dma_semaphore, #tpu.memory_space<semaphore_mem>>, %arg13: memref<!tpu.dma_semaphore, #tpu.memory_space<semaphore_mem>>, %arg14: memref<!tpu.dma_semaphore, #tpu.memory_space<semaphore_mem>>, %arg15: memref<!tpu.dma_semaphore, #tpu.memory_space<semaphore_mem>>, %arg16: memref<!tpu.dma_semaphore, #tpu.memory_space<semaphore_mem>>, %arg17: memref<!tpu.dma_semaphore, #tpu.memory_space<semaphore_mem>>, %arg18: memref<!tpu.dma_semaphore, #tpu.memory_space<semaphore_mem>>, %arg19: memref<!tpu.dma_semaphore, #tpu.memory_space<semaphore_mem>>, %arg20: memref<!tpu.dma_semaphore, #tpu.memory_space<semaphore_mem>>, %arg21: memref<!tpu.dma_semaphore, #tpu.memory_space<semaphore_mem>>, %arg22: memref<!tpu.dma_semaphore, #tpu.memory_space<semaphore_mem>>, %arg23: memref<!tpu.dma_semaphore, #tpu.memory_space<semaphore_mem>>) attributes {dimension_semantics = [#tpu.dimension_semantics<core_parallel>, #tpu.dimension_semantics<subcore_parallel>], iteration_bounds = array<i64: 2, 16>, scalar_prefetch = 0 : i64, scratch_operands = 19 : i64, tpu.core_type = #tpu.core_type<sc_vector_subcore>, window_params = [{transform_indices = #map}, {transform_indices = #map1}, {transform_indices = #map}]} {
    %mul3A = arith.constant 2 : i32
    %mul3A_0 = arith.muli %arg1, %mul3A : i32
    %add3A = arith.addi %mul3A_0, %arg0 : i32
    %mul3A_1 = arith.constant 160 : i32
    %mul3A_2 = arith.muli %add3A, %mul3A_1 : i32
    %add3A_3 = arith.constant 5120 : i32
    %add3A_4 = arith.addi %add3A_3, %mul3A_2 : i32
    "tpu.region"() ({
      %run_scoped3A = tpu.sem_alloc : memref<!tpu.dma_semaphore, #tpu.memory_space<semaphore_mem>>
      %dma_start3A_203 = tpu.memref_slice %arg3[%add3A_4] : memref<10240xi32, #tpu.memory_space<hbm>> -> memref<160xi32, #tpu.memory_space<hbm>>
      %dma_start3A_204 = tpu.memref_slice %arg3[%add3A_4] : memref<10240xi32, #tpu.memory_space<hbm>> -> memref<160xi32, #tpu.memory_space<hbm>>
      tpu.enqueue_dma source(%dma_start3A_204 : memref<160xi32, #tpu.memory_space<hbm>>) target(%arg5 : memref<160xi32, #tpu.memory_space<vmem>>) target_semaphore(%run_scoped3A : memref<!tpu.dma_semaphore, #tpu.memory_space<semaphore_mem>>)
      %dma_wait3A_205 = tpu.memref_slice %arg3[%add3A_4] : memref<10240xi32, #tpu.memory_space<hbm>> -> memref<160xi32, #tpu.memory_space<hbm>>
      %dma_wait3A_206 = tpu.memref_slice %arg3[%add3A_4] : memref<10240xi32, #tpu.memory_space<hbm>> -> memref<160xi32, #tpu.memory_space<hbm>>
      tpu.wait_dma2 semaphore(%run_scoped3A : memref<!tpu.dma_semaphore, #tpu.memory_space<semaphore_mem>>) src(%dma_wait3A_206 : memref<160xi32, #tpu.memory_space<hbm>>) dst(%arg5 : memref<160xi32, #tpu.memory_space<vmem>>)
      tpu.yield
    }) : () -> ()
    %dma_start3A = arith.constant 0 : i32
    %dma_start3A_5 = tpu.memref_slice %arg5[%dma_start3A] : memref<160xi32, #tpu.memory_space<vmem>> -> memref<16xi32, #tpu.memory_space<vmem>>
    %dma_start3A_6 = arith.constant 0 : i32
    %dma_start3A_7 = arith.constant 0 : i32
    %dma_start3A_8 = tpu.memref_slice %arg2[%dma_start3A_6, %dma_start3A_7] : memref<4096x1024xf32, #tpu.memory_space<hbm>> -> memref<4096x1024xf32, #tpu.memory_space<hbm>>
    tpu.enqueue_indirect_dma source(%dma_start3A_8 : memref<4096x1024xf32, #tpu.memory_space<hbm>>) target(%arg6 : memref<16x1024xf32, #tpu.memory_space<vmem>>) offsets(%dma_start3A_5 : memref<16xi32, #tpu.memory_space<vmem>>) semaphore(%arg12 : memref<!tpu.dma_semaphore, #tpu.memory_space<semaphore_mem>>)
    %dma_start3A_9 = arith.constant 16 : i32
    %dma_start3A_10 = tpu.memref_slice %arg5[%dma_start3A_9] : memref<160xi32, #tpu.memory_space<vmem>> -> memref<16xi32, #tpu.memory_space<vmem>>
    %dma_start3A_11 = arith.constant 0 : i32
    %dma_start3A_12 = arith.constant 0 : i32
    %dma_start3A_13 = tpu.memref_slice %arg2[%dma_start3A_11, %dma_start3A_12] : memref<4096x1024xf32, #tpu.memory_space<hbm>> -> memref<4096x1024xf32, #tpu.memory_space<hbm>>
    tpu.enqueue_indirect_dma source(%dma_start3A_13 : memref<4096x1024xf32, #tpu.memory_space<hbm>>) target(%arg7 : memref<16x1024xf32, #tpu.memory_space<vmem>>) offsets(%dma_start3A_10 : memref<16xi32, #tpu.memory_space<vmem>>) semaphore(%arg13 : memref<!tpu.dma_semaphore, #tpu.memory_space<semaphore_mem>>)
    %dma_start3A_14 = arith.constant 32 : i32
    %dma_start3A_15 = tpu.memref_slice %arg5[%dma_start3A_14] : memref<160xi32, #tpu.memory_space<vmem>> -> memref<16xi32, #tpu.memory_space<vmem>>
    %dma_start3A_16 = arith.constant 0 : i32
    %dma_start3A_17 = arith.constant 0 : i32
    %dma_start3A_18 = tpu.memref_slice %arg2[%dma_start3A_16, %dma_start3A_17] : memref<4096x1024xf32, #tpu.memory_space<hbm>> -> memref<4096x1024xf32, #tpu.memory_space<hbm>>
    tpu.enqueue_indirect_dma source(%dma_start3A_18 : memref<4096x1024xf32, #tpu.memory_space<hbm>>) target(%arg8 : memref<16x1024xf32, #tpu.memory_space<vmem>>) offsets(%dma_start3A_15 : memref<16xi32, #tpu.memory_space<vmem>>) semaphore(%arg14 : memref<!tpu.dma_semaphore, #tpu.memory_space<semaphore_mem>>)
    %dma_start3A_19 = arith.constant 48 : i32
    %dma_start3A_20 = tpu.memref_slice %arg5[%dma_start3A_19] : memref<160xi32, #tpu.memory_space<vmem>> -> memref<16xi32, #tpu.memory_space<vmem>>
    %dma_start3A_21 = arith.constant 0 : i32
    %dma_start3A_22 = arith.constant 0 : i32
    %dma_start3A_23 = tpu.memref_slice %arg2[%dma_start3A_21, %dma_start3A_22] : memref<4096x1024xf32, #tpu.memory_space<hbm>> -> memref<4096x1024xf32, #tpu.memory_space<hbm>>
    tpu.enqueue_indirect_dma source(%dma_start3A_23 : memref<4096x1024xf32, #tpu.memory_space<hbm>>) target(%arg9 : memref<16x1024xf32, #tpu.memory_space<vmem>>) offsets(%dma_start3A_20 : memref<16xi32, #tpu.memory_space<vmem>>) semaphore(%arg15 : memref<!tpu.dma_semaphore, #tpu.memory_space<semaphore_mem>>)
    %dma_wait3A = arith.constant 0 : i32
    %dma_wait3A_24 = tpu.memref_slice %arg5[%dma_wait3A] : memref<160xi32, #tpu.memory_space<vmem>> -> memref<16xi32, #tpu.memory_space<vmem>>
    %dma_wait3A_25 = arith.constant 0 : i32
    %dma_wait3A_26 = arith.constant 0 : i32
    %dma_wait3A_27 = tpu.memref_slice %arg2[%dma_wait3A_25, %dma_wait3A_26] : memref<4096x1024xf32, #tpu.memory_space<hbm>> -> memref<4096x1024xf32, #tpu.memory_space<hbm>>
    tpu.wait_indirect_dma semaphore(%arg12 : memref<!tpu.dma_semaphore, #tpu.memory_space<semaphore_mem>>) src(%dma_wait3A_27 : memref<4096x1024xf32, #tpu.memory_space<hbm>>) dst(%arg6 : memref<16x1024xf32, #tpu.memory_space<vmem>>)
    %add3A_28 = arith.constant 0 : i32
    %add3A_29 = arith.addi %mul3A_2, %add3A_28 : i32
    %dma_start3A_30 = arith.constant 0 : i32
    %dma_start3A_31 = tpu.memref_slice %arg4[%add3A_29, %dma_start3A_30] : memref<5120x1024xf32, #tpu.memory_space<hbm>> -> memref<16x1024xf32, #tpu.memory_space<hbm>>
    %dma_start3A_32 = arith.constant 0 : i32
    %dma_start3A_33 = tpu.memref_slice %arg4[%add3A_29, %dma_start3A_32] : memref<5120x1024xf32, #tpu.memory_space<hbm>> -> memref<16x1024xf32, #tpu.memory_space<hbm>>
    tpu.enqueue_dma source(%arg6 : memref<16x1024xf32, #tpu.memory_space<vmem>>) target(%dma_start3A_33 : memref<16x1024xf32, #tpu.memory_space<hbm>>) target_semaphore(%arg18 : memref<!tpu.dma_semaphore, #tpu.memory_space<semaphore_mem>>)
    %dma_start3A_34 = arith.constant 64 : i32
    %dma_start3A_35 = tpu.memref_slice %arg5[%dma_start3A_34] : memref<160xi32, #tpu.memory_space<vmem>> -> memref<16xi32, #tpu.memory_space<vmem>>
    %dma_start3A_36 = arith.constant 0 : i32
    %dma_start3A_37 = arith.constant 0 : i32
    %dma_start3A_38 = tpu.memref_slice %arg2[%dma_start3A_36, %dma_start3A_37] : memref<4096x1024xf32, #tpu.memory_space<hbm>> -> memref<4096x1024xf32, #tpu.memory_space<hbm>>
    tpu.enqueue_indirect_dma source(%dma_start3A_38 : memref<4096x1024xf32, #tpu.memory_space<hbm>>) target(%arg10 : memref<16x1024xf32, #tpu.memory_space<vmem>>) offsets(%dma_start3A_35 : memref<16xi32, #tpu.memory_space<vmem>>) semaphore(%arg16 : memref<!tpu.dma_semaphore, #tpu.memory_space<semaphore_mem>>)
    %dma_wait3A_39 = arith.constant 16 : i32
    %dma_wait3A_40 = tpu.memref_slice %arg5[%dma_wait3A_39] : memref<160xi32, #tpu.memory_space<vmem>> -> memref<16xi32, #tpu.memory_space<vmem>>
    %dma_wait3A_41 = arith.constant 0 : i32
    %dma_wait3A_42 = arith.constant 0 : i32
    %dma_wait3A_43 = tpu.memref_slice %arg2[%dma_wait3A_41, %dma_wait3A_42] : memref<4096x1024xf32, #tpu.memory_space<hbm>> -> memref<4096x1024xf32, #tpu.memory_space<hbm>>
    tpu.wait_indirect_dma semaphore(%arg13 : memref<!tpu.dma_semaphore, #tpu.memory_space<semaphore_mem>>) src(%dma_wait3A_43 : memref<4096x1024xf32, #tpu.memory_space<hbm>>) dst(%arg7 : memref<16x1024xf32, #tpu.memory_space<vmem>>)
    %add3A_44 = arith.constant 16 : i32
    %add3A_45 = arith.addi %mul3A_2, %add3A_44 : i32
    %dma_start3A_46 = arith.constant 0 : i32
    %dma_start3A_47 = tpu.memref_slice %arg4[%add3A_45, %dma_start3A_46] : memref<5120x1024xf32, #tpu.memory_space<hbm>> -> memref<16x1024xf32, #tpu.memory_space<hbm>>
    %dma_start3A_48 = arith.constant 0 : i32
    %dma_start3A_49 = tpu.memref_slice %arg4[%add3A_45, %dma_start3A_48] : memref<5120x1024xf32, #tpu.memory_space<hbm>> -> memref<16x1024xf32, #tpu.memory_space<hbm>>
    tpu.enqueue_dma source(%arg7 : memref<16x1024xf32, #tpu.memory_space<vmem>>) target(%dma_start3A_49 : memref<16x1024xf32, #tpu.memory_space<hbm>>) target_semaphore(%arg19 : memref<!tpu.dma_semaphore, #tpu.memory_space<semaphore_mem>>)
    %dma_start3A_50 = arith.constant 80 : i32
    %dma_start3A_51 = tpu.memref_slice %arg5[%dma_start3A_50] : memref<160xi32, #tpu.memory_space<vmem>> -> memref<16xi32, #tpu.memory_space<vmem>>
    %dma_start3A_52 = arith.constant 0 : i32
    %dma_start3A_53 = arith.constant 0 : i32
    %dma_start3A_54 = tpu.memref_slice %arg2[%dma_start3A_52, %dma_start3A_53] : memref<4096x1024xf32, #tpu.memory_space<hbm>> -> memref<4096x1024xf32, #tpu.memory_space<hbm>>
    tpu.enqueue_indirect_dma source(%dma_start3A_54 : memref<4096x1024xf32, #tpu.memory_space<hbm>>) target(%arg11 : memref<16x1024xf32, #tpu.memory_space<vmem>>) offsets(%dma_start3A_51 : memref<16xi32, #tpu.memory_space<vmem>>) semaphore(%arg17 : memref<!tpu.dma_semaphore, #tpu.memory_space<semaphore_mem>>)
    %dma_wait3A_55 = arith.constant 32 : i32
    %dma_wait3A_56 = tpu.memref_slice %arg5[%dma_wait3A_55] : memref<160xi32, #tpu.memory_space<vmem>> -> memref<16xi32, #tpu.memory_space<vmem>>
    %dma_wait3A_57 = arith.constant 0 : i32
    %dma_wait3A_58 = arith.constant 0 : i32
    %dma_wait3A_59 = tpu.memref_slice %arg2[%dma_wait3A_57, %dma_wait3A_58] : memref<4096x1024xf32, #tpu.memory_space<hbm>> -> memref<4096x1024xf32, #tpu.memory_space<hbm>>
    tpu.wait_indirect_dma semaphore(%arg14 : memref<!tpu.dma_semaphore, #tpu.memory_space<semaphore_mem>>) src(%dma_wait3A_59 : memref<4096x1024xf32, #tpu.memory_space<hbm>>) dst(%arg8 : memref<16x1024xf32, #tpu.memory_space<vmem>>)
    %add3A_60 = arith.constant 32 : i32
    %add3A_61 = arith.addi %mul3A_2, %add3A_60 : i32
    %dma_start3A_62 = arith.constant 0 : i32
    %dma_start3A_63 = tpu.memref_slice %arg4[%add3A_61, %dma_start3A_62] : memref<5120x1024xf32, #tpu.memory_space<hbm>> -> memref<16x1024xf32, #tpu.memory_space<hbm>>
    %dma_start3A_64 = arith.constant 0 : i32
    %dma_start3A_65 = tpu.memref_slice %arg4[%add3A_61, %dma_start3A_64] : memref<5120x1024xf32, #tpu.memory_space<hbm>> -> memref<16x1024xf32, #tpu.memory_space<hbm>>
    tpu.enqueue_dma source(%arg8 : memref<16x1024xf32, #tpu.memory_space<vmem>>) target(%dma_start3A_65 : memref<16x1024xf32, #tpu.memory_space<hbm>>) target_semaphore(%arg20 : memref<!tpu.dma_semaphore, #tpu.memory_space<semaphore_mem>>)
    %dma_wait3A_66 = arith.constant 0 : i32
    %dma_wait3A_67 = tpu.memref_slice %arg4[%add3A_29, %dma_wait3A_66] : memref<5120x1024xf32, #tpu.memory_space<hbm>> -> memref<16x1024xf32, #tpu.memory_space<hbm>>
    %dma_wait3A_68 = arith.constant 0 : i32
    %dma_wait3A_69 = tpu.memref_slice %arg4[%add3A_29, %dma_wait3A_68] : memref<5120x1024xf32, #tpu.memory_space<hbm>> -> memref<16x1024xf32, #tpu.memory_space<hbm>>
    tpu.wait_dma2 semaphore(%arg18 : memref<!tpu.dma_semaphore, #tpu.memory_space<semaphore_mem>>) src(%arg6 : memref<16x1024xf32, #tpu.memory_space<vmem>>) dst(%dma_wait3A_69 : memref<16x1024xf32, #tpu.memory_space<hbm>>)
    %dma_start3A_70 = arith.constant 96 : i32
    %dma_start3A_71 = tpu.memref_slice %arg5[%dma_start3A_70] : memref<160xi32, #tpu.memory_space<vmem>> -> memref<16xi32, #tpu.memory_space<vmem>>
    %dma_start3A_72 = arith.constant 0 : i32
    %dma_start3A_73 = arith.constant 0 : i32
    %dma_start3A_74 = tpu.memref_slice %arg2[%dma_start3A_72, %dma_start3A_73] : memref<4096x1024xf32, #tpu.memory_space<hbm>> -> memref<4096x1024xf32, #tpu.memory_space<hbm>>
    tpu.enqueue_indirect_dma source(%dma_start3A_74 : memref<4096x1024xf32, #tpu.memory_space<hbm>>) target(%arg6 : memref<16x1024xf32, #tpu.memory_space<vmem>>) offsets(%dma_start3A_71 : memref<16xi32, #tpu.memory_space<vmem>>) semaphore(%arg12 : memref<!tpu.dma_semaphore, #tpu.memory_space<semaphore_mem>>)
    %dma_wait3A_75 = arith.constant 48 : i32
    %dma_wait3A_76 = tpu.memref_slice %arg5[%dma_wait3A_75] : memref<160xi32, #tpu.memory_space<vmem>> -> memref<16xi32, #tpu.memory_space<vmem>>
    %dma_wait3A_77 = arith.constant 0 : i32
    %dma_wait3A_78 = arith.constant 0 : i32
    %dma_wait3A_79 = tpu.memref_slice %arg2[%dma_wait3A_77, %dma_wait3A_78] : memref<4096x1024xf32, #tpu.memory_space<hbm>> -> memref<4096x1024xf32, #tpu.memory_space<hbm>>
    tpu.wait_indirect_dma semaphore(%arg15 : memref<!tpu.dma_semaphore, #tpu.memory_space<semaphore_mem>>) src(%dma_wait3A_79 : memref<4096x1024xf32, #tpu.memory_space<hbm>>) dst(%arg9 : memref<16x1024xf32, #tpu.memory_space<vmem>>)
    %add3A_80 = arith.constant 48 : i32
    %add3A_81 = arith.addi %mul3A_2, %add3A_80 : i32
    %dma_start3A_82 = arith.constant 0 : i32
    %dma_start3A_83 = tpu.memref_slice %arg4[%add3A_81, %dma_start3A_82] : memref<5120x1024xf32, #tpu.memory_space<hbm>> -> memref<16x1024xf32, #tpu.memory_space<hbm>>
    %dma_start3A_84 = arith.constant 0 : i32
    %dma_start3A_85 = tpu.memref_slice %arg4[%add3A_81, %dma_start3A_84] : memref<5120x1024xf32, #tpu.memory_space<hbm>> -> memref<16x1024xf32, #tpu.memory_space<hbm>>
    tpu.enqueue_dma source(%arg9 : memref<16x1024xf32, #tpu.memory_space<vmem>>) target(%dma_start3A_85 : memref<16x1024xf32, #tpu.memory_space<hbm>>) target_semaphore(%arg21 : memref<!tpu.dma_semaphore, #tpu.memory_space<semaphore_mem>>)
    %dma_wait3A_86 = arith.constant 0 : i32
    %dma_wait3A_87 = tpu.memref_slice %arg4[%add3A_45, %dma_wait3A_86] : memref<5120x1024xf32, #tpu.memory_space<hbm>> -> memref<16x1024xf32, #tpu.memory_space<hbm>>
    %dma_wait3A_88 = arith.constant 0 : i32
    %dma_wait3A_89 = tpu.memref_slice %arg4[%add3A_45, %dma_wait3A_88] : memref<5120x1024xf32, #tpu.memory_space<hbm>> -> memref<16x1024xf32, #tpu.memory_space<hbm>>
    tpu.wait_dma2 semaphore(%arg19 : memref<!tpu.dma_semaphore, #tpu.memory_space<semaphore_mem>>) src(%arg7 : memref<16x1024xf32, #tpu.memory_space<vmem>>) dst(%dma_wait3A_89 : memref<16x1024xf32, #tpu.memory_space<hbm>>)
    %dma_start3A_90 = arith.constant 112 : i32
    %dma_start3A_91 = tpu.memref_slice %arg5[%dma_start3A_90] : memref<160xi32, #tpu.memory_space<vmem>> -> memref<16xi32, #tpu.memory_space<vmem>>
    %dma_start3A_92 = arith.constant 0 : i32
    %dma_start3A_93 = arith.constant 0 : i32
    %dma_start3A_94 = tpu.memref_slice %arg2[%dma_start3A_92, %dma_start3A_93] : memref<4096x1024xf32, #tpu.memory_space<hbm>> -> memref<4096x1024xf32, #tpu.memory_space<hbm>>
    tpu.enqueue_indirect_dma source(%dma_start3A_94 : memref<4096x1024xf32, #tpu.memory_space<hbm>>) target(%arg7 : memref<16x1024xf32, #tpu.memory_space<vmem>>) offsets(%dma_start3A_91 : memref<16xi32, #tpu.memory_space<vmem>>) semaphore(%arg13 : memref<!tpu.dma_semaphore, #tpu.memory_space<semaphore_mem>>)
    %dma_wait3A_95 = arith.constant 64 : i32
    %dma_wait3A_96 = tpu.memref_slice %arg5[%dma_wait3A_95] : memref<160xi32, #tpu.memory_space<vmem>> -> memref<16xi32, #tpu.memory_space<vmem>>
    %dma_wait3A_97 = arith.constant 0 : i32
    %dma_wait3A_98 = arith.constant 0 : i32
    %dma_wait3A_99 = tpu.memref_slice %arg2[%dma_wait3A_97, %dma_wait3A_98] : memref<4096x1024xf32, #tpu.memory_space<hbm>> -> memref<4096x1024xf32, #tpu.memory_space<hbm>>
    tpu.wait_indirect_dma semaphore(%arg16 : memref<!tpu.dma_semaphore, #tpu.memory_space<semaphore_mem>>) src(%dma_wait3A_99 : memref<4096x1024xf32, #tpu.memory_space<hbm>>) dst(%arg10 : memref<16x1024xf32, #tpu.memory_space<vmem>>)
    %add3A_100 = arith.constant 64 : i32
    %add3A_101 = arith.addi %mul3A_2, %add3A_100 : i32
    %dma_start3A_102 = arith.constant 0 : i32
    %dma_start3A_103 = tpu.memref_slice %arg4[%add3A_101, %dma_start3A_102] : memref<5120x1024xf32, #tpu.memory_space<hbm>> -> memref<16x1024xf32, #tpu.memory_space<hbm>>
    %dma_start3A_104 = arith.constant 0 : i32
    %dma_start3A_105 = tpu.memref_slice %arg4[%add3A_101, %dma_start3A_104] : memref<5120x1024xf32, #tpu.memory_space<hbm>> -> memref<16x1024xf32, #tpu.memory_space<hbm>>
    tpu.enqueue_dma source(%arg10 : memref<16x1024xf32, #tpu.memory_space<vmem>>) target(%dma_start3A_105 : memref<16x1024xf32, #tpu.memory_space<hbm>>) target_semaphore(%arg22 : memref<!tpu.dma_semaphore, #tpu.memory_space<semaphore_mem>>)
    %dma_wait3A_106 = arith.constant 0 : i32
    %dma_wait3A_107 = tpu.memref_slice %arg4[%add3A_61, %dma_wait3A_106] : memref<5120x1024xf32, #tpu.memory_space<hbm>> -> memref<16x1024xf32, #tpu.memory_space<hbm>>
    %dma_wait3A_108 = arith.constant 0 : i32
    %dma_wait3A_109 = tpu.memref_slice %arg4[%add3A_61, %dma_wait3A_108] : memref<5120x1024xf32, #tpu.memory_space<hbm>> -> memref<16x1024xf32, #tpu.memory_space<hbm>>
    tpu.wait_dma2 semaphore(%arg20 : memref<!tpu.dma_semaphore, #tpu.memory_space<semaphore_mem>>) src(%arg8 : memref<16x1024xf32, #tpu.memory_space<vmem>>) dst(%dma_wait3A_109 : memref<16x1024xf32, #tpu.memory_space<hbm>>)
    %dma_start3A_110 = arith.constant 128 : i32
    %dma_start3A_111 = tpu.memref_slice %arg5[%dma_start3A_110] : memref<160xi32, #tpu.memory_space<vmem>> -> memref<16xi32, #tpu.memory_space<vmem>>
    %dma_start3A_112 = arith.constant 0 : i32
    %dma_start3A_113 = arith.constant 0 : i32
    %dma_start3A_114 = tpu.memref_slice %arg2[%dma_start3A_112, %dma_start3A_113] : memref<4096x1024xf32, #tpu.memory_space<hbm>> -> memref<4096x1024xf32, #tpu.memory_space<hbm>>
    tpu.enqueue_indirect_dma source(%dma_start3A_114 : memref<4096x1024xf32, #tpu.memory_space<hbm>>) target(%arg8 : memref<16x1024xf32, #tpu.memory_space<vmem>>) offsets(%dma_start3A_111 : memref<16xi32, #tpu.memory_space<vmem>>) semaphore(%arg14 : memref<!tpu.dma_semaphore, #tpu.memory_space<semaphore_mem>>)
    %dma_wait3A_115 = arith.constant 80 : i32
    %dma_wait3A_116 = tpu.memref_slice %arg5[%dma_wait3A_115] : memref<160xi32, #tpu.memory_space<vmem>> -> memref<16xi32, #tpu.memory_space<vmem>>
    %dma_wait3A_117 = arith.constant 0 : i32
    %dma_wait3A_118 = arith.constant 0 : i32
    %dma_wait3A_119 = tpu.memref_slice %arg2[%dma_wait3A_117, %dma_wait3A_118] : memref<4096x1024xf32, #tpu.memory_space<hbm>> -> memref<4096x1024xf32, #tpu.memory_space<hbm>>
    tpu.wait_indirect_dma semaphore(%arg17 : memref<!tpu.dma_semaphore, #tpu.memory_space<semaphore_mem>>) src(%dma_wait3A_119 : memref<4096x1024xf32, #tpu.memory_space<hbm>>) dst(%arg11 : memref<16x1024xf32, #tpu.memory_space<vmem>>)
    %add3A_120 = arith.constant 80 : i32
    %add3A_121 = arith.addi %mul3A_2, %add3A_120 : i32
    %dma_start3A_122 = arith.constant 0 : i32
    %dma_start3A_123 = tpu.memref_slice %arg4[%add3A_121, %dma_start3A_122] : memref<5120x1024xf32, #tpu.memory_space<hbm>> -> memref<16x1024xf32, #tpu.memory_space<hbm>>
    %dma_start3A_124 = arith.constant 0 : i32
    %dma_start3A_125 = tpu.memref_slice %arg4[%add3A_121, %dma_start3A_124] : memref<5120x1024xf32, #tpu.memory_space<hbm>> -> memref<16x1024xf32, #tpu.memory_space<hbm>>
    tpu.enqueue_dma source(%arg11 : memref<16x1024xf32, #tpu.memory_space<vmem>>) target(%dma_start3A_125 : memref<16x1024xf32, #tpu.memory_space<hbm>>) target_semaphore(%arg23 : memref<!tpu.dma_semaphore, #tpu.memory_space<semaphore_mem>>)
    %dma_wait3A_126 = arith.constant 0 : i32
    %dma_wait3A_127 = tpu.memref_slice %arg4[%add3A_81, %dma_wait3A_126] : memref<5120x1024xf32, #tpu.memory_space<hbm>> -> memref<16x1024xf32, #tpu.memory_space<hbm>>
    %dma_wait3A_128 = arith.constant 0 : i32
    %dma_wait3A_129 = tpu.memref_slice %arg4[%add3A_81, %dma_wait3A_128] : memref<5120x1024xf32, #tpu.memory_space<hbm>> -> memref<16x1024xf32, #tpu.memory_space<hbm>>
    tpu.wait_dma2 semaphore(%arg21 : memref<!tpu.dma_semaphore, #tpu.memory_space<semaphore_mem>>) src(%arg9 : memref<16x1024xf32, #tpu.memory_space<vmem>>) dst(%dma_wait3A_129 : memref<16x1024xf32, #tpu.memory_space<hbm>>)
    %dma_start3A_130 = arith.constant 144 : i32
    %dma_start3A_131 = tpu.memref_slice %arg5[%dma_start3A_130] : memref<160xi32, #tpu.memory_space<vmem>> -> memref<16xi32, #tpu.memory_space<vmem>>
    %dma_start3A_132 = arith.constant 0 : i32
    %dma_start3A_133 = arith.constant 0 : i32
    %dma_start3A_134 = tpu.memref_slice %arg2[%dma_start3A_132, %dma_start3A_133] : memref<4096x1024xf32, #tpu.memory_space<hbm>> -> memref<4096x1024xf32, #tpu.memory_space<hbm>>
    tpu.enqueue_indirect_dma source(%dma_start3A_134 : memref<4096x1024xf32, #tpu.memory_space<hbm>>) target(%arg9 : memref<16x1024xf32, #tpu.memory_space<vmem>>) offsets(%dma_start3A_131 : memref<16xi32, #tpu.memory_space<vmem>>) semaphore(%arg15 : memref<!tpu.dma_semaphore, #tpu.memory_space<semaphore_mem>>)
    %dma_wait3A_135 = arith.constant 96 : i32
    %dma_wait3A_136 = tpu.memref_slice %arg5[%dma_wait3A_135] : memref<160xi32, #tpu.memory_space<vmem>> -> memref<16xi32, #tpu.memory_space<vmem>>
    %dma_wait3A_137 = arith.constant 0 : i32
    %dma_wait3A_138 = arith.constant 0 : i32
    %dma_wait3A_139 = tpu.memref_slice %arg2[%dma_wait3A_137, %dma_wait3A_138] : memref<4096x1024xf32, #tpu.memory_space<hbm>> -> memref<4096x1024xf32, #tpu.memory_space<hbm>>
    tpu.wait_indirect_dma semaphore(%arg12 : memref<!tpu.dma_semaphore, #tpu.memory_space<semaphore_mem>>) src(%dma_wait3A_139 : memref<4096x1024xf32, #tpu.memory_space<hbm>>) dst(%arg6 : memref<16x1024xf32, #tpu.memory_space<vmem>>)
    %add3A_140 = arith.constant 96 : i32
    %add3A_141 = arith.addi %mul3A_2, %add3A_140 : i32
    %dma_start3A_142 = arith.constant 0 : i32
    %dma_start3A_143 = tpu.memref_slice %arg4[%add3A_141, %dma_start3A_142] : memref<5120x1024xf32, #tpu.memory_space<hbm>> -> memref<16x1024xf32, #tpu.memory_space<hbm>>
    %dma_start3A_144 = arith.constant 0 : i32
    %dma_start3A_145 = tpu.memref_slice %arg4[%add3A_141, %dma_start3A_144] : memref<5120x1024xf32, #tpu.memory_space<hbm>> -> memref<16x1024xf32, #tpu.memory_space<hbm>>
    tpu.enqueue_dma source(%arg6 : memref<16x1024xf32, #tpu.memory_space<vmem>>) target(%dma_start3A_145 : memref<16x1024xf32, #tpu.memory_space<hbm>>) target_semaphore(%arg18 : memref<!tpu.dma_semaphore, #tpu.memory_space<semaphore_mem>>)
    %dma_wait3A_146 = arith.constant 112 : i32
    %dma_wait3A_147 = tpu.memref_slice %arg5[%dma_wait3A_146] : memref<160xi32, #tpu.memory_space<vmem>> -> memref<16xi32, #tpu.memory_space<vmem>>
    %dma_wait3A_148 = arith.constant 0 : i32
    %dma_wait3A_149 = arith.constant 0 : i32
    %dma_wait3A_150 = tpu.memref_slice %arg2[%dma_wait3A_148, %dma_wait3A_149] : memref<4096x1024xf32, #tpu.memory_space<hbm>> -> memref<4096x1024xf32, #tpu.memory_space<hbm>>
    tpu.wait_indirect_dma semaphore(%arg13 : memref<!tpu.dma_semaphore, #tpu.memory_space<semaphore_mem>>) src(%dma_wait3A_150 : memref<4096x1024xf32, #tpu.memory_space<hbm>>) dst(%arg7 : memref<16x1024xf32, #tpu.memory_space<vmem>>)
    %add3A_151 = arith.constant 112 : i32
    %add3A_152 = arith.addi %mul3A_2, %add3A_151 : i32
    %dma_start3A_153 = arith.constant 0 : i32
    %dma_start3A_154 = tpu.memref_slice %arg4[%add3A_152, %dma_start3A_153] : memref<5120x1024xf32, #tpu.memory_space<hbm>> -> memref<16x1024xf32, #tpu.memory_space<hbm>>
    %dma_start3A_155 = arith.constant 0 : i32
    %dma_start3A_156 = tpu.memref_slice %arg4[%add3A_152, %dma_start3A_155] : memref<5120x1024xf32, #tpu.memory_space<hbm>> -> memref<16x1024xf32, #tpu.memory_space<hbm>>
    tpu.enqueue_dma source(%arg7 : memref<16x1024xf32, #tpu.memory_space<vmem>>) target(%dma_start3A_156 : memref<16x1024xf32, #tpu.memory_space<hbm>>) target_semaphore(%arg19 : memref<!tpu.dma_semaphore, #tpu.memory_space<semaphore_mem>>)
    %dma_wait3A_157 = arith.constant 128 : i32
    %dma_wait3A_158 = tpu.memref_slice %arg5[%dma_wait3A_157] : memref<160xi32, #tpu.memory_space<vmem>> -> memref<16xi32, #tpu.memory_space<vmem>>
    %dma_wait3A_159 = arith.constant 0 : i32
    %dma_wait3A_160 = arith.constant 0 : i32
    %dma_wait3A_161 = tpu.memref_slice %arg2[%dma_wait3A_159, %dma_wait3A_160] : memref<4096x1024xf32, #tpu.memory_space<hbm>> -> memref<4096x1024xf32, #tpu.memory_space<hbm>>
    tpu.wait_indirect_dma semaphore(%arg14 : memref<!tpu.dma_semaphore, #tpu.memory_space<semaphore_mem>>) src(%dma_wait3A_161 : memref<4096x1024xf32, #tpu.memory_space<hbm>>) dst(%arg8 : memref<16x1024xf32, #tpu.memory_space<vmem>>)
    %add3A_162 = arith.constant 128 : i32
    %add3A_163 = arith.addi %mul3A_2, %add3A_162 : i32
    %dma_start3A_164 = arith.constant 0 : i32
    %dma_start3A_165 = tpu.memref_slice %arg4[%add3A_163, %dma_start3A_164] : memref<5120x1024xf32, #tpu.memory_space<hbm>> -> memref<16x1024xf32, #tpu.memory_space<hbm>>
    %dma_start3A_166 = arith.constant 0 : i32
    %dma_start3A_167 = tpu.memref_slice %arg4[%add3A_163, %dma_start3A_166] : memref<5120x1024xf32, #tpu.memory_space<hbm>> -> memref<16x1024xf32, #tpu.memory_space<hbm>>
    tpu.enqueue_dma source(%arg8 : memref<16x1024xf32, #tpu.memory_space<vmem>>) target(%dma_start3A_167 : memref<16x1024xf32, #tpu.memory_space<hbm>>) target_semaphore(%arg20 : memref<!tpu.dma_semaphore, #tpu.memory_space<semaphore_mem>>)
    %dma_wait3A_168 = arith.constant 144 : i32
    %dma_wait3A_169 = tpu.memref_slice %arg5[%dma_wait3A_168] : memref<160xi32, #tpu.memory_space<vmem>> -> memref<16xi32, #tpu.memory_space<vmem>>
    %dma_wait3A_170 = arith.constant 0 : i32
    %dma_wait3A_171 = arith.constant 0 : i32
    %dma_wait3A_172 = tpu.memref_slice %arg2[%dma_wait3A_170, %dma_wait3A_171] : memref<4096x1024xf32, #tpu.memory_space<hbm>> -> memref<4096x1024xf32, #tpu.memory_space<hbm>>
    tpu.wait_indirect_dma semaphore(%arg15 : memref<!tpu.dma_semaphore, #tpu.memory_space<semaphore_mem>>) src(%dma_wait3A_172 : memref<4096x1024xf32, #tpu.memory_space<hbm>>) dst(%arg9 : memref<16x1024xf32, #tpu.memory_space<vmem>>)
    %add3A_173 = arith.constant 144 : i32
    %add3A_174 = arith.addi %mul3A_2, %add3A_173 : i32
    %dma_start3A_175 = arith.constant 0 : i32
    %dma_start3A_176 = tpu.memref_slice %arg4[%add3A_174, %dma_start3A_175] : memref<5120x1024xf32, #tpu.memory_space<hbm>> -> memref<16x1024xf32, #tpu.memory_space<hbm>>
    %dma_start3A_177 = arith.constant 0 : i32
    %dma_start3A_178 = tpu.memref_slice %arg4[%add3A_174, %dma_start3A_177] : memref<5120x1024xf32, #tpu.memory_space<hbm>> -> memref<16x1024xf32, #tpu.memory_space<hbm>>
    tpu.enqueue_dma source(%arg9 : memref<16x1024xf32, #tpu.memory_space<vmem>>) target(%dma_start3A_178 : memref<16x1024xf32, #tpu.memory_space<hbm>>) target_semaphore(%arg21 : memref<!tpu.dma_semaphore, #tpu.memory_space<semaphore_mem>>)
    %dma_wait3A_179 = arith.constant 0 : i32
    %dma_wait3A_180 = tpu.memref_slice %arg4[%add3A_101, %dma_wait3A_179] : memref<5120x1024xf32, #tpu.memory_space<hbm>> -> memref<16x1024xf32, #tpu.memory_space<hbm>>
    %dma_wait3A_181 = arith.constant 0 : i32
    %dma_wait3A_182 = tpu.memref_slice %arg4[%add3A_101, %dma_wait3A_181] : memref<5120x1024xf32, #tpu.memory_space<hbm>> -> memref<16x1024xf32, #tpu.memory_space<hbm>>
    tpu.wait_dma2 semaphore(%arg22 : memref<!tpu.dma_semaphore, #tpu.memory_space<semaphore_mem>>) src(%arg10 : memref<16x1024xf32, #tpu.memory_space<vmem>>) dst(%dma_wait3A_182 : memref<16x1024xf32, #tpu.memory_space<hbm>>)
    %dma_wait3A_183 = arith.constant 0 : i32
    %dma_wait3A_184 = tpu.memref_slice %arg4[%add3A_121, %dma_wait3A_183] : memref<5120x1024xf32, #tpu.memory_space<hbm>> -> memref<16x1024xf32, #tpu.memory_space<hbm>>
    %dma_wait3A_185 = arith.constant 0 : i32
    %dma_wait3A_186 = tpu.memref_slice %arg4[%add3A_121, %dma_wait3A_185] : memref<5120x1024xf32, #tpu.memory_space<hbm>> -> memref<16x1024xf32, #tpu.memory_space<hbm>>
    tpu.wait_dma2 semaphore(%arg23 : memref<!tpu.dma_semaphore, #tpu.memory_space<semaphore_mem>>) src(%arg11 : memref<16x1024xf32, #tpu.memory_space<vmem>>) dst(%dma_wait3A_186 : memref<16x1024xf32, #tpu.memory_space<hbm>>)
    %dma_wait3A_187 = arith.constant 0 : i32
    %dma_wait3A_188 = tpu.memref_slice %arg4[%add3A_141, %dma_wait3A_187] : memref<5120x1024xf32, #tpu.memory_space<hbm>> -> memref<16x1024xf32, #tpu.memory_space<hbm>>
    %dma_wait3A_189 = arith.constant 0 : i32
    %dma_wait3A_190 = tpu.memref_slice %arg4[%add3A_141, %dma_wait3A_189] : memref<5120x1024xf32, #tpu.memory_space<hbm>> -> memref<16x1024xf32, #tpu.memory_space<hbm>>
    tpu.wait_dma2 semaphore(%arg18 : memref<!tpu.dma_semaphore, #tpu.memory_space<semaphore_mem>>) src(%arg6 : memref<16x1024xf32, #tpu.memory_space<vmem>>) dst(%dma_wait3A_190 : memref<16x1024xf32, #tpu.memory_space<hbm>>)
    %dma_wait3A_191 = arith.constant 0 : i32
    %dma_wait3A_192 = tpu.memref_slice %arg4[%add3A_152, %dma_wait3A_191] : memref<5120x1024xf32, #tpu.memory_space<hbm>> -> memref<16x1024xf32, #tpu.memory_space<hbm>>
    %dma_wait3A_193 = arith.constant 0 : i32
    %dma_wait3A_194 = tpu.memref_slice %arg4[%add3A_152, %dma_wait3A_193] : memref<5120x1024xf32, #tpu.memory_space<hbm>> -> memref<16x1024xf32, #tpu.memory_space<hbm>>
    tpu.wait_dma2 semaphore(%arg19 : memref<!tpu.dma_semaphore, #tpu.memory_space<semaphore_mem>>) src(%arg7 : memref<16x1024xf32, #tpu.memory_space<vmem>>) dst(%dma_wait3A_194 : memref<16x1024xf32, #tpu.memory_space<hbm>>)
    %dma_wait3A_195 = arith.constant 0 : i32
    %dma_wait3A_196 = tpu.memref_slice %arg4[%add3A_163, %dma_wait3A_195] : memref<5120x1024xf32, #tpu.memory_space<hbm>> -> memref<16x1024xf32, #tpu.memory_space<hbm>>
    %dma_wait3A_197 = arith.constant 0 : i32
    %dma_wait3A_198 = tpu.memref_slice %arg4[%add3A_163, %dma_wait3A_197] : memref<5120x1024xf32, #tpu.memory_space<hbm>> -> memref<16x1024xf32, #tpu.memory_space<hbm>>
    tpu.wait_dma2 semaphore(%arg20 : memref<!tpu.dma_semaphore, #tpu.memory_space<semaphore_mem>>) src(%arg8 : memref<16x1024xf32, #tpu.memory_space<vmem>>) dst(%dma_wait3A_198 : memref<16x1024xf32, #tpu.memory_space<hbm>>)
    %dma_wait3A_199 = arith.constant 0 : i32
    %dma_wait3A_200 = tpu.memref_slice %arg4[%add3A_174, %dma_wait3A_199] : memref<5120x1024xf32, #tpu.memory_space<hbm>> -> memref<16x1024xf32, #tpu.memory_space<hbm>>
    %dma_wait3A_201 = arith.constant 0 : i32
    %dma_wait3A_202 = tpu.memref_slice %arg4[%add3A_174, %dma_wait3A_201] : memref<5120x1024xf32, #tpu.memory_space<hbm>> -> memref<16x1024xf32, #tpu.memory_space<hbm>>
    tpu.wait_dma2 semaphore(%arg21 : memref<!tpu.dma_semaphore, #tpu.memory_space<semaphore_mem>>) src(%arg9 : memref<16x1024xf32, #tpu.memory_space<vmem>>) dst(%dma_wait3A_202 : memref<16x1024xf32, #tpu.memory_space<hbm>>)
    return
  }
}

#map = affine_map<(d0, d1) -> (0, 0)>
#map1 = affine_map<(d0, d1) -> (0)>
module attributes {stable_mosaic.version = 14 : i64} {
  func.func @gather(%arg0: i32, %arg1: i32, %arg2: memref<4096x1024xf32, #tpu.memory_space<hbm>>, %arg3: memref<10240xi32, #tpu.memory_space<hbm>>, %arg4: memref<5120x1024xf32, #tpu.memory_space<hbm>>, %arg5: memref<160xi32, #tpu.memory_space<vmem>>, %arg6: memref<16x1024xf32, #tpu.memory_space<vmem>>, %arg7: memref<16x1024xf32, #tpu.memory_space<vmem>>, %arg8: memref<16x1024xf32, #tpu.memory_space<vmem>>, %arg9: memref<16x1024xf32, #tpu.memory_space<vmem>>, %arg10: memref<16x1024xf32, #tpu.memory_space<vmem>>, %arg11: memref<16x1024xf32, #tpu.memory_space<vmem>>, %arg12: memref<!tpu.dma_semaphore, #tpu.memory_space<semaphore_mem>>, %arg13: memref<!tpu.dma_semaphore, #tpu.memory_space<semaphore_mem>>, %arg14: memref<!tpu.dma_semaphore, #tpu.memory_space<semaphore_mem>>, %arg15: memref<!tpu.dma_semaphore, #tpu.memory_space<semaphore_mem>>, %arg16: memref<!tpu.dma_semaphore, #tpu.memory_space<semaphore_mem>>, %arg17: memref<!tpu.dma_semaphore, #tpu.memory_space<semaphore_mem>>, %arg18: memref<!tpu.dma_semaphore, #tpu.memory_space<semaphore_mem>>, %arg19: memref<!tpu.dma_semaphore, #tpu.memory_space<semaphore_mem>>, %arg20: memref<!tpu.dma_semaphore, #tpu.memory_space<semaphore_mem>>, %arg21: memref<!tpu.dma_semaphore, #tpu.memory_space<semaphore_mem>>, %arg22: memref<!tpu.dma_semaphore, #tpu.memory_space<semaphore_mem>>, %arg23: memref<!tpu.dma_semaphore, #tpu.memory_space<semaphore_mem>>) attributes {dimension_semantics = [#tpu.dimension_semantics<core_parallel>, #tpu.dimension_semantics<subcore_parallel>], iteration_bounds = array<i64: 2, 16>, scalar_prefetch = 0 : i64, scratch_operands = 19 : i64, tpu.core_type = #tpu.core_type<sc_vector_subcore>, window_params = [{transform_indices = #map}, {transform_indices = #map1}, {transform_indices = #map}]} {
    %mul3A = arith.constant 2 : i32
    %mul3A_0 = arith.muli %arg1, %mul3A : i32
    %add3A = arith.addi %mul3A_0, %arg0 : i32
    %mul3A_1 = arith.constant 160 : i32
    %mul3A_2 = arith.muli %add3A, %mul3A_1 : i32
    %add3A_3 = arith.constant 0 : i32
    %add3A_4 = arith.addi %add3A_3, %mul3A_2 : i32
    "tpu.region"() ({
      %run_scoped3A = tpu.sem_alloc : memref<!tpu.dma_semaphore, #tpu.memory_space<semaphore_mem>>
      %dma_start3A_203 = tpu.memref_slice %arg3[%add3A_4] : memref<10240xi32, #tpu.memory_space<hbm>> -> memref<160xi32, #tpu.memory_space<hbm>>
      %dma_start3A_204 = tpu.memref_slice %arg3[%add3A_4] : memref<10240xi32, #tpu.memory_space<hbm>> -> memref<160xi32, #tpu.memory_space<hbm>>
      tpu.enqueue_dma source(%dma_start3A_204 : memref<160xi32, #tpu.memory_space<hbm>>) target(%arg5 : memref<160xi32, #tpu.memory_space<vmem>>) target_semaphore(%run_scoped3A : memref<!tpu.dma_semaphore, #tpu.memory_space<semaphore_mem>>)
      %dma_wait3A_205 = tpu.memref_slice %arg3[%add3A_4] : memref<10240xi32, #tpu.memory_space<hbm>> -> memref<160xi32, #tpu.memory_space<hbm>>
      %dma_wait3A_206 = tpu.memref_slice %arg3[%add3A_4] : memref<10240xi32, #tpu.memory_space<hbm>> -> memref<160xi32, #tpu.memory_space<hbm>>
      tpu.wait_dma2 semaphore(%run_scoped3A : memref<!tpu.dma_semaphore, #tpu.memory_space<semaphore_mem>>) src(%dma_wait3A_206 : memref<160xi32, #tpu.memory_space<hbm>>) dst(%arg5 : memref<160xi32, #tpu.memory_space<vmem>>)
      tpu.yield
    }) : () -> ()
    %dma_start3A = arith.constant 0 : i32
    %dma_start3A_5 = tpu.memref_slice %arg5[%dma_start3A] : memref<160xi32, #tpu.memory_space<vmem>> -> memref<16xi32, #tpu.memory_space<vmem>>
    %dma_start3A_6 = arith.constant 0 : i32
    %dma_start3A_7 = arith.constant 0 : i32
    %dma_start3A_8 = tpu.memref_slice %arg2[%dma_start3A_6, %dma_start3A_7] : memref<4096x1024xf32, #tpu.memory_space<hbm>> -> memref<4096x1024xf32, #tpu.memory_space<hbm>>
    tpu.enqueue_indirect_dma source(%dma_start3A_8 : memref<4096x1024xf32, #tpu.memory_space<hbm>>) target(%arg6 : memref<16x1024xf32, #tpu.memory_space<vmem>>) offsets(%dma_start3A_5 : memref<16xi32, #tpu.memory_space<vmem>>) semaphore(%arg12 : memref<!tpu.dma_semaphore, #tpu.memory_space<semaphore_mem>>)
    %dma_start3A_9 = arith.constant 16 : i32
    %dma_start3A_10 = tpu.memref_slice %arg5[%dma_start3A_9] : memref<160xi32, #tpu.memory_space<vmem>> -> memref<16xi32, #tpu.memory_space<vmem>>
    %dma_start3A_11 = arith.constant 0 : i32
    %dma_start3A_12 = arith.constant 0 : i32
    %dma_start3A_13 = tpu.memref_slice %arg2[%dma_start3A_11, %dma_start3A_12] : memref<4096x1024xf32, #tpu.memory_space<hbm>> -> memref<4096x1024xf32, #tpu.memory_space<hbm>>
    tpu.enqueue_indirect_dma source(%dma_start3A_13 : memref<4096x1024xf32, #tpu.memory_space<hbm>>) target(%arg7 : memref<16x1024xf32, #tpu.memory_space<vmem>>) offsets(%dma_start3A_10 : memref<16xi32, #tpu.memory_space<vmem>>) semaphore(%arg13 : memref<!tpu.dma_semaphore, #tpu.memory_space<semaphore_mem>>)
    %dma_start3A_14 = arith.constant 32 : i32
    %dma_start3A_15 = tpu.memref_slice %arg5[%dma_start3A_14] : memref<160xi32, #tpu.memory_space<vmem>> -> memref<16xi32, #tpu.memory_space<vmem>>
    %dma_start3A_16 = arith.constant 0 : i32
    %dma_start3A_17 = arith.constant 0 : i32
    %dma_start3A_18 = tpu.memref_slice %arg2[%dma_start3A_16, %dma_start3A_17] : memref<4096x1024xf32, #tpu.memory_space<hbm>> -> memref<4096x1024xf32, #tpu.memory_space<hbm>>
    tpu.enqueue_indirect_dma source(%dma_start3A_18 : memref<4096x1024xf32, #tpu.memory_space<hbm>>) target(%arg8 : memref<16x1024xf32, #tpu.memory_space<vmem>>) offsets(%dma_start3A_15 : memref<16xi32, #tpu.memory_space<vmem>>) semaphore(%arg14 : memref<!tpu.dma_semaphore, #tpu.memory_space<semaphore_mem>>)
    %dma_start3A_19 = arith.constant 48 : i32
    %dma_start3A_20 = tpu.memref_slice %arg5[%dma_start3A_19] : memref<160xi32, #tpu.memory_space<vmem>> -> memref<16xi32, #tpu.memory_space<vmem>>
    %dma_start3A_21 = arith.constant 0 : i32
    %dma_start3A_22 = arith.constant 0 : i32
    %dma_start3A_23 = tpu.memref_slice %arg2[%dma_start3A_21, %dma_start3A_22] : memref<4096x1024xf32, #tpu.memory_space<hbm>> -> memref<4096x1024xf32, #tpu.memory_space<hbm>>
    tpu.enqueue_indirect_dma source(%dma_start3A_23 : memref<4096x1024xf32, #tpu.memory_space<hbm>>) target(%arg9 : memref<16x1024xf32, #tpu.memory_space<vmem>>) offsets(%dma_start3A_20 : memref<16xi32, #tpu.memory_space<vmem>>) semaphore(%arg15 : memref<!tpu.dma_semaphore, #tpu.memory_space<semaphore_mem>>)
    %dma_wait3A = arith.constant 0 : i32
    %dma_wait3A_24 = tpu.memref_slice %arg5[%dma_wait3A] : memref<160xi32, #tpu.memory_space<vmem>> -> memref<16xi32, #tpu.memory_space<vmem>>
    %dma_wait3A_25 = arith.constant 0 : i32
    %dma_wait3A_26 = arith.constant 0 : i32
    %dma_wait3A_27 = tpu.memref_slice %arg2[%dma_wait3A_25, %dma_wait3A_26] : memref<4096x1024xf32, #tpu.memory_space<hbm>> -> memref<4096x1024xf32, #tpu.memory_space<hbm>>
    tpu.wait_indirect_dma semaphore(%arg12 : memref<!tpu.dma_semaphore, #tpu.memory_space<semaphore_mem>>) src(%dma_wait3A_27 : memref<4096x1024xf32, #tpu.memory_space<hbm>>) dst(%arg6 : memref<16x1024xf32, #tpu.memory_space<vmem>>)
    %add3A_28 = arith.constant 0 : i32
    %add3A_29 = arith.addi %mul3A_2, %add3A_28 : i32
    %dma_start3A_30 = arith.constant 0 : i32
    %dma_start3A_31 = tpu.memref_slice %arg4[%add3A_29, %dma_start3A_30] : memref<5120x1024xf32, #tpu.memory_space<hbm>> -> memref<16x1024xf32, #tpu.memory_space<hbm>>
    %dma_start3A_32 = arith.constant 0 : i32
    %dma_start3A_33 = tpu.memref_slice %arg4[%add3A_29, %dma_start3A_32] : memref<5120x1024xf32, #tpu.memory_space<hbm>> -> memref<16x1024xf32, #tpu.memory_space<hbm>>
    tpu.enqueue_dma source(%arg6 : memref<16x1024xf32, #tpu.memory_space<vmem>>) target(%dma_start3A_33 : memref<16x1024xf32, #tpu.memory_space<hbm>>) target_semaphore(%arg18 : memref<!tpu.dma_semaphore, #tpu.memory_space<semaphore_mem>>)
    %dma_start3A_34 = arith.constant 64 : i32
    %dma_start3A_35 = tpu.memref_slice %arg5[%dma_start3A_34] : memref<160xi32, #tpu.memory_space<vmem>> -> memref<16xi32, #tpu.memory_space<vmem>>
    %dma_start3A_36 = arith.constant 0 : i32
    %dma_start3A_37 = arith.constant 0 : i32
    %dma_start3A_38 = tpu.memref_slice %arg2[%dma_start3A_36, %dma_start3A_37] : memref<4096x1024xf32, #tpu.memory_space<hbm>> -> memref<4096x1024xf32, #tpu.memory_space<hbm>>
    tpu.enqueue_indirect_dma source(%dma_start3A_38 : memref<4096x1024xf32, #tpu.memory_space<hbm>>) target(%arg10 : memref<16x1024xf32, #tpu.memory_space<vmem>>) offsets(%dma_start3A_35 : memref<16xi32, #tpu.memory_space<vmem>>) semaphore(%arg16 : memref<!tpu.dma_semaphore, #tpu.memory_space<semaphore_mem>>)
    %dma_wait3A_39 = arith.constant 16 : i32
    %dma_wait3A_40 = tpu.memref_slice %arg5[%dma_wait3A_39] : memref<160xi32, #tpu.memory_space<vmem>> -> memref<16xi32, #tpu.memory_space<vmem>>
    %dma_wait3A_41 = arith.constant 0 : i32
    %dma_wait3A_42 = arith.constant 0 : i32
    %dma_wait3A_43 = tpu.memref_slice %arg2[%dma_wait3A_41, %dma_wait3A_42] : memref<4096x1024xf32, #tpu.memory_space<hbm>> -> memref<4096x1024xf32, #tpu.memory_space<hbm>>
    tpu.wait_indirect_dma semaphore(%arg13 : memref<!tpu.dma_semaphore, #tpu.memory_space<semaphore_mem>>) src(%dma_wait3A_43 : memref<4096x1024xf32, #tpu.memory_space<hbm>>) dst(%arg7 : memref<16x1024xf32, #tpu.memory_space<vmem>>)
    %add3A_44 = arith.constant 16 : i32
    %add3A_45 = arith.addi %mul3A_2, %add3A_44 : i32
    %dma_start3A_46 = arith.constant 0 : i32
    %dma_start3A_47 = tpu.memref_slice %arg4[%add3A_45, %dma_start3A_46] : memref<5120x1024xf32, #tpu.memory_space<hbm>> -> memref<16x1024xf32, #tpu.memory_space<hbm>>
    %dma_start3A_48 = arith.constant 0 : i32
    %dma_start3A_49 = tpu.memref_slice %arg4[%add3A_45, %dma_start3A_48] : memref<5120x1024xf32, #tpu.memory_space<hbm>> -> memref<16x1024xf32, #tpu.memory_space<hbm>>
    tpu.enqueue_dma source(%arg7 : memref<16x1024xf32, #tpu.memory_space<vmem>>) target(%dma_start3A_49 : memref<16x1024xf32, #tpu.memory_space<hbm>>) target_semaphore(%arg19 : memref<!tpu.dma_semaphore, #tpu.memory_space<semaphore_mem>>)
    %dma_start3A_50 = arith.constant 80 : i32
    %dma_start3A_51 = tpu.memref_slice %arg5[%dma_start3A_50] : memref<160xi32, #tpu.memory_space<vmem>> -> memref<16xi32, #tpu.memory_space<vmem>>
    %dma_start3A_52 = arith.constant 0 : i32
    %dma_start3A_53 = arith.constant 0 : i32
    %dma_start3A_54 = tpu.memref_slice %arg2[%dma_start3A_52, %dma_start3A_53] : memref<4096x1024xf32, #tpu.memory_space<hbm>> -> memref<4096x1024xf32, #tpu.memory_space<hbm>>
    tpu.enqueue_indirect_dma source(%dma_start3A_54 : memref<4096x1024xf32, #tpu.memory_space<hbm>>) target(%arg11 : memref<16x1024xf32, #tpu.memory_space<vmem>>) offsets(%dma_start3A_51 : memref<16xi32, #tpu.memory_space<vmem>>) semaphore(%arg17 : memref<!tpu.dma_semaphore, #tpu.memory_space<semaphore_mem>>)
    %dma_wait3A_55 = arith.constant 32 : i32
    %dma_wait3A_56 = tpu.memref_slice %arg5[%dma_wait3A_55] : memref<160xi32, #tpu.memory_space<vmem>> -> memref<16xi32, #tpu.memory_space<vmem>>
    %dma_wait3A_57 = arith.constant 0 : i32
    %dma_wait3A_58 = arith.constant 0 : i32
    %dma_wait3A_59 = tpu.memref_slice %arg2[%dma_wait3A_57, %dma_wait3A_58] : memref<4096x1024xf32, #tpu.memory_space<hbm>> -> memref<4096x1024xf32, #tpu.memory_space<hbm>>
    tpu.wait_indirect_dma semaphore(%arg14 : memref<!tpu.dma_semaphore, #tpu.memory_space<semaphore_mem>>) src(%dma_wait3A_59 : memref<4096x1024xf32, #tpu.memory_space<hbm>>) dst(%arg8 : memref<16x1024xf32, #tpu.memory_space<vmem>>)
    %add3A_60 = arith.constant 32 : i32
    %add3A_61 = arith.addi %mul3A_2, %add3A_60 : i32
    %dma_start3A_62 = arith.constant 0 : i32
    %dma_start3A_63 = tpu.memref_slice %arg4[%add3A_61, %dma_start3A_62] : memref<5120x1024xf32, #tpu.memory_space<hbm>> -> memref<16x1024xf32, #tpu.memory_space<hbm>>
    %dma_start3A_64 = arith.constant 0 : i32
    %dma_start3A_65 = tpu.memref_slice %arg4[%add3A_61, %dma_start3A_64] : memref<5120x1024xf32, #tpu.memory_space<hbm>> -> memref<16x1024xf32, #tpu.memory_space<hbm>>
    tpu.enqueue_dma source(%arg8 : memref<16x1024xf32, #tpu.memory_space<vmem>>) target(%dma_start3A_65 : memref<16x1024xf32, #tpu.memory_space<hbm>>) target_semaphore(%arg20 : memref<!tpu.dma_semaphore, #tpu.memory_space<semaphore_mem>>)
    %dma_wait3A_66 = arith.constant 0 : i32
    %dma_wait3A_67 = tpu.memref_slice %arg4[%add3A_29, %dma_wait3A_66] : memref<5120x1024xf32, #tpu.memory_space<hbm>> -> memref<16x1024xf32, #tpu.memory_space<hbm>>
    %dma_wait3A_68 = arith.constant 0 : i32
    %dma_wait3A_69 = tpu.memref_slice %arg4[%add3A_29, %dma_wait3A_68] : memref<5120x1024xf32, #tpu.memory_space<hbm>> -> memref<16x1024xf32, #tpu.memory_space<hbm>>
    tpu.wait_dma2 semaphore(%arg18 : memref<!tpu.dma_semaphore, #tpu.memory_space<semaphore_mem>>) src(%arg6 : memref<16x1024xf32, #tpu.memory_space<vmem>>) dst(%dma_wait3A_69 : memref<16x1024xf32, #tpu.memory_space<hbm>>)
    %dma_start3A_70 = arith.constant 96 : i32
    %dma_start3A_71 = tpu.memref_slice %arg5[%dma_start3A_70] : memref<160xi32, #tpu.memory_space<vmem>> -> memref<16xi32, #tpu.memory_space<vmem>>
    %dma_start3A_72 = arith.constant 0 : i32
    %dma_start3A_73 = arith.constant 0 : i32
    %dma_start3A_74 = tpu.memref_slice %arg2[%dma_start3A_72, %dma_start3A_73] : memref<4096x1024xf32, #tpu.memory_space<hbm>> -> memref<4096x1024xf32, #tpu.memory_space<hbm>>
    tpu.enqueue_indirect_dma source(%dma_start3A_74 : memref<4096x1024xf32, #tpu.memory_space<hbm>>) target(%arg6 : memref<16x1024xf32, #tpu.memory_space<vmem>>) offsets(%dma_start3A_71 : memref<16xi32, #tpu.memory_space<vmem>>) semaphore(%arg12 : memref<!tpu.dma_semaphore, #tpu.memory_space<semaphore_mem>>)
    %dma_wait3A_75 = arith.constant 48 : i32
    %dma_wait3A_76 = tpu.memref_slice %arg5[%dma_wait3A_75] : memref<160xi32, #tpu.memory_space<vmem>> -> memref<16xi32, #tpu.memory_space<vmem>>
    %dma_wait3A_77 = arith.constant 0 : i32
    %dma_wait3A_78 = arith.constant 0 : i32
    %dma_wait3A_79 = tpu.memref_slice %arg2[%dma_wait3A_77, %dma_wait3A_78] : memref<4096x1024xf32, #tpu.memory_space<hbm>> -> memref<4096x1024xf32, #tpu.memory_space<hbm>>
    tpu.wait_indirect_dma semaphore(%arg15 : memref<!tpu.dma_semaphore, #tpu.memory_space<semaphore_mem>>) src(%dma_wait3A_79 : memref<4096x1024xf32, #tpu.memory_space<hbm>>) dst(%arg9 : memref<16x1024xf32, #tpu.memory_space<vmem>>)
    %add3A_80 = arith.constant 48 : i32
    %add3A_81 = arith.addi %mul3A_2, %add3A_80 : i32
    %dma_start3A_82 = arith.constant 0 : i32
    %dma_start3A_83 = tpu.memref_slice %arg4[%add3A_81, %dma_start3A_82] : memref<5120x1024xf32, #tpu.memory_space<hbm>> -> memref<16x1024xf32, #tpu.memory_space<hbm>>
    %dma_start3A_84 = arith.constant 0 : i32
    %dma_start3A_85 = tpu.memref_slice %arg4[%add3A_81, %dma_start3A_84] : memref<5120x1024xf32, #tpu.memory_space<hbm>> -> memref<16x1024xf32, #tpu.memory_space<hbm>>
    tpu.enqueue_dma source(%arg9 : memref<16x1024xf32, #tpu.memory_space<vmem>>) target(%dma_start3A_85 : memref<16x1024xf32, #tpu.memory_space<hbm>>) target_semaphore(%arg21 : memref<!tpu.dma_semaphore, #tpu.memory_space<semaphore_mem>>)
    %dma_wait3A_86 = arith.constant 0 : i32
    %dma_wait3A_87 = tpu.memref_slice %arg4[%add3A_45, %dma_wait3A_86] : memref<5120x1024xf32, #tpu.memory_space<hbm>> -> memref<16x1024xf32, #tpu.memory_space<hbm>>
    %dma_wait3A_88 = arith.constant 0 : i32
    %dma_wait3A_89 = tpu.memref_slice %arg4[%add3A_45, %dma_wait3A_88] : memref<5120x1024xf32, #tpu.memory_space<hbm>> -> memref<16x1024xf32, #tpu.memory_space<hbm>>
    tpu.wait_dma2 semaphore(%arg19 : memref<!tpu.dma_semaphore, #tpu.memory_space<semaphore_mem>>) src(%arg7 : memref<16x1024xf32, #tpu.memory_space<vmem>>) dst(%dma_wait3A_89 : memref<16x1024xf32, #tpu.memory_space<hbm>>)
    %dma_start3A_90 = arith.constant 112 : i32
    %dma_start3A_91 = tpu.memref_slice %arg5[%dma_start3A_90] : memref<160xi32, #tpu.memory_space<vmem>> -> memref<16xi32, #tpu.memory_space<vmem>>
    %dma_start3A_92 = arith.constant 0 : i32
    %dma_start3A_93 = arith.constant 0 : i32
    %dma_start3A_94 = tpu.memref_slice %arg2[%dma_start3A_92, %dma_start3A_93] : memref<4096x1024xf32, #tpu.memory_space<hbm>> -> memref<4096x1024xf32, #tpu.memory_space<hbm>>
    tpu.enqueue_indirect_dma source(%dma_start3A_94 : memref<4096x1024xf32, #tpu.memory_space<hbm>>) target(%arg7 : memref<16x1024xf32, #tpu.memory_space<vmem>>) offsets(%dma_start3A_91 : memref<16xi32, #tpu.memory_space<vmem>>) semaphore(%arg13 : memref<!tpu.dma_semaphore, #tpu.memory_space<semaphore_mem>>)
    %dma_wait3A_95 = arith.constant 64 : i32
    %dma_wait3A_96 = tpu.memref_slice %arg5[%dma_wait3A_95] : memref<160xi32, #tpu.memory_space<vmem>> -> memref<16xi32, #tpu.memory_space<vmem>>
    %dma_wait3A_97 = arith.constant 0 : i32
    %dma_wait3A_98 = arith.constant 0 : i32
    %dma_wait3A_99 = tpu.memref_slice %arg2[%dma_wait3A_97, %dma_wait3A_98] : memref<4096x1024xf32, #tpu.memory_space<hbm>> -> memref<4096x1024xf32, #tpu.memory_space<hbm>>
    tpu.wait_indirect_dma semaphore(%arg16 : memref<!tpu.dma_semaphore, #tpu.memory_space<semaphore_mem>>) src(%dma_wait3A_99 : memref<4096x1024xf32, #tpu.memory_space<hbm>>) dst(%arg10 : memref<16x1024xf32, #tpu.memory_space<vmem>>)
    %add3A_100 = arith.constant 64 : i32
    %add3A_101 = arith.addi %mul3A_2, %add3A_100 : i32
    %dma_start3A_102 = arith.constant 0 : i32
    %dma_start3A_103 = tpu.memref_slice %arg4[%add3A_101, %dma_start3A_102] : memref<5120x1024xf32, #tpu.memory_space<hbm>> -> memref<16x1024xf32, #tpu.memory_space<hbm>>
    %dma_start3A_104 = arith.constant 0 : i32
    %dma_start3A_105 = tpu.memref_slice %arg4[%add3A_101, %dma_start3A_104] : memref<5120x1024xf32, #tpu.memory_space<hbm>> -> memref<16x1024xf32, #tpu.memory_space<hbm>>
    tpu.enqueue_dma source(%arg10 : memref<16x1024xf32, #tpu.memory_space<vmem>>) target(%dma_start3A_105 : memref<16x1024xf32, #tpu.memory_space<hbm>>) target_semaphore(%arg22 : memref<!tpu.dma_semaphore, #tpu.memory_space<semaphore_mem>>)
    %dma_wait3A_106 = arith.constant 0 : i32
    %dma_wait3A_107 = tpu.memref_slice %arg4[%add3A_61, %dma_wait3A_106] : memref<5120x1024xf32, #tpu.memory_space<hbm>> -> memref<16x1024xf32, #tpu.memory_space<hbm>>
    %dma_wait3A_108 = arith.constant 0 : i32
    %dma_wait3A_109 = tpu.memref_slice %arg4[%add3A_61, %dma_wait3A_108] : memref<5120x1024xf32, #tpu.memory_space<hbm>> -> memref<16x1024xf32, #tpu.memory_space<hbm>>
    tpu.wait_dma2 semaphore(%arg20 : memref<!tpu.dma_semaphore, #tpu.memory_space<semaphore_mem>>) src(%arg8 : memref<16x1024xf32, #tpu.memory_space<vmem>>) dst(%dma_wait3A_109 : memref<16x1024xf32, #tpu.memory_space<hbm>>)
    %dma_start3A_110 = arith.constant 128 : i32
    %dma_start3A_111 = tpu.memref_slice %arg5[%dma_start3A_110] : memref<160xi32, #tpu.memory_space<vmem>> -> memref<16xi32, #tpu.memory_space<vmem>>
    %dma_start3A_112 = arith.constant 0 : i32
    %dma_start3A_113 = arith.constant 0 : i32
    %dma_start3A_114 = tpu.memref_slice %arg2[%dma_start3A_112, %dma_start3A_113] : memref<4096x1024xf32, #tpu.memory_space<hbm>> -> memref<4096x1024xf32, #tpu.memory_space<hbm>>
    tpu.enqueue_indirect_dma source(%dma_start3A_114 : memref<4096x1024xf32, #tpu.memory_space<hbm>>) target(%arg8 : memref<16x1024xf32, #tpu.memory_space<vmem>>) offsets(%dma_start3A_111 : memref<16xi32, #tpu.memory_space<vmem>>) semaphore(%arg14 : memref<!tpu.dma_semaphore, #tpu.memory_space<semaphore_mem>>)
    %dma_wait3A_115 = arith.constant 80 : i32
    %dma_wait3A_116 = tpu.memref_slice %arg5[%dma_wait3A_115] : memref<160xi32, #tpu.memory_space<vmem>> -> memref<16xi32, #tpu.memory_space<vmem>>
    %dma_wait3A_117 = arith.constant 0 : i32
    %dma_wait3A_118 = arith.constant 0 : i32
    %dma_wait3A_119 = tpu.memref_slice %arg2[%dma_wait3A_117, %dma_wait3A_118] : memref<4096x1024xf32, #tpu.memory_space<hbm>> -> memref<4096x1024xf32, #tpu.memory_space<hbm>>
    tpu.wait_indirect_dma semaphore(%arg17 : memref<!tpu.dma_semaphore, #tpu.memory_space<semaphore_mem>>) src(%dma_wait3A_119 : memref<4096x1024xf32, #tpu.memory_space<hbm>>) dst(%arg11 : memref<16x1024xf32, #tpu.memory_space<vmem>>)
    %add3A_120 = arith.constant 80 : i32
    %add3A_121 = arith.addi %mul3A_2, %add3A_120 : i32
    %dma_start3A_122 = arith.constant 0 : i32
    %dma_start3A_123 = tpu.memref_slice %arg4[%add3A_121, %dma_start3A_122] : memref<5120x1024xf32, #tpu.memory_space<hbm>> -> memref<16x1024xf32, #tpu.memory_space<hbm>>
    %dma_start3A_124 = arith.constant 0 : i32
    %dma_start3A_125 = tpu.memref_slice %arg4[%add3A_121, %dma_start3A_124] : memref<5120x1024xf32, #tpu.memory_space<hbm>> -> memref<16x1024xf32, #tpu.memory_space<hbm>>
    tpu.enqueue_dma source(%arg11 : memref<16x1024xf32, #tpu.memory_space<vmem>>) target(%dma_start3A_125 : memref<16x1024xf32, #tpu.memory_space<hbm>>) target_semaphore(%arg23 : memref<!tpu.dma_semaphore, #tpu.memory_space<semaphore_mem>>)
    %dma_wait3A_126 = arith.constant 0 : i32
    %dma_wait3A_127 = tpu.memref_slice %arg4[%add3A_81, %dma_wait3A_126] : memref<5120x1024xf32, #tpu.memory_space<hbm>> -> memref<16x1024xf32, #tpu.memory_space<hbm>>
    %dma_wait3A_128 = arith.constant 0 : i32
    %dma_wait3A_129 = tpu.memref_slice %arg4[%add3A_81, %dma_wait3A_128] : memref<5120x1024xf32, #tpu.memory_space<hbm>> -> memref<16x1024xf32, #tpu.memory_space<hbm>>
    tpu.wait_dma2 semaphore(%arg21 : memref<!tpu.dma_semaphore, #tpu.memory_space<semaphore_mem>>) src(%arg9 : memref<16x1024xf32, #tpu.memory_space<vmem>>) dst(%dma_wait3A_129 : memref<16x1024xf32, #tpu.memory_space<hbm>>)
    %dma_start3A_130 = arith.constant 144 : i32
    %dma_start3A_131 = tpu.memref_slice %arg5[%dma_start3A_130] : memref<160xi32, #tpu.memory_space<vmem>> -> memref<16xi32, #tpu.memory_space<vmem>>
    %dma_start3A_132 = arith.constant 0 : i32
    %dma_start3A_133 = arith.constant 0 : i32
    %dma_start3A_134 = tpu.memref_slice %arg2[%dma_start3A_132, %dma_start3A_133] : memref<4096x1024xf32, #tpu.memory_space<hbm>> -> memref<4096x1024xf32, #tpu.memory_space<hbm>>
    tpu.enqueue_indirect_dma source(%dma_start3A_134 : memref<4096x1024xf32, #tpu.memory_space<hbm>>) target(%arg9 : memref<16x1024xf32, #tpu.memory_space<vmem>>) offsets(%dma_start3A_131 : memref<16xi32, #tpu.memory_space<vmem>>) semaphore(%arg15 : memref<!tpu.dma_semaphore, #tpu.memory_space<semaphore_mem>>)
    %dma_wait3A_135 = arith.constant 96 : i32
    %dma_wait3A_136 = tpu.memref_slice %arg5[%dma_wait3A_135] : memref<160xi32, #tpu.memory_space<vmem>> -> memref<16xi32, #tpu.memory_space<vmem>>
    %dma_wait3A_137 = arith.constant 0 : i32
    %dma_wait3A_138 = arith.constant 0 : i32
    %dma_wait3A_139 = tpu.memref_slice %arg2[%dma_wait3A_137, %dma_wait3A_138] : memref<4096x1024xf32, #tpu.memory_space<hbm>> -> memref<4096x1024xf32, #tpu.memory_space<hbm>>
    tpu.wait_indirect_dma semaphore(%arg12 : memref<!tpu.dma_semaphore, #tpu.memory_space<semaphore_mem>>) src(%dma_wait3A_139 : memref<4096x1024xf32, #tpu.memory_space<hbm>>) dst(%arg6 : memref<16x1024xf32, #tpu.memory_space<vmem>>)
    %add3A_140 = arith.constant 96 : i32
    %add3A_141 = arith.addi %mul3A_2, %add3A_140 : i32
    %dma_start3A_142 = arith.constant 0 : i32
    %dma_start3A_143 = tpu.memref_slice %arg4[%add3A_141, %dma_start3A_142] : memref<5120x1024xf32, #tpu.memory_space<hbm>> -> memref<16x1024xf32, #tpu.memory_space<hbm>>
    %dma_start3A_144 = arith.constant 0 : i32
    %dma_start3A_145 = tpu.memref_slice %arg4[%add3A_141, %dma_start3A_144] : memref<5120x1024xf32, #tpu.memory_space<hbm>> -> memref<16x1024xf32, #tpu.memory_space<hbm>>
    tpu.enqueue_dma source(%arg6 : memref<16x1024xf32, #tpu.memory_space<vmem>>) target(%dma_start3A_145 : memref<16x1024xf32, #tpu.memory_space<hbm>>) target_semaphore(%arg18 : memref<!tpu.dma_semaphore, #tpu.memory_space<semaphore_mem>>)
    %dma_wait3A_146 = arith.constant 112 : i32
    %dma_wait3A_147 = tpu.memref_slice %arg5[%dma_wait3A_146] : memref<160xi32, #tpu.memory_space<vmem>> -> memref<16xi32, #tpu.memory_space<vmem>>
    %dma_wait3A_148 = arith.constant 0 : i32
    %dma_wait3A_149 = arith.constant 0 : i32
    %dma_wait3A_150 = tpu.memref_slice %arg2[%dma_wait3A_148, %dma_wait3A_149] : memref<4096x1024xf32, #tpu.memory_space<hbm>> -> memref<4096x1024xf32, #tpu.memory_space<hbm>>
    tpu.wait_indirect_dma semaphore(%arg13 : memref<!tpu.dma_semaphore, #tpu.memory_space<semaphore_mem>>) src(%dma_wait3A_150 : memref<4096x1024xf32, #tpu.memory_space<hbm>>) dst(%arg7 : memref<16x1024xf32, #tpu.memory_space<vmem>>)
    %add3A_151 = arith.constant 112 : i32
    %add3A_152 = arith.addi %mul3A_2, %add3A_151 : i32
    %dma_start3A_153 = arith.constant 0 : i32
    %dma_start3A_154 = tpu.memref_slice %arg4[%add3A_152, %dma_start3A_153] : memref<5120x1024xf32, #tpu.memory_space<hbm>> -> memref<16x1024xf32, #tpu.memory_space<hbm>>
    %dma_start3A_155 = arith.constant 0 : i32
    %dma_start3A_156 = tpu.memref_slice %arg4[%add3A_152, %dma_start3A_155] : memref<5120x1024xf32, #tpu.memory_space<hbm>> -> memref<16x1024xf32, #tpu.memory_space<hbm>>
    tpu.enqueue_dma source(%arg7 : memref<16x1024xf32, #tpu.memory_space<vmem>>) target(%dma_start3A_156 : memref<16x1024xf32, #tpu.memory_space<hbm>>) target_semaphore(%arg19 : memref<!tpu.dma_semaphore, #tpu.memory_space<semaphore_mem>>)
    %dma_wait3A_157 = arith.constant 128 : i32
    %dma_wait3A_158 = tpu.memref_slice %arg5[%dma_wait3A_157] : memref<160xi32, #tpu.memory_space<vmem>> -> memref<16xi32, #tpu.memory_space<vmem>>
    %dma_wait3A_159 = arith.constant 0 : i32
    %dma_wait3A_160 = arith.constant 0 : i32
    %dma_wait3A_161 = tpu.memref_slice %arg2[%dma_wait3A_159, %dma_wait3A_160] : memref<4096x1024xf32, #tpu.memory_space<hbm>> -> memref<4096x1024xf32, #tpu.memory_space<hbm>>
    tpu.wait_indirect_dma semaphore(%arg14 : memref<!tpu.dma_semaphore, #tpu.memory_space<semaphore_mem>>) src(%dma_wait3A_161 : memref<4096x1024xf32, #tpu.memory_space<hbm>>) dst(%arg8 : memref<16x1024xf32, #tpu.memory_space<vmem>>)
    %add3A_162 = arith.constant 128 : i32
    %add3A_163 = arith.addi %mul3A_2, %add3A_162 : i32
    %dma_start3A_164 = arith.constant 0 : i32
    %dma_start3A_165 = tpu.memref_slice %arg4[%add3A_163, %dma_start3A_164] : memref<5120x1024xf32, #tpu.memory_space<hbm>> -> memref<16x1024xf32, #tpu.memory_space<hbm>>
    %dma_start3A_166 = arith.constant 0 : i32
    %dma_start3A_167 = tpu.memref_slice %arg4[%add3A_163, %dma_start3A_166] : memref<5120x1024xf32, #tpu.memory_space<hbm>> -> memref<16x1024xf32, #tpu.memory_space<hbm>>
    tpu.enqueue_dma source(%arg8 : memref<16x1024xf32, #tpu.memory_space<vmem>>) target(%dma_start3A_167 : memref<16x1024xf32, #tpu.memory_space<hbm>>) target_semaphore(%arg20 : memref<!tpu.dma_semaphore, #tpu.memory_space<semaphore_mem>>)
    %dma_wait3A_168 = arith.constant 144 : i32
    %dma_wait3A_169 = tpu.memref_slice %arg5[%dma_wait3A_168] : memref<160xi32, #tpu.memory_space<vmem>> -> memref<16xi32, #tpu.memory_space<vmem>>
    %dma_wait3A_170 = arith.constant 0 : i32
    %dma_wait3A_171 = arith.constant 0 : i32
    %dma_wait3A_172 = tpu.memref_slice %arg2[%dma_wait3A_170, %dma_wait3A_171] : memref<4096x1024xf32, #tpu.memory_space<hbm>> -> memref<4096x1024xf32, #tpu.memory_space<hbm>>
    tpu.wait_indirect_dma semaphore(%arg15 : memref<!tpu.dma_semaphore, #tpu.memory_space<semaphore_mem>>) src(%dma_wait3A_172 : memref<4096x1024xf32, #tpu.memory_space<hbm>>) dst(%arg9 : memref<16x1024xf32, #tpu.memory_space<vmem>>)
    %add3A_173 = arith.constant 144 : i32
    %add3A_174 = arith.addi %mul3A_2, %add3A_173 : i32
    %dma_start3A_175 = arith.constant 0 : i32
    %dma_start3A_176 = tpu.memref_slice %arg4[%add3A_174, %dma_start3A_175] : memref<5120x1024xf32, #tpu.memory_space<hbm>> -> memref<16x1024xf32, #tpu.memory_space<hbm>>
    %dma_start3A_177 = arith.constant 0 : i32
    %dma_start3A_178 = tpu.memref_slice %arg4[%add3A_174, %dma_start3A_177] : memref<5120x1024xf32, #tpu.memory_space<hbm>> -> memref<16x1024xf32, #tpu.memory_space<hbm>>
    tpu.enqueue_dma source(%arg9 : memref<16x1024xf32, #tpu.memory_space<vmem>>) target(%dma_start3A_178 : memref<16x1024xf32, #tpu.memory_space<hbm>>) target_semaphore(%arg21 : memref<!tpu.dma_semaphore, #tpu.memory_space<semaphore_mem>>)
    %dma_wait3A_179 = arith.constant 0 : i32
    %dma_wait3A_180 = tpu.memref_slice %arg4[%add3A_101, %dma_wait3A_179] : memref<5120x1024xf32, #tpu.memory_space<hbm>> -> memref<16x1024xf32, #tpu.memory_space<hbm>>
    %dma_wait3A_181 = arith.constant 0 : i32
    %dma_wait3A_182 = tpu.memref_slice %arg4[%add3A_101, %dma_wait3A_181] : memref<5120x1024xf32, #tpu.memory_space<hbm>> -> memref<16x1024xf32, #tpu.memory_space<hbm>>
    tpu.wait_dma2 semaphore(%arg22 : memref<!tpu.dma_semaphore, #tpu.memory_space<semaphore_mem>>) src(%arg10 : memref<16x1024xf32, #tpu.memory_space<vmem>>) dst(%dma_wait3A_182 : memref<16x1024xf32, #tpu.memory_space<hbm>>)
    %dma_wait3A_183 = arith.constant 0 : i32
    %dma_wait3A_184 = tpu.memref_slice %arg4[%add3A_121, %dma_wait3A_183] : memref<5120x1024xf32, #tpu.memory_space<hbm>> -> memref<16x1024xf32, #tpu.memory_space<hbm>>
    %dma_wait3A_185 = arith.constant 0 : i32
    %dma_wait3A_186 = tpu.memref_slice %arg4[%add3A_121, %dma_wait3A_185] : memref<5120x1024xf32, #tpu.memory_space<hbm>> -> memref<16x1024xf32, #tpu.memory_space<hbm>>
    tpu.wait_dma2 semaphore(%arg23 : memref<!tpu.dma_semaphore, #tpu.memory_space<semaphore_mem>>) src(%arg11 : memref<16x1024xf32, #tpu.memory_space<vmem>>) dst(%dma_wait3A_186 : memref<16x1024xf32, #tpu.memory_space<hbm>>)
    %dma_wait3A_187 = arith.constant 0 : i32
    %dma_wait3A_188 = tpu.memref_slice %arg4[%add3A_141, %dma_wait3A_187] : memref<5120x1024xf32, #tpu.memory_space<hbm>> -> memref<16x1024xf32, #tpu.memory_space<hbm>>
    %dma_wait3A_189 = arith.constant 0 : i32
    %dma_wait3A_190 = tpu.memref_slice %arg4[%add3A_141, %dma_wait3A_189] : memref<5120x1024xf32, #tpu.memory_space<hbm>> -> memref<16x1024xf32, #tpu.memory_space<hbm>>
    tpu.wait_dma2 semaphore(%arg18 : memref<!tpu.dma_semaphore, #tpu.memory_space<semaphore_mem>>) src(%arg6 : memref<16x1024xf32, #tpu.memory_space<vmem>>) dst(%dma_wait3A_190 : memref<16x1024xf32, #tpu.memory_space<hbm>>)
    %dma_wait3A_191 = arith.constant 0 : i32
    %dma_wait3A_192 = tpu.memref_slice %arg4[%add3A_152, %dma_wait3A_191] : memref<5120x1024xf32, #tpu.memory_space<hbm>> -> memref<16x1024xf32, #tpu.memory_space<hbm>>
    %dma_wait3A_193 = arith.constant 0 : i32
    %dma_wait3A_194 = tpu.memref_slice %arg4[%add3A_152, %dma_wait3A_193] : memref<5120x1024xf32, #tpu.memory_space<hbm>> -> memref<16x1024xf32, #tpu.memory_space<hbm>>
    tpu.wait_dma2 semaphore(%arg19 : memref<!tpu.dma_semaphore, #tpu.memory_space<semaphore_mem>>) src(%arg7 : memref<16x1024xf32, #tpu.memory_space<vmem>>) dst(%dma_wait3A_194 : memref<16x1024xf32, #tpu.memory_space<hbm>>)
    %dma_wait3A_195 = arith.constant 0 : i32
    %dma_wait3A_196 = tpu.memref_slice %arg4[%add3A_163, %dma_wait3A_195] : memref<5120x1024xf32, #tpu.memory_space<hbm>> -> memref<16x1024xf32, #tpu.memory_space<hbm>>
    %dma_wait3A_197 = arith.constant 0 : i32
    %dma_wait3A_198 = tpu.memref_slice %arg4[%add3A_163, %dma_wait3A_197] : memref<5120x1024xf32, #tpu.memory_space<hbm>> -> memref<16x1024xf32, #tpu.memory_space<hbm>>
    tpu.wait_dma2 semaphore(%arg20 : memref<!tpu.dma_semaphore, #tpu.memory_space<semaphore_mem>>) src(%arg8 : memref<16x1024xf32, #tpu.memory_space<vmem>>) dst(%dma_wait3A_198 : memref<16x1024xf32, #tpu.memory_space<hbm>>)
    %dma_wait3A_199 = arith.constant 0 : i32
    %dma_wait3A_200 = tpu.memref_slice %arg4[%add3A_174, %dma_wait3A_199] : memref<5120x1024xf32, #tpu.memory_space<hbm>> -> memref<16x1024xf32, #tpu.memory_space<hbm>>
    %dma_wait3A_201 = arith.constant 0 : i32
    %dma_wait3A_202 = tpu.memref_slice %arg4[%add3A_174, %dma_wait3A_201] : memref<5120x1024xf32, #tpu.memory_space<hbm>> -> memref<16x1024xf32, #tpu.memory_space<hbm>>
    tpu.wait_dma2 semaphore(%arg21 : memref<!tpu.dma_semaphore, #tpu.memory_space<semaphore_mem>>) src(%arg9 : memref<16x1024xf32, #tpu.memory_space<vmem>>) dst(%dma_wait3A_202 : memref<16x1024xf32, #tpu.memory_space<hbm>>)
    return
  }
}

#map = affine_map<(d0, d1) -> (0, 0)>
#map1 = affine_map<(d0, d1) -> (0)>
module attributes {stable_mosaic.version = 14 : i64} {
  func.func @combine(%arg0: i32, %arg1: i32, %arg2: memref<10240x1024xf32, #tpu.memory_space<hbm>>, %arg3: memref<4096xi32, #tpu.memory_space<hbm>>, %arg4: memref<4096xi32, #tpu.memory_space<hbm>>, %arg5: memref<4096x1024xf32, #tpu.memory_space<hbm>>, %arg6: memref<128xi32, #tpu.memory_space<vmem>>, %arg7: memref<128xi32, #tpu.memory_space<vmem>>, %arg8: memref<16x1024xf32, #tpu.memory_space<vmem>>, %arg9: memref<16x1024xf32, #tpu.memory_space<vmem>>, %arg10: memref<16x1024xf32, #tpu.memory_space<vmem>>, %arg11: memref<16x1024xf32, #tpu.memory_space<vmem>>, %arg12: memref<16x1024xf32, #tpu.memory_space<vmem>>, %arg13: memref<16x1024xf32, #tpu.memory_space<vmem>>, %arg14: memref<!tpu.dma_semaphore, #tpu.memory_space<semaphore_mem>>, %arg15: memref<!tpu.dma_semaphore, #tpu.memory_space<semaphore_mem>>, %arg16: memref<!tpu.dma_semaphore, #tpu.memory_space<semaphore_mem>>, %arg17: memref<!tpu.dma_semaphore, #tpu.memory_space<semaphore_mem>>, %arg18: memref<!tpu.dma_semaphore, #tpu.memory_space<semaphore_mem>>, %arg19: memref<!tpu.dma_semaphore, #tpu.memory_space<semaphore_mem>>, %arg20: memref<!tpu.dma_semaphore, #tpu.memory_space<semaphore_mem>>, %arg21: memref<!tpu.dma_semaphore, #tpu.memory_space<semaphore_mem>>, %arg22: memref<!tpu.dma_semaphore, #tpu.memory_space<semaphore_mem>>) attributes {dimension_semantics = [#tpu.dimension_semantics<core_parallel>, #tpu.dimension_semantics<subcore_parallel>], iteration_bounds = array<i64: 2, 16>, scalar_prefetch = 0 : i64, scratch_operands = 17 : i64, tpu.core_type = #tpu.core_type<sc_vector_subcore>, window_params = [{transform_indices = #map}, {transform_indices = #map1}, {transform_indices = #map1}, {transform_indices = #map}]} {
    %mul3A = arith.constant 2 : i32
    %mul3A_0 = arith.muli %arg1, %mul3A : i32
    %add3A = arith.addi %mul3A_0, %arg0 : i32
    %mul3A_1 = arith.constant 128 : i32
    %mul3A_2 = arith.muli %add3A, %mul3A_1 : i32
    "tpu.region"() ({
      %run_scoped3A = tpu.sem_alloc : memref<!tpu.dma_semaphore, #tpu.memory_space<semaphore_mem>>
      %dma_start3A_296 = tpu.memref_slice %arg3[%mul3A_2] : memref<4096xi32, #tpu.memory_space<hbm>> -> memref<128xi32, #tpu.memory_space<hbm>>
      %dma_start3A_297 = tpu.memref_slice %arg3[%mul3A_2] : memref<4096xi32, #tpu.memory_space<hbm>> -> memref<128xi32, #tpu.memory_space<hbm>>
      tpu.enqueue_dma source(%dma_start3A_297 : memref<128xi32, #tpu.memory_space<hbm>>) target(%arg6 : memref<128xi32, #tpu.memory_space<vmem>>) target_semaphore(%run_scoped3A : memref<!tpu.dma_semaphore, #tpu.memory_space<semaphore_mem>>)
      %dma_wait3A_298 = tpu.memref_slice %arg3[%mul3A_2] : memref<4096xi32, #tpu.memory_space<hbm>> -> memref<128xi32, #tpu.memory_space<hbm>>
      %dma_wait3A_299 = tpu.memref_slice %arg3[%mul3A_2] : memref<4096xi32, #tpu.memory_space<hbm>> -> memref<128xi32, #tpu.memory_space<hbm>>
      tpu.wait_dma2 semaphore(%run_scoped3A : memref<!tpu.dma_semaphore, #tpu.memory_space<semaphore_mem>>) src(%dma_wait3A_299 : memref<128xi32, #tpu.memory_space<hbm>>) dst(%arg6 : memref<128xi32, #tpu.memory_space<vmem>>)
      tpu.yield
    }) : () -> ()
    "tpu.region"() ({
      %run_scoped3A = tpu.sem_alloc : memref<!tpu.dma_semaphore, #tpu.memory_space<semaphore_mem>>
      %dma_start3A_296 = tpu.memref_slice %arg4[%mul3A_2] : memref<4096xi32, #tpu.memory_space<hbm>> -> memref<128xi32, #tpu.memory_space<hbm>>
      %dma_start3A_297 = tpu.memref_slice %arg4[%mul3A_2] : memref<4096xi32, #tpu.memory_space<hbm>> -> memref<128xi32, #tpu.memory_space<hbm>>
      tpu.enqueue_dma source(%dma_start3A_297 : memref<128xi32, #tpu.memory_space<hbm>>) target(%arg7 : memref<128xi32, #tpu.memory_space<vmem>>) target_semaphore(%run_scoped3A : memref<!tpu.dma_semaphore, #tpu.memory_space<semaphore_mem>>)
      %dma_wait3A_298 = tpu.memref_slice %arg4[%mul3A_2] : memref<4096xi32, #tpu.memory_space<hbm>> -> memref<128xi32, #tpu.memory_space<hbm>>
      %dma_wait3A_299 = tpu.memref_slice %arg4[%mul3A_2] : memref<4096xi32, #tpu.memory_space<hbm>> -> memref<128xi32, #tpu.memory_space<hbm>>
      tpu.wait_dma2 semaphore(%run_scoped3A : memref<!tpu.dma_semaphore, #tpu.memory_space<semaphore_mem>>) src(%dma_wait3A_299 : memref<128xi32, #tpu.memory_space<hbm>>) dst(%arg7 : memref<128xi32, #tpu.memory_space<vmem>>)
      tpu.yield
    }) : () -> ()
    %dma_start3A = arith.constant 0 : i32
    %dma_start3A_3 = tpu.memref_slice %arg6[%dma_start3A] : memref<128xi32, #tpu.memory_space<vmem>> -> memref<16xi32, #tpu.memory_space<vmem>>
    %dma_start3A_4 = arith.constant 0 : i32
    %dma_start3A_5 = arith.constant 0 : i32
    %dma_start3A_6 = tpu.memref_slice %arg2[%dma_start3A_4, %dma_start3A_5] : memref<10240x1024xf32, #tpu.memory_space<hbm>> -> memref<10240x1024xf32, #tpu.memory_space<hbm>>
    tpu.enqueue_indirect_dma source(%dma_start3A_6 : memref<10240x1024xf32, #tpu.memory_space<hbm>>) target(%arg8 : memref<16x1024xf32, #tpu.memory_space<vmem>>) offsets(%dma_start3A_3 : memref<16xi32, #tpu.memory_space<vmem>>) semaphore(%arg14 : memref<!tpu.dma_semaphore, #tpu.memory_space<semaphore_mem>>)
    %dma_start3A_7 = arith.constant 0 : i32
    %dma_start3A_8 = tpu.memref_slice %arg7[%dma_start3A_7] : memref<128xi32, #tpu.memory_space<vmem>> -> memref<16xi32, #tpu.memory_space<vmem>>
    %dma_start3A_9 = arith.constant 0 : i32
    %dma_start3A_10 = arith.constant 0 : i32
    %dma_start3A_11 = tpu.memref_slice %arg2[%dma_start3A_9, %dma_start3A_10] : memref<10240x1024xf32, #tpu.memory_space<hbm>> -> memref<10240x1024xf32, #tpu.memory_space<hbm>>
    tpu.enqueue_indirect_dma source(%dma_start3A_11 : memref<10240x1024xf32, #tpu.memory_space<hbm>>) target(%arg11 : memref<16x1024xf32, #tpu.memory_space<vmem>>) offsets(%dma_start3A_8 : memref<16xi32, #tpu.memory_space<vmem>>) semaphore(%arg17 : memref<!tpu.dma_semaphore, #tpu.memory_space<semaphore_mem>>)
    %dma_start3A_12 = arith.constant 16 : i32
    %dma_start3A_13 = tpu.memref_slice %arg6[%dma_start3A_12] : memref<128xi32, #tpu.memory_space<vmem>> -> memref<16xi32, #tpu.memory_space<vmem>>
    %dma_start3A_14 = arith.constant 0 : i32
    %dma_start3A_15 = arith.constant 0 : i32
    %dma_start3A_16 = tpu.memref_slice %arg2[%dma_start3A_14, %dma_start3A_15] : memref<10240x1024xf32, #tpu.memory_space<hbm>> -> memref<10240x1024xf32, #tpu.memory_space<hbm>>
    tpu.enqueue_indirect_dma source(%dma_start3A_16 : memref<10240x1024xf32, #tpu.memory_space<hbm>>) target(%arg9 : memref<16x1024xf32, #tpu.memory_space<vmem>>) offsets(%dma_start3A_13 : memref<16xi32, #tpu.memory_space<vmem>>) semaphore(%arg15 : memref<!tpu.dma_semaphore, #tpu.memory_space<semaphore_mem>>)
    %dma_start3A_17 = arith.constant 16 : i32
    %dma_start3A_18 = tpu.memref_slice %arg7[%dma_start3A_17] : memref<128xi32, #tpu.memory_space<vmem>> -> memref<16xi32, #tpu.memory_space<vmem>>
    %dma_start3A_19 = arith.constant 0 : i32
    %dma_start3A_20 = arith.constant 0 : i32
    %dma_start3A_21 = tpu.memref_slice %arg2[%dma_start3A_19, %dma_start3A_20] : memref<10240x1024xf32, #tpu.memory_space<hbm>> -> memref<10240x1024xf32, #tpu.memory_space<hbm>>
    tpu.enqueue_indirect_dma source(%dma_start3A_21 : memref<10240x1024xf32, #tpu.memory_space<hbm>>) target(%arg12 : memref<16x1024xf32, #tpu.memory_space<vmem>>) offsets(%dma_start3A_18 : memref<16xi32, #tpu.memory_space<vmem>>) semaphore(%arg18 : memref<!tpu.dma_semaphore, #tpu.memory_space<semaphore_mem>>)
    %dma_wait3A = arith.constant 0 : i32
    %dma_wait3A_22 = tpu.memref_slice %arg6[%dma_wait3A] : memref<128xi32, #tpu.memory_space<vmem>> -> memref<16xi32, #tpu.memory_space<vmem>>
    %dma_wait3A_23 = arith.constant 0 : i32
    %dma_wait3A_24 = arith.constant 0 : i32
    %dma_wait3A_25 = tpu.memref_slice %arg2[%dma_wait3A_23, %dma_wait3A_24] : memref<10240x1024xf32, #tpu.memory_space<hbm>> -> memref<10240x1024xf32, #tpu.memory_space<hbm>>
    tpu.wait_indirect_dma semaphore(%arg14 : memref<!tpu.dma_semaphore, #tpu.memory_space<semaphore_mem>>) src(%dma_wait3A_25 : memref<10240x1024xf32, #tpu.memory_space<hbm>>) dst(%arg8 : memref<16x1024xf32, #tpu.memory_space<vmem>>)
    %dma_wait3A_26 = arith.constant 0 : i32
    %dma_wait3A_27 = tpu.memref_slice %arg7[%dma_wait3A_26] : memref<128xi32, #tpu.memory_space<vmem>> -> memref<16xi32, #tpu.memory_space<vmem>>
    %dma_wait3A_28 = arith.constant 0 : i32
    %dma_wait3A_29 = arith.constant 0 : i32
    %dma_wait3A_30 = tpu.memref_slice %arg2[%dma_wait3A_28, %dma_wait3A_29] : memref<10240x1024xf32, #tpu.memory_space<hbm>> -> memref<10240x1024xf32, #tpu.memory_space<hbm>>
    tpu.wait_indirect_dma semaphore(%arg17 : memref<!tpu.dma_semaphore, #tpu.memory_space<semaphore_mem>>) src(%dma_wait3A_30 : memref<10240x1024xf32, #tpu.memory_space<hbm>>) dst(%arg11 : memref<16x1024xf32, #tpu.memory_space<vmem>>)
    %scan3A = arith.constant 0 : i32
    %scan3A_31 = arith.constant 0 : i32
    %scan3A_32 = arith.constant 256 : i32
    %scan3A_33 = arith.addi %scan3A_31, %scan3A_32 : i32
    %scan3A_34 = arith.constant 1 : i32
    %scan3A_35 = scf.for %scan3A_296 = %scan3A_31 to %scan3A_33 step %scan3A_34 iter_args(%scan3A_297 = %scan3A) -> (i32)  : i32 {
      %jit3A = arith.constant 16 : i32
      %div3A = arith.divsi %scan3A_296, %jit3A : i32
      %sign3A = arith.constant 0 : i32
      %sign3A_298 = arith.cmpi sgt, %scan3A_296, %sign3A : i32
      %sign3A_299 = arith.extui %sign3A_298 : i1 to i32
      %sign3A_300 = arith.constant 0 : i32
      %sign3A_301 = arith.cmpi slt, %scan3A_296, %sign3A_300 : i32
      %sign3A_302 = arith.extui %sign3A_301 : i1 to i32
      %sign3A_303 = arith.subi %sign3A_299, %sign3A_302 : i32
      %sign3A_304 = arith.constant 0 : i32
      %sign3A_305 = arith.cmpi sgt, %jit3A, %sign3A_304 : i32
      %sign3A_306 = arith.extui %sign3A_305 : i1 to i32
      %sign3A_307 = arith.constant 0 : i32
      %sign3A_308 = arith.cmpi slt, %jit3A, %sign3A_307 : i32
      %sign3A_309 = arith.extui %sign3A_308 : i1 to i32
      %sign3A_310 = arith.subi %sign3A_306, %sign3A_309 : i32
      %ne3A = arith.cmpi ne, %sign3A_303, %sign3A_310 : i32
      %rem3A = arith.remsi %scan3A_296, %jit3A : i32
      %ne3A_311 = arith.constant 0 : i32
      %ne3A_312 = arith.cmpi ne, %rem3A, %ne3A_311 : i32
      %and3A = arith.andi %ne3A, %ne3A_312 : i1
      %sub3A = arith.constant 1 : i32
      %sub3A_313 = arith.subi %div3A, %sub3A : i32
      %select_n3A = arith.select %and3A, %sub3A_313, %div3A : i32
      %jit3A_314 = arith.constant 16 : i32
      %eq3A = arith.constant 0 : i32
      %eq3A_315 = arith.cmpi eq, %jit3A_314, %eq3A : i32
      %jit3A_316 = arith.constant 1 : i32
      %select_n3A_317 = arith.select %eq3A_315, %jit3A_316, %jit3A_314 : i32
      %rem3A_318 = arith.remsi %scan3A_296, %select_n3A_317 : i32
      %ne3A_319 = arith.constant 0 : i32
      %ne3A_320 = arith.cmpi ne, %rem3A_318, %ne3A_319 : i32
      %lt3A = arith.constant 0 : i32
      %lt3A_321 = arith.cmpi slt, %rem3A_318, %lt3A : i32
      %lt3A_322 = arith.constant 0 : i32
      %lt3A_323 = arith.cmpi slt, %select_n3A_317, %lt3A_322 : i32
      %ne3A_324 = arith.xori %lt3A_321, %lt3A_323 : i1
      %and3A_325 = arith.andi %ne3A_324, %ne3A_320 : i1
      %add3A_326 = arith.addi %rem3A_318, %select_n3A_317 : i32
      %select_n3A_327 = arith.select %and3A_325, %add3A_326, %rem3A_318 : i32
      %mul3A_328 = arith.constant 4 : i32
      %mul3A_329 = arith.muli %select_n3A_327, %mul3A_328 : i32
      %add3A_330 = arith.constant 0 : i32
      %add3A_331 = arith.addi %mul3A_329, %add3A_330 : i32
      %mul3A_332 = arith.constant 16 : i32
      %mul3A_333 = arith.muli %add3A_331, %mul3A_332 : i32
      %get3A = arith.index_cast %select_n3A : i32 to index
      %get3A_334 = arith.index_cast %mul3A_333 : i32 to index
      %get3A_335 = tpu.vector_load %arg8[%get3A, %get3A_334] {strides = array<i32>} : memref<16x1024xf32, #tpu.memory_space<vmem>>, vector<16xf32>,
      %get3A_336 = arith.index_cast %select_n3A : i32 to index
      %get3A_337 = arith.index_cast %mul3A_333 : i32 to index
      %get3A_338 = tpu.vector_load %arg11[%get3A_336, %get3A_337] {strides = array<i32>} : memref<16x1024xf32, #tpu.memory_space<vmem>>, vector<16xf32>,
      %add3A_339 = arith.addf %get3A_335, %get3A_338 : vector<16xf32>
      %swap3A = arith.index_cast %select_n3A : i32 to index
      %swap3A_340 = arith.index_cast %mul3A_333 : i32 to index
      %swap3A_341 = tpu.vector_load %arg8[%swap3A, %swap3A_340] {strides = array<i32>} : memref<16x1024xf32, #tpu.memory_space<vmem>>, vector<16xf32>,
      tpu.vector_store %arg8[%swap3A, %swap3A_340], %add3A_339 {strides = array<i32>} : memref<16x1024xf32, #tpu.memory_space<vmem>>, vector<16xf32>,
      %add3A_342 = arith.constant 1 : i32
      %add3A_343 = arith.addi %mul3A_329, %add3A_342 : i32
      %mul3A_344 = arith.constant 16 : i32
      %mul3A_345 = arith.muli %add3A_343, %mul3A_344 : i32
      %get3A_346 = arith.index_cast %select_n3A : i32 to index
      %get3A_347 = arith.index_cast %mul3A_345 : i32 to index
      %get3A_348 = tpu.vector_load %arg8[%get3A_346, %get3A_347] {strides = array<i32>} : memref<16x1024xf32, #tpu.memory_space<vmem>>, vector<16xf32>,
      %get3A_349 = arith.index_cast %select_n3A : i32 to index
      %get3A_350 = arith.index_cast %mul3A_345 : i32 to index
      %get3A_351 = tpu.vector_load %arg11[%get3A_349, %get3A_350] {strides = array<i32>} : memref<16x1024xf32, #tpu.memory_space<vmem>>, vector<16xf32>,
      %add3A_352 = arith.addf %get3A_348, %get3A_351 : vector<16xf32>
      %swap3A_353 = arith.index_cast %select_n3A : i32 to index
      %swap3A_354 = arith.index_cast %mul3A_345 : i32 to index
      %swap3A_355 = tpu.vector_load %arg8[%swap3A_353, %swap3A_354] {strides = array<i32>} : memref<16x1024xf32, #tpu.memory_space<vmem>>, vector<16xf32>,
      tpu.vector_store %arg8[%swap3A_353, %swap3A_354], %add3A_352 {strides = array<i32>} : memref<16x1024xf32, #tpu.memory_space<vmem>>, vector<16xf32>,
      %add3A_356 = arith.constant 2 : i32
      %add3A_357 = arith.addi %mul3A_329, %add3A_356 : i32
      %mul3A_358 = arith.constant 16 : i32
      %mul3A_359 = arith.muli %add3A_357, %mul3A_358 : i32
      %get3A_360 = arith.index_cast %select_n3A : i32 to index
      %get3A_361 = arith.index_cast %mul3A_359 : i32 to index
      %get3A_362 = tpu.vector_load %arg8[%get3A_360, %get3A_361] {strides = array<i32>} : memref<16x1024xf32, #tpu.memory_space<vmem>>, vector<16xf32>,
      %get3A_363 = arith.index_cast %select_n3A : i32 to index
      %get3A_364 = arith.index_cast %mul3A_359 : i32 to index
      %get3A_365 = tpu.vector_load %arg11[%get3A_363, %get3A_364] {strides = array<i32>} : memref<16x1024xf32, #tpu.memory_space<vmem>>, vector<16xf32>,
      %add3A_366 = arith.addf %get3A_362, %get3A_365 : vector<16xf32>
      %swap3A_367 = arith.index_cast %select_n3A : i32 to index
      %swap3A_368 = arith.index_cast %mul3A_359 : i32 to index
      %swap3A_369 = tpu.vector_load %arg8[%swap3A_367, %swap3A_368] {strides = array<i32>} : memref<16x1024xf32, #tpu.memory_space<vmem>>, vector<16xf32>,
      tpu.vector_store %arg8[%swap3A_367, %swap3A_368], %add3A_366 {strides = array<i32>} : memref<16x1024xf32, #tpu.memory_space<vmem>>, vector<16xf32>,
      %add3A_370 = arith.constant 3 : i32
      %add3A_371 = arith.addi %mul3A_329, %add3A_370 : i32
      %mul3A_372 = arith.constant 16 : i32
      %mul3A_373 = arith.muli %add3A_371, %mul3A_372 : i32
      %get3A_374 = arith.index_cast %select_n3A : i32 to index
      %get3A_375 = arith.index_cast %mul3A_373 : i32 to index
      %get3A_376 = tpu.vector_load %arg8[%get3A_374, %get3A_375] {strides = array<i32>} : memref<16x1024xf32, #tpu.memory_space<vmem>>, vector<16xf32>,
      %get3A_377 = arith.index_cast %select_n3A : i32 to index
      %get3A_378 = arith.index_cast %mul3A_373 : i32 to index
      %get3A_379 = tpu.vector_load %arg11[%get3A_377, %get3A_378] {strides = array<i32>} : memref<16x1024xf32, #tpu.memory_space<vmem>>, vector<16xf32>,
      %add3A_380 = arith.addf %get3A_376, %get3A_379 : vector<16xf32>
      %swap3A_381 = arith.index_cast %select_n3A : i32 to index
      %swap3A_382 = arith.index_cast %mul3A_373 : i32 to index
      %swap3A_383 = tpu.vector_load %arg8[%swap3A_381, %swap3A_382] {strides = array<i32>} : memref<16x1024xf32, #tpu.memory_space<vmem>>, vector<16xf32>,
      tpu.vector_store %arg8[%swap3A_381, %swap3A_382], %add3A_380 {strides = array<i32>} : memref<16x1024xf32, #tpu.memory_space<vmem>>, vector<16xf32>,
      %scan3A_384 = arith.constant 0 : i32
      scf.yield %scan3A_384 : i32
    }
    %scan3A_36 = arith.constant 256 : i32
    %add3A_37 = arith.constant 0 : i32
    %add3A_38 = arith.addi %mul3A_2, %add3A_37 : i32
    %dma_start3A_39 = arith.constant 0 : i32
    %dma_start3A_40 = tpu.memref_slice %arg5[%add3A_38, %dma_start3A_39] : memref<4096x1024xf32, #tpu.memory_space<hbm>> -> memref<16x1024xf32, #tpu.memory_space<hbm>>
    %dma_start3A_41 = arith.constant 0 : i32
    %dma_start3A_42 = tpu.memref_slice %arg5[%add3A_38, %dma_start3A_41] : memref<4096x1024xf32, #tpu.memory_space<hbm>> -> memref<16x1024xf32, #tpu.memory_space<hbm>>
    tpu.enqueue_dma source(%arg8 : memref<16x1024xf32, #tpu.memory_space<vmem>>) target(%dma_start3A_42 : memref<16x1024xf32, #tpu.memory_space<hbm>>) target_semaphore(%arg20 : memref<!tpu.dma_semaphore, #tpu.memory_space<semaphore_mem>>)
    %dma_start3A_43 = arith.constant 32 : i32
    %dma_start3A_44 = tpu.memref_slice %arg6[%dma_start3A_43] : memref<128xi32, #tpu.memory_space<vmem>> -> memref<16xi32, #tpu.memory_space<vmem>>
    %dma_start3A_45 = arith.constant 0 : i32
    %dma_start3A_46 = arith.constant 0 : i32
    %dma_start3A_47 = tpu.memref_slice %arg2[%dma_start3A_45, %dma_start3A_46] : memref<10240x1024xf32, #tpu.memory_space<hbm>> -> memref<10240x1024xf32, #tpu.memory_space<hbm>>
    tpu.enqueue_indirect_dma source(%dma_start3A_47 : memref<10240x1024xf32, #tpu.memory_space<hbm>>) target(%arg10 : memref<16x1024xf32, #tpu.memory_space<vmem>>) offsets(%dma_start3A_44 : memref<16xi32, #tpu.memory_space<vmem>>) semaphore(%arg16 : memref<!tpu.dma_semaphore, #tpu.memory_space<semaphore_mem>>)
    %dma_start3A_48 = arith.constant 32 : i32
    %dma_start3A_49 = tpu.memref_slice %arg7[%dma_start3A_48] : memref<128xi32, #tpu.memory_space<vmem>> -> memref<16xi32, #tpu.memory_space<vmem>>
    %dma_start3A_50 = arith.constant 0 : i32
    %dma_start3A_51 = arith.constant 0 : i32
    %dma_start3A_52 = tpu.memref_slice %arg2[%dma_start3A_50, %dma_start3A_51] : memref<10240x1024xf32, #tpu.memory_space<hbm>> -> memref<10240x1024xf32, #tpu.memory_space<hbm>>
    tpu.enqueue_indirect_dma source(%dma_start3A_52 : memref<10240x1024xf32, #tpu.memory_space<hbm>>) target(%arg13 : memref<16x1024xf32, #tpu.memory_space<vmem>>) offsets(%dma_start3A_49 : memref<16xi32, #tpu.memory_space<vmem>>) semaphore(%arg19 : memref<!tpu.dma_semaphore, #tpu.memory_space<semaphore_mem>>)
    %dma_wait3A_53 = arith.constant 16 : i32
    %dma_wait3A_54 = tpu.memref_slice %arg6[%dma_wait3A_53] : memref<128xi32, #tpu.memory_space<vmem>> -> memref<16xi32, #tpu.memory_space<vmem>>
    %dma_wait3A_55 = arith.constant 0 : i32
    %dma_wait3A_56 = arith.constant 0 : i32
    %dma_wait3A_57 = tpu.memref_slice %arg2[%dma_wait3A_55, %dma_wait3A_56] : memref<10240x1024xf32, #tpu.memory_space<hbm>> -> memref<10240x1024xf32, #tpu.memory_space<hbm>>
    tpu.wait_indirect_dma semaphore(%arg15 : memref<!tpu.dma_semaphore, #tpu.memory_space<semaphore_mem>>) src(%dma_wait3A_57 : memref<10240x1024xf32, #tpu.memory_space<hbm>>) dst(%arg9 : memref<16x1024xf32, #tpu.memory_space<vmem>>)
    %dma_wait3A_58 = arith.constant 16 : i32
    %dma_wait3A_59 = tpu.memref_slice %arg7[%dma_wait3A_58] : memref<128xi32, #tpu.memory_space<vmem>> -> memref<16xi32, #tpu.memory_space<vmem>>
    %dma_wait3A_60 = arith.constant 0 : i32
    %dma_wait3A_61 = arith.constant 0 : i32
    %dma_wait3A_62 = tpu.memref_slice %arg2[%dma_wait3A_60, %dma_wait3A_61] : memref<10240x1024xf32, #tpu.memory_space<hbm>> -> memref<10240x1024xf32, #tpu.memory_space<hbm>>
    tpu.wait_indirect_dma semaphore(%arg18 : memref<!tpu.dma_semaphore, #tpu.memory_space<semaphore_mem>>) src(%dma_wait3A_62 : memref<10240x1024xf32, #tpu.memory_space<hbm>>) dst(%arg12 : memref<16x1024xf32, #tpu.memory_space<vmem>>)
    %scan3A_63 = arith.constant 0 : i32
    %scan3A_64 = arith.constant 0 : i32
    %scan3A_65 = arith.constant 256 : i32
    %scan3A_66 = arith.addi %scan3A_64, %scan3A_65 : i32
    %scan3A_67 = arith.constant 1 : i32
    %scan3A_68 = scf.for %scan3A_296 = %scan3A_64 to %scan3A_66 step %scan3A_67 iter_args(%scan3A_297 = %scan3A_63) -> (i32)  : i32 {
      %jit3A = arith.constant 16 : i32
      %div3A = arith.divsi %scan3A_296, %jit3A : i32
      %sign3A = arith.constant 0 : i32
      %sign3A_298 = arith.cmpi sgt, %scan3A_296, %sign3A : i32
      %sign3A_299 = arith.extui %sign3A_298 : i1 to i32
      %sign3A_300 = arith.constant 0 : i32
      %sign3A_301 = arith.cmpi slt, %scan3A_296, %sign3A_300 : i32
      %sign3A_302 = arith.extui %sign3A_301 : i1 to i32
      %sign3A_303 = arith.subi %sign3A_299, %sign3A_302 : i32
      %sign3A_304 = arith.constant 0 : i32
      %sign3A_305 = arith.cmpi sgt, %jit3A, %sign3A_304 : i32
      %sign3A_306 = arith.extui %sign3A_305 : i1 to i32
      %sign3A_307 = arith.constant 0 : i32
      %sign3A_308 = arith.cmpi slt, %jit3A, %sign3A_307 : i32
      %sign3A_309 = arith.extui %sign3A_308 : i1 to i32
      %sign3A_310 = arith.subi %sign3A_306, %sign3A_309 : i32
      %ne3A = arith.cmpi ne, %sign3A_303, %sign3A_310 : i32
      %rem3A = arith.remsi %scan3A_296, %jit3A : i32
      %ne3A_311 = arith.constant 0 : i32
      %ne3A_312 = arith.cmpi ne, %rem3A, %ne3A_311 : i32
      %and3A = arith.andi %ne3A, %ne3A_312 : i1
      %sub3A = arith.constant 1 : i32
      %sub3A_313 = arith.subi %div3A, %sub3A : i32
      %select_n3A = arith.select %and3A, %sub3A_313, %div3A : i32
      %jit3A_314 = arith.constant 16 : i32
      %eq3A = arith.constant 0 : i32
      %eq3A_315 = arith.cmpi eq, %jit3A_314, %eq3A : i32
      %jit3A_316 = arith.constant 1 : i32
      %select_n3A_317 = arith.select %eq3A_315, %jit3A_316, %jit3A_314 : i32
      %rem3A_318 = arith.remsi %scan3A_296, %select_n3A_317 : i32
      %ne3A_319 = arith.constant 0 : i32
      %ne3A_320 = arith.cmpi ne, %rem3A_318, %ne3A_319 : i32
      %lt3A = arith.constant 0 : i32
      %lt3A_321 = arith.cmpi slt, %rem3A_318, %lt3A : i32
      %lt3A_322 = arith.constant 0 : i32
      %lt3A_323 = arith.cmpi slt, %select_n3A_317, %lt3A_322 : i32
      %ne3A_324 = arith.xori %lt3A_321, %lt3A_323 : i1
      %and3A_325 = arith.andi %ne3A_324, %ne3A_320 : i1
      %add3A_326 = arith.addi %rem3A_318, %select_n3A_317 : i32
      %select_n3A_327 = arith.select %and3A_325, %add3A_326, %rem3A_318 : i32
      %mul3A_328 = arith.constant 4 : i32
      %mul3A_329 = arith.muli %select_n3A_327, %mul3A_328 : i32
      %add3A_330 = arith.constant 0 : i32
      %add3A_331 = arith.addi %mul3A_329, %add3A_330 : i32
      %mul3A_332 = arith.constant 16 : i32
      %mul3A_333 = arith.muli %add3A_331, %mul3A_332 : i32
      %get3A = arith.index_cast %select_n3A : i32 to index
      %get3A_334 = arith.index_cast %mul3A_333 : i32 to index
      %get3A_335 = tpu.vector_load %arg9[%get3A, %get3A_334] {strides = array<i32>} : memref<16x1024xf32, #tpu.memory_space<vmem>>, vector<16xf32>,
      %get3A_336 = arith.index_cast %select_n3A : i32 to index
      %get3A_337 = arith.index_cast %mul3A_333 : i32 to index
      %get3A_338 = tpu.vector_load %arg12[%get3A_336, %get3A_337] {strides = array<i32>} : memref<16x1024xf32, #tpu.memory_space<vmem>>, vector<16xf32>,
      %add3A_339 = arith.addf %get3A_335, %get3A_338 : vector<16xf32>
      %swap3A = arith.index_cast %select_n3A : i32 to index
      %swap3A_340 = arith.index_cast %mul3A_333 : i32 to index
      %swap3A_341 = tpu.vector_load %arg9[%swap3A, %swap3A_340] {strides = array<i32>} : memref<16x1024xf32, #tpu.memory_space<vmem>>, vector<16xf32>,
      tpu.vector_store %arg9[%swap3A, %swap3A_340], %add3A_339 {strides = array<i32>} : memref<16x1024xf32, #tpu.memory_space<vmem>>, vector<16xf32>,
      %add3A_342 = arith.constant 1 : i32
      %add3A_343 = arith.addi %mul3A_329, %add3A_342 : i32
      %mul3A_344 = arith.constant 16 : i32
      %mul3A_345 = arith.muli %add3A_343, %mul3A_344 : i32
      %get3A_346 = arith.index_cast %select_n3A : i32 to index
      %get3A_347 = arith.index_cast %mul3A_345 : i32 to index
      %get3A_348 = tpu.vector_load %arg9[%get3A_346, %get3A_347] {strides = array<i32>} : memref<16x1024xf32, #tpu.memory_space<vmem>>, vector<16xf32>,
      %get3A_349 = arith.index_cast %select_n3A : i32 to index
      %get3A_350 = arith.index_cast %mul3A_345 : i32 to index
      %get3A_351 = tpu.vector_load %arg12[%get3A_349, %get3A_350] {strides = array<i32>} : memref<16x1024xf32, #tpu.memory_space<vmem>>, vector<16xf32>,
      %add3A_352 = arith.addf %get3A_348, %get3A_351 : vector<16xf32>
      %swap3A_353 = arith.index_cast %select_n3A : i32 to index
      %swap3A_354 = arith.index_cast %mul3A_345 : i32 to index
      %swap3A_355 = tpu.vector_load %arg9[%swap3A_353, %swap3A_354] {strides = array<i32>} : memref<16x1024xf32, #tpu.memory_space<vmem>>, vector<16xf32>,
      tpu.vector_store %arg9[%swap3A_353, %swap3A_354], %add3A_352 {strides = array<i32>} : memref<16x1024xf32, #tpu.memory_space<vmem>>, vector<16xf32>,
      %add3A_356 = arith.constant 2 : i32
      %add3A_357 = arith.addi %mul3A_329, %add3A_356 : i32
      %mul3A_358 = arith.constant 16 : i32
      %mul3A_359 = arith.muli %add3A_357, %mul3A_358 : i32
      %get3A_360 = arith.index_cast %select_n3A : i32 to index
      %get3A_361 = arith.index_cast %mul3A_359 : i32 to index
      %get3A_362 = tpu.vector_load %arg9[%get3A_360, %get3A_361] {strides = array<i32>} : memref<16x1024xf32, #tpu.memory_space<vmem>>, vector<16xf32>,
      %get3A_363 = arith.index_cast %select_n3A : i32 to index
      %get3A_364 = arith.index_cast %mul3A_359 : i32 to index
      %get3A_365 = tpu.vector_load %arg12[%get3A_363, %get3A_364] {strides = array<i32>} : memref<16x1024xf32, #tpu.memory_space<vmem>>, vector<16xf32>,
      %add3A_366 = arith.addf %get3A_362, %get3A_365 : vector<16xf32>
      %swap3A_367 = arith.index_cast %select_n3A : i32 to index
      %swap3A_368 = arith.index_cast %mul3A_359 : i32 to index
      %swap3A_369 = tpu.vector_load %arg9[%swap3A_367, %swap3A_368] {strides = array<i32>} : memref<16x1024xf32, #tpu.memory_space<vmem>>, vector<16xf32>,
      tpu.vector_store %arg9[%swap3A_367, %swap3A_368], %add3A_366 {strides = array<i32>} : memref<16x1024xf32, #tpu.memory_space<vmem>>, vector<16xf32>,
      %add3A_370 = arith.constant 3 : i32
      %add3A_371 = arith.addi %mul3A_329, %add3A_370 : i32
      %mul3A_372 = arith.constant 16 : i32
      %mul3A_373 = arith.muli %add3A_371, %mul3A_372 : i32
      %get3A_374 = arith.index_cast %select_n3A : i32 to index
      %get3A_375 = arith.index_cast %mul3A_373 : i32 to index
      %get3A_376 = tpu.vector_load %arg9[%get3A_374, %get3A_375] {strides = array<i32>} : memref<16x1024xf32, #tpu.memory_space<vmem>>, vector<16xf32>,
      %get3A_377 = arith.index_cast %select_n3A : i32 to index
      %get3A_378 = arith.index_cast %mul3A_373 : i32 to index
      %get3A_379 = tpu.vector_load %arg12[%get3A_377, %get3A_378] {strides = array<i32>} : memref<16x1024xf32, #tpu.memory_space<vmem>>, vector<16xf32>,
      %add3A_380 = arith.addf %get3A_376, %get3A_379 : vector<16xf32>
      %swap3A_381 = arith.index_cast %select_n3A : i32 to index
      %swap3A_382 = arith.index_cast %mul3A_373 : i32 to index
      %swap3A_383 = tpu.vector_load %arg9[%swap3A_381, %swap3A_382] {strides = array<i32>} : memref<16x1024xf32, #tpu.memory_space<vmem>>, vector<16xf32>,
      tpu.vector_store %arg9[%swap3A_381, %swap3A_382], %add3A_380 {strides = array<i32>} : memref<16x1024xf32, #tpu.memory_space<vmem>>, vector<16xf32>,
      %scan3A_384 = arith.constant 0 : i32
      scf.yield %scan3A_384 : i32
    }
    %scan3A_69 = arith.constant 256 : i32
    %add3A_70 = arith.constant 16 : i32
    %add3A_71 = arith.addi %mul3A_2, %add3A_70 : i32
    %dma_start3A_72 = arith.constant 0 : i32
    %dma_start3A_73 = tpu.memref_slice %arg5[%add3A_71, %dma_start3A_72] : memref<4096x1024xf32, #tpu.memory_space<hbm>> -> memref<16x1024xf32, #tpu.memory_space<hbm>>
    %dma_start3A_74 = arith.constant 0 : i32
    %dma_start3A_75 = tpu.memref_slice %arg5[%add3A_71, %dma_start3A_74] : memref<4096x1024xf32, #tpu.memory_space<hbm>> -> memref<16x1024xf32, #tpu.memory_space<hbm>>
    tpu.enqueue_dma source(%arg9 : memref<16x1024xf32, #tpu.memory_space<vmem>>) target(%dma_start3A_75 : memref<16x1024xf32, #tpu.memory_space<hbm>>) target_semaphore(%arg21 : memref<!tpu.dma_semaphore, #tpu.memory_space<semaphore_mem>>)
    %dma_wait3A_76 = arith.constant 0 : i32
    %dma_wait3A_77 = tpu.memref_slice %arg5[%add3A_38, %dma_wait3A_76] : memref<4096x1024xf32, #tpu.memory_space<hbm>> -> memref<16x1024xf32, #tpu.memory_space<hbm>>
    %dma_wait3A_78 = arith.constant 0 : i32
    %dma_wait3A_79 = tpu.memref_slice %arg5[%add3A_38, %dma_wait3A_78] : memref<4096x1024xf32, #tpu.memory_space<hbm>> -> memref<16x1024xf32, #tpu.memory_space<hbm>>
    tpu.wait_dma2 semaphore(%arg20 : memref<!tpu.dma_semaphore, #tpu.memory_space<semaphore_mem>>) src(%arg8 : memref<16x1024xf32, #tpu.memory_space<vmem>>) dst(%dma_wait3A_79 : memref<16x1024xf32, #tpu.memory_space<hbm>>)
    %dma_start3A_80 = arith.constant 48 : i32
    %dma_start3A_81 = tpu.memref_slice %arg6[%dma_start3A_80] : memref<128xi32, #tpu.memory_space<vmem>> -> memref<16xi32, #tpu.memory_space<vmem>>
    %dma_start3A_82 = arith.constant 0 : i32
    %dma_start3A_83 = arith.constant 0 : i32
    %dma_start3A_84 = tpu.memref_slice %arg2[%dma_start3A_82, %dma_start3A_83] : memref<10240x1024xf32, #tpu.memory_space<hbm>> -> memref<10240x1024xf32, #tpu.memory_space<hbm>>
    tpu.enqueue_indirect_dma source(%dma_start3A_84 : memref<10240x1024xf32, #tpu.memory_space<hbm>>) target(%arg8 : memref<16x1024xf32, #tpu.memory_space<vmem>>) offsets(%dma_start3A_81 : memref<16xi32, #tpu.memory_space<vmem>>) semaphore(%arg14 : memref<!tpu.dma_semaphore, #tpu.memory_space<semaphore_mem>>)
    %dma_start3A_85 = arith.constant 48 : i32
    %dma_start3A_86 = tpu.memref_slice %arg7[%dma_start3A_85] : memref<128xi32, #tpu.memory_space<vmem>> -> memref<16xi32, #tpu.memory_space<vmem>>
    %dma_start3A_87 = arith.constant 0 : i32
    %dma_start3A_88 = arith.constant 0 : i32
    %dma_start3A_89 = tpu.memref_slice %arg2[%dma_start3A_87, %dma_start3A_88] : memref<10240x1024xf32, #tpu.memory_space<hbm>> -> memref<10240x1024xf32, #tpu.memory_space<hbm>>
    tpu.enqueue_indirect_dma source(%dma_start3A_89 : memref<10240x1024xf32, #tpu.memory_space<hbm>>) target(%arg11 : memref<16x1024xf32, #tpu.memory_space<vmem>>) offsets(%dma_start3A_86 : memref<16xi32, #tpu.memory_space<vmem>>) semaphore(%arg17 : memref<!tpu.dma_semaphore, #tpu.memory_space<semaphore_mem>>)
    %dma_wait3A_90 = arith.constant 32 : i32
    %dma_wait3A_91 = tpu.memref_slice %arg6[%dma_wait3A_90] : memref<128xi32, #tpu.memory_space<vmem>> -> memref<16xi32, #tpu.memory_space<vmem>>
    %dma_wait3A_92 = arith.constant 0 : i32
    %dma_wait3A_93 = arith.constant 0 : i32
    %dma_wait3A_94 = tpu.memref_slice %arg2[%dma_wait3A_92, %dma_wait3A_93] : memref<10240x1024xf32, #tpu.memory_space<hbm>> -> memref<10240x1024xf32, #tpu.memory_space<hbm>>
    tpu.wait_indirect_dma semaphore(%arg16 : memref<!tpu.dma_semaphore, #tpu.memory_space<semaphore_mem>>) src(%dma_wait3A_94 : memref<10240x1024xf32, #tpu.memory_space<hbm>>) dst(%arg10 : memref<16x1024xf32, #tpu.memory_space<vmem>>)
    %dma_wait3A_95 = arith.constant 32 : i32
    %dma_wait3A_96 = tpu.memref_slice %arg7[%dma_wait3A_95] : memref<128xi32, #tpu.memory_space<vmem>> -> memref<16xi32, #tpu.memory_space<vmem>>
    %dma_wait3A_97 = arith.constant 0 : i32
    %dma_wait3A_98 = arith.constant 0 : i32
    %dma_wait3A_99 = tpu.memref_slice %arg2[%dma_wait3A_97, %dma_wait3A_98] : memref<10240x1024xf32, #tpu.memory_space<hbm>> -> memref<10240x1024xf32, #tpu.memory_space<hbm>>
    tpu.wait_indirect_dma semaphore(%arg19 : memref<!tpu.dma_semaphore, #tpu.memory_space<semaphore_mem>>) src(%dma_wait3A_99 : memref<10240x1024xf32, #tpu.memory_space<hbm>>) dst(%arg13 : memref<16x1024xf32, #tpu.memory_space<vmem>>)
    %scan3A_100 = arith.constant 0 : i32
    %scan3A_101 = arith.constant 0 : i32
    %scan3A_102 = arith.constant 256 : i32
    %scan3A_103 = arith.addi %scan3A_101, %scan3A_102 : i32
    %scan3A_104 = arith.constant 1 : i32
    %scan3A_105 = scf.for %scan3A_296 = %scan3A_101 to %scan3A_103 step %scan3A_104 iter_args(%scan3A_297 = %scan3A_100) -> (i32)  : i32 {
      %jit3A = arith.constant 16 : i32
      %div3A = arith.divsi %scan3A_296, %jit3A : i32
      %sign3A = arith.constant 0 : i32
      %sign3A_298 = arith.cmpi sgt, %scan3A_296, %sign3A : i32
      %sign3A_299 = arith.extui %sign3A_298 : i1 to i32
      %sign3A_300 = arith.constant 0 : i32
      %sign3A_301 = arith.cmpi slt, %scan3A_296, %sign3A_300 : i32
      %sign3A_302 = arith.extui %sign3A_301 : i1 to i32
      %sign3A_303 = arith.subi %sign3A_299, %sign3A_302 : i32
      %sign3A_304 = arith.constant 0 : i32
      %sign3A_305 = arith.cmpi sgt, %jit3A, %sign3A_304 : i32
      %sign3A_306 = arith.extui %sign3A_305 : i1 to i32
      %sign3A_307 = arith.constant 0 : i32
      %sign3A_308 = arith.cmpi slt, %jit3A, %sign3A_307 : i32
      %sign3A_309 = arith.extui %sign3A_308 : i1 to i32
      %sign3A_310 = arith.subi %sign3A_306, %sign3A_309 : i32
      %ne3A = arith.cmpi ne, %sign3A_303, %sign3A_310 : i32
      %rem3A = arith.remsi %scan3A_296, %jit3A : i32
      %ne3A_311 = arith.constant 0 : i32
      %ne3A_312 = arith.cmpi ne, %rem3A, %ne3A_311 : i32
      %and3A = arith.andi %ne3A, %ne3A_312 : i1
      %sub3A = arith.constant 1 : i32
      %sub3A_313 = arith.subi %div3A, %sub3A : i32
      %select_n3A = arith.select %and3A, %sub3A_313, %div3A : i32
      %jit3A_314 = arith.constant 16 : i32
      %eq3A = arith.constant 0 : i32
      %eq3A_315 = arith.cmpi eq, %jit3A_314, %eq3A : i32
      %jit3A_316 = arith.constant 1 : i32
      %select_n3A_317 = arith.select %eq3A_315, %jit3A_316, %jit3A_314 : i32
      %rem3A_318 = arith.remsi %scan3A_296, %select_n3A_317 : i32
      %ne3A_319 = arith.constant 0 : i32
      %ne3A_320 = arith.cmpi ne, %rem3A_318, %ne3A_319 : i32
      %lt3A = arith.constant 0 : i32
      %lt3A_321 = arith.cmpi slt, %rem3A_318, %lt3A : i32
      %lt3A_322 = arith.constant 0 : i32
      %lt3A_323 = arith.cmpi slt, %select_n3A_317, %lt3A_322 : i32
      %ne3A_324 = arith.xori %lt3A_321, %lt3A_323 : i1
      %and3A_325 = arith.andi %ne3A_324, %ne3A_320 : i1
      %add3A_326 = arith.addi %rem3A_318, %select_n3A_317 : i32
      %select_n3A_327 = arith.select %and3A_325, %add3A_326, %rem3A_318 : i32
      %mul3A_328 = arith.constant 4 : i32
      %mul3A_329 = arith.muli %select_n3A_327, %mul3A_328 : i32
      %add3A_330 = arith.constant 0 : i32
      %add3A_331 = arith.addi %mul3A_329, %add3A_330 : i32
      %mul3A_332 = arith.constant 16 : i32
      %mul3A_333 = arith.muli %add3A_331, %mul3A_332 : i32
      %get3A = arith.index_cast %select_n3A : i32 to index
      %get3A_334 = arith.index_cast %mul3A_333 : i32 to index
      %get3A_335 = tpu.vector_load %arg10[%get3A, %get3A_334] {strides = array<i32>} : memref<16x1024xf32, #tpu.memory_space<vmem>>, vector<16xf32>,
      %get3A_336 = arith.index_cast %select_n3A : i32 to index
      %get3A_337 = arith.index_cast %mul3A_333 : i32 to index
      %get3A_338 = tpu.vector_load %arg13[%get3A_336, %get3A_337] {strides = array<i32>} : memref<16x1024xf32, #tpu.memory_space<vmem>>, vector<16xf32>,
      %add3A_339 = arith.addf %get3A_335, %get3A_338 : vector<16xf32>
      %swap3A = arith.index_cast %select_n3A : i32 to index
      %swap3A_340 = arith.index_cast %mul3A_333 : i32 to index
      %swap3A_341 = tpu.vector_load %arg10[%swap3A, %swap3A_340] {strides = array<i32>} : memref<16x1024xf32, #tpu.memory_space<vmem>>, vector<16xf32>,
      tpu.vector_store %arg10[%swap3A, %swap3A_340], %add3A_339 {strides = array<i32>} : memref<16x1024xf32, #tpu.memory_space<vmem>>, vector<16xf32>,
      %add3A_342 = arith.constant 1 : i32
      %add3A_343 = arith.addi %mul3A_329, %add3A_342 : i32
      %mul3A_344 = arith.constant 16 : i32
      %mul3A_345 = arith.muli %add3A_343, %mul3A_344 : i32
      %get3A_346 = arith.index_cast %select_n3A : i32 to index
      %get3A_347 = arith.index_cast %mul3A_345 : i32 to index
      %get3A_348 = tpu.vector_load %arg10[%get3A_346, %get3A_347] {strides = array<i32>} : memref<16x1024xf32, #tpu.memory_space<vmem>>, vector<16xf32>,
      %get3A_349 = arith.index_cast %select_n3A : i32 to index
      %get3A_350 = arith.index_cast %mul3A_345 : i32 to index
      %get3A_351 = tpu.vector_load %arg13[%get3A_349, %get3A_350] {strides = array<i32>} : memref<16x1024xf32, #tpu.memory_space<vmem>>, vector<16xf32>,
      %add3A_352 = arith.addf %get3A_348, %get3A_351 : vector<16xf32>
      %swap3A_353 = arith.index_cast %select_n3A : i32 to index
      %swap3A_354 = arith.index_cast %mul3A_345 : i32 to index
      %swap3A_355 = tpu.vector_load %arg10[%swap3A_353, %swap3A_354] {strides = array<i32>} : memref<16x1024xf32, #tpu.memory_space<vmem>>, vector<16xf32>,
      tpu.vector_store %arg10[%swap3A_353, %swap3A_354], %add3A_352 {strides = array<i32>} : memref<16x1024xf32, #tpu.memory_space<vmem>>, vector<16xf32>,
      %add3A_356 = arith.constant 2 : i32
      %add3A_357 = arith.addi %mul3A_329, %add3A_356 : i32
      %mul3A_358 = arith.constant 16 : i32
      %mul3A_359 = arith.muli %add3A_357, %mul3A_358 : i32
      %get3A_360 = arith.index_cast %select_n3A : i32 to index
      %get3A_361 = arith.index_cast %mul3A_359 : i32 to index
      %get3A_362 = tpu.vector_load %arg10[%get3A_360, %get3A_361] {strides = array<i32>} : memref<16x1024xf32, #tpu.memory_space<vmem>>, vector<16xf32>,
      %get3A_363 = arith.index_cast %select_n3A : i32 to index
      %get3A_364 = arith.index_cast %mul3A_359 : i32 to index
      %get3A_365 = tpu.vector_load %arg13[%get3A_363, %get3A_364] {strides = array<i32>} : memref<16x1024xf32, #tpu.memory_space<vmem>>, vector<16xf32>,
      %add3A_366 = arith.addf %get3A_362, %get3A_365 : vector<16xf32>
      %swap3A_367 = arith.index_cast %select_n3A : i32 to index
      %swap3A_368 = arith.index_cast %mul3A_359 : i32 to index
      %swap3A_369 = tpu.vector_load %arg10[%swap3A_367, %swap3A_368] {strides = array<i32>} : memref<16x1024xf32, #tpu.memory_space<vmem>>, vector<16xf32>,
      tpu.vector_store %arg10[%swap3A_367, %swap3A_368], %add3A_366 {strides = array<i32>} : memref<16x1024xf32, #tpu.memory_space<vmem>>, vector<16xf32>,
      %add3A_370 = arith.constant 3 : i32
      %add3A_371 = arith.addi %mul3A_329, %add3A_370 : i32
      %mul3A_372 = arith.constant 16 : i32
      %mul3A_373 = arith.muli %add3A_371, %mul3A_372 : i32
      %get3A_374 = arith.index_cast %select_n3A : i32 to index
      %get3A_375 = arith.index_cast %mul3A_373 : i32 to index
      %get3A_376 = tpu.vector_load %arg10[%get3A_374, %get3A_375] {strides = array<i32>} : memref<16x1024xf32, #tpu.memory_space<vmem>>, vector<16xf32>,
      %get3A_377 = arith.index_cast %select_n3A : i32 to index
      %get3A_378 = arith.index_cast %mul3A_373 : i32 to index
      %get3A_379 = tpu.vector_load %arg13[%get3A_377, %get3A_378] {strides = array<i32>} : memref<16x1024xf32, #tpu.memory_space<vmem>>, vector<16xf32>,
      %add3A_380 = arith.addf %get3A_376, %get3A_379 : vector<16xf32>
      %swap3A_381 = arith.index_cast %select_n3A : i32 to index
      %swap3A_382 = arith.index_cast %mul3A_373 : i32 to index
      %swap3A_383 = tpu.vector_load %arg10[%swap3A_381, %swap3A_382] {strides = array<i32>} : memref<16x1024xf32, #tpu.memory_space<vmem>>, vector<16xf32>,
      tpu.vector_store %arg10[%swap3A_381, %swap3A_382], %add3A_380 {strides = array<i32>} : memref<16x1024xf32, #tpu.memory_space<vmem>>, vector<16xf32>,
      %scan3A_384 = arith.constant 0 : i32
      scf.yield %scan3A_384 : i32
    }
    %scan3A_106 = arith.constant 256 : i32
    %add3A_107 = arith.constant 32 : i32
    %add3A_108 = arith.addi %mul3A_2, %add3A_107 : i32
    %dma_start3A_109 = arith.constant 0 : i32
    %dma_start3A_110 = tpu.memref_slice %arg5[%add3A_108, %dma_start3A_109] : memref<4096x1024xf32, #tpu.memory_space<hbm>> -> memref<16x1024xf32, #tpu.memory_space<hbm>>
    %dma_start3A_111 = arith.constant 0 : i32
    %dma_start3A_112 = tpu.memref_slice %arg5[%add3A_108, %dma_start3A_111] : memref<4096x1024xf32, #tpu.memory_space<hbm>> -> memref<16x1024xf32, #tpu.memory_space<hbm>>
    tpu.enqueue_dma source(%arg10 : memref<16x1024xf32, #tpu.memory_space<vmem>>) target(%dma_start3A_112 : memref<16x1024xf32, #tpu.memory_space<hbm>>) target_semaphore(%arg22 : memref<!tpu.dma_semaphore, #tpu.memory_space<semaphore_mem>>)
    %dma_wait3A_113 = arith.constant 0 : i32
    %dma_wait3A_114 = tpu.memref_slice %arg5[%add3A_71, %dma_wait3A_113] : memref<4096x1024xf32, #tpu.memory_space<hbm>> -> memref<16x1024xf32, #tpu.memory_space<hbm>>
    %dma_wait3A_115 = arith.constant 0 : i32
    %dma_wait3A_116 = tpu.memref_slice %arg5[%add3A_71, %dma_wait3A_115] : memref<4096x1024xf32, #tpu.memory_space<hbm>> -> memref<16x1024xf32, #tpu.memory_space<hbm>>
    tpu.wait_dma2 semaphore(%arg21 : memref<!tpu.dma_semaphore, #tpu.memory_space<semaphore_mem>>) src(%arg9 : memref<16x1024xf32, #tpu.memory_space<vmem>>) dst(%dma_wait3A_116 : memref<16x1024xf32, #tpu.memory_space<hbm>>)
    %dma_start3A_117 = arith.constant 64 : i32
    %dma_start3A_118 = tpu.memref_slice %arg6[%dma_start3A_117] : memref<128xi32, #tpu.memory_space<vmem>> -> memref<16xi32, #tpu.memory_space<vmem>>
    %dma_start3A_119 = arith.constant 0 : i32
    %dma_start3A_120 = arith.constant 0 : i32
    %dma_start3A_121 = tpu.memref_slice %arg2[%dma_start3A_119, %dma_start3A_120] : memref<10240x1024xf32, #tpu.memory_space<hbm>> -> memref<10240x1024xf32, #tpu.memory_space<hbm>>
    tpu.enqueue_indirect_dma source(%dma_start3A_121 : memref<10240x1024xf32, #tpu.memory_space<hbm>>) target(%arg9 : memref<16x1024xf32, #tpu.memory_space<vmem>>) offsets(%dma_start3A_118 : memref<16xi32, #tpu.memory_space<vmem>>) semaphore(%arg15 : memref<!tpu.dma_semaphore, #tpu.memory_space<semaphore_mem>>)
    %dma_start3A_122 = arith.constant 64 : i32
    %dma_start3A_123 = tpu.memref_slice %arg7[%dma_start3A_122] : memref<128xi32, #tpu.memory_space<vmem>> -> memref<16xi32, #tpu.memory_space<vmem>>
    %dma_start3A_124 = arith.constant 0 : i32
    %dma_start3A_125 = arith.constant 0 : i32
    %dma_start3A_126 = tpu.memref_slice %arg2[%dma_start3A_124, %dma_start3A_125] : memref<10240x1024xf32, #tpu.memory_space<hbm>> -> memref<10240x1024xf32, #tpu.memory_space<hbm>>
    tpu.enqueue_indirect_dma source(%dma_start3A_126 : memref<10240x1024xf32, #tpu.memory_space<hbm>>) target(%arg12 : memref<16x1024xf32, #tpu.memory_space<vmem>>) offsets(%dma_start3A_123 : memref<16xi32, #tpu.memory_space<vmem>>) semaphore(%arg18 : memref<!tpu.dma_semaphore, #tpu.memory_space<semaphore_mem>>)
    %dma_wait3A_127 = arith.constant 48 : i32
    %dma_wait3A_128 = tpu.memref_slice %arg6[%dma_wait3A_127] : memref<128xi32, #tpu.memory_space<vmem>> -> memref<16xi32, #tpu.memory_space<vmem>>
    %dma_wait3A_129 = arith.constant 0 : i32
    %dma_wait3A_130 = arith.constant 0 : i32
    %dma_wait3A_131 = tpu.memref_slice %arg2[%dma_wait3A_129, %dma_wait3A_130] : memref<10240x1024xf32, #tpu.memory_space<hbm>> -> memref<10240x1024xf32, #tpu.memory_space<hbm>>
    tpu.wait_indirect_dma semaphore(%arg14 : memref<!tpu.dma_semaphore, #tpu.memory_space<semaphore_mem>>) src(%dma_wait3A_131 : memref<10240x1024xf32, #tpu.memory_space<hbm>>) dst(%arg8 : memref<16x1024xf32, #tpu.memory_space<vmem>>)
    %dma_wait3A_132 = arith.constant 48 : i32
    %dma_wait3A_133 = tpu.memref_slice %arg7[%dma_wait3A_132] : memref<128xi32, #tpu.memory_space<vmem>> -> memref<16xi32, #tpu.memory_space<vmem>>
    %dma_wait3A_134 = arith.constant 0 : i32
    %dma_wait3A_135 = arith.constant 0 : i32
    %dma_wait3A_136 = tpu.memref_slice %arg2[%dma_wait3A_134, %dma_wait3A_135] : memref<10240x1024xf32, #tpu.memory_space<hbm>> -> memref<10240x1024xf32, #tpu.memory_space<hbm>>
    tpu.wait_indirect_dma semaphore(%arg17 : memref<!tpu.dma_semaphore, #tpu.memory_space<semaphore_mem>>) src(%dma_wait3A_136 : memref<10240x1024xf32, #tpu.memory_space<hbm>>) dst(%arg11 : memref<16x1024xf32, #tpu.memory_space<vmem>>)
    %scan3A_137 = arith.constant 0 : i32
    %scan3A_138 = arith.constant 0 : i32
    %scan3A_139 = arith.constant 256 : i32
    %scan3A_140 = arith.addi %scan3A_138, %scan3A_139 : i32
    %scan3A_141 = arith.constant 1 : i32
    %scan3A_142 = scf.for %scan3A_296 = %scan3A_138 to %scan3A_140 step %scan3A_141 iter_args(%scan3A_297 = %scan3A_137) -> (i32)  : i32 {
      %jit3A = arith.constant 16 : i32
      %div3A = arith.divsi %scan3A_296, %jit3A : i32
      %sign3A = arith.constant 0 : i32
      %sign3A_298 = arith.cmpi sgt, %scan3A_296, %sign3A : i32
      %sign3A_299 = arith.extui %sign3A_298 : i1 to i32
      %sign3A_300 = arith.constant 0 : i32
      %sign3A_301 = arith.cmpi slt, %scan3A_296, %sign3A_300 : i32
      %sign3A_302 = arith.extui %sign3A_301 : i1 to i32
      %sign3A_303 = arith.subi %sign3A_299, %sign3A_302 : i32
      %sign3A_304 = arith.constant 0 : i32
      %sign3A_305 = arith.cmpi sgt, %jit3A, %sign3A_304 : i32
      %sign3A_306 = arith.extui %sign3A_305 : i1 to i32
      %sign3A_307 = arith.constant 0 : i32
      %sign3A_308 = arith.cmpi slt, %jit3A, %sign3A_307 : i32
      %sign3A_309 = arith.extui %sign3A_308 : i1 to i32
      %sign3A_310 = arith.subi %sign3A_306, %sign3A_309 : i32
      %ne3A = arith.cmpi ne, %sign3A_303, %sign3A_310 : i32
      %rem3A = arith.remsi %scan3A_296, %jit3A : i32
      %ne3A_311 = arith.constant 0 : i32
      %ne3A_312 = arith.cmpi ne, %rem3A, %ne3A_311 : i32
      %and3A = arith.andi %ne3A, %ne3A_312 : i1
      %sub3A = arith.constant 1 : i32
      %sub3A_313 = arith.subi %div3A, %sub3A : i32
      %select_n3A = arith.select %and3A, %sub3A_313, %div3A : i32
      %jit3A_314 = arith.constant 16 : i32
      %eq3A = arith.constant 0 : i32
      %eq3A_315 = arith.cmpi eq, %jit3A_314, %eq3A : i32
      %jit3A_316 = arith.constant 1 : i32
      %select_n3A_317 = arith.select %eq3A_315, %jit3A_316, %jit3A_314 : i32
      %rem3A_318 = arith.remsi %scan3A_296, %select_n3A_317 : i32
      %ne3A_319 = arith.constant 0 : i32
      %ne3A_320 = arith.cmpi ne, %rem3A_318, %ne3A_319 : i32
      %lt3A = arith.constant 0 : i32
      %lt3A_321 = arith.cmpi slt, %rem3A_318, %lt3A : i32
      %lt3A_322 = arith.constant 0 : i32
      %lt3A_323 = arith.cmpi slt, %select_n3A_317, %lt3A_322 : i32
      %ne3A_324 = arith.xori %lt3A_321, %lt3A_323 : i1
      %and3A_325 = arith.andi %ne3A_324, %ne3A_320 : i1
      %add3A_326 = arith.addi %rem3A_318, %select_n3A_317 : i32
      %select_n3A_327 = arith.select %and3A_325, %add3A_326, %rem3A_318 : i32
      %mul3A_328 = arith.constant 4 : i32
      %mul3A_329 = arith.muli %select_n3A_327, %mul3A_328 : i32
      %add3A_330 = arith.constant 0 : i32
      %add3A_331 = arith.addi %mul3A_329, %add3A_330 : i32
      %mul3A_332 = arith.constant 16 : i32
      %mul3A_333 = arith.muli %add3A_331, %mul3A_332 : i32
      %get3A = arith.index_cast %select_n3A : i32 to index
      %get3A_334 = arith.index_cast %mul3A_333 : i32 to index
      %get3A_335 = tpu.vector_load %arg8[%get3A, %get3A_334] {strides = array<i32>} : memref<16x1024xf32, #tpu.memory_space<vmem>>, vector<16xf32>,
      %get3A_336 = arith.index_cast %select_n3A : i32 to index
      %get3A_337 = arith.index_cast %mul3A_333 : i32 to index
      %get3A_338 = tpu.vector_load %arg11[%get3A_336, %get3A_337] {strides = array<i32>} : memref<16x1024xf32, #tpu.memory_space<vmem>>, vector<16xf32>,
      %add3A_339 = arith.addf %get3A_335, %get3A_338 : vector<16xf32>
      %swap3A = arith.index_cast %select_n3A : i32 to index
      %swap3A_340 = arith.index_cast %mul3A_333 : i32 to index
      %swap3A_341 = tpu.vector_load %arg8[%swap3A, %swap3A_340] {strides = array<i32>} : memref<16x1024xf32, #tpu.memory_space<vmem>>, vector<16xf32>,
      tpu.vector_store %arg8[%swap3A, %swap3A_340], %add3A_339 {strides = array<i32>} : memref<16x1024xf32, #tpu.memory_space<vmem>>, vector<16xf32>,
      %add3A_342 = arith.constant 1 : i32
      %add3A_343 = arith.addi %mul3A_329, %add3A_342 : i32
      %mul3A_344 = arith.constant 16 : i32
      %mul3A_345 = arith.muli %add3A_343, %mul3A_344 : i32
      %get3A_346 = arith.index_cast %select_n3A : i32 to index
      %get3A_347 = arith.index_cast %mul3A_345 : i32 to index
      %get3A_348 = tpu.vector_load %arg8[%get3A_346, %get3A_347] {strides = array<i32>} : memref<16x1024xf32, #tpu.memory_space<vmem>>, vector<16xf32>,
      %get3A_349 = arith.index_cast %select_n3A : i32 to index
      %get3A_350 = arith.index_cast %mul3A_345 : i32 to index
      %get3A_351 = tpu.vector_load %arg11[%get3A_349, %get3A_350] {strides = array<i32>} : memref<16x1024xf32, #tpu.memory_space<vmem>>, vector<16xf32>,
      %add3A_352 = arith.addf %get3A_348, %get3A_351 : vector<16xf32>
      %swap3A_353 = arith.index_cast %select_n3A : i32 to index
      %swap3A_354 = arith.index_cast %mul3A_345 : i32 to index
      %swap3A_355 = tpu.vector_load %arg8[%swap3A_353, %swap3A_354] {strides = array<i32>} : memref<16x1024xf32, #tpu.memory_space<vmem>>, vector<16xf32>,
      tpu.vector_store %arg8[%swap3A_353, %swap3A_354], %add3A_352 {strides = array<i32>} : memref<16x1024xf32, #tpu.memory_space<vmem>>, vector<16xf32>,
      %add3A_356 = arith.constant 2 : i32
      %add3A_357 = arith.addi %mul3A_329, %add3A_356 : i32
      %mul3A_358 = arith.constant 16 : i32
      %mul3A_359 = arith.muli %add3A_357, %mul3A_358 : i32
      %get3A_360 = arith.index_cast %select_n3A : i32 to index
      %get3A_361 = arith.index_cast %mul3A_359 : i32 to index
      %get3A_362 = tpu.vector_load %arg8[%get3A_360, %get3A_361] {strides = array<i32>} : memref<16x1024xf32, #tpu.memory_space<vmem>>, vector<16xf32>,
      %get3A_363 = arith.index_cast %select_n3A : i32 to index
      %get3A_364 = arith.index_cast %mul3A_359 : i32 to index
      %get3A_365 = tpu.vector_load %arg11[%get3A_363, %get3A_364] {strides = array<i32>} : memref<16x1024xf32, #tpu.memory_space<vmem>>, vector<16xf32>,
      %add3A_366 = arith.addf %get3A_362, %get3A_365 : vector<16xf32>
      %swap3A_367 = arith.index_cast %select_n3A : i32 to index
      %swap3A_368 = arith.index_cast %mul3A_359 : i32 to index
      %swap3A_369 = tpu.vector_load %arg8[%swap3A_367, %swap3A_368] {strides = array<i32>} : memref<16x1024xf32, #tpu.memory_space<vmem>>, vector<16xf32>,
      tpu.vector_store %arg8[%swap3A_367, %swap3A_368], %add3A_366 {strides = array<i32>} : memref<16x1024xf32, #tpu.memory_space<vmem>>, vector<16xf32>,
      %add3A_370 = arith.constant 3 : i32
      %add3A_371 = arith.addi %mul3A_329, %add3A_370 : i32
      %mul3A_372 = arith.constant 16 : i32
      %mul3A_373 = arith.muli %add3A_371, %mul3A_372 : i32
      %get3A_374 = arith.index_cast %select_n3A : i32 to index
      %get3A_375 = arith.index_cast %mul3A_373 : i32 to index
      %get3A_376 = tpu.vector_load %arg8[%get3A_374, %get3A_375] {strides = array<i32>} : memref<16x1024xf32, #tpu.memory_space<vmem>>, vector<16xf32>,
      %get3A_377 = arith.index_cast %select_n3A : i32 to index
      %get3A_378 = arith.index_cast %mul3A_373 : i32 to index
      %get3A_379 = tpu.vector_load %arg11[%get3A_377, %get3A_378] {strides = array<i32>} : memref<16x1024xf32, #tpu.memory_space<vmem>>, vector<16xf32>,
      %add3A_380 = arith.addf %get3A_376, %get3A_379 : vector<16xf32>
      %swap3A_381 = arith.index_cast %select_n3A : i32 to index
      %swap3A_382 = arith.index_cast %mul3A_373 : i32 to index
      %swap3A_383 = tpu.vector_load %arg8[%swap3A_381, %swap3A_382] {strides = array<i32>} : memref<16x1024xf32, #tpu.memory_space<vmem>>, vector<16xf32>,
      tpu.vector_store %arg8[%swap3A_381, %swap3A_382], %add3A_380 {strides = array<i32>} : memref<16x1024xf32, #tpu.memory_space<vmem>>, vector<16xf32>,
      %scan3A_384 = arith.constant 0 : i32
      scf.yield %scan3A_384 : i32
    }
    %scan3A_143 = arith.constant 256 : i32
    %add3A_144 = arith.constant 48 : i32
    %add3A_145 = arith.addi %mul3A_2, %add3A_144 : i32
    %dma_start3A_146 = arith.constant 0 : i32
    %dma_start3A_147 = tpu.memref_slice %arg5[%add3A_145, %dma_start3A_146] : memref<4096x1024xf32, #tpu.memory_space<hbm>> -> memref<16x1024xf32, #tpu.memory_space<hbm>>
    %dma_start3A_148 = arith.constant 0 : i32
    %dma_start3A_149 = tpu.memref_slice %arg5[%add3A_145, %dma_start3A_148] : memref<4096x1024xf32, #tpu.memory_space<hbm>> -> memref<16x1024xf32, #tpu.memory_space<hbm>>
    tpu.enqueue_dma source(%arg8 : memref<16x1024xf32, #tpu.memory_space<vmem>>) target(%dma_start3A_149 : memref<16x1024xf32, #tpu.memory_space<hbm>>) target_semaphore(%arg20 : memref<!tpu.dma_semaphore, #tpu.memory_space<semaphore_mem>>)
    %dma_wait3A_150 = arith.constant 0 : i32
    %dma_wait3A_151 = tpu.memref_slice %arg5[%add3A_108, %dma_wait3A_150] : memref<4096x1024xf32, #tpu.memory_space<hbm>> -> memref<16x1024xf32, #tpu.memory_space<hbm>>
    %dma_wait3A_152 = arith.constant 0 : i32
    %dma_wait3A_153 = tpu.memref_slice %arg5[%add3A_108, %dma_wait3A_152] : memref<4096x1024xf32, #tpu.memory_space<hbm>> -> memref<16x1024xf32, #tpu.memory_space<hbm>>
    tpu.wait_dma2 semaphore(%arg22 : memref<!tpu.dma_semaphore, #tpu.memory_space<semaphore_mem>>) src(%arg10 : memref<16x1024xf32, #tpu.memory_space<vmem>>) dst(%dma_wait3A_153 : memref<16x1024xf32, #tpu.memory_space<hbm>>)
    %dma_start3A_154 = arith.constant 80 : i32
    %dma_start3A_155 = tpu.memref_slice %arg6[%dma_start3A_154] : memref<128xi32, #tpu.memory_space<vmem>> -> memref<16xi32, #tpu.memory_space<vmem>>
    %dma_start3A_156 = arith.constant 0 : i32
    %dma_start3A_157 = arith.constant 0 : i32
    %dma_start3A_158 = tpu.memref_slice %arg2[%dma_start3A_156, %dma_start3A_157] : memref<10240x1024xf32, #tpu.memory_space<hbm>> -> memref<10240x1024xf32, #tpu.memory_space<hbm>>
    tpu.enqueue_indirect_dma source(%dma_start3A_158 : memref<10240x1024xf32, #tpu.memory_space<hbm>>) target(%arg10 : memref<16x1024xf32, #tpu.memory_space<vmem>>) offsets(%dma_start3A_155 : memref<16xi32, #tpu.memory_space<vmem>>) semaphore(%arg16 : memref<!tpu.dma_semaphore, #tpu.memory_space<semaphore_mem>>)
    %dma_start3A_159 = arith.constant 80 : i32
    %dma_start3A_160 = tpu.memref_slice %arg7[%dma_start3A_159] : memref<128xi32, #tpu.memory_space<vmem>> -> memref<16xi32, #tpu.memory_space<vmem>>
    %dma_start3A_161 = arith.constant 0 : i32
    %dma_start3A_162 = arith.constant 0 : i32
    %dma_start3A_163 = tpu.memref_slice %arg2[%dma_start3A_161, %dma_start3A_162] : memref<10240x1024xf32, #tpu.memory_space<hbm>> -> memref<10240x1024xf32, #tpu.memory_space<hbm>>
    tpu.enqueue_indirect_dma source(%dma_start3A_163 : memref<10240x1024xf32, #tpu.memory_space<hbm>>) target(%arg13 : memref<16x1024xf32, #tpu.memory_space<vmem>>) offsets(%dma_start3A_160 : memref<16xi32, #tpu.memory_space<vmem>>) semaphore(%arg19 : memref<!tpu.dma_semaphore, #tpu.memory_space<semaphore_mem>>)
    %dma_wait3A_164 = arith.constant 64 : i32
    %dma_wait3A_165 = tpu.memref_slice %arg6[%dma_wait3A_164] : memref<128xi32, #tpu.memory_space<vmem>> -> memref<16xi32, #tpu.memory_space<vmem>>
    %dma_wait3A_166 = arith.constant 0 : i32
    %dma_wait3A_167 = arith.constant 0 : i32
    %dma_wait3A_168 = tpu.memref_slice %arg2[%dma_wait3A_166, %dma_wait3A_167] : memref<10240x1024xf32, #tpu.memory_space<hbm>> -> memref<10240x1024xf32, #tpu.memory_space<hbm>>
    tpu.wait_indirect_dma semaphore(%arg15 : memref<!tpu.dma_semaphore, #tpu.memory_space<semaphore_mem>>) src(%dma_wait3A_168 : memref<10240x1024xf32, #tpu.memory_space<hbm>>) dst(%arg9 : memref<16x1024xf32, #tpu.memory_space<vmem>>)
    %dma_wait3A_169 = arith.constant 64 : i32
    %dma_wait3A_170 = tpu.memref_slice %arg7[%dma_wait3A_169] : memref<128xi32, #tpu.memory_space<vmem>> -> memref<16xi32, #tpu.memory_space<vmem>>
    %dma_wait3A_171 = arith.constant 0 : i32
    %dma_wait3A_172 = arith.constant 0 : i32
    %dma_wait3A_173 = tpu.memref_slice %arg2[%dma_wait3A_171, %dma_wait3A_172] : memref<10240x1024xf32, #tpu.memory_space<hbm>> -> memref<10240x1024xf32, #tpu.memory_space<hbm>>
    tpu.wait_indirect_dma semaphore(%arg18 : memref<!tpu.dma_semaphore, #tpu.memory_space<semaphore_mem>>) src(%dma_wait3A_173 : memref<10240x1024xf32, #tpu.memory_space<hbm>>) dst(%arg12 : memref<16x1024xf32, #tpu.memory_space<vmem>>)
    %scan3A_174 = arith.constant 0 : i32
    %scan3A_175 = arith.constant 0 : i32
    %scan3A_176 = arith.constant 256 : i32
    %scan3A_177 = arith.addi %scan3A_175, %scan3A_176 : i32
    %scan3A_178 = arith.constant 1 : i32
    %scan3A_179 = scf.for %scan3A_296 = %scan3A_175 to %scan3A_177 step %scan3A_178 iter_args(%scan3A_297 = %scan3A_174) -> (i32)  : i32 {
      %jit3A = arith.constant 16 : i32
      %div3A = arith.divsi %scan3A_296, %jit3A : i32
      %sign3A = arith.constant 0 : i32
      %sign3A_298 = arith.cmpi sgt, %scan3A_296, %sign3A : i32
      %sign3A_299 = arith.extui %sign3A_298 : i1 to i32
      %sign3A_300 = arith.constant 0 : i32
      %sign3A_301 = arith.cmpi slt, %scan3A_296, %sign3A_300 : i32
      %sign3A_302 = arith.extui %sign3A_301 : i1 to i32
      %sign3A_303 = arith.subi %sign3A_299, %sign3A_302 : i32
      %sign3A_304 = arith.constant 0 : i32
      %sign3A_305 = arith.cmpi sgt, %jit3A, %sign3A_304 : i32
      %sign3A_306 = arith.extui %sign3A_305 : i1 to i32
      %sign3A_307 = arith.constant 0 : i32
      %sign3A_308 = arith.cmpi slt, %jit3A, %sign3A_307 : i32
      %sign3A_309 = arith.extui %sign3A_308 : i1 to i32
      %sign3A_310 = arith.subi %sign3A_306, %sign3A_309 : i32
      %ne3A = arith.cmpi ne, %sign3A_303, %sign3A_310 : i32
      %rem3A = arith.remsi %scan3A_296, %jit3A : i32
      %ne3A_311 = arith.constant 0 : i32
      %ne3A_312 = arith.cmpi ne, %rem3A, %ne3A_311 : i32
      %and3A = arith.andi %ne3A, %ne3A_312 : i1
      %sub3A = arith.constant 1 : i32
      %sub3A_313 = arith.subi %div3A, %sub3A : i32
      %select_n3A = arith.select %and3A, %sub3A_313, %div3A : i32
      %jit3A_314 = arith.constant 16 : i32
      %eq3A = arith.constant 0 : i32
      %eq3A_315 = arith.cmpi eq, %jit3A_314, %eq3A : i32
      %jit3A_316 = arith.constant 1 : i32
      %select_n3A_317 = arith.select %eq3A_315, %jit3A_316, %jit3A_314 : i32
      %rem3A_318 = arith.remsi %scan3A_296, %select_n3A_317 : i32
      %ne3A_319 = arith.constant 0 : i32
      %ne3A_320 = arith.cmpi ne, %rem3A_318, %ne3A_319 : i32
      %lt3A = arith.constant 0 : i32
      %lt3A_321 = arith.cmpi slt, %rem3A_318, %lt3A : i32
      %lt3A_322 = arith.constant 0 : i32
      %lt3A_323 = arith.cmpi slt, %select_n3A_317, %lt3A_322 : i32
      %ne3A_324 = arith.xori %lt3A_321, %lt3A_323 : i1
      %and3A_325 = arith.andi %ne3A_324, %ne3A_320 : i1
      %add3A_326 = arith.addi %rem3A_318, %select_n3A_317 : i32
      %select_n3A_327 = arith.select %and3A_325, %add3A_326, %rem3A_318 : i32
      %mul3A_328 = arith.constant 4 : i32
      %mul3A_329 = arith.muli %select_n3A_327, %mul3A_328 : i32
      %add3A_330 = arith.constant 0 : i32
      %add3A_331 = arith.addi %mul3A_329, %add3A_330 : i32
      %mul3A_332 = arith.constant 16 : i32
      %mul3A_333 = arith.muli %add3A_331, %mul3A_332 : i32
      %get3A = arith.index_cast %select_n3A : i32 to index
      %get3A_334 = arith.index_cast %mul3A_333 : i32 to index
      %get3A_335 = tpu.vector_load %arg9[%get3A, %get3A_334] {strides = array<i32>} : memref<16x1024xf32, #tpu.memory_space<vmem>>, vector<16xf32>,
      %get3A_336 = arith.index_cast %select_n3A : i32 to index
      %get3A_337 = arith.index_cast %mul3A_333 : i32 to index
      %get3A_338 = tpu.vector_load %arg12[%get3A_336, %get3A_337] {strides = array<i32>} : memref<16x1024xf32, #tpu.memory_space<vmem>>, vector<16xf32>,
      %add3A_339 = arith.addf %get3A_335, %get3A_338 : vector<16xf32>
      %swap3A = arith.index_cast %select_n3A : i32 to index
      %swap3A_340 = arith.index_cast %mul3A_333 : i32 to index
      %swap3A_341 = tpu.vector_load %arg9[%swap3A, %swap3A_340] {strides = array<i32>} : memref<16x1024xf32, #tpu.memory_space<vmem>>, vector<16xf32>,
      tpu.vector_store %arg9[%swap3A, %swap3A_340], %add3A_339 {strides = array<i32>} : memref<16x1024xf32, #tpu.memory_space<vmem>>, vector<16xf32>,
      %add3A_342 = arith.constant 1 : i32
      %add3A_343 = arith.addi %mul3A_329, %add3A_342 : i32
      %mul3A_344 = arith.constant 16 : i32
      %mul3A_345 = arith.muli %add3A_343, %mul3A_344 : i32
      %get3A_346 = arith.index_cast %select_n3A : i32 to index
      %get3A_347 = arith.index_cast %mul3A_345 : i32 to index
      %get3A_348 = tpu.vector_load %arg9[%get3A_346, %get3A_347] {strides = array<i32>} : memref<16x1024xf32, #tpu.memory_space<vmem>>, vector<16xf32>,
      %get3A_349 = arith.index_cast %select_n3A : i32 to index
      %get3A_350 = arith.index_cast %mul3A_345 : i32 to index
      %get3A_351 = tpu.vector_load %arg12[%get3A_349, %get3A_350] {strides = array<i32>} : memref<16x1024xf32, #tpu.memory_space<vmem>>, vector<16xf32>,
      %add3A_352 = arith.addf %get3A_348, %get3A_351 : vector<16xf32>
      %swap3A_353 = arith.index_cast %select_n3A : i32 to index
      %swap3A_354 = arith.index_cast %mul3A_345 : i32 to index
      %swap3A_355 = tpu.vector_load %arg9[%swap3A_353, %swap3A_354] {strides = array<i32>} : memref<16x1024xf32, #tpu.memory_space<vmem>>, vector<16xf32>,
      tpu.vector_store %arg9[%swap3A_353, %swap3A_354], %add3A_352 {strides = array<i32>} : memref<16x1024xf32, #tpu.memory_space<vmem>>, vector<16xf32>,
      %add3A_356 = arith.constant 2 : i32
      %add3A_357 = arith.addi %mul3A_329, %add3A_356 : i32
      %mul3A_358 = arith.constant 16 : i32
      %mul3A_359 = arith.muli %add3A_357, %mul3A_358 : i32
      %get3A_360 = arith.index_cast %select_n3A : i32 to index
      %get3A_361 = arith.index_cast %mul3A_359 : i32 to index
      %get3A_362 = tpu.vector_load %arg9[%get3A_360, %get3A_361] {strides = array<i32>} : memref<16x1024xf32, #tpu.memory_space<vmem>>, vector<16xf32>,
      %get3A_363 = arith.index_cast %select_n3A : i32 to index
      %get3A_364 = arith.index_cast %mul3A_359 : i32 to index
      %get3A_365 = tpu.vector_load %arg12[%get3A_363, %get3A_364] {strides = array<i32>} : memref<16x1024xf32, #tpu.memory_space<vmem>>, vector<16xf32>,
      %add3A_366 = arith.addf %get3A_362, %get3A_365 : vector<16xf32>
      %swap3A_367 = arith.index_cast %select_n3A : i32 to index
      %swap3A_368 = arith.index_cast %mul3A_359 : i32 to index
      %swap3A_369 = tpu.vector_load %arg9[%swap3A_367, %swap3A_368] {strides = array<i32>} : memref<16x1024xf32, #tpu.memory_space<vmem>>, vector<16xf32>,
      tpu.vector_store %arg9[%swap3A_367, %swap3A_368], %add3A_366 {strides = array<i32>} : memref<16x1024xf32, #tpu.memory_space<vmem>>, vector<16xf32>,
      %add3A_370 = arith.constant 3 : i32
      %add3A_371 = arith.addi %mul3A_329, %add3A_370 : i32
      %mul3A_372 = arith.constant 16 : i32
      %mul3A_373 = arith.muli %add3A_371, %mul3A_372 : i32
      %get3A_374 = arith.index_cast %select_n3A : i32 to index
      %get3A_375 = arith.index_cast %mul3A_373 : i32 to index
      %get3A_376 = tpu.vector_load %arg9[%get3A_374, %get3A_375] {strides = array<i32>} : memref<16x1024xf32, #tpu.memory_space<vmem>>, vector<16xf32>,
      %get3A_377 = arith.index_cast %select_n3A : i32 to index
      %get3A_378 = arith.index_cast %mul3A_373 : i32 to index
      %get3A_379 = tpu.vector_load %arg12[%get3A_377, %get3A_378] {strides = array<i32>} : memref<16x1024xf32, #tpu.memory_space<vmem>>, vector<16xf32>,
      %add3A_380 = arith.addf %get3A_376, %get3A_379 : vector<16xf32>
      %swap3A_381 = arith.index_cast %select_n3A : i32 to index
      %swap3A_382 = arith.index_cast %mul3A_373 : i32 to index
      %swap3A_383 = tpu.vector_load %arg9[%swap3A_381, %swap3A_382] {strides = array<i32>} : memref<16x1024xf32, #tpu.memory_space<vmem>>, vector<16xf32>,
      tpu.vector_store %arg9[%swap3A_381, %swap3A_382], %add3A_380 {strides = array<i32>} : memref<16x1024xf32, #tpu.memory_space<vmem>>, vector<16xf32>,
      %scan3A_384 = arith.constant 0 : i32
      scf.yield %scan3A_384 : i32
    }
    %scan3A_180 = arith.constant 256 : i32
    %add3A_181 = arith.constant 64 : i32
    %add3A_182 = arith.addi %mul3A_2, %add3A_181 : i32
    %dma_start3A_183 = arith.constant 0 : i32
    %dma_start3A_184 = tpu.memref_slice %arg5[%add3A_182, %dma_start3A_183] : memref<4096x1024xf32, #tpu.memory_space<hbm>> -> memref<16x1024xf32, #tpu.memory_space<hbm>>
    %dma_start3A_185 = arith.constant 0 : i32
    %dma_start3A_186 = tpu.memref_slice %arg5[%add3A_182, %dma_start3A_185] : memref<4096x1024xf32, #tpu.memory_space<hbm>> -> memref<16x1024xf32, #tpu.memory_space<hbm>>
    tpu.enqueue_dma source(%arg9 : memref<16x1024xf32, #tpu.memory_space<vmem>>) target(%dma_start3A_186 : memref<16x1024xf32, #tpu.memory_space<hbm>>) target_semaphore(%arg21 : memref<!tpu.dma_semaphore, #tpu.memory_space<semaphore_mem>>)
    %dma_wait3A_187 = arith.constant 0 : i32
    %dma_wait3A_188 = tpu.memref_slice %arg5[%add3A_145, %dma_wait3A_187] : memref<4096x1024xf32, #tpu.memory_space<hbm>> -> memref<16x1024xf32, #tpu.memory_space<hbm>>
    %dma_wait3A_189 = arith.constant 0 : i32
    %dma_wait3A_190 = tpu.memref_slice %arg5[%add3A_145, %dma_wait3A_189] : memref<4096x1024xf32, #tpu.memory_space<hbm>> -> memref<16x1024xf32, #tpu.memory_space<hbm>>
    tpu.wait_dma2 semaphore(%arg20 : memref<!tpu.dma_semaphore, #tpu.memory_space<semaphore_mem>>) src(%arg8 : memref<16x1024xf32, #tpu.memory_space<vmem>>) dst(%dma_wait3A_190 : memref<16x1024xf32, #tpu.memory_space<hbm>>)
    %dma_start3A_191 = arith.constant 96 : i32
    %dma_start3A_192 = tpu.memref_slice %arg6[%dma_start3A_191] : memref<128xi32, #tpu.memory_space<vmem>> -> memref<16xi32, #tpu.memory_space<vmem>>
    %dma_start3A_193 = arith.constant 0 : i32
    %dma_start3A_194 = arith.constant 0 : i32
    %dma_start3A_195 = tpu.memref_slice %arg2[%dma_start3A_193, %dma_start3A_194] : memref<10240x1024xf32, #tpu.memory_space<hbm>> -> memref<10240x1024xf32, #tpu.memory_space<hbm>>
    tpu.enqueue_indirect_dma source(%dma_start3A_195 : memref<10240x1024xf32, #tpu.memory_space<hbm>>) target(%arg8 : memref<16x1024xf32, #tpu.memory_space<vmem>>) offsets(%dma_start3A_192 : memref<16xi32, #tpu.memory_space<vmem>>) semaphore(%arg14 : memref<!tpu.dma_semaphore, #tpu.memory_space<semaphore_mem>>)
    %dma_start3A_196 = arith.constant 96 : i32
    %dma_start3A_197 = tpu.memref_slice %arg7[%dma_start3A_196] : memref<128xi32, #tpu.memory_space<vmem>> -> memref<16xi32, #tpu.memory_space<vmem>>
    %dma_start3A_198 = arith.constant 0 : i32
    %dma_start3A_199 = arith.constant 0 : i32
    %dma_start3A_200 = tpu.memref_slice %arg2[%dma_start3A_198, %dma_start3A_199] : memref<10240x1024xf32, #tpu.memory_space<hbm>> -> memref<10240x1024xf32, #tpu.memory_space<hbm>>
    tpu.enqueue_indirect_dma source(%dma_start3A_200 : memref<10240x1024xf32, #tpu.memory_space<hbm>>) target(%arg11 : memref<16x1024xf32, #tpu.memory_space<vmem>>) offsets(%dma_start3A_197 : memref<16xi32, #tpu.memory_space<vmem>>) semaphore(%arg17 : memref<!tpu.dma_semaphore, #tpu.memory_space<semaphore_mem>>)
    %dma_wait3A_201 = arith.constant 80 : i32
    %dma_wait3A_202 = tpu.memref_slice %arg6[%dma_wait3A_201] : memref<128xi32, #tpu.memory_space<vmem>> -> memref<16xi32, #tpu.memory_space<vmem>>
    %dma_wait3A_203 = arith.constant 0 : i32
    %dma_wait3A_204 = arith.constant 0 : i32
    %dma_wait3A_205 = tpu.memref_slice %arg2[%dma_wait3A_203, %dma_wait3A_204] : memref<10240x1024xf32, #tpu.memory_space<hbm>> -> memref<10240x1024xf32, #tpu.memory_space<hbm>>
    tpu.wait_indirect_dma semaphore(%arg16 : memref<!tpu.dma_semaphore, #tpu.memory_space<semaphore_mem>>) src(%dma_wait3A_205 : memref<10240x1024xf32, #tpu.memory_space<hbm>>) dst(%arg10 : memref<16x1024xf32, #tpu.memory_space<vmem>>)
    %dma_wait3A_206 = arith.constant 80 : i32
    %dma_wait3A_207 = tpu.memref_slice %arg7[%dma_wait3A_206] : memref<128xi32, #tpu.memory_space<vmem>> -> memref<16xi32, #tpu.memory_space<vmem>>
    %dma_wait3A_208 = arith.constant 0 : i32
    %dma_wait3A_209 = arith.constant 0 : i32
    %dma_wait3A_210 = tpu.memref_slice %arg2[%dma_wait3A_208, %dma_wait3A_209] : memref<10240x1024xf32, #tpu.memory_space<hbm>> -> memref<10240x1024xf32, #tpu.memory_space<hbm>>
    tpu.wait_indirect_dma semaphore(%arg19 : memref<!tpu.dma_semaphore, #tpu.memory_space<semaphore_mem>>) src(%dma_wait3A_210 : memref<10240x1024xf32, #tpu.memory_space<hbm>>) dst(%arg13 : memref<16x1024xf32, #tpu.memory_space<vmem>>)
    %scan3A_211 = arith.constant 0 : i32
    %scan3A_212 = arith.constant 0 : i32
    %scan3A_213 = arith.constant 256 : i32
    %scan3A_214 = arith.addi %scan3A_212, %scan3A_213 : i32
    %scan3A_215 = arith.constant 1 : i32
    %scan3A_216 = scf.for %scan3A_296 = %scan3A_212 to %scan3A_214 step %scan3A_215 iter_args(%scan3A_297 = %scan3A_211) -> (i32)  : i32 {
      %jit3A = arith.constant 16 : i32
      %div3A = arith.divsi %scan3A_296, %jit3A : i32
      %sign3A = arith.constant 0 : i32
      %sign3A_298 = arith.cmpi sgt, %scan3A_296, %sign3A : i32
      %sign3A_299 = arith.extui %sign3A_298 : i1 to i32
      %sign3A_300 = arith.constant 0 : i32
      %sign3A_301 = arith.cmpi slt, %scan3A_296, %sign3A_300 : i32
      %sign3A_302 = arith.extui %sign3A_301 : i1 to i32
      %sign3A_303 = arith.subi %sign3A_299, %sign3A_302 : i32
      %sign3A_304 = arith.constant 0 : i32
      %sign3A_305 = arith.cmpi sgt, %jit3A, %sign3A_304 : i32
      %sign3A_306 = arith.extui %sign3A_305 : i1 to i32
      %sign3A_307 = arith.constant 0 : i32
      %sign3A_308 = arith.cmpi slt, %jit3A, %sign3A_307 : i32
      %sign3A_309 = arith.extui %sign3A_308 : i1 to i32
      %sign3A_310 = arith.subi %sign3A_306, %sign3A_309 : i32
      %ne3A = arith.cmpi ne, %sign3A_303, %sign3A_310 : i32
      %rem3A = arith.remsi %scan3A_296, %jit3A : i32
      %ne3A_311 = arith.constant 0 : i32
      %ne3A_312 = arith.cmpi ne, %rem3A, %ne3A_311 : i32
      %and3A = arith.andi %ne3A, %ne3A_312 : i1
      %sub3A = arith.constant 1 : i32
      %sub3A_313 = arith.subi %div3A, %sub3A : i32
      %select_n3A = arith.select %and3A, %sub3A_313, %div3A : i32
      %jit3A_314 = arith.constant 16 : i32
      %eq3A = arith.constant 0 : i32
      %eq3A_315 = arith.cmpi eq, %jit3A_314, %eq3A : i32
      %jit3A_316 = arith.constant 1 : i32
      %select_n3A_317 = arith.select %eq3A_315, %jit3A_316, %jit3A_314 : i32
      %rem3A_318 = arith.remsi %scan3A_296, %select_n3A_317 : i32
      %ne3A_319 = arith.constant 0 : i32
      %ne3A_320 = arith.cmpi ne, %rem3A_318, %ne3A_319 : i32
      %lt3A = arith.constant 0 : i32
      %lt3A_321 = arith.cmpi slt, %rem3A_318, %lt3A : i32
      %lt3A_322 = arith.constant 0 : i32
      %lt3A_323 = arith.cmpi slt, %select_n3A_317, %lt3A_322 : i32
      %ne3A_324 = arith.xori %lt3A_321, %lt3A_323 : i1
      %and3A_325 = arith.andi %ne3A_324, %ne3A_320 : i1
      %add3A_326 = arith.addi %rem3A_318, %select_n3A_317 : i32
      %select_n3A_327 = arith.select %and3A_325, %add3A_326, %rem3A_318 : i32
      %mul3A_328 = arith.constant 4 : i32
      %mul3A_329 = arith.muli %select_n3A_327, %mul3A_328 : i32
      %add3A_330 = arith.constant 0 : i32
      %add3A_331 = arith.addi %mul3A_329, %add3A_330 : i32
      %mul3A_332 = arith.constant 16 : i32
      %mul3A_333 = arith.muli %add3A_331, %mul3A_332 : i32
      %get3A = arith.index_cast %select_n3A : i32 to index
      %get3A_334 = arith.index_cast %mul3A_333 : i32 to index
      %get3A_335 = tpu.vector_load %arg10[%get3A, %get3A_334] {strides = array<i32>} : memref<16x1024xf32, #tpu.memory_space<vmem>>, vector<16xf32>,
      %get3A_336 = arith.index_cast %select_n3A : i32 to index
      %get3A_337 = arith.index_cast %mul3A_333 : i32 to index
      %get3A_338 = tpu.vector_load %arg13[%get3A_336, %get3A_337] {strides = array<i32>} : memref<16x1024xf32, #tpu.memory_space<vmem>>, vector<16xf32>,
      %add3A_339 = arith.addf %get3A_335, %get3A_338 : vector<16xf32>
      %swap3A = arith.index_cast %select_n3A : i32 to index
      %swap3A_340 = arith.index_cast %mul3A_333 : i32 to index
      %swap3A_341 = tpu.vector_load %arg10[%swap3A, %swap3A_340] {strides = array<i32>} : memref<16x1024xf32, #tpu.memory_space<vmem>>, vector<16xf32>,
      tpu.vector_store %arg10[%swap3A, %swap3A_340], %add3A_339 {strides = array<i32>} : memref<16x1024xf32, #tpu.memory_space<vmem>>, vector<16xf32>,
      %add3A_342 = arith.constant 1 : i32
      %add3A_343 = arith.addi %mul3A_329, %add3A_342 : i32
      %mul3A_344 = arith.constant 16 : i32
      %mul3A_345 = arith.muli %add3A_343, %mul3A_344 : i32
      %get3A_346 = arith.index_cast %select_n3A : i32 to index
      %get3A_347 = arith.index_cast %mul3A_345 : i32 to index
      %get3A_348 = tpu.vector_load %arg10[%get3A_346, %get3A_347] {strides = array<i32>} : memref<16x1024xf32, #tpu.memory_space<vmem>>, vector<16xf32>,
      %get3A_349 = arith.index_cast %select_n3A : i32 to index
      %get3A_350 = arith.index_cast %mul3A_345 : i32 to index
      %get3A_351 = tpu.vector_load %arg13[%get3A_349, %get3A_350] {strides = array<i32>} : memref<16x1024xf32, #tpu.memory_space<vmem>>, vector<16xf32>,
      %add3A_352 = arith.addf %get3A_348, %get3A_351 : vector<16xf32>
      %swap3A_353 = arith.index_cast %select_n3A : i32 to index
      %swap3A_354 = arith.index_cast %mul3A_345 : i32 to index
      %swap3A_355 = tpu.vector_load %arg10[%swap3A_353, %swap3A_354] {strides = array<i32>} : memref<16x1024xf32, #tpu.memory_space<vmem>>, vector<16xf32>,
      tpu.vector_store %arg10[%swap3A_353, %swap3A_354], %add3A_352 {strides = array<i32>} : memref<16x1024xf32, #tpu.memory_space<vmem>>, vector<16xf32>,
      %add3A_356 = arith.constant 2 : i32
      %add3A_357 = arith.addi %mul3A_329, %add3A_356 : i32
      %mul3A_358 = arith.constant 16 : i32
      %mul3A_359 = arith.muli %add3A_357, %mul3A_358 : i32
      %get3A_360 = arith.index_cast %select_n3A : i32 to index
      %get3A_361 = arith.index_cast %mul3A_359 : i32 to index
      %get3A_362 = tpu.vector_load %arg10[%get3A_360, %get3A_361] {strides = array<i32>} : memref<16x1024xf32, #tpu.memory_space<vmem>>, vector<16xf32>,
      %get3A_363 = arith.index_cast %select_n3A : i32 to index
      %get3A_364 = arith.index_cast %mul3A_359 : i32 to index
      %get3A_365 = tpu.vector_load %arg13[%get3A_363, %get3A_364] {strides = array<i32>} : memref<16x1024xf32, #tpu.memory_space<vmem>>, vector<16xf32>,
      %add3A_366 = arith.addf %get3A_362, %get3A_365 : vector<16xf32>
      %swap3A_367 = arith.index_cast %select_n3A : i32 to index
      %swap3A_368 = arith.index_cast %mul3A_359 : i32 to index
      %swap3A_369 = tpu.vector_load %arg10[%swap3A_367, %swap3A_368] {strides = array<i32>} : memref<16x1024xf32, #tpu.memory_space<vmem>>, vector<16xf32>,
      tpu.vector_store %arg10[%swap3A_367, %swap3A_368], %add3A_366 {strides = array<i32>} : memref<16x1024xf32, #tpu.memory_space<vmem>>, vector<16xf32>,
      %add3A_370 = arith.constant 3 : i32
      %add3A_371 = arith.addi %mul3A_329, %add3A_370 : i32
      %mul3A_372 = arith.constant 16 : i32
      %mul3A_373 = arith.muli %add3A_371, %mul3A_372 : i32
      %get3A_374 = arith.index_cast %select_n3A : i32 to index
      %get3A_375 = arith.index_cast %mul3A_373 : i32 to index
      %get3A_376 = tpu.vector_load %arg10[%get3A_374, %get3A_375] {strides = array<i32>} : memref<16x1024xf32, #tpu.memory_space<vmem>>, vector<16xf32>,
      %get3A_377 = arith.index_cast %select_n3A : i32 to index
      %get3A_378 = arith.index_cast %mul3A_373 : i32 to index
      %get3A_379 = tpu.vector_load %arg13[%get3A_377, %get3A_378] {strides = array<i32>} : memref<16x1024xf32, #tpu.memory_space<vmem>>, vector<16xf32>,
      %add3A_380 = arith.addf %get3A_376, %get3A_379 : vector<16xf32>
      %swap3A_381 = arith.index_cast %select_n3A : i32 to index
      %swap3A_382 = arith.index_cast %mul3A_373 : i32 to index
      %swap3A_383 = tpu.vector_load %arg10[%swap3A_381, %swap3A_382] {strides = array<i32>} : memref<16x1024xf32, #tpu.memory_space<vmem>>, vector<16xf32>,
      tpu.vector_store %arg10[%swap3A_381, %swap3A_382], %add3A_380 {strides = array<i32>} : memref<16x1024xf32, #tpu.memory_space<vmem>>, vector<16xf32>,
      %scan3A_384 = arith.constant 0 : i32
      scf.yield %scan3A_384 : i32
    }
    %scan3A_217 = arith.constant 256 : i32
    %add3A_218 = arith.constant 80 : i32
    %add3A_219 = arith.addi %mul3A_2, %add3A_218 : i32
    %dma_start3A_220 = arith.constant 0 : i32
    %dma_start3A_221 = tpu.memref_slice %arg5[%add3A_219, %dma_start3A_220] : memref<4096x1024xf32, #tpu.memory_space<hbm>> -> memref<16x1024xf32, #tpu.memory_space<hbm>>
    %dma_start3A_222 = arith.constant 0 : i32
    %dma_start3A_223 = tpu.memref_slice %arg5[%add3A_219, %dma_start3A_222] : memref<4096x1024xf32, #tpu.memory_space<hbm>> -> memref<16x1024xf32, #tpu.memory_space<hbm>>
    tpu.enqueue_dma source(%arg10 : memref<16x1024xf32, #tpu.memory_space<vmem>>) target(%dma_start3A_223 : memref<16x1024xf32, #tpu.memory_space<hbm>>) target_semaphore(%arg22 : memref<!tpu.dma_semaphore, #tpu.memory_space<semaphore_mem>>)
    %dma_wait3A_224 = arith.constant 0 : i32
    %dma_wait3A_225 = tpu.memref_slice %arg5[%add3A_182, %dma_wait3A_224] : memref<4096x1024xf32, #tpu.memory_space<hbm>> -> memref<16x1024xf32, #tpu.memory_space<hbm>>
    %dma_wait3A_226 = arith.constant 0 : i32
    %dma_wait3A_227 = tpu.memref_slice %arg5[%add3A_182, %dma_wait3A_226] : memref<4096x1024xf32, #tpu.memory_space<hbm>> -> memref<16x1024xf32, #tpu.memory_space<hbm>>
    tpu.wait_dma2 semaphore(%arg21 : memref<!tpu.dma_semaphore, #tpu.memory_space<semaphore_mem>>) src(%arg9 : memref<16x1024xf32, #tpu.memory_space<vmem>>) dst(%dma_wait3A_227 : memref<16x1024xf32, #tpu.memory_space<hbm>>)
    %dma_start3A_228 = arith.constant 112 : i32
    %dma_start3A_229 = tpu.memref_slice %arg6[%dma_start3A_228] : memref<128xi32, #tpu.memory_space<vmem>> -> memref<16xi32, #tpu.memory_space<vmem>>
    %dma_start3A_230 = arith.constant 0 : i32
    %dma_start3A_231 = arith.constant 0 : i32
    %dma_start3A_232 = tpu.memref_slice %arg2[%dma_start3A_230, %dma_start3A_231] : memref<10240x1024xf32, #tpu.memory_space<hbm>> -> memref<10240x1024xf32, #tpu.memory_space<hbm>>
    tpu.enqueue_indirect_dma source(%dma_start3A_232 : memref<10240x1024xf32, #tpu.memory_space<hbm>>) target(%arg9 : memref<16x1024xf32, #tpu.memory_space<vmem>>) offsets(%dma_start3A_229 : memref<16xi32, #tpu.memory_space<vmem>>) semaphore(%arg15 : memref<!tpu.dma_semaphore, #tpu.memory_space<semaphore_mem>>)
    %dma_start3A_233 = arith.constant 112 : i32
    %dma_start3A_234 = tpu.memref_slice %arg7[%dma_start3A_233] : memref<128xi32, #tpu.memory_space<vmem>> -> memref<16xi32, #tpu.memory_space<vmem>>
    %dma_start3A_235 = arith.constant 0 : i32
    %dma_start3A_236 = arith.constant 0 : i32
    %dma_start3A_237 = tpu.memref_slice %arg2[%dma_start3A_235, %dma_start3A_236] : memref<10240x1024xf32, #tpu.memory_space<hbm>> -> memref<10240x1024xf32, #tpu.memory_space<hbm>>
    tpu.enqueue_indirect_dma source(%dma_start3A_237 : memref<10240x1024xf32, #tpu.memory_space<hbm>>) target(%arg12 : memref<16x1024xf32, #tpu.memory_space<vmem>>) offsets(%dma_start3A_234 : memref<16xi32, #tpu.memory_space<vmem>>) semaphore(%arg18 : memref<!tpu.dma_semaphore, #tpu.memory_space<semaphore_mem>>)
    %dma_wait3A_238 = arith.constant 96 : i32
    %dma_wait3A_239 = tpu.memref_slice %arg6[%dma_wait3A_238] : memref<128xi32, #tpu.memory_space<vmem>> -> memref<16xi32, #tpu.memory_space<vmem>>
    %dma_wait3A_240 = arith.constant 0 : i32
    %dma_wait3A_241 = arith.constant 0 : i32
    %dma_wait3A_242 = tpu.memref_slice %arg2[%dma_wait3A_240, %dma_wait3A_241] : memref<10240x1024xf32, #tpu.memory_space<hbm>> -> memref<10240x1024xf32, #tpu.memory_space<hbm>>
    tpu.wait_indirect_dma semaphore(%arg14 : memref<!tpu.dma_semaphore, #tpu.memory_space<semaphore_mem>>) src(%dma_wait3A_242 : memref<10240x1024xf32, #tpu.memory_space<hbm>>) dst(%arg8 : memref<16x1024xf32, #tpu.memory_space<vmem>>)
    %dma_wait3A_243 = arith.constant 96 : i32
    %dma_wait3A_244 = tpu.memref_slice %arg7[%dma_wait3A_243] : memref<128xi32, #tpu.memory_space<vmem>> -> memref<16xi32, #tpu.memory_space<vmem>>
    %dma_wait3A_245 = arith.constant 0 : i32
    %dma_wait3A_246 = arith.constant 0 : i32
    %dma_wait3A_247 = tpu.memref_slice %arg2[%dma_wait3A_245, %dma_wait3A_246] : memref<10240x1024xf32, #tpu.memory_space<hbm>> -> memref<10240x1024xf32, #tpu.memory_space<hbm>>
    tpu.wait_indirect_dma semaphore(%arg17 : memref<!tpu.dma_semaphore, #tpu.memory_space<semaphore_mem>>) src(%dma_wait3A_247 : memref<10240x1024xf32, #tpu.memory_space<hbm>>) dst(%arg11 : memref<16x1024xf32, #tpu.memory_space<vmem>>)
    %scan3A_248 = arith.constant 0 : i32
    %scan3A_249 = arith.constant 0 : i32
    %scan3A_250 = arith.constant 256 : i32
    %scan3A_251 = arith.addi %scan3A_249, %scan3A_250 : i32
    %scan3A_252 = arith.constant 1 : i32
    %scan3A_253 = scf.for %scan3A_296 = %scan3A_249 to %scan3A_251 step %scan3A_252 iter_args(%scan3A_297 = %scan3A_248) -> (i32)  : i32 {
      %jit3A = arith.constant 16 : i32
      %div3A = arith.divsi %scan3A_296, %jit3A : i32
      %sign3A = arith.constant 0 : i32
      %sign3A_298 = arith.cmpi sgt, %scan3A_296, %sign3A : i32
      %sign3A_299 = arith.extui %sign3A_298 : i1 to i32
      %sign3A_300 = arith.constant 0 : i32
      %sign3A_301 = arith.cmpi slt, %scan3A_296, %sign3A_300 : i32
      %sign3A_302 = arith.extui %sign3A_301 : i1 to i32
      %sign3A_303 = arith.subi %sign3A_299, %sign3A_302 : i32
      %sign3A_304 = arith.constant 0 : i32
      %sign3A_305 = arith.cmpi sgt, %jit3A, %sign3A_304 : i32
      %sign3A_306 = arith.extui %sign3A_305 : i1 to i32
      %sign3A_307 = arith.constant 0 : i32
      %sign3A_308 = arith.cmpi slt, %jit3A, %sign3A_307 : i32
      %sign3A_309 = arith.extui %sign3A_308 : i1 to i32
      %sign3A_310 = arith.subi %sign3A_306, %sign3A_309 : i32
      %ne3A = arith.cmpi ne, %sign3A_303, %sign3A_310 : i32
      %rem3A = arith.remsi %scan3A_296, %jit3A : i32
      %ne3A_311 = arith.constant 0 : i32
      %ne3A_312 = arith.cmpi ne, %rem3A, %ne3A_311 : i32
      %and3A = arith.andi %ne3A, %ne3A_312 : i1
      %sub3A = arith.constant 1 : i32
      %sub3A_313 = arith.subi %div3A, %sub3A : i32
      %select_n3A = arith.select %and3A, %sub3A_313, %div3A : i32
      %jit3A_314 = arith.constant 16 : i32
      %eq3A = arith.constant 0 : i32
      %eq3A_315 = arith.cmpi eq, %jit3A_314, %eq3A : i32
      %jit3A_316 = arith.constant 1 : i32
      %select_n3A_317 = arith.select %eq3A_315, %jit3A_316, %jit3A_314 : i32
      %rem3A_318 = arith.remsi %scan3A_296, %select_n3A_317 : i32
      %ne3A_319 = arith.constant 0 : i32
      %ne3A_320 = arith.cmpi ne, %rem3A_318, %ne3A_319 : i32
      %lt3A = arith.constant 0 : i32
      %lt3A_321 = arith.cmpi slt, %rem3A_318, %lt3A : i32
      %lt3A_322 = arith.constant 0 : i32
      %lt3A_323 = arith.cmpi slt, %select_n3A_317, %lt3A_322 : i32
      %ne3A_324 = arith.xori %lt3A_321, %lt3A_323 : i1
      %and3A_325 = arith.andi %ne3A_324, %ne3A_320 : i1
      %add3A_326 = arith.addi %rem3A_318, %select_n3A_317 : i32
      %select_n3A_327 = arith.select %and3A_325, %add3A_326, %rem3A_318 : i32
      %mul3A_328 = arith.constant 4 : i32
      %mul3A_329 = arith.muli %select_n3A_327, %mul3A_328 : i32
      %add3A_330 = arith.constant 0 : i32
      %add3A_331 = arith.addi %mul3A_329, %add3A_330 : i32
      %mul3A_332 = arith.constant 16 : i32
      %mul3A_333 = arith.muli %add3A_331, %mul3A_332 : i32
      %get3A = arith.index_cast %select_n3A : i32 to index
      %get3A_334 = arith.index_cast %mul3A_333 : i32 to index
      %get3A_335 = tpu.vector_load %arg8[%get3A, %get3A_334] {strides = array<i32>} : memref<16x1024xf32, #tpu.memory_space<vmem>>, vector<16xf32>,
      %get3A_336 = arith.index_cast %select_n3A : i32 to index
      %get3A_337 = arith.index_cast %mul3A_333 : i32 to index
      %get3A_338 = tpu.vector_load %arg11[%get3A_336, %get3A_337] {strides = array<i32>} : memref<16x1024xf32, #tpu.memory_space<vmem>>, vector<16xf32>,
      %add3A_339 = arith.addf %get3A_335, %get3A_338 : vector<16xf32>
      %swap3A = arith.index_cast %select_n3A : i32 to index
      %swap3A_340 = arith.index_cast %mul3A_333 : i32 to index
      %swap3A_341 = tpu.vector_load %arg8[%swap3A, %swap3A_340] {strides = array<i32>} : memref<16x1024xf32, #tpu.memory_space<vmem>>, vector<16xf32>,
      tpu.vector_store %arg8[%swap3A, %swap3A_340], %add3A_339 {strides = array<i32>} : memref<16x1024xf32, #tpu.memory_space<vmem>>, vector<16xf32>,
      %add3A_342 = arith.constant 1 : i32
      %add3A_343 = arith.addi %mul3A_329, %add3A_342 : i32
      %mul3A_344 = arith.constant 16 : i32
      %mul3A_345 = arith.muli %add3A_343, %mul3A_344 : i32
      %get3A_346 = arith.index_cast %select_n3A : i32 to index
      %get3A_347 = arith.index_cast %mul3A_345 : i32 to index
      %get3A_348 = tpu.vector_load %arg8[%get3A_346, %get3A_347] {strides = array<i32>} : memref<16x1024xf32, #tpu.memory_space<vmem>>, vector<16xf32>,
      %get3A_349 = arith.index_cast %select_n3A : i32 to index
      %get3A_350 = arith.index_cast %mul3A_345 : i32 to index
      %get3A_351 = tpu.vector_load %arg11[%get3A_349, %get3A_350] {strides = array<i32>} : memref<16x1024xf32, #tpu.memory_space<vmem>>, vector<16xf32>,
      %add3A_352 = arith.addf %get3A_348, %get3A_351 : vector<16xf32>
      %swap3A_353 = arith.index_cast %select_n3A : i32 to index
      %swap3A_354 = arith.index_cast %mul3A_345 : i32 to index
      %swap3A_355 = tpu.vector_load %arg8[%swap3A_353, %swap3A_354] {strides = array<i32>} : memref<16x1024xf32, #tpu.memory_space<vmem>>, vector<16xf32>,
      tpu.vector_store %arg8[%swap3A_353, %swap3A_354], %add3A_352 {strides = array<i32>} : memref<16x1024xf32, #tpu.memory_space<vmem>>, vector<16xf32>,
      %add3A_356 = arith.constant 2 : i32
      %add3A_357 = arith.addi %mul3A_329, %add3A_356 : i32
      %mul3A_358 = arith.constant 16 : i32
      %mul3A_359 = arith.muli %add3A_357, %mul3A_358 : i32
      %get3A_360 = arith.index_cast %select_n3A : i32 to index
      %get3A_361 = arith.index_cast %mul3A_359 : i32 to index
      %get3A_362 = tpu.vector_load %arg8[%get3A_360, %get3A_361] {strides = array<i32>} : memref<16x1024xf32, #tpu.memory_space<vmem>>, vector<16xf32>,
      %get3A_363 = arith.index_cast %select_n3A : i32 to index
      %get3A_364 = arith.index_cast %mul3A_359 : i32 to index
      %get3A_365 = tpu.vector_load %arg11[%get3A_363, %get3A_364] {strides = array<i32>} : memref<16x1024xf32, #tpu.memory_space<vmem>>, vector<16xf32>,
      %add3A_366 = arith.addf %get3A_362, %get3A_365 : vector<16xf32>
      %swap3A_367 = arith.index_cast %select_n3A : i32 to index
      %swap3A_368 = arith.index_cast %mul3A_359 : i32 to index
      %swap3A_369 = tpu.vector_load %arg8[%swap3A_367, %swap3A_368] {strides = array<i32>} : memref<16x1024xf32, #tpu.memory_space<vmem>>, vector<16xf32>,
      tpu.vector_store %arg8[%swap3A_367, %swap3A_368], %add3A_366 {strides = array<i32>} : memref<16x1024xf32, #tpu.memory_space<vmem>>, vector<16xf32>,
      %add3A_370 = arith.constant 3 : i32
      %add3A_371 = arith.addi %mul3A_329, %add3A_370 : i32
      %mul3A_372 = arith.constant 16 : i32
      %mul3A_373 = arith.muli %add3A_371, %mul3A_372 : i32
      %get3A_374 = arith.index_cast %select_n3A : i32 to index
      %get3A_375 = arith.index_cast %mul3A_373 : i32 to index
      %get3A_376 = tpu.vector_load %arg8[%get3A_374, %get3A_375] {strides = array<i32>} : memref<16x1024xf32, #tpu.memory_space<vmem>>, vector<16xf32>,
      %get3A_377 = arith.index_cast %select_n3A : i32 to index
      %get3A_378 = arith.index_cast %mul3A_373 : i32 to index
      %get3A_379 = tpu.vector_load %arg11[%get3A_377, %get3A_378] {strides = array<i32>} : memref<16x1024xf32, #tpu.memory_space<vmem>>, vector<16xf32>,
      %add3A_380 = arith.addf %get3A_376, %get3A_379 : vector<16xf32>
      %swap3A_381 = arith.index_cast %select_n3A : i32 to index
      %swap3A_382 = arith.index_cast %mul3A_373 : i32 to index
      %swap3A_383 = tpu.vector_load %arg8[%swap3A_381, %swap3A_382] {strides = array<i32>} : memref<16x1024xf32, #tpu.memory_space<vmem>>, vector<16xf32>,
      tpu.vector_store %arg8[%swap3A_381, %swap3A_382], %add3A_380 {strides = array<i32>} : memref<16x1024xf32, #tpu.memory_space<vmem>>, vector<16xf32>,
      %scan3A_384 = arith.constant 0 : i32
      scf.yield %scan3A_384 : i32
    }
    %scan3A_254 = arith.constant 256 : i32
    %add3A_255 = arith.constant 96 : i32
    %add3A_256 = arith.addi %mul3A_2, %add3A_255 : i32
    %dma_start3A_257 = arith.constant 0 : i32
    %dma_start3A_258 = tpu.memref_slice %arg5[%add3A_256, %dma_start3A_257] : memref<4096x1024xf32, #tpu.memory_space<hbm>> -> memref<16x1024xf32, #tpu.memory_space<hbm>>
    %dma_start3A_259 = arith.constant 0 : i32
    %dma_start3A_260 = tpu.memref_slice %arg5[%add3A_256, %dma_start3A_259] : memref<4096x1024xf32, #tpu.memory_space<hbm>> -> memref<16x1024xf32, #tpu.memory_space<hbm>>
    tpu.enqueue_dma source(%arg8 : memref<16x1024xf32, #tpu.memory_space<vmem>>) target(%dma_start3A_260 : memref<16x1024xf32, #tpu.memory_space<hbm>>) target_semaphore(%arg20 : memref<!tpu.dma_semaphore, #tpu.memory_space<semaphore_mem>>)
    %dma_wait3A_261 = arith.constant 112 : i32
    %dma_wait3A_262 = tpu.memref_slice %arg6[%dma_wait3A_261] : memref<128xi32, #tpu.memory_space<vmem>> -> memref<16xi32, #tpu.memory_space<vmem>>
    %dma_wait3A_263 = arith.constant 0 : i32
    %dma_wait3A_264 = arith.constant 0 : i32
    %dma_wait3A_265 = tpu.memref_slice %arg2[%dma_wait3A_263, %dma_wait3A_264] : memref<10240x1024xf32, #tpu.memory_space<hbm>> -> memref<10240x1024xf32, #tpu.memory_space<hbm>>
    tpu.wait_indirect_dma semaphore(%arg15 : memref<!tpu.dma_semaphore, #tpu.memory_space<semaphore_mem>>) src(%dma_wait3A_265 : memref<10240x1024xf32, #tpu.memory_space<hbm>>) dst(%arg9 : memref<16x1024xf32, #tpu.memory_space<vmem>>)
    %dma_wait3A_266 = arith.constant 112 : i32
    %dma_wait3A_267 = tpu.memref_slice %arg7[%dma_wait3A_266] : memref<128xi32, #tpu.memory_space<vmem>> -> memref<16xi32, #tpu.memory_space<vmem>>
    %dma_wait3A_268 = arith.constant 0 : i32
    %dma_wait3A_269 = arith.constant 0 : i32
    %dma_wait3A_270 = tpu.memref_slice %arg2[%dma_wait3A_268, %dma_wait3A_269] : memref<10240x1024xf32, #tpu.memory_space<hbm>> -> memref<10240x1024xf32, #tpu.memory_space<hbm>>
    tpu.wait_indirect_dma semaphore(%arg18 : memref<!tpu.dma_semaphore, #tpu.memory_space<semaphore_mem>>) src(%dma_wait3A_270 : memref<10240x1024xf32, #tpu.memory_space<hbm>>) dst(%arg12 : memref<16x1024xf32, #tpu.memory_space<vmem>>)
    %scan3A_271 = arith.constant 0 : i32
    %scan3A_272 = arith.constant 0 : i32
    %scan3A_273 = arith.constant 256 : i32
    %scan3A_274 = arith.addi %scan3A_272, %scan3A_273 : i32
    %scan3A_275 = arith.constant 1 : i32
    %scan3A_276 = scf.for %scan3A_296 = %scan3A_272 to %scan3A_274 step %scan3A_275 iter_args(%scan3A_297 = %scan3A_271) -> (i32)  : i32 {
      %jit3A = arith.constant 16 : i32
      %div3A = arith.divsi %scan3A_296, %jit3A : i32
      %sign3A = arith.constant 0 : i32
      %sign3A_298 = arith.cmpi sgt, %scan3A_296, %sign3A : i32
      %sign3A_299 = arith.extui %sign3A_298 : i1 to i32
      %sign3A_300 = arith.constant 0 : i32
      %sign3A_301 = arith.cmpi slt, %scan3A_296, %sign3A_300 : i32
      %sign3A_302 = arith.extui %sign3A_301 : i1 to i32
      %sign3A_303 = arith.subi %sign3A_299, %sign3A_302 : i32
      %sign3A_304 = arith.constant 0 : i32
      %sign3A_305 = arith.cmpi sgt, %jit3A, %sign3A_304 : i32
      %sign3A_306 = arith.extui %sign3A_305 : i1 to i32
      %sign3A_307 = arith.constant 0 : i32
      %sign3A_308 = arith.cmpi slt, %jit3A, %sign3A_307 : i32
      %sign3A_309 = arith.extui %sign3A_308 : i1 to i32
      %sign3A_310 = arith.subi %sign3A_306, %sign3A_309 : i32
      %ne3A = arith.cmpi ne, %sign3A_303, %sign3A_310 : i32
      %rem3A = arith.remsi %scan3A_296, %jit3A : i32
      %ne3A_311 = arith.constant 0 : i32
      %ne3A_312 = arith.cmpi ne, %rem3A, %ne3A_311 : i32
      %and3A = arith.andi %ne3A, %ne3A_312 : i1
      %sub3A = arith.constant 1 : i32
      %sub3A_313 = arith.subi %div3A, %sub3A : i32
      %select_n3A = arith.select %and3A, %sub3A_313, %div3A : i32
      %jit3A_314 = arith.constant 16 : i32
      %eq3A = arith.constant 0 : i32
      %eq3A_315 = arith.cmpi eq, %jit3A_314, %eq3A : i32
      %jit3A_316 = arith.constant 1 : i32
      %select_n3A_317 = arith.select %eq3A_315, %jit3A_316, %jit3A_314 : i32
      %rem3A_318 = arith.remsi %scan3A_296, %select_n3A_317 : i32
      %ne3A_319 = arith.constant 0 : i32
      %ne3A_320 = arith.cmpi ne, %rem3A_318, %ne3A_319 : i32
      %lt3A = arith.constant 0 : i32
      %lt3A_321 = arith.cmpi slt, %rem3A_318, %lt3A : i32
      %lt3A_322 = arith.constant 0 : i32
      %lt3A_323 = arith.cmpi slt, %select_n3A_317, %lt3A_322 : i32
      %ne3A_324 = arith.xori %lt3A_321, %lt3A_323 : i1
      %and3A_325 = arith.andi %ne3A_324, %ne3A_320 : i1
      %add3A_326 = arith.addi %rem3A_318, %select_n3A_317 : i32
      %select_n3A_327 = arith.select %and3A_325, %add3A_326, %rem3A_318 : i32
      %mul3A_328 = arith.constant 4 : i32
      %mul3A_329 = arith.muli %select_n3A_327, %mul3A_328 : i32
      %add3A_330 = arith.constant 0 : i32
      %add3A_331 = arith.addi %mul3A_329, %add3A_330 : i32
      %mul3A_332 = arith.constant 16 : i32
      %mul3A_333 = arith.muli %add3A_331, %mul3A_332 : i32
      %get3A = arith.index_cast %select_n3A : i32 to index
      %get3A_334 = arith.index_cast %mul3A_333 : i32 to index
      %get3A_335 = tpu.vector_load %arg9[%get3A, %get3A_334] {strides = array<i32>} : memref<16x1024xf32, #tpu.memory_space<vmem>>, vector<16xf32>,
      %get3A_336 = arith.index_cast %select_n3A : i32 to index
      %get3A_337 = arith.index_cast %mul3A_333 : i32 to index
      %get3A_338 = tpu.vector_load %arg12[%get3A_336, %get3A_337] {strides = array<i32>} : memref<16x1024xf32, #tpu.memory_space<vmem>>, vector<16xf32>,
      %add3A_339 = arith.addf %get3A_335, %get3A_338 : vector<16xf32>
      %swap3A = arith.index_cast %select_n3A : i32 to index
      %swap3A_340 = arith.index_cast %mul3A_333 : i32 to index
      %swap3A_341 = tpu.vector_load %arg9[%swap3A, %swap3A_340] {strides = array<i32>} : memref<16x1024xf32, #tpu.memory_space<vmem>>, vector<16xf32>,
      tpu.vector_store %arg9[%swap3A, %swap3A_340], %add3A_339 {strides = array<i32>} : memref<16x1024xf32, #tpu.memory_space<vmem>>, vector<16xf32>,
      %add3A_342 = arith.constant 1 : i32
      %add3A_343 = arith.addi %mul3A_329, %add3A_342 : i32
      %mul3A_344 = arith.constant 16 : i32
      %mul3A_345 = arith.muli %add3A_343, %mul3A_344 : i32
      %get3A_346 = arith.index_cast %select_n3A : i32 to index
      %get3A_347 = arith.index_cast %mul3A_345 : i32 to index
      %get3A_348 = tpu.vector_load %arg9[%get3A_346, %get3A_347] {strides = array<i32>} : memref<16x1024xf32, #tpu.memory_space<vmem>>, vector<16xf32>,
      %get3A_349 = arith.index_cast %select_n3A : i32 to index
      %get3A_350 = arith.index_cast %mul3A_345 : i32 to index
      %get3A_351 = tpu.vector_load %arg12[%get3A_349, %get3A_350] {strides = array<i32>} : memref<16x1024xf32, #tpu.memory_space<vmem>>, vector<16xf32>,
      %add3A_352 = arith.addf %get3A_348, %get3A_351 : vector<16xf32>
      %swap3A_353 = arith.index_cast %select_n3A : i32 to index
      %swap3A_354 = arith.index_cast %mul3A_345 : i32 to index
      %swap3A_355 = tpu.vector_load %arg9[%swap3A_353, %swap3A_354] {strides = array<i32>} : memref<16x1024xf32, #tpu.memory_space<vmem>>, vector<16xf32>,
      tpu.vector_store %arg9[%swap3A_353, %swap3A_354], %add3A_352 {strides = array<i32>} : memref<16x1024xf32, #tpu.memory_space<vmem>>, vector<16xf32>,
      %add3A_356 = arith.constant 2 : i32
      %add3A_357 = arith.addi %mul3A_329, %add3A_356 : i32
      %mul3A_358 = arith.constant 16 : i32
      %mul3A_359 = arith.muli %add3A_357, %mul3A_358 : i32
      %get3A_360 = arith.index_cast %select_n3A : i32 to index
      %get3A_361 = arith.index_cast %mul3A_359 : i32 to index
      %get3A_362 = tpu.vector_load %arg9[%get3A_360, %get3A_361] {strides = array<i32>} : memref<16x1024xf32, #tpu.memory_space<vmem>>, vector<16xf32>,
      %get3A_363 = arith.index_cast %select_n3A : i32 to index
      %get3A_364 = arith.index_cast %mul3A_359 : i32 to index
      %get3A_365 = tpu.vector_load %arg12[%get3A_363, %get3A_364] {strides = array<i32>} : memref<16x1024xf32, #tpu.memory_space<vmem>>, vector<16xf32>,
      %add3A_366 = arith.addf %get3A_362, %get3A_365 : vector<16xf32>
      %swap3A_367 = arith.index_cast %select_n3A : i32 to index
      %swap3A_368 = arith.index_cast %mul3A_359 : i32 to index
      %swap3A_369 = tpu.vector_load %arg9[%swap3A_367, %swap3A_368] {strides = array<i32>} : memref<16x1024xf32, #tpu.memory_space<vmem>>, vector<16xf32>,
      tpu.vector_store %arg9[%swap3A_367, %swap3A_368], %add3A_366 {strides = array<i32>} : memref<16x1024xf32, #tpu.memory_space<vmem>>, vector<16xf32>,
      %add3A_370 = arith.constant 3 : i32
      %add3A_371 = arith.addi %mul3A_329, %add3A_370 : i32
      %mul3A_372 = arith.constant 16 : i32
      %mul3A_373 = arith.muli %add3A_371, %mul3A_372 : i32
      %get3A_374 = arith.index_cast %select_n3A : i32 to index
      %get3A_375 = arith.index_cast %mul3A_373 : i32 to index
      %get3A_376 = tpu.vector_load %arg9[%get3A_374, %get3A_375] {strides = array<i32>} : memref<16x1024xf32, #tpu.memory_space<vmem>>, vector<16xf32>,
      %get3A_377 = arith.index_cast %select_n3A : i32 to index
      %get3A_378 = arith.index_cast %mul3A_373 : i32 to index
      %get3A_379 = tpu.vector_load %arg12[%get3A_377, %get3A_378] {strides = array<i32>} : memref<16x1024xf32, #tpu.memory_space<vmem>>, vector<16xf32>,
      %add3A_380 = arith.addf %get3A_376, %get3A_379 : vector<16xf32>
      %swap3A_381 = arith.index_cast %select_n3A : i32 to index
      %swap3A_382 = arith.index_cast %mul3A_373 : i32 to index
      %swap3A_383 = tpu.vector_load %arg9[%swap3A_381, %swap3A_382] {strides = array<i32>} : memref<16x1024xf32, #tpu.memory_space<vmem>>, vector<16xf32>,
      tpu.vector_store %arg9[%swap3A_381, %swap3A_382], %add3A_380 {strides = array<i32>} : memref<16x1024xf32, #tpu.memory_space<vmem>>, vector<16xf32>,
      %scan3A_384 = arith.constant 0 : i32
      scf.yield %scan3A_384 : i32
    }
    %scan3A_277 = arith.constant 256 : i32
    %add3A_278 = arith.constant 112 : i32
    %add3A_279 = arith.addi %mul3A_2, %add3A_278 : i32
    %dma_start3A_280 = arith.constant 0 : i32
    %dma_start3A_281 = tpu.memref_slice %arg5[%add3A_279, %dma_start3A_280] : memref<4096x1024xf32, #tpu.memory_space<hbm>> -> memref<16x1024xf32, #tpu.memory_space<hbm>>
    %dma_start3A_282 = arith.constant 0 : i32
    %dma_start3A_283 = tpu.memref_slice %arg5[%add3A_279, %dma_start3A_282] : memref<4096x1024xf32, #tpu.memory_space<hbm>> -> memref<16x1024xf32, #tpu.memory_space<hbm>>
    tpu.enqueue_dma source(%arg9 : memref<16x1024xf32, #tpu.memory_space<vmem>>) target(%dma_start3A_283 : memref<16x1024xf32, #tpu.memory_space<hbm>>) target_semaphore(%arg21 : memref<!tpu.dma_semaphore, #tpu.memory_space<semaphore_mem>>)
    %dma_wait3A_284 = arith.constant 0 : i32
    %dma_wait3A_285 = tpu.memref_slice %arg5[%add3A_219, %dma_wait3A_284] : memref<4096x1024xf32, #tpu.memory_space<hbm>> -> memref<16x1024xf32, #tpu.memory_space<hbm>>
    %dma_wait3A_286 = arith.constant 0 : i32
    %dma_wait3A_287 = tpu.memref_slice %arg5[%add3A_219, %dma_wait3A_286] : memref<4096x1024xf32, #tpu.memory_space<hbm>> -> memref<16x1024xf32, #tpu.memory_space<hbm>>
    tpu.wait_dma2 semaphore(%arg22 : memref<!tpu.dma_semaphore, #tpu.memory_space<semaphore_mem>>) src(%arg10 : memref<16x1024xf32, #tpu.memory_space<vmem>>) dst(%dma_wait3A_287 : memref<16x1024xf32, #tpu.memory_space<hbm>>)
    %dma_wait3A_288 = arith.constant 0 : i32
    %dma_wait3A_289 = tpu.memref_slice %arg5[%add3A_256, %dma_wait3A_288] : memref<4096x1024xf32, #tpu.memory_space<hbm>> -> memref<16x1024xf32, #tpu.memory_space<hbm>>
    %dma_wait3A_290 = arith.constant 0 : i32
    %dma_wait3A_291 = tpu.memref_slice %arg5[%add3A_256, %dma_wait3A_290] : memref<4096x1024xf32, #tpu.memory_space<hbm>> -> memref<16x1024xf32, #tpu.memory_space<hbm>>
    tpu.wait_dma2 semaphore(%arg20 : memref<!tpu.dma_semaphore, #tpu.memory_space<semaphore_mem>>) src(%arg8 : memref<16x1024xf32, #tpu.memory_space<vmem>>) dst(%dma_wait3A_291 : memref<16x1024xf32, #tpu.memory_space<hbm>>)
    %dma_wait3A_292 = arith.constant 0 : i32
    %dma_wait3A_293 = tpu.memref_slice %arg5[%add3A_279, %dma_wait3A_292] : memref<4096x1024xf32, #tpu.memory_space<hbm>> -> memref<16x1024xf32, #tpu.memory_space<hbm>>
    %dma_wait3A_294 = arith.constant 0 : i32
    %dma_wait3A_295 = tpu.memref_slice %arg5[%add3A_279, %dma_wait3A_294] : memref<4096x1024xf32, #tpu.memory_space<hbm>> -> memref<16x1024xf32, #tpu.memory_space<hbm>>
    tpu.wait_dma2 semaphore(%arg21 : memref<!tpu.dma_semaphore, #tpu.memory_space<semaphore_mem>>) src(%arg9 : memref<16x1024xf32, #tpu.memory_space<vmem>>) dst(%dma_wait3A_295 : memref<16x1024xf32, #tpu.memory_space<hbm>>)
    return
  }
}

#map = affine_map<(d0, d1) -> (0)>
module attributes {stable_mosaic.version = 14 : i64} {
  func.func @route(%arg0: i32, %arg1: i32, %arg2: memref<4096xi32, #tpu.memory_space<hbm>>, %arg3: memref<4096xi32, #tpu.memory_space<hbm>>, %arg4: memref<4096xi32, #tpu.memory_space<hbm>>, %arg5: memref<4096xi32, #tpu.memory_space<hbm>>, %arg6: memref<4096xf32, #tpu.memory_space<hbm>>, %arg7: memref<4096xf32, #tpu.memory_space<hbm>>, %arg8: memref<16xi32, #tpu.memory_space<hbm>>, %arg9: memref<10240xi32, #tpu.memory_space<hbm>>, %arg10: memref<10240xf32, #tpu.memory_space<hbm>>, %arg11: memref<4096xi32, #tpu.memory_space<hbm>>, %arg12: memref<4096xi32, #tpu.memory_space<hbm>>, %arg13: memref<4096xi32, #tpu.memory_space<vmem>>, %arg14: memref<4096xi32, #tpu.memory_space<vmem>>, %arg15: memref<4096xf32, #tpu.memory_space<vmem>>, %arg16: memref<16xi32, #tpu.memory_space<vmem>>, %arg17: memref<10240xi32, #tpu.memory_space<vmem>>, %arg18: memref<10240xf32, #tpu.memory_space<vmem>>, %arg19: memref<4096xi32, #tpu.memory_space<vmem>>) attributes {dimension_semantics = [#tpu.dimension_semantics<core_parallel>, #tpu.dimension_semantics<subcore_parallel>], iteration_bounds = array<i64: 2, 16>, scalar_prefetch = 0 : i64, scratch_operands = 7 : i64, tpu.core_type = #tpu.core_type<sc_vector_subcore>, window_params = [{transform_indices = #map}, {transform_indices = #map}, {transform_indices = #map}, {transform_indices = #map}, {transform_indices = #map}, {transform_indices = #map}, {transform_indices = #map}, {transform_indices = #map}, {transform_indices = #map}, {transform_indices = #map}, {transform_indices = #map}]} {
    %mul3A = arith.constant 2 : i32
    %mul3A_0 = arith.muli %arg1, %mul3A : i32
    %add3A = arith.addi %mul3A_0, %arg0 : i32
    %eq3A = arith.constant 0 : i32
    %eq3A_1 = arith.cmpi eq, %add3A, %eq3A : i32
    %convert_element_type3A = arith.extui %eq3A_1 : i1 to i32
    %cond3A = arith.constant 0 : i32
    %cond3A_2 = arith.cmpi ne, %convert_element_type3A, %cond3A : i32
    scf.if %cond3A_2 {
      "tpu.region"() ({
        %run_scoped3A = tpu.sem_alloc : memref<!tpu.dma_semaphore, #tpu.memory_space<semaphore_mem>>
        tpu.enqueue_dma source(%arg8 : memref<16xi32, #tpu.memory_space<hbm>>) target(%arg16 : memref<16xi32, #tpu.memory_space<vmem>>) target_semaphore(%run_scoped3A : memref<!tpu.dma_semaphore, #tpu.memory_space<semaphore_mem>>)
        tpu.wait_dma2 semaphore(%run_scoped3A : memref<!tpu.dma_semaphore, #tpu.memory_space<semaphore_mem>>) src(%arg8 : memref<16xi32, #tpu.memory_space<hbm>>) dst(%arg16 : memref<16xi32, #tpu.memory_space<vmem>>)
        tpu.yield
      }) : () -> ()
      %scan3A = arith.constant 0 : i32
      %scan3A_3 = arith.constant 0 : i32
      %scan3A_4 = arith.constant 640 : i32
      %scan3A_5 = arith.addi %scan3A_3, %scan3A_4 : i32
      %scan3A_6 = arith.constant 1 : i32
      %scan3A_7 = scf.for %scan3A_23 = %scan3A_3 to %scan3A_5 step %scan3A_6 iter_args(%scan3A_24 = %scan3A) -> (i32)  : i32 {
        %broadcast_in_dim3A = arith.constant 0 : i32
        %broadcast_in_dim3A_25 = vector.broadcast %broadcast_in_dim3A : i32 to vector<16xi32>
        %mul3A_26 = arith.constant 16 : i32
        %mul3A_27 = arith.muli %scan3A_23, %mul3A_26 : i32
        %swap3A = arith.index_cast %mul3A_27 : i32 to index
        %swap3A_28 = tpu.vector_load %arg17[%swap3A] {strides = array<i32>} : memref<10240xi32, #tpu.memory_space<vmem>>, vector<16xi32>,
        tpu.vector_store %arg17[%swap3A], %broadcast_in_dim3A_25 {strides = array<i32>} : memref<10240xi32, #tpu.memory_space<vmem>>, vector<16xi32>,
        %broadcast_in_dim3A_29 = arith.constant 0.000000e+00 : f32
        %broadcast_in_dim3A_30 = vector.broadcast %broadcast_in_dim3A_29 : f32 to vector<16xf32>
        %mul3A_31 = arith.constant 16 : i32
        %mul3A_32 = arith.muli %scan3A_23, %mul3A_31 : i32
        %swap3A_33 = arith.index_cast %mul3A_32 : i32 to index
        %swap3A_34 = tpu.vector_load %arg18[%swap3A_33] {strides = array<i32>} : memref<10240xf32, #tpu.memory_space<vmem>>, vector<16xf32>,
        tpu.vector_store %arg18[%swap3A_33], %broadcast_in_dim3A_30 {strides = array<i32>} : memref<10240xf32, #tpu.memory_space<vmem>>, vector<16xf32>,
        %scan3A_35 = arith.constant 0 : i32
        scf.yield %scan3A_35 : i32
      }
      %scan3A_8 = arith.constant 640 : i32
      "tpu.region"() ({
        %run_scoped3A = tpu.sem_alloc : memref<!tpu.dma_semaphore, #tpu.memory_space<semaphore_mem>>
        tpu.enqueue_dma source(%arg2 : memref<4096xi32, #tpu.memory_space<hbm>>) target(%arg13 : memref<4096xi32, #tpu.memory_space<vmem>>) target_semaphore(%run_scoped3A : memref<!tpu.dma_semaphore, #tpu.memory_space<semaphore_mem>>)
        tpu.wait_dma2 semaphore(%run_scoped3A : memref<!tpu.dma_semaphore, #tpu.memory_space<semaphore_mem>>) src(%arg2 : memref<4096xi32, #tpu.memory_space<hbm>>) dst(%arg13 : memref<4096xi32, #tpu.memory_space<vmem>>)
        tpu.yield
      }) : () -> ()
      "tpu.region"() ({
        %run_scoped3A = tpu.sem_alloc : memref<!tpu.dma_semaphore, #tpu.memory_space<semaphore_mem>>
        tpu.enqueue_dma source(%arg4 : memref<4096xi32, #tpu.memory_space<hbm>>) target(%arg14 : memref<4096xi32, #tpu.memory_space<vmem>>) target_semaphore(%run_scoped3A : memref<!tpu.dma_semaphore, #tpu.memory_space<semaphore_mem>>)
        tpu.wait_dma2 semaphore(%run_scoped3A : memref<!tpu.dma_semaphore, #tpu.memory_space<semaphore_mem>>) src(%arg4 : memref<4096xi32, #tpu.memory_space<hbm>>) dst(%arg14 : memref<4096xi32, #tpu.memory_space<vmem>>)
        tpu.yield
      }) : () -> ()
      "tpu.region"() ({
        %run_scoped3A = tpu.sem_alloc : memref<!tpu.dma_semaphore, #tpu.memory_space<semaphore_mem>>
        tpu.enqueue_dma source(%arg6 : memref<4096xf32, #tpu.memory_space<hbm>>) target(%arg15 : memref<4096xf32, #tpu.memory_space<vmem>>) target_semaphore(%run_scoped3A : memref<!tpu.dma_semaphore, #tpu.memory_space<semaphore_mem>>)
        tpu.wait_dma2 semaphore(%run_scoped3A : memref<!tpu.dma_semaphore, #tpu.memory_space<semaphore_mem>>) src(%arg6 : memref<4096xf32, #tpu.memory_space<hbm>>) dst(%arg15 : memref<4096xf32, #tpu.memory_space<vmem>>)
        tpu.yield
      }) : () -> ()
      %scan3A_9 = arith.constant 0 : i32
      %scan3A_10 = arith.constant 0 : i32
      %scan3A_11 = arith.constant 256 : i32
      %scan3A_12 = arith.addi %scan3A_10, %scan3A_11 : i32
      %scan3A_13 = arith.constant 1 : i32
      %scan3A_14 = scf.for %scan3A_23 = %scan3A_10 to %scan3A_12 step %scan3A_13 iter_args(%scan3A_24 = %scan3A_9) -> (i32)  : i32 {
        %mul3A_25 = arith.constant 16 : i32
        %mul3A_26 = arith.muli %scan3A_23, %mul3A_25 : i32
        %get3A = arith.index_cast %mul3A_26 : i32 to index
        %get3A_27 = tpu.vector_load %arg13[%get3A] {strides = array<i32>} : memref<4096xi32, #tpu.memory_space<vmem>>, vector<16xi32>,
        %gather3A = tpu.vector_load_idx %arg16[%get3A_27] : memref<16xi32, #tpu.memory_space<vmem>>[vector<16xi32>], vector<16xi32>,
        %get3A_28 = arith.index_cast %mul3A_26 : i32 to index
        %get3A_29 = tpu.vector_load %arg14[%get3A_28] {strides = array<i32>} : memref<4096xi32, #tpu.memory_space<vmem>>, vector<16xi32>,
        %add3A_30 = arith.addi %gather3A, %get3A_29 : vector<16xi32>
        %iota3A = tpu.iota {dimensions = array<i32: 0>} : vector<16xi32>
        %mul3A_31 = arith.constant 16 : i32
        %mul3A_32 = arith.muli %scan3A_23, %mul3A_31 : i32
        %add3A_33 = vector.broadcast %mul3A_32 : i32 to vector<16xi32>
        %add3A_34 = arith.addi %iota3A, %add3A_33 : vector<16xi32>
        tpu.vector_store_idx %arg17[%add3A_30], %add3A_34 : memref<10240xi32, #tpu.memory_space<vmem>>[vector<16xi32>], vector<16xi32>,
        %get3A_35 = arith.index_cast %mul3A_26 : i32 to index
        %get3A_36 = tpu.vector_load %arg15[%get3A_35] {strides = array<i32>} : memref<4096xf32, #tpu.memory_space<vmem>>, vector<16xf32>,
        tpu.vector_store_idx %arg18[%add3A_30], %get3A_36 : memref<10240xf32, #tpu.memory_space<vmem>>[vector<16xi32>], vector<16xf32>,
        %swap3A = arith.index_cast %mul3A_26 : i32 to index
        %swap3A_37 = tpu.vector_load %arg19[%swap3A] {strides = array<i32>} : memref<4096xi32, #tpu.memory_space<vmem>>, vector<16xi32>,
        tpu.vector_store %arg19[%swap3A], %add3A_30 {strides = array<i32>} : memref<4096xi32, #tpu.memory_space<vmem>>, vector<16xi32>,
        %scan3A_38 = arith.constant 0 : i32
        scf.yield %scan3A_38 : i32
      }
      %scan3A_15 = arith.constant 256 : i32
      "tpu.region"() ({
        %run_scoped3A = tpu.sem_alloc : memref<!tpu.dma_semaphore, #tpu.memory_space<semaphore_mem>>
        tpu.enqueue_dma source(%arg19 : memref<4096xi32, #tpu.memory_space<vmem>>) target(%arg11 : memref<4096xi32, #tpu.memory_space<hbm>>) target_semaphore(%run_scoped3A : memref<!tpu.dma_semaphore, #tpu.memory_space<semaphore_mem>>)
        tpu.wait_dma2 semaphore(%run_scoped3A : memref<!tpu.dma_semaphore, #tpu.memory_space<semaphore_mem>>) src(%arg19 : memref<4096xi32, #tpu.memory_space<vmem>>) dst(%arg11 : memref<4096xi32, #tpu.memory_space<hbm>>)
        tpu.yield
      }) : () -> ()
      "tpu.region"() ({
        %run_scoped3A = tpu.sem_alloc : memref<!tpu.dma_semaphore, #tpu.memory_space<semaphore_mem>>
        tpu.enqueue_dma source(%arg3 : memref<4096xi32, #tpu.memory_space<hbm>>) target(%arg13 : memref<4096xi32, #tpu.memory_space<vmem>>) target_semaphore(%run_scoped3A : memref<!tpu.dma_semaphore, #tpu.memory_space<semaphore_mem>>)
        tpu.wait_dma2 semaphore(%run_scoped3A : memref<!tpu.dma_semaphore, #tpu.memory_space<semaphore_mem>>) src(%arg3 : memref<4096xi32, #tpu.memory_space<hbm>>) dst(%arg13 : memref<4096xi32, #tpu.memory_space<vmem>>)
        tpu.yield
      }) : () -> ()
      "tpu.region"() ({
        %run_scoped3A = tpu.sem_alloc : memref<!tpu.dma_semaphore, #tpu.memory_space<semaphore_mem>>
        tpu.enqueue_dma source(%arg5 : memref<4096xi32, #tpu.memory_space<hbm>>) target(%arg14 : memref<4096xi32, #tpu.memory_space<vmem>>) target_semaphore(%run_scoped3A : memref<!tpu.dma_semaphore, #tpu.memory_space<semaphore_mem>>)
        tpu.wait_dma2 semaphore(%run_scoped3A : memref<!tpu.dma_semaphore, #tpu.memory_space<semaphore_mem>>) src(%arg5 : memref<4096xi32, #tpu.memory_space<hbm>>) dst(%arg14 : memref<4096xi32, #tpu.memory_space<vmem>>)
        tpu.yield
      }) : () -> ()
      "tpu.region"() ({
        %run_scoped3A = tpu.sem_alloc : memref<!tpu.dma_semaphore, #tpu.memory_space<semaphore_mem>>
        tpu.enqueue_dma source(%arg7 : memref<4096xf32, #tpu.memory_space<hbm>>) target(%arg15 : memref<4096xf32, #tpu.memory_space<vmem>>) target_semaphore(%run_scoped3A : memref<!tpu.dma_semaphore, #tpu.memory_space<semaphore_mem>>)
        tpu.wait_dma2 semaphore(%run_scoped3A : memref<!tpu.dma_semaphore, #tpu.memory_space<semaphore_mem>>) src(%arg7 : memref<4096xf32, #tpu.memory_space<hbm>>) dst(%arg15 : memref<4096xf32, #tpu.memory_space<vmem>>)
        tpu.yield
      }) : () -> ()
      %scan3A_16 = arith.constant 0 : i32
      %scan3A_17 = arith.constant 0 : i32
      %scan3A_18 = arith.constant 256 : i32
      %scan3A_19 = arith.addi %scan3A_17, %scan3A_18 : i32
      %scan3A_20 = arith.constant 1 : i32
      %scan3A_21 = scf.for %scan3A_23 = %scan3A_17 to %scan3A_19 step %scan3A_20 iter_args(%scan3A_24 = %scan3A_16) -> (i32)  : i32 {
        %mul3A_25 = arith.constant 16 : i32
        %mul3A_26 = arith.muli %scan3A_23, %mul3A_25 : i32
        %get3A = arith.index_cast %mul3A_26 : i32 to index
        %get3A_27 = tpu.vector_load %arg13[%get3A] {strides = array<i32>} : memref<4096xi32, #tpu.memory_space<vmem>>, vector<16xi32>,
        %gather3A = tpu.vector_load_idx %arg16[%get3A_27] : memref<16xi32, #tpu.memory_space<vmem>>[vector<16xi32>], vector<16xi32>,
        %get3A_28 = arith.index_cast %mul3A_26 : i32 to index
        %get3A_29 = tpu.vector_load %arg14[%get3A_28] {strides = array<i32>} : memref<4096xi32, #tpu.memory_space<vmem>>, vector<16xi32>,
        %add3A_30 = arith.addi %gather3A, %get3A_29 : vector<16xi32>
        %iota3A = tpu.iota {dimensions = array<i32: 0>} : vector<16xi32>
        %mul3A_31 = arith.constant 16 : i32
        %mul3A_32 = arith.muli %scan3A_23, %mul3A_31 : i32
        %add3A_33 = vector.broadcast %mul3A_32 : i32 to vector<16xi32>
        %add3A_34 = arith.addi %iota3A, %add3A_33 : vector<16xi32>
        tpu.vector_store_idx %arg17[%add3A_30], %add3A_34 : memref<10240xi32, #tpu.memory_space<vmem>>[vector<16xi32>], vector<16xi32>,
        %get3A_35 = arith.index_cast %mul3A_26 : i32 to index
        %get3A_36 = tpu.vector_load %arg15[%get3A_35] {strides = array<i32>} : memref<4096xf32, #tpu.memory_space<vmem>>, vector<16xf32>,
        tpu.vector_store_idx %arg18[%add3A_30], %get3A_36 : memref<10240xf32, #tpu.memory_space<vmem>>[vector<16xi32>], vector<16xf32>,
        %swap3A = arith.index_cast %mul3A_26 : i32 to index
        %swap3A_37 = tpu.vector_load %arg19[%swap3A] {strides = array<i32>} : memref<4096xi32, #tpu.memory_space<vmem>>, vector<16xi32>,
        tpu.vector_store %arg19[%swap3A], %add3A_30 {strides = array<i32>} : memref<4096xi32, #tpu.memory_space<vmem>>, vector<16xi32>,
        %scan3A_38 = arith.constant 0 : i32
        scf.yield %scan3A_38 : i32
      }
      %scan3A_22 = arith.constant 256 : i32
      "tpu.region"() ({
        %run_scoped3A = tpu.sem_alloc : memref<!tpu.dma_semaphore, #tpu.memory_space<semaphore_mem>>
        tpu.enqueue_dma source(%arg19 : memref<4096xi32, #tpu.memory_space<vmem>>) target(%arg12 : memref<4096xi32, #tpu.memory_space<hbm>>) target_semaphore(%run_scoped3A : memref<!tpu.dma_semaphore, #tpu.memory_space<semaphore_mem>>)
        tpu.wait_dma2 semaphore(%run_scoped3A : memref<!tpu.dma_semaphore, #tpu.memory_space<semaphore_mem>>) src(%arg19 : memref<4096xi32, #tpu.memory_space<vmem>>) dst(%arg12 : memref<4096xi32, #tpu.memory_space<hbm>>)
        tpu.yield
      }) : () -> ()
      "tpu.region"() ({
        %run_scoped3A = tpu.sem_alloc : memref<!tpu.dma_semaphore, #tpu.memory_space<semaphore_mem>>
        tpu.enqueue_dma source(%arg17 : memref<10240xi32, #tpu.memory_space<vmem>>) target(%arg9 : memref<10240xi32, #tpu.memory_space<hbm>>) target_semaphore(%run_scoped3A : memref<!tpu.dma_semaphore, #tpu.memory_space<semaphore_mem>>)
        tpu.wait_dma2 semaphore(%run_scoped3A : memref<!tpu.dma_semaphore, #tpu.memory_space<semaphore_mem>>) src(%arg17 : memref<10240xi32, #tpu.memory_space<vmem>>) dst(%arg9 : memref<10240xi32, #tpu.memory_space<hbm>>)
        tpu.yield
      }) : () -> ()
      "tpu.region"() ({
        %run_scoped3A = tpu.sem_alloc : memref<!tpu.dma_semaphore, #tpu.memory_space<semaphore_mem>>
        tpu.enqueue_dma source(%arg18 : memref<10240xf32, #tpu.memory_space<vmem>>) target(%arg10 : memref<10240xf32, #tpu.memory_space<hbm>>) target_semaphore(%run_scoped3A : memref<!tpu.dma_semaphore, #tpu.memory_space<semaphore_mem>>)
        tpu.wait_dma2 semaphore(%run_scoped3A : memref<!tpu.dma_semaphore, #tpu.memory_space<semaphore_mem>>) src(%arg18 : memref<10240xf32, #tpu.memory_space<vmem>>) dst(%arg10 : memref<10240xf32, #tpu.memory_space<hbm>>)
        tpu.yield
      }) : () -> ()
    } else {
    }
    return
  }
}

module attributes {stable_mosaic.version = 14 : i64} {
  func.func @_gate_body(%arg0: i32, %arg1: memref<512x1024xf32, #tpu.memory_space<vmem>>, %arg2: memref<1024x8xf32, #tpu.memory_space<vmem>>, %arg3: memref<512x512xf32, #tpu.memory_space<vmem>>, %arg4: memref<8x8xf32, #tpu.memory_space<vmem>>, %arg5: memref<1x1x512xi32, #tpu.memory_space<vmem>>, %arg6: memref<1x1x512xi32, #tpu.memory_space<vmem>>, %arg7: memref<1x1x512xi32, #tpu.memory_space<vmem>>, %arg8: memref<1x1x512xi32, #tpu.memory_space<vmem>>, %arg9: memref<1x1x512xf32, #tpu.memory_space<vmem>>, %arg10: memref<1x1x512xf32, #tpu.memory_space<vmem>>, %arg11: memref<1x8xf32, #tpu.memory_space<vmem>>, %arg12: memref<1x8xf32, #tpu.memory_space<vmem>>, %arg13: memref<1x1xf32, #tpu.memory_space<vmem>>, %arg14: memref<1x8xi32, #tpu.memory_space<vmem>>, %arg15: memref<1x40xi32, #tpu.memory_space<vmem>>) attributes {dimension_semantics = [#tpu.dimension_semantics<arbitrary>], iteration_bounds = array<i64: 8>, scalar_prefetch = 0 : i64, scratch_operands = 0 : i64, tpu.core_type = #tpu.core_type<tc>, window_params = [{transform_indices = @transform_0, window_bounds = array<i64: 512, 1024>}, {pipeline_mode = #tpu.pipeline_mode<synchronous>, transform_indices = @transform_1, window_bounds = array<i64: 1024, 8>}, {pipeline_mode = #tpu.pipeline_mode<synchronous>, transform_indices = @transform_2, window_bounds = array<i64: 512, 512>}, {pipeline_mode = #tpu.pipeline_mode<synchronous>, transform_indices = @transform_3, window_bounds = array<i64: 8, 8>}, {transform_indices = @transform_4, window_bounds = array<i64: 1, 1, 512>}, {transform_indices = @transform_5, window_bounds = array<i64: 1, 1, 512>}, {transform_indices = @transform_6, window_bounds = array<i64: 1, 1, 512>}, {transform_indices = @transform_7, window_bounds = array<i64: 1, 1, 512>}, {transform_indices = @transform_8, window_bounds = array<i64: 1, 1, 512>}, {transform_indices = @transform_9, window_bounds = array<i64: 1, 1, 512>}, {pipeline_mode = #tpu.pipeline_mode<synchronous>, transform_indices = @transform_10, window_bounds = array<i64: 1, 8>}, {pipeline_mode = #tpu.pipeline_mode<synchronous>, transform_indices = @transform_11, window_bounds = array<i64: 1, 8>}, {pipeline_mode = #tpu.pipeline_mode<synchronous>, transform_indices = @transform_12, window_bounds = array<i64: 1, 1>}, {pipeline_mode = #tpu.pipeline_mode<synchronous>, transform_indices = @transform_13, window_bounds = array<i64: 1, 8>}, {pipeline_mode = #tpu.pipeline_mode<synchronous>, transform_indices = @transform_14, window_bounds = array<i64: 1, 40>}]} {
    %eq3A = arith.constant 0 : i32
    %eq3A_0 = arith.cmpi eq, %arg0, %eq3A : i32
    %convert_element_type3A = arith.extui %eq3A_0 : i1 to i32
    %cond3A = arith.constant 0 : i32
    %cond3A_1 = arith.cmpi ne, %convert_element_type3A, %cond3A : i32
    scf.if %cond3A_1 {
      %broadcast_in_dim3A_122 = arith.constant 0.000000e+00 : f32
      %broadcast_in_dim3A_123 = vector.broadcast %broadcast_in_dim3A_122 : f32 to vector<1x8xf32>
      %swap3A_124 = arith.constant 0 : index
      %swap3A_125 = arith.constant 0 : index
      %swap3A_126 = vector.load %arg11[%swap3A_124, %swap3A_125] : memref<1x8xf32, #tpu.memory_space<vmem>>, vector<1x8xf32>
      tpu.vector_store %arg11[%swap3A_124, %swap3A_125], %broadcast_in_dim3A_123 {strides = array<i32>} : memref<1x8xf32, #tpu.memory_space<vmem>>, vector<1x8xf32>,
      %broadcast_in_dim3A_127 = arith.constant 0.000000e+00 : f32
      %broadcast_in_dim3A_128 = vector.broadcast %broadcast_in_dim3A_127 : f32 to vector<1x8xf32>
      %swap3A_129 = arith.constant 0 : index
      %swap3A_130 = arith.constant 0 : index
      %swap3A_131 = vector.load %arg12[%swap3A_129, %swap3A_130] : memref<1x8xf32, #tpu.memory_space<vmem>>, vector<1x8xf32>
      tpu.vector_store %arg12[%swap3A_129, %swap3A_130], %broadcast_in_dim3A_128 {strides = array<i32>} : memref<1x8xf32, #tpu.memory_space<vmem>>, vector<1x8xf32>,
    } else {
    }
    %get3A = arith.constant 0 : index
    %get3A_2 = arith.constant 0 : index
    %get3A_3 = vector.load %arg1[%get3A, %get3A_2] : memref<512x1024xf32, #tpu.memory_space<vmem>>, vector<512x1024xf32>
    %get3A_4 = arith.constant 0 : index
    %get3A_5 = arith.constant 0 : index
    %get3A_6 = vector.load %arg2[%get3A_4, %get3A_5] : memref<1024x8xf32, #tpu.memory_space<vmem>>, vector<1024x8xf32>
    %convert_element_type3A_7 = arith.truncf %get3A_3 : vector<512x1024xf32> to vector<512x1024xbf16>
    %convert_element_type3A_8 = arith.truncf %get3A_6 : vector<1024x8xf32> to vector<1024x8xbf16>
    %dot_general3A = arith.constant dense<0.000000e+00> : vector<512x8xf32>
    %dot_general3A_9 = tpu.matmul %convert_element_type3A_7, %convert_element_type3A_8, %dot_general3A {dimension_numbers = #tpu.dot_dimension_numbers<[1], [0], [0], [1], [0, 0, 1, 1], [], []>, transpose_lhs_hint = false} : vector<512x1024xbf16>, vector<1024x8xbf16>, vector<512x8xf32> -> vector<512x8xf32>
    %iota3A = tpu.iota {dimensions = array<i32: 1>} : vector<512x8xi32>
    %reduce_max3A = arith.constant dense<0xFF800000> : vector<512xf32>
    %reduce_max3A_10 = vector.multi_reduction <maximumf>, %dot_general3A_9, %reduce_max3A [1] : vector<512x8xf32> to vector<512xf32>
    %broadcast_in_dim3A = vector.shape_cast %reduce_max3A_10 : vector<512xf32> to vector<512x1xf32>
    %eq3A_11 = vector.broadcast %broadcast_in_dim3A : vector<512x1xf32> to vector<512x8xf32>
    %eq3A_12 = arith.cmpf oeq, %dot_general3A_9, %eq3A_11 : vector<512x8xf32>
    %jit3A = arith.constant 8 : i32
    %broadcast_in_dim3A_13 = vector.broadcast %jit3A : i32 to vector<512x8xi32>
    %select_n3A = arith.select %eq3A_12, %iota3A, %broadcast_in_dim3A_13 : vector<512x8xi1>, vector<512x8xi32>
    %reduce_min3A = arith.constant dense<2147483647> : vector<512xi32>
    %reduce_min3A_14 = vector.multi_reduction <minsi>, %select_n3A, %reduce_min3A [1] : vector<512x8xi32> to vector<512xi32>
    %broadcast_in_dim3A_15 = vector.shape_cast %reduce_min3A_14 : vector<512xi32> to vector<512x1xi32>
    %eq3A_16 = vector.broadcast %broadcast_in_dim3A_15 : vector<512x1xi32> to vector<512x8xi32>
    %eq3A_17 = arith.cmpi eq, %iota3A, %eq3A_16 : vector<512x8xi32>
    %jit3A_18 = arith.constant 0xFF800000 : f32
    %broadcast_in_dim3A_19 = vector.broadcast %jit3A_18 : f32 to vector<512x8xf32>
    %select_n3A_20 = arith.select %eq3A_17, %broadcast_in_dim3A_19, %dot_general3A_9 : vector<512x8xi1>, vector<512x8xf32>
    %reduce_max3A_21 = arith.constant dense<0xFF800000> : vector<512xf32>
    %reduce_max3A_22 = vector.multi_reduction <maximumf>, %select_n3A_20, %reduce_max3A_21 [1] : vector<512x8xf32> to vector<512xf32>
    %broadcast_in_dim3A_23 = vector.shape_cast %reduce_max3A_22 : vector<512xf32> to vector<512x1xf32>
    %eq3A_24 = vector.broadcast %broadcast_in_dim3A_23 : vector<512x1xf32> to vector<512x8xf32>
    %eq3A_25 = arith.cmpf oeq, %select_n3A_20, %eq3A_24 : vector<512x8xf32>
    %jit3A_26 = arith.constant 8 : i32
    %broadcast_in_dim3A_27 = vector.broadcast %jit3A_26 : i32 to vector<512x8xi32>
    %select_n3A_28 = arith.select %eq3A_25, %iota3A, %broadcast_in_dim3A_27 : vector<512x8xi1>, vector<512x8xi32>
    %reduce_min3A_29 = arith.constant dense<2147483647> : vector<512xi32>
    %reduce_min3A_30 = vector.multi_reduction <minsi>, %select_n3A_28, %reduce_min3A_29 [1] : vector<512x8xi32> to vector<512xi32>
    %broadcast_in_dim3A_31 = vector.shape_cast %reduce_min3A_30 : vector<512xi32> to vector<512x1xi32>
    %sub3A = arith.subf %broadcast_in_dim3A_23, %broadcast_in_dim3A : vector<512x1xf32>
    %exp3A = math.exp %sub3A : vector<512x1xf32>
    %add3A = arith.constant 1.000000e+00 : f32
    %add3A_32 = vector.broadcast %add3A : f32 to vector<512x1xf32>
    %add3A_33 = arith.addf %add3A_32, %exp3A : vector<512x1xf32>
    %div3A = arith.constant 1.000000e+00 : f32
    %div3A_34 = vector.broadcast %div3A : f32 to vector<512x1xf32>
    %div3A_35 = arith.divf %div3A_34, %add3A_33 : vector<512x1xf32>
    %add3A_36 = arith.constant 1.000000e+00 : f32
    %add3A_37 = vector.broadcast %add3A_36 : f32 to vector<512x1xf32>
    %add3A_38 = arith.addf %add3A_37, %exp3A : vector<512x1xf32>
    %div3A_39 = arith.divf %exp3A, %add3A_38 : vector<512x1xf32>
    %eq3A_40 = vector.broadcast %broadcast_in_dim3A_15 : vector<512x1xi32> to vector<512x8xi32>
    %eq3A_41 = arith.cmpi eq, %iota3A, %eq3A_40 : vector<512x8xi32>
    %convert_element_type3A_42 = arith.extui %eq3A_41 : vector<512x8xi1> to vector<512x8xi32>
    %convert_element_type3A_43 = arith.sitofp %convert_element_type3A_42 : vector<512x8xi32> to vector<512x8xf32>
    %eq3A_44 = vector.broadcast %broadcast_in_dim3A_31 : vector<512x1xi32> to vector<512x8xi32>
    %eq3A_45 = arith.cmpi eq, %iota3A, %eq3A_44 : vector<512x8xi32>
    %convert_element_type3A_46 = arith.extui %eq3A_45 : vector<512x8xi1> to vector<512x8xi32>
    %convert_element_type3A_47 = arith.sitofp %convert_element_type3A_46 : vector<512x8xi32> to vector<512x8xf32>
    %add3A_48 = arith.addf %convert_element_type3A_43, %convert_element_type3A_47 : vector<512x8xf32>
    %get3A_49 = arith.constant 0 : index
    %get3A_50 = arith.constant 0 : index
    %get3A_51 = vector.load %arg3[%get3A_49, %get3A_50] : memref<512x512xf32, #tpu.memory_space<vmem>>, vector<512x512xf32>
    %dot_general3A_52 = arith.constant dense<0.000000e+00> : vector<512x8xf32>
    %dot_general3A_53 = tpu.matmul %get3A_51, %add3A_48, %dot_general3A_52 {dimension_numbers = #tpu.dot_dimension_numbers<[1], [0], [0], [1], [0, 0, 1, 1], [], []>, precision = #tpu.contract_precision<fp32>, transpose_lhs_hint = false} : vector<512x512xf32>, vector<512x8xf32>, vector<512x8xf32> -> vector<512x8xf32>
    %get3A_54 = arith.constant 0 : index
    %get3A_55 = arith.constant 0 : index
    %get3A_56 = vector.load %arg12[%get3A_54, %get3A_55] : memref<1x8xf32, #tpu.memory_space<vmem>>, vector<1x8xf32>
    %add3A_57 = vector.broadcast %get3A_56 : vector<1x8xf32> to vector<512x8xf32>
    %add3A_58 = arith.addf %dot_general3A_53, %add3A_57 : vector<512x8xf32>
    %mul3A = arith.mulf %add3A_58, %convert_element_type3A_43 : vector<512x8xf32>
    %reduce_sum3A = arith.constant dense<0.000000e+00> : vector<512xf32>
    %reduce_sum3A_59 = vector.multi_reduction <add>, %mul3A, %reduce_sum3A [1] : vector<512x8xf32> to vector<512xf32>
    %broadcast_in_dim3A_60 = vector.shape_cast %reduce_sum3A_59 : vector<512xf32> to vector<512x1xf32>
    %mul3A_61 = arith.mulf %add3A_58, %convert_element_type3A_47 : vector<512x8xf32>
    %reduce_sum3A_62 = arith.constant dense<0.000000e+00> : vector<512xf32>
    %reduce_sum3A_63 = vector.multi_reduction <add>, %mul3A_61, %reduce_sum3A_62 [1] : vector<512x8xf32> to vector<512xf32>
    %broadcast_in_dim3A_64 = vector.shape_cast %reduce_sum3A_63 : vector<512xf32> to vector<512x1xf32>
    %reshape3A = vector.shape_cast %broadcast_in_dim3A_15 : vector<512x1xi32> to vector<1x1x512xi32>
    %swap3A = arith.constant 0 : index
    %swap3A_65 = arith.constant 0 : index
    %swap3A_66 = arith.constant 0 : index
    %swap3A_67 = vector.load %arg5[%swap3A, %swap3A_65, %swap3A_66] : memref<1x1x512xi32, #tpu.memory_space<vmem>>, vector<1x1x512xi32>
    tpu.vector_store %arg5[%swap3A, %swap3A_65, %swap3A_66], %reshape3A {strides = array<i32>} : memref<1x1x512xi32, #tpu.memory_space<vmem>>, vector<1x1x512xi32>,
    %reshape3A_68 = vector.shape_cast %broadcast_in_dim3A_31 : vector<512x1xi32> to vector<1x1x512xi32>
    %swap3A_69 = arith.constant 0 : index
    %swap3A_70 = arith.constant 0 : index
    %swap3A_71 = arith.constant 0 : index
    %swap3A_72 = vector.load %arg6[%swap3A_69, %swap3A_70, %swap3A_71] : memref<1x1x512xi32, #tpu.memory_space<vmem>>, vector<1x1x512xi32>
    tpu.vector_store %arg6[%swap3A_69, %swap3A_70, %swap3A_71], %reshape3A_68 {strides = array<i32>} : memref<1x1x512xi32, #tpu.memory_space<vmem>>, vector<1x1x512xi32>,
    %convert_element_type3A_73 = arith.fptosi %broadcast_in_dim3A_60 : vector<512x1xf32> to vector<512x1xi32>
    %reshape3A_74 = vector.shape_cast %convert_element_type3A_73 : vector<512x1xi32> to vector<1x1x512xi32>
    %swap3A_75 = arith.constant 0 : index
    %swap3A_76 = arith.constant 0 : index
    %swap3A_77 = arith.constant 0 : index
    %swap3A_78 = vector.load %arg7[%swap3A_75, %swap3A_76, %swap3A_77] : memref<1x1x512xi32, #tpu.memory_space<vmem>>, vector<1x1x512xi32>
    tpu.vector_store %arg7[%swap3A_75, %swap3A_76, %swap3A_77], %reshape3A_74 {strides = array<i32>} : memref<1x1x512xi32, #tpu.memory_space<vmem>>, vector<1x1x512xi32>,
    %convert_element_type3A_79 = arith.fptosi %broadcast_in_dim3A_64 : vector<512x1xf32> to vector<512x1xi32>
    %reshape3A_80 = vector.shape_cast %convert_element_type3A_79 : vector<512x1xi32> to vector<1x1x512xi32>
    %swap3A_81 = arith.constant 0 : index
    %swap3A_82 = arith.constant 0 : index
    %swap3A_83 = arith.constant 0 : index
    %swap3A_84 = vector.load %arg8[%swap3A_81, %swap3A_82, %swap3A_83] : memref<1x1x512xi32, #tpu.memory_space<vmem>>, vector<1x1x512xi32>
    tpu.vector_store %arg8[%swap3A_81, %swap3A_82, %swap3A_83], %reshape3A_80 {strides = array<i32>} : memref<1x1x512xi32, #tpu.memory_space<vmem>>, vector<1x1x512xi32>,
    %reshape3A_85 = vector.shape_cast %div3A_35 : vector<512x1xf32> to vector<1x1x512xf32>
    %swap3A_86 = arith.constant 0 : index
    %swap3A_87 = arith.constant 0 : index
    %swap3A_88 = arith.constant 0 : index
    %swap3A_89 = vector.load %arg9[%swap3A_86, %swap3A_87, %swap3A_88] : memref<1x1x512xf32, #tpu.memory_space<vmem>>, vector<1x1x512xf32>
    tpu.vector_store %arg9[%swap3A_86, %swap3A_87, %swap3A_88], %reshape3A_85 {strides = array<i32>} : memref<1x1x512xf32, #tpu.memory_space<vmem>>, vector<1x1x512xf32>,
    %reshape3A_90 = vector.shape_cast %div3A_39 : vector<512x1xf32> to vector<1x1x512xf32>
    %swap3A_91 = arith.constant 0 : index
    %swap3A_92 = arith.constant 0 : index
    %swap3A_93 = arith.constant 0 : index
    %swap3A_94 = vector.load %arg10[%swap3A_91, %swap3A_92, %swap3A_93] : memref<1x1x512xf32, #tpu.memory_space<vmem>>, vector<1x1x512xf32>
    tpu.vector_store %arg10[%swap3A_91, %swap3A_92, %swap3A_93], %reshape3A_90 {strides = array<i32>} : memref<1x1x512xf32, #tpu.memory_space<vmem>>, vector<1x1x512xf32>,
    %reduce_sum3A_95 = arith.constant dense<0.000000e+00> : vector<8xf32>
    %reduce_sum3A_96 = vector.multi_reduction <add>, %add3A_48, %reduce_sum3A_95 [0] : vector<512x8xf32> to vector<8xf32>
    %broadcast_in_dim3A_97 = vector.shape_cast %reduce_sum3A_96 : vector<8xf32> to vector<1x8xf32>
    %add3A_98 = arith.addf %get3A_56, %broadcast_in_dim3A_97 : vector<1x8xf32>
    %swap3A_99 = arith.constant 0 : index
    %swap3A_100 = arith.constant 0 : index
    %swap3A_101 = vector.load %arg12[%swap3A_99, %swap3A_100] : memref<1x8xf32, #tpu.memory_space<vmem>>, vector<1x8xf32>
    tpu.vector_store %arg12[%swap3A_99, %swap3A_100], %add3A_98 {strides = array<i32>} : memref<1x8xf32, #tpu.memory_space<vmem>>, vector<1x8xf32>,
    %get3A_102 = arith.constant 0 : index
    %get3A_103 = arith.constant 0 : index
    %get3A_104 = vector.load %arg11[%get3A_102, %get3A_103] : memref<1x8xf32, #tpu.memory_space<vmem>>, vector<1x8xf32>
    %mul3A_105 = vector.broadcast %div3A_35 : vector<512x1xf32> to vector<512x8xf32>
    %mul3A_106 = arith.mulf %convert_element_type3A_43, %mul3A_105 : vector<512x8xf32>
    %mul3A_107 = vector.broadcast %div3A_39 : vector<512x1xf32> to vector<512x8xf32>
    %mul3A_108 = arith.mulf %convert_element_type3A_47, %mul3A_107 : vector<512x8xf32>
    %add3A_109 = arith.addf %mul3A_106, %mul3A_108 : vector<512x8xf32>
    %reduce_sum3A_110 = arith.constant dense<0.000000e+00> : vector<8xf32>
    %reduce_sum3A_111 = vector.multi_reduction <add>, %add3A_109, %reduce_sum3A_110 [0] : vector<512x8xf32> to vector<8xf32>
    %broadcast_in_dim3A_112 = vector.shape_cast %reduce_sum3A_111 : vector<8xf32> to vector<1x8xf32>
    %add3A_113 = arith.addf %get3A_104, %broadcast_in_dim3A_112 : vector<1x8xf32>
    %swap3A_114 = arith.constant 0 : index
    %swap3A_115 = arith.constant 0 : index
    %swap3A_116 = vector.load %arg11[%swap3A_114, %swap3A_115] : memref<1x8xf32, #tpu.memory_space<vmem>>, vector<1x8xf32>
    tpu.vector_store %arg11[%swap3A_114, %swap3A_115], %add3A_113 {strides = array<i32>} : memref<1x8xf32, #tpu.memory_space<vmem>>, vector<1x8xf32>,
    %eq3A_117 = arith.constant 7 : i32
    %eq3A_118 = arith.cmpi eq, %arg0, %eq3A_117 : i32
    %convert_element_type3A_119 = arith.extui %eq3A_118 : i1 to i32
    %cond3A_120 = arith.constant 0 : i32
    %cond3A_121 = arith.cmpi ne, %convert_element_type3A_119, %cond3A_120 : i32
    scf.if %cond3A_121 {
      %get3A_122 = arith.constant 0 : index
      %get3A_123 = arith.constant 0 : index
      %get3A_124 = vector.load %arg12[%get3A_122, %get3A_123] : memref<1x8xf32, #tpu.memory_space<vmem>>, vector<1x8xf32>
      %convert_element_type3A_125 = arith.fptosi %get3A_124 : vector<1x8xf32> to vector<1x8xi32>
      %add3A_126 = arith.constant 255 : i32
      %add3A_127 = vector.broadcast %add3A_126 : i32 to vector<1x8xi32>
      %add3A_128 = arith.addi %convert_element_type3A_125, %add3A_127 : vector<1x8xi32>
      %jit3A_129 = arith.constant 256 : i32
      %div3A_130 = vector.broadcast %jit3A_129 : i32 to vector<1x8xi32>
      %div3A_131 = arith.divsi %add3A_128, %div3A_130 : vector<1x8xi32>
      %sign3A = arith.constant 0 : i32
      %sign3A_132 = vector.broadcast %sign3A : i32 to vector<1x8xi32>
      %sign3A_133 = arith.cmpi sgt, %add3A_128, %sign3A_132 : vector<1x8xi32>
      %sign3A_134 = arith.extui %sign3A_133 : vector<1x8xi1> to vector<1x8xi32>
      %sign3A_135 = arith.constant 0 : i32
      %sign3A_136 = vector.broadcast %sign3A_135 : i32 to vector<1x8xi32>
      %sign3A_137 = arith.cmpi slt, %add3A_128, %sign3A_136 : vector<1x8xi32>
      %sign3A_138 = arith.extui %sign3A_137 : vector<1x8xi1> to vector<1x8xi32>
      %sign3A_139 = arith.subi %sign3A_134, %sign3A_138 : vector<1x8xi32>
      %sign3A_140 = arith.constant 0 : i32
      %sign3A_141 = arith.cmpi sgt, %jit3A_129, %sign3A_140 : i32
      %sign3A_142 = arith.extui %sign3A_141 : i1 to i32
      %sign3A_143 = arith.constant 0 : i32
      %sign3A_144 = arith.cmpi slt, %jit3A_129, %sign3A_143 : i32
      %sign3A_145 = arith.extui %sign3A_144 : i1 to i32
      %sign3A_146 = arith.subi %sign3A_142, %sign3A_145 : i32
      %ne3A = vector.broadcast %sign3A_146 : i32 to vector<1x8xi32>
      %ne3A_147 = arith.cmpi ne, %sign3A_139, %ne3A : vector<1x8xi32>
      %rem3A = vector.broadcast %jit3A_129 : i32 to vector<1x8xi32>
      %rem3A_148 = arith.remsi %add3A_128, %rem3A : vector<1x8xi32>
      %ne3A_149 = arith.constant 0 : i32
      %ne3A_150 = vector.broadcast %ne3A_149 : i32 to vector<1x8xi32>
      %ne3A_151 = arith.cmpi ne, %rem3A_148, %ne3A_150 : vector<1x8xi32>
      %and3A = arith.andi %ne3A_147, %ne3A_151 : vector<1x8xi1>
      %sub3A_152 = arith.constant 1 : i32
      %sub3A_153 = vector.broadcast %sub3A_152 : i32 to vector<1x8xi32>
      %sub3A_154 = arith.subi %div3A_131, %sub3A_153 : vector<1x8xi32>
      %select_n3A_155 = arith.select %and3A, %sub3A_154, %div3A_131 : vector<1x8xi1>, vector<1x8xi32>
      %mul3A_156 = arith.constant 256 : i32
      %mul3A_157 = vector.broadcast %mul3A_156 : i32 to vector<1x8xi32>
      %mul3A_158 = arith.muli %select_n3A_155, %mul3A_157 : vector<1x8xi32>
      %convert_element_type3A_159 = arith.sitofp %mul3A_158 : vector<1x8xi32> to vector<1x8xf32>
      %get3A_160 = arith.constant 0 : index
      %get3A_161 = arith.constant 0 : index
      %get3A_162 = vector.load %arg4[%get3A_160, %get3A_161] : memref<8x8xf32, #tpu.memory_space<vmem>>, vector<8x8xf32>
      %dot_general3A_163 = arith.constant dense<0.000000e+00> : vector<1x8xf32>
      %dot_general3A_164 = tpu.matmul %convert_element_type3A_159, %get3A_162, %dot_general3A_163 {dimension_numbers = #tpu.dot_dimension_numbers<[1], [0], [0], [1], [0, 0, 1, 1], [], []>, precision = #tpu.contract_precision<fp32>, transpose_lhs_hint = false} : vector<1x8xf32>, vector<8x8xf32>, vector<1x8xf32> -> vector<1x8xf32>
      %convert_element_type3A_165 = arith.fptosi %dot_general3A_164 : vector<1x8xf32> to vector<1x8xi32>
      %sub3A_166 = arith.subi %convert_element_type3A_165, %mul3A_158 : vector<1x8xi32>
      %swap3A_167 = arith.constant 0 : index
      %swap3A_168 = arith.constant 0 : index
      %swap3A_169 = vector.load %arg14[%swap3A_167, %swap3A_168] : memref<1x8xi32, #tpu.memory_space<vmem>>, vector<1x8xi32>
      tpu.vector_store %arg14[%swap3A_167, %swap3A_168], %sub3A_166 {strides = array<i32>} : memref<1x8xi32, #tpu.memory_space<vmem>>, vector<1x8xi32>,
      %iota3A_170 = tpu.iota {dimensions = array<i32: 1>} : vector<1x40xi32>
      %mul3A_171 = arith.constant 256 : i32
      %mul3A_172 = vector.broadcast %mul3A_171 : i32 to vector<1x40xi32>
      %mul3A_173 = arith.muli %iota3A_170, %mul3A_172 : vector<1x40xi32>
      %reshape3A_174 = vector.shape_cast %convert_element_type3A_165 : vector<1x8xi32> to vector<8x1xi32>
      %le3A = vector.broadcast %reshape3A_174 : vector<8x1xi32> to vector<8x40xi32>
      %le3A_175 = vector.broadcast %mul3A_173 : vector<1x40xi32> to vector<8x40xi32>
      %le3A_176 = arith.cmpi sle, %le3A, %le3A_175 : vector<8x40xi32>
      %convert_element_type3A_177 = arith.extui %le3A_176 : vector<8x40xi1> to vector<8x40xi32>
      %reduce_sum3A_178 = arith.constant dense<0> : vector<40xi32>
      %reduce_sum3A_179 = vector.multi_reduction <add>, %convert_element_type3A_177, %reduce_sum3A_178 [0] : vector<8x40xi32> to vector<40xi32>
      %broadcast_in_dim3A_180 = vector.shape_cast %reduce_sum3A_179 : vector<40xi32> to vector<1x40xi32>
      %min3A = arith.constant 7 : i32
      %min3A_181 = vector.broadcast %min3A : i32 to vector<1x40xi32>
      %min3A_182 = arith.minsi %broadcast_in_dim3A_180, %min3A_181 : vector<1x40xi32>
      %swap3A_183 = arith.constant 0 : index
      %swap3A_184 = arith.constant 0 : index
      %swap3A_185 = vector.load %arg15[%swap3A_183, %swap3A_184] : memref<1x40xi32, #tpu.memory_space<vmem>>, vector<1x40xi32>
      tpu.vector_store %arg15[%swap3A_183, %swap3A_184], %min3A_182 {strides = array<i32>} : memref<1x40xi32, #tpu.memory_space<vmem>>, vector<1x40xi32>,
      %get3A_186 = arith.constant 0 : index
      %get3A_187 = arith.constant 0 : index
      %get3A_188 = vector.load %arg11[%get3A_186, %get3A_187] : memref<1x8xf32, #tpu.memory_space<vmem>>, vector<1x8xf32>
      %get3A_189 = arith.constant 0 : index
      %get3A_190 = arith.constant 0 : index
      %get3A_191 = vector.load %arg12[%get3A_189, %get3A_190] : memref<1x8xf32, #tpu.memory_space<vmem>>, vector<1x8xf32>
      %reduce_sum3A_192 = vector.shape_cast %get3A_188 : vector<1x8xf32> to vector<1x1x8xf32>
      %reduce_sum3A_193 = arith.constant dense<0.000000e+00> : vector<1xf32>
      %reduce_sum3A_194 = vector.multi_reduction <add>, %reduce_sum3A_192, %reduce_sum3A_193 [1, 2] : vector<1x1x8xf32> to vector<1xf32>
      %reduce_sum3A_195 = vector.shape_cast %reduce_sum3A_194 : vector<1xf32> to vector<1x1x1xf32>
      %reduce_sum3A_196 = vector.extract %reduce_sum3A_195[0, 0, 0] : f32 from vector<1x1x1xf32>
      %div3A_197 = arith.constant 8.000000e+00 : f32
      %div3A_198 = arith.divf %reduce_sum3A_196, %div3A_197 : f32
      %sub3A_199 = vector.broadcast %div3A_198 : f32 to vector<1x8xf32>
      %sub3A_200 = arith.subf %get3A_188, %sub3A_199 : vector<1x8xf32>
      %integer_pow3A = arith.mulf %sub3A_200, %sub3A_200 : vector<1x8xf32>
      %reduce_sum3A_201 = vector.shape_cast %integer_pow3A : vector<1x8xf32> to vector<1x1x8xf32>
      %reduce_sum3A_202 = arith.constant dense<0.000000e+00> : vector<1xf32>
      %reduce_sum3A_203 = vector.multi_reduction <add>, %reduce_sum3A_201, %reduce_sum3A_202 [1, 2] : vector<1x1x8xf32> to vector<1xf32>
      %reduce_sum3A_204 = vector.shape_cast %reduce_sum3A_203 : vector<1xf32> to vector<1x1x1xf32>
      %reduce_sum3A_205 = vector.extract %reduce_sum3A_204[0, 0, 0] : f32 from vector<1x1x1xf32>
      %div3A_206 = arith.constant 7.000000e+00 : f32
      %div3A_207 = arith.divf %reduce_sum3A_205, %div3A_206 : f32
      %mul3A_208 = arith.mulf %div3A_198, %div3A_198 : f32
      %add3A_209 = arith.constant 1.000000e-10 : f32
      %add3A_210 = arith.addf %mul3A_208, %add3A_209 : f32
      %div3A_211 = arith.divf %div3A_207, %add3A_210 : f32
      %reduce_sum3A_212 = vector.shape_cast %get3A_191 : vector<1x8xf32> to vector<1x1x8xf32>
      %reduce_sum3A_213 = arith.constant dense<0.000000e+00> : vector<1xf32>
      %reduce_sum3A_214 = vector.multi_reduction <add>, %reduce_sum3A_212, %reduce_sum3A_213 [1, 2] : vector<1x1x8xf32> to vector<1xf32>
      %reduce_sum3A_215 = vector.shape_cast %reduce_sum3A_214 : vector<1xf32> to vector<1x1x1xf32>
      %reduce_sum3A_216 = vector.extract %reduce_sum3A_215[0, 0, 0] : f32 from vector<1x1x1xf32>
      %div3A_217 = arith.constant 8.000000e+00 : f32
      %div3A_218 = arith.divf %reduce_sum3A_216, %div3A_217 : f32
      %sub3A_219 = vector.broadcast %div3A_218 : f32 to vector<1x8xf32>
      %sub3A_220 = arith.subf %get3A_191, %sub3A_219 : vector<1x8xf32>
      %integer_pow3A_221 = arith.mulf %sub3A_220, %sub3A_220 : vector<1x8xf32>
      %reduce_sum3A_222 = vector.shape_cast %integer_pow3A_221 : vector<1x8xf32> to vector<1x1x8xf32>
      %reduce_sum3A_223 = arith.constant dense<0.000000e+00> : vector<1xf32>
      %reduce_sum3A_224 = vector.multi_reduction <add>, %reduce_sum3A_222, %reduce_sum3A_223 [1, 2] : vector<1x1x8xf32> to vector<1xf32>
      %reduce_sum3A_225 = vector.shape_cast %reduce_sum3A_224 : vector<1xf32> to vector<1x1x1xf32>
      %reduce_sum3A_226 = vector.extract %reduce_sum3A_225[0, 0, 0] : f32 from vector<1x1x1xf32>
      %div3A_227 = arith.constant 7.000000e+00 : f32
      %div3A_228 = arith.divf %reduce_sum3A_226, %div3A_227 : f32
      %mul3A_229 = arith.mulf %div3A_218, %div3A_218 : f32
      %add3A_230 = arith.constant 1.000000e-10 : f32
      %add3A_231 = arith.addf %mul3A_229, %add3A_230 : f32
      %div3A_232 = arith.divf %div3A_228, %add3A_231 : f32
      %add3A_233 = arith.addf %div3A_211, %div3A_232 : f32
      %mul3A_234 = arith.constant 0.00999999977 : f32
      %mul3A_235 = arith.mulf %add3A_233, %mul3A_234 : f32
      %reshape3A_236 = vector.broadcast %mul3A_235 : f32 to vector<1x1xf32>
      %swap3A_237 = arith.constant 0 : index
      %swap3A_238 = arith.constant 0 : index
      %swap3A_239 = vector.load %arg13[%swap3A_237, %swap3A_238] : memref<1x1xf32, #tpu.memory_space<vmem>>, vector<1x1xf32>
      tpu.vector_store %arg13[%swap3A_237, %swap3A_238], %reshape3A_236 {strides = array<i32>} : memref<1x1xf32, #tpu.memory_space<vmem>>, vector<1x1xf32>,
    } else {
    }
    return
  }
  func.func @transform_0(%arg0: i32) -> (i32, i32) {
    %c0_i32 = arith.constant 0 : i32
    %c0_i32_0 = arith.constant 0 : i32
    return %arg0, %c0_i32 : i32, i32
  }
  func.func @transform_1(%arg0: i32) -> (i32, i32) {
    %c0_i32 = arith.constant 0 : i32
    %c0_i32_0 = arith.constant 0 : i32
    %c0_i32_1 = arith.constant 0 : i32
    return %c0_i32, %c0_i32_0 : i32, i32
  }
  func.func @transform_2(%arg0: i32) -> (i32, i32) {
    %c0_i32 = arith.constant 0 : i32
    %c0_i32_0 = arith.constant 0 : i32
    %c0_i32_1 = arith.constant 0 : i32
    return %c0_i32, %c0_i32_0 : i32, i32
  }
  func.func @transform_3(%arg0: i32) -> (i32, i32) {
    %c0_i32 = arith.constant 0 : i32
    %c0_i32_0 = arith.constant 0 : i32
    %c0_i32_1 = arith.constant 0 : i32
    return %c0_i32, %c0_i32_0 : i32, i32
  }
  func.func @transform_4(%arg0: i32) -> (i32, i32, i32) {
    %c0_i32 = arith.constant 0 : i32
    %c0_i32_0 = arith.constant 0 : i32
    %c0_i32_1 = arith.constant 0 : i32
    return %arg0, %c0_i32, %c0_i32_0 : i32, i32, i32
  }
  func.func @transform_5(%arg0: i32) -> (i32, i32, i32) {
    %c0_i32 = arith.constant 0 : i32
    %c0_i32_0 = arith.constant 0 : i32
    %c0_i32_1 = arith.constant 0 : i32
    return %arg0, %c0_i32, %c0_i32_0 : i32, i32, i32
  }
  func.func @transform_6(%arg0: i32) -> (i32, i32, i32) {
    %c0_i32 = arith.constant 0 : i32
    %c0_i32_0 = arith.constant 0 : i32
    %c0_i32_1 = arith.constant 0 : i32
    return %arg0, %c0_i32, %c0_i32_0 : i32, i32, i32
  }
  func.func @transform_7(%arg0: i32) -> (i32, i32, i32) {
    %c0_i32 = arith.constant 0 : i32
    %c0_i32_0 = arith.constant 0 : i32
    %c0_i32_1 = arith.constant 0 : i32
    return %arg0, %c0_i32, %c0_i32_0 : i32, i32, i32
  }
  func.func @transform_8(%arg0: i32) -> (i32, i32, i32) {
    %c0_i32 = arith.constant 0 : i32
    %c0_i32_0 = arith.constant 0 : i32
    %c0_i32_1 = arith.constant 0 : i32
    return %arg0, %c0_i32, %c0_i32_0 : i32, i32, i32
  }
  func.func @transform_9(%arg0: i32) -> (i32, i32, i32) {
    %c0_i32 = arith.constant 0 : i32
    %c0_i32_0 = arith.constant 0 : i32
    %c0_i32_1 = arith.constant 0 : i32
    return %arg0, %c0_i32, %c0_i32_0 : i32, i32, i32
  }
  func.func @transform_10(%arg0: i32) -> (i32, i32) {
    %c0_i32 = arith.constant 0 : i32
    %c0_i32_0 = arith.constant 0 : i32
    %c0_i32_1 = arith.constant 0 : i32
    return %c0_i32, %c0_i32_0 : i32, i32
  }
  func.func @transform_11(%arg0: i32) -> (i32, i32) {
    %c0_i32 = arith.constant 0 : i32
    %c0_i32_0 = arith.constant 0 : i32
    %c0_i32_1 = arith.constant 0 : i32
    return %c0_i32, %c0_i32_0 : i32, i32
  }
  func.func @transform_12(%arg0: i32) -> (i32, i32) {
    %c0_i32 = arith.constant 0 : i32
    %c0_i32_0 = arith.constant 0 : i32
    %c0_i32_1 = arith.constant 0 : i32
    return %c0_i32, %c0_i32_0 : i32, i32
  }
  func.func @transform_13(%arg0: i32) -> (i32, i32) {
    %c0_i32 = arith.constant 0 : i32
    %c0_i32_0 = arith.constant 0 : i32
    %c0_i32_1 = arith.constant 0 : i32
    return %c0_i32, %c0_i32_0 : i32, i32
  }
  func.func @transform_14(%arg0: i32) -> (i32, i32) {
    %c0_i32 = arith.constant 0 : i32
    %c0_i32_0 = arith.constant 0 : i32
    %c0_i32_1 = arith.constant 0 : i32
    return %c0_i32, %c0_i32_0 : i32, i32
  }
}

module attributes {stable_mosaic.version = 14 : i64} {
  func.func @_gemm_body_h0(%arg0: i32, %arg1: memref<40xi32, #tpu.memory_space<smem>>, %arg2: memref<256x1024xf32, #tpu.memory_space<vmem>>, %arg3: memref<1x1024x1408xf32, #tpu.memory_space<vmem>>, %arg4: memref<1x1x1408xf32, #tpu.memory_space<vmem>>, %arg5: memref<1x1024x1408xf32, #tpu.memory_space<vmem>>, %arg6: memref<1x1x1408xf32, #tpu.memory_space<vmem>>, %arg7: memref<1x1408x1024xf32, #tpu.memory_space<vmem>>, %arg8: memref<256x1024xf32, #tpu.memory_space<vmem>>) attributes {dimension_semantics = [#tpu.dimension_semantics<arbitrary>], iteration_bounds = array<i64: 20>, scalar_prefetch = 1 : i64, scratch_operands = 0 : i64, tpu.core_type = #tpu.core_type<tc>, window_params = [{transform_indices = @transform_0, window_bounds = array<i64: 256, 1024>}, {transform_indices = @transform_1, window_bounds = array<i64: 1, 1024, 1408>}, {transform_indices = @transform_2, window_bounds = array<i64: 1, 1, 1408>}, {transform_indices = @transform_3, window_bounds = array<i64: 1, 1024, 1408>}, {transform_indices = @transform_4, window_bounds = array<i64: 1, 1, 1408>}, {transform_indices = @transform_5, window_bounds = array<i64: 1, 1408, 1024>}, {transform_indices = @transform_6, window_bounds = array<i64: 256, 1024>}]} {
    %get3A = arith.constant 0 : index
    %get3A_0 = arith.constant 0 : index
    %get3A_1 = vector.load %arg2[%get3A, %get3A_0] : memref<256x1024xf32, #tpu.memory_space<vmem>>, vector<256x1024xf32>
    %get3A_2 = arith.constant 0 : index
    %get3A_3 = arith.constant 0 : index
    %get3A_4 = arith.constant 0 : index
    %get3A_5 = vector.load %arg3[%get3A_2, %get3A_3, %get3A_4] : memref<1x1024x1408xf32, #tpu.memory_space<vmem>>, vector<1x1024x1408xf32>
    %get3A_6 = vector.shape_cast %get3A_5 : vector<1x1024x1408xf32> to vector<1024x1408xf32>
    %dot_general3A = arith.constant dense<0.000000e+00> : vector<256x1408xf32>
    %dot_general3A_7 = tpu.matmul %get3A_1, %get3A_6, %dot_general3A {dimension_numbers = #tpu.dot_dimension_numbers<[1], [0], [0], [1], [0, 0, 1, 1], [], []>, transpose_lhs_hint = false} : vector<256x1024xf32>, vector<1024x1408xf32>, vector<256x1408xf32> -> vector<256x1408xf32>
    %get3A_8 = arith.constant 0 : index
    %get3A_9 = arith.constant 0 : index
    %get3A_10 = arith.constant 0 : index
    %get3A_11 = vector.load %arg4[%get3A_8, %get3A_9, %get3A_10] : memref<1x1x1408xf32, #tpu.memory_space<vmem>>, vector<1x1x1408xf32>
    %get3A_12 = vector.shape_cast %get3A_11 : vector<1x1x1408xf32> to vector<1x1408xf32>
    %add3A = vector.broadcast %get3A_12 : vector<1x1408xf32> to vector<256x1408xf32>
    %add3A_13 = arith.addf %dot_general3A_7, %add3A : vector<256x1408xf32>
    %get3A_14 = arith.constant 0 : index
    %get3A_15 = arith.constant 0 : index
    %get3A_16 = arith.constant 0 : index
    %get3A_17 = vector.load %arg5[%get3A_14, %get3A_15, %get3A_16] : memref<1x1024x1408xf32, #tpu.memory_space<vmem>>, vector<1x1024x1408xf32>
    %get3A_18 = vector.shape_cast %get3A_17 : vector<1x1024x1408xf32> to vector<1024x1408xf32>
    %dot_general3A_19 = arith.constant dense<0.000000e+00> : vector<256x1408xf32>
    %dot_general3A_20 = tpu.matmul %get3A_1, %get3A_18, %dot_general3A_19 {dimension_numbers = #tpu.dot_dimension_numbers<[1], [0], [0], [1], [0, 0, 1, 1], [], []>, transpose_lhs_hint = false} : vector<256x1024xf32>, vector<1024x1408xf32>, vector<256x1408xf32> -> vector<256x1408xf32>
    %get3A_21 = arith.constant 0 : index
    %get3A_22 = arith.constant 0 : index
    %get3A_23 = arith.constant 0 : index
    %get3A_24 = vector.load %arg6[%get3A_21, %get3A_22, %get3A_23] : memref<1x1x1408xf32, #tpu.memory_space<vmem>>, vector<1x1x1408xf32>
    %get3A_25 = vector.shape_cast %get3A_24 : vector<1x1x1408xf32> to vector<1x1408xf32>
    %add3A_26 = vector.broadcast %get3A_25 : vector<1x1408xf32> to vector<256x1408xf32>
    %add3A_27 = arith.addf %dot_general3A_20, %add3A_26 : vector<256x1408xf32>
    %logistic3A = arith.negf %add3A_13 : vector<256x1408xf32>
    %logistic3A_28 = math.exp %logistic3A : vector<256x1408xf32>
    %logistic3A_29 = arith.constant 1.000000e+00 : f32
    %logistic3A_30 = vector.broadcast %logistic3A_29 : f32 to vector<256x1408xf32>
    %logistic3A_31 = arith.addf %logistic3A_30, %logistic3A_28 : vector<256x1408xf32>
    %logistic3A_32 = arith.divf %logistic3A_30, %logistic3A_31 : vector<256x1408xf32>
    %mul3A = arith.mulf %add3A_13, %logistic3A_32 : vector<256x1408xf32>
    %mul3A_33 = arith.mulf %mul3A, %add3A_27 : vector<256x1408xf32>
    %get3A_34 = arith.constant 0 : index
    %get3A_35 = arith.constant 0 : index
    %get3A_36 = arith.constant 0 : index
    %get3A_37 = vector.load %arg7[%get3A_34, %get3A_35, %get3A_36] : memref<1x1408x1024xf32, #tpu.memory_space<vmem>>, vector<1x1408x1024xf32>
    %get3A_38 = vector.shape_cast %get3A_37 : vector<1x1408x1024xf32> to vector<1408x1024xf32>
    %dot_general3A_39 = arith.constant dense<0.000000e+00> : vector<256x1024xf32>
    %dot_general3A_40 = tpu.matmul %mul3A_33, %get3A_38, %dot_general3A_39 {dimension_numbers = #tpu.dot_dimension_numbers<[1], [0], [0], [1], [0, 0, 1, 1], [], []>, transpose_lhs_hint = false} : vector<256x1408xf32>, vector<1408x1024xf32>, vector<256x1024xf32> -> vector<256x1024xf32>
    %swap3A = arith.constant 0 : index
    %swap3A_41 = arith.constant 0 : index
    %swap3A_42 = vector.load %arg8[%swap3A, %swap3A_41] : memref<256x1024xf32, #tpu.memory_space<vmem>>, vector<256x1024xf32>
    tpu.vector_store %arg8[%swap3A, %swap3A_41], %dot_general3A_40 {strides = array<i32>} : memref<256x1024xf32, #tpu.memory_space<vmem>>, vector<256x1024xf32>,
    return
  }
  func.func @transform_0(%arg0: i32, %arg1: memref<40xi32, #tpu.memory_space<smem>>) -> (i32, i32) {
    %c0_i32 = arith.constant 0 : i32
    %c0_i32_0 = arith.constant 0 : i32
    return %arg0, %c0_i32 : i32, i32
  }
  func.func @transform_1(%arg0: i32, %arg1: memref<40xi32, #tpu.memory_space<smem>>) -> (i32, i32, i32) {
    %add3A = arith.constant 0 : i32
    %add3A_0 = arith.addi %add3A, %arg0 : i32
    %get3A = arith.index_cast %add3A_0 : i32 to index
    %get3A_1 = memref.load %arg1[%get3A] : memref<40xi32, #tpu.memory_space<smem>>
    %c0_i32 = arith.constant 0 : i32
    %c0_i32_2 = arith.constant 0 : i32
    %c0_i32_3 = arith.constant 0 : i32
    return %get3A_1, %c0_i32, %c0_i32_2 : i32, i32, i32
  }
  func.func @transform_2(%arg0: i32, %arg1: memref<40xi32, #tpu.memory_space<smem>>) -> (i32, i32, i32) {
    %add3A = arith.constant 0 : i32
    %add3A_0 = arith.addi %add3A, %arg0 : i32
    %get3A = arith.index_cast %add3A_0 : i32 to index
    %get3A_1 = memref.load %arg1[%get3A] : memref<40xi32, #tpu.memory_space<smem>>
    %c0_i32 = arith.constant 0 : i32
    %c0_i32_2 = arith.constant 0 : i32
    %c0_i32_3 = arith.constant 0 : i32
    return %get3A_1, %c0_i32, %c0_i32_2 : i32, i32, i32
  }
  func.func @transform_3(%arg0: i32, %arg1: memref<40xi32, #tpu.memory_space<smem>>) -> (i32, i32, i32) {
    %add3A = arith.constant 0 : i32
    %add3A_0 = arith.addi %add3A, %arg0 : i32
    %get3A = arith.index_cast %add3A_0 : i32 to index
    %get3A_1 = memref.load %arg1[%get3A] : memref<40xi32, #tpu.memory_space<smem>>
    %c0_i32 = arith.constant 0 : i32
    %c0_i32_2 = arith.constant 0 : i32
    %c0_i32_3 = arith.constant 0 : i32
    return %get3A_1, %c0_i32, %c0_i32_2 : i32, i32, i32
  }
  func.func @transform_4(%arg0: i32, %arg1: memref<40xi32, #tpu.memory_space<smem>>) -> (i32, i32, i32) {
    %add3A = arith.constant 0 : i32
    %add3A_0 = arith.addi %add3A, %arg0 : i32
    %get3A = arith.index_cast %add3A_0 : i32 to index
    %get3A_1 = memref.load %arg1[%get3A] : memref<40xi32, #tpu.memory_space<smem>>
    %c0_i32 = arith.constant 0 : i32
    %c0_i32_2 = arith.constant 0 : i32
    %c0_i32_3 = arith.constant 0 : i32
    return %get3A_1, %c0_i32, %c0_i32_2 : i32, i32, i32
  }
  func.func @transform_5(%arg0: i32, %arg1: memref<40xi32, #tpu.memory_space<smem>>) -> (i32, i32, i32) {
    %add3A = arith.constant 0 : i32
    %add3A_0 = arith.addi %add3A, %arg0 : i32
    %get3A = arith.index_cast %add3A_0 : i32 to index
    %get3A_1 = memref.load %arg1[%get3A] : memref<40xi32, #tpu.memory_space<smem>>
    %c0_i32 = arith.constant 0 : i32
    %c0_i32_2 = arith.constant 0 : i32
    %c0_i32_3 = arith.constant 0 : i32
    return %get3A_1, %c0_i32, %c0_i32_2 : i32, i32, i32
  }
  func.func @transform_6(%arg0: i32, %arg1: memref<40xi32, #tpu.memory_space<smem>>) -> (i32, i32) {
    %add3A = arith.constant 0 : i32
    %add3A_0 = arith.addi %add3A, %arg0 : i32
    %c0_i32 = arith.constant 0 : i32
    %c0_i32_1 = arith.constant 0 : i32
    return %add3A_0, %c0_i32 : i32, i32
  }
}

module attributes {stable_mosaic.version = 14 : i64} {
  func.func @_gemm_body_h0(%arg0: i32, %arg1: memref<40xi32, #tpu.memory_space<smem>>, %arg2: memref<256x1024xf32, #tpu.memory_space<vmem>>, %arg3: memref<1x1024x1408xf32, #tpu.memory_space<vmem>>, %arg4: memref<1x1x1408xf32, #tpu.memory_space<vmem>>, %arg5: memref<1x1024x1408xf32, #tpu.memory_space<vmem>>, %arg6: memref<1x1x1408xf32, #tpu.memory_space<vmem>>, %arg7: memref<1x1408x1024xf32, #tpu.memory_space<vmem>>, %arg8: memref<256x1024xf32, #tpu.memory_space<vmem>>, %arg9: memref<256x1024xf32, #tpu.memory_space<vmem>>) attributes {dimension_semantics = [#tpu.dimension_semantics<arbitrary>], iteration_bounds = array<i64: 20>, scalar_prefetch = 1 : i64, scratch_operands = 0 : i64, tpu.core_type = #tpu.core_type<tc>, window_params = [{transform_indices = @transform_0, window_bounds = array<i64: 256, 1024>}, {transform_indices = @transform_1, window_bounds = array<i64: 1, 1024, 1408>}, {transform_indices = @transform_2, window_bounds = array<i64: 1, 1, 1408>}, {transform_indices = @transform_3, window_bounds = array<i64: 1, 1024, 1408>}, {transform_indices = @transform_4, window_bounds = array<i64: 1, 1, 1408>}, {transform_indices = @transform_5, window_bounds = array<i64: 1, 1408, 1024>}, {transform_indices = @transform_6, window_bounds = array<i64: 256, 1024>}, {transform_indices = @transform_7, window_bounds = array<i64: 256, 1024>}]} {
    %get3A = arith.constant 0 : index
    %get3A_0 = arith.constant 0 : index
    %get3A_1 = vector.load %arg2[%get3A, %get3A_0] : memref<256x1024xf32, #tpu.memory_space<vmem>>, vector<256x1024xf32>
    %get3A_2 = arith.constant 0 : index
    %get3A_3 = arith.constant 0 : index
    %get3A_4 = arith.constant 0 : index
    %get3A_5 = vector.load %arg3[%get3A_2, %get3A_3, %get3A_4] : memref<1x1024x1408xf32, #tpu.memory_space<vmem>>, vector<1x1024x1408xf32>
    %get3A_6 = vector.shape_cast %get3A_5 : vector<1x1024x1408xf32> to vector<1024x1408xf32>
    %dot_general3A = arith.constant dense<0.000000e+00> : vector<256x1408xf32>
    %dot_general3A_7 = tpu.matmul %get3A_1, %get3A_6, %dot_general3A {dimension_numbers = #tpu.dot_dimension_numbers<[1], [0], [0], [1], [0, 0, 1, 1], [], []>, transpose_lhs_hint = false} : vector<256x1024xf32>, vector<1024x1408xf32>, vector<256x1408xf32> -> vector<256x1408xf32>
    %get3A_8 = arith.constant 0 : index
    %get3A_9 = arith.constant 0 : index
    %get3A_10 = arith.constant 0 : index
    %get3A_11 = vector.load %arg4[%get3A_8, %get3A_9, %get3A_10] : memref<1x1x1408xf32, #tpu.memory_space<vmem>>, vector<1x1x1408xf32>
    %get3A_12 = vector.shape_cast %get3A_11 : vector<1x1x1408xf32> to vector<1x1408xf32>
    %add3A = vector.broadcast %get3A_12 : vector<1x1408xf32> to vector<256x1408xf32>
    %add3A_13 = arith.addf %dot_general3A_7, %add3A : vector<256x1408xf32>
    %get3A_14 = arith.constant 0 : index
    %get3A_15 = arith.constant 0 : index
    %get3A_16 = arith.constant 0 : index
    %get3A_17 = vector.load %arg5[%get3A_14, %get3A_15, %get3A_16] : memref<1x1024x1408xf32, #tpu.memory_space<vmem>>, vector<1x1024x1408xf32>
    %get3A_18 = vector.shape_cast %get3A_17 : vector<1x1024x1408xf32> to vector<1024x1408xf32>
    %dot_general3A_19 = arith.constant dense<0.000000e+00> : vector<256x1408xf32>
    %dot_general3A_20 = tpu.matmul %get3A_1, %get3A_18, %dot_general3A_19 {dimension_numbers = #tpu.dot_dimension_numbers<[1], [0], [0], [1], [0, 0, 1, 1], [], []>, transpose_lhs_hint = false} : vector<256x1024xf32>, vector<1024x1408xf32>, vector<256x1408xf32> -> vector<256x1408xf32>
    %get3A_21 = arith.constant 0 : index
    %get3A_22 = arith.constant 0 : index
    %get3A_23 = arith.constant 0 : index
    %get3A_24 = vector.load %arg6[%get3A_21, %get3A_22, %get3A_23] : memref<1x1x1408xf32, #tpu.memory_space<vmem>>, vector<1x1x1408xf32>
    %get3A_25 = vector.shape_cast %get3A_24 : vector<1x1x1408xf32> to vector<1x1408xf32>
    %add3A_26 = vector.broadcast %get3A_25 : vector<1x1408xf32> to vector<256x1408xf32>
    %add3A_27 = arith.addf %dot_general3A_20, %add3A_26 : vector<256x1408xf32>
    %logistic3A = arith.negf %add3A_13 : vector<256x1408xf32>
    %logistic3A_28 = math.exp %logistic3A : vector<256x1408xf32>
    %logistic3A_29 = arith.constant 1.000000e+00 : f32
    %logistic3A_30 = vector.broadcast %logistic3A_29 : f32 to vector<256x1408xf32>
    %logistic3A_31 = arith.addf %logistic3A_30, %logistic3A_28 : vector<256x1408xf32>
    %logistic3A_32 = arith.divf %logistic3A_30, %logistic3A_31 : vector<256x1408xf32>
    %mul3A = arith.mulf %add3A_13, %logistic3A_32 : vector<256x1408xf32>
    %mul3A_33 = arith.mulf %mul3A, %add3A_27 : vector<256x1408xf32>
    %get3A_34 = arith.constant 0 : index
    %get3A_35 = arith.constant 0 : index
    %get3A_36 = arith.constant 0 : index
    %get3A_37 = vector.load %arg7[%get3A_34, %get3A_35, %get3A_36] : memref<1x1408x1024xf32, #tpu.memory_space<vmem>>, vector<1x1408x1024xf32>
    %get3A_38 = vector.shape_cast %get3A_37 : vector<1x1408x1024xf32> to vector<1408x1024xf32>
    %dot_general3A_39 = arith.constant dense<0.000000e+00> : vector<256x1024xf32>
    %dot_general3A_40 = tpu.matmul %mul3A_33, %get3A_38, %dot_general3A_39 {dimension_numbers = #tpu.dot_dimension_numbers<[1], [0], [0], [1], [0, 0, 1, 1], [], []>, transpose_lhs_hint = false} : vector<256x1408xf32>, vector<1408x1024xf32>, vector<256x1024xf32> -> vector<256x1024xf32>
    %swap3A = arith.constant 0 : index
    %swap3A_41 = arith.constant 0 : index
    %swap3A_42 = vector.load %arg9[%swap3A, %swap3A_41] : memref<256x1024xf32, #tpu.memory_space<vmem>>, vector<256x1024xf32>
    tpu.vector_store %arg9[%swap3A, %swap3A_41], %dot_general3A_40 {strides = array<i32>} : memref<256x1024xf32, #tpu.memory_space<vmem>>, vector<256x1024xf32>,
    return
  }
  func.func @transform_0(%arg0: i32, %arg1: memref<40xi32, #tpu.memory_space<smem>>) -> (i32, i32) {
    %c0_i32 = arith.constant 0 : i32
    %c0_i32_0 = arith.constant 0 : i32
    return %arg0, %c0_i32 : i32, i32
  }
  func.func @transform_1(%arg0: i32, %arg1: memref<40xi32, #tpu.memory_space<smem>>) -> (i32, i32, i32) {
    %add3A = arith.constant 20 : i32
    %add3A_0 = arith.addi %add3A, %arg0 : i32
    %get3A = arith.index_cast %add3A_0 : i32 to index
    %get3A_1 = memref.load %arg1[%get3A] : memref<40xi32, #tpu.memory_space<smem>>
    %c0_i32 = arith.constant 0 : i32
    %c0_i32_2 = arith.constant 0 : i32
    %c0_i32_3 = arith.constant 0 : i32
    return %get3A_1, %c0_i32, %c0_i32_2 : i32, i32, i32
  }
  func.func @transform_2(%arg0: i32, %arg1: memref<40xi32, #tpu.memory_space<smem>>) -> (i32, i32, i32) {
    %add3A = arith.constant 20 : i32
    %add3A_0 = arith.addi %add3A, %arg0 : i32
    %get3A = arith.index_cast %add3A_0 : i32 to index
    %get3A_1 = memref.load %arg1[%get3A] : memref<40xi32, #tpu.memory_space<smem>>
    %c0_i32 = arith.constant 0 : i32
    %c0_i32_2 = arith.constant 0 : i32
    %c0_i32_3 = arith.constant 0 : i32
    return %get3A_1, %c0_i32, %c0_i32_2 : i32, i32, i32
  }
  func.func @transform_3(%arg0: i32, %arg1: memref<40xi32, #tpu.memory_space<smem>>) -> (i32, i32, i32) {
    %add3A = arith.constant 20 : i32
    %add3A_0 = arith.addi %add3A, %arg0 : i32
    %get3A = arith.index_cast %add3A_0 : i32 to index
    %get3A_1 = memref.load %arg1[%get3A] : memref<40xi32, #tpu.memory_space<smem>>
    %c0_i32 = arith.constant 0 : i32
    %c0_i32_2 = arith.constant 0 : i32
    %c0_i32_3 = arith.constant 0 : i32
    return %get3A_1, %c0_i32, %c0_i32_2 : i32, i32, i32
  }
  func.func @transform_4(%arg0: i32, %arg1: memref<40xi32, #tpu.memory_space<smem>>) -> (i32, i32, i32) {
    %add3A = arith.constant 20 : i32
    %add3A_0 = arith.addi %add3A, %arg0 : i32
    %get3A = arith.index_cast %add3A_0 : i32 to index
    %get3A_1 = memref.load %arg1[%get3A] : memref<40xi32, #tpu.memory_space<smem>>
    %c0_i32 = arith.constant 0 : i32
    %c0_i32_2 = arith.constant 0 : i32
    %c0_i32_3 = arith.constant 0 : i32
    return %get3A_1, %c0_i32, %c0_i32_2 : i32, i32, i32
  }
  func.func @transform_5(%arg0: i32, %arg1: memref<40xi32, #tpu.memory_space<smem>>) -> (i32, i32, i32) {
    %add3A = arith.constant 20 : i32
    %add3A_0 = arith.addi %add3A, %arg0 : i32
    %get3A = arith.index_cast %add3A_0 : i32 to index
    %get3A_1 = memref.load %arg1[%get3A] : memref<40xi32, #tpu.memory_space<smem>>
    %c0_i32 = arith.constant 0 : i32
    %c0_i32_2 = arith.constant 0 : i32
    %c0_i32_3 = arith.constant 0 : i32
    return %get3A_1, %c0_i32, %c0_i32_2 : i32, i32, i32
  }
  func.func @transform_6(%arg0: i32, %arg1: memref<40xi32, #tpu.memory_space<smem>>) -> (i32, i32) {
    %add3A = arith.constant 20 : i32
    %add3A_0 = arith.addi %add3A, %arg0 : i32
    %c0_i32 = arith.constant 0 : i32
    %c0_i32_1 = arith.constant 0 : i32
    return %add3A_0, %c0_i32 : i32, i32
  }
  func.func @transform_7(%arg0: i32, %arg1: memref<40xi32, #tpu.memory_space<smem>>) -> (i32, i32) {
    %add3A = arith.constant 20 : i32
    %add3A_0 = arith.addi %add3A, %arg0 : i32
    %c0_i32 = arith.constant 0 : i32
    %c0_i32_1 = arith.constant 0 : i32
    return %add3A_0, %c0_i32 : i32, i32
  }
}

module attributes {stable_mosaic.version = 14 : i64} {
  func.func @_gemm_body_h1(%arg0: i32, %arg1: memref<40xi32, #tpu.memory_space<smem>>, %arg2: memref<256x1024xf32, #tpu.memory_space<vmem>>, %arg3: memref<1x1024x1408xf32, #tpu.memory_space<vmem>>, %arg4: memref<1x1x1408xf32, #tpu.memory_space<vmem>>, %arg5: memref<1x1024x1408xf32, #tpu.memory_space<vmem>>, %arg6: memref<1x1x1408xf32, #tpu.memory_space<vmem>>, %arg7: memref<1x1408x1024xf32, #tpu.memory_space<vmem>>, %arg8: memref<1x1x1024xf32, #tpu.memory_space<vmem>>, %arg9: memref<1x1x256xf32, #tpu.memory_space<vmem>>, %arg10: memref<256x1024xf32, #tpu.memory_space<vmem>>, %arg11: memref<256x1024xf32, #tpu.memory_space<vmem>>) attributes {dimension_semantics = [#tpu.dimension_semantics<arbitrary>], iteration_bounds = array<i64: 20>, scalar_prefetch = 1 : i64, scratch_operands = 0 : i64, tpu.core_type = #tpu.core_type<tc>, window_params = [{transform_indices = @transform_0, window_bounds = array<i64: 256, 1024>}, {transform_indices = @transform_1, window_bounds = array<i64: 1, 1024, 1408>}, {transform_indices = @transform_2, window_bounds = array<i64: 1, 1, 1408>}, {transform_indices = @transform_3, window_bounds = array<i64: 1, 1024, 1408>}, {transform_indices = @transform_4, window_bounds = array<i64: 1, 1, 1408>}, {transform_indices = @transform_5, window_bounds = array<i64: 1, 1408, 1024>}, {transform_indices = @transform_6, window_bounds = array<i64: 1, 1, 1024>}, {transform_indices = @transform_7, window_bounds = array<i64: 1, 1, 256>}, {transform_indices = @transform_8, window_bounds = array<i64: 256, 1024>}, {transform_indices = @transform_9, window_bounds = array<i64: 256, 1024>}]} {
    %get3A = arith.constant 0 : index
    %get3A_0 = arith.constant 0 : index
    %get3A_1 = vector.load %arg2[%get3A, %get3A_0] : memref<256x1024xf32, #tpu.memory_space<vmem>>, vector<256x1024xf32>
    %get3A_2 = arith.constant 0 : index
    %get3A_3 = arith.constant 0 : index
    %get3A_4 = arith.constant 0 : index
    %get3A_5 = vector.load %arg3[%get3A_2, %get3A_3, %get3A_4] : memref<1x1024x1408xf32, #tpu.memory_space<vmem>>, vector<1x1024x1408xf32>
    %get3A_6 = vector.shape_cast %get3A_5 : vector<1x1024x1408xf32> to vector<1024x1408xf32>
    %dot_general3A = arith.constant dense<0.000000e+00> : vector<256x1408xf32>
    %dot_general3A_7 = tpu.matmul %get3A_1, %get3A_6, %dot_general3A {dimension_numbers = #tpu.dot_dimension_numbers<[1], [0], [0], [1], [0, 0, 1, 1], [], []>, transpose_lhs_hint = false} : vector<256x1024xf32>, vector<1024x1408xf32>, vector<256x1408xf32> -> vector<256x1408xf32>
    %get3A_8 = arith.constant 0 : index
    %get3A_9 = arith.constant 0 : index
    %get3A_10 = arith.constant 0 : index
    %get3A_11 = vector.load %arg4[%get3A_8, %get3A_9, %get3A_10] : memref<1x1x1408xf32, #tpu.memory_space<vmem>>, vector<1x1x1408xf32>
    %get3A_12 = vector.shape_cast %get3A_11 : vector<1x1x1408xf32> to vector<1x1408xf32>
    %add3A = vector.broadcast %get3A_12 : vector<1x1408xf32> to vector<256x1408xf32>
    %add3A_13 = arith.addf %dot_general3A_7, %add3A : vector<256x1408xf32>
    %get3A_14 = arith.constant 0 : index
    %get3A_15 = arith.constant 0 : index
    %get3A_16 = arith.constant 0 : index
    %get3A_17 = vector.load %arg5[%get3A_14, %get3A_15, %get3A_16] : memref<1x1024x1408xf32, #tpu.memory_space<vmem>>, vector<1x1024x1408xf32>
    %get3A_18 = vector.shape_cast %get3A_17 : vector<1x1024x1408xf32> to vector<1024x1408xf32>
    %dot_general3A_19 = arith.constant dense<0.000000e+00> : vector<256x1408xf32>
    %dot_general3A_20 = tpu.matmul %get3A_1, %get3A_18, %dot_general3A_19 {dimension_numbers = #tpu.dot_dimension_numbers<[1], [0], [0], [1], [0, 0, 1, 1], [], []>, transpose_lhs_hint = false} : vector<256x1024xf32>, vector<1024x1408xf32>, vector<256x1408xf32> -> vector<256x1408xf32>
    %get3A_21 = arith.constant 0 : index
    %get3A_22 = arith.constant 0 : index
    %get3A_23 = arith.constant 0 : index
    %get3A_24 = vector.load %arg6[%get3A_21, %get3A_22, %get3A_23] : memref<1x1x1408xf32, #tpu.memory_space<vmem>>, vector<1x1x1408xf32>
    %get3A_25 = vector.shape_cast %get3A_24 : vector<1x1x1408xf32> to vector<1x1408xf32>
    %add3A_26 = vector.broadcast %get3A_25 : vector<1x1408xf32> to vector<256x1408xf32>
    %add3A_27 = arith.addf %dot_general3A_20, %add3A_26 : vector<256x1408xf32>
    %logistic3A = arith.negf %add3A_13 : vector<256x1408xf32>
    %logistic3A_28 = math.exp %logistic3A : vector<256x1408xf32>
    %logistic3A_29 = arith.constant 1.000000e+00 : f32
    %logistic3A_30 = vector.broadcast %logistic3A_29 : f32 to vector<256x1408xf32>
    %logistic3A_31 = arith.addf %logistic3A_30, %logistic3A_28 : vector<256x1408xf32>
    %logistic3A_32 = arith.divf %logistic3A_30, %logistic3A_31 : vector<256x1408xf32>
    %mul3A = arith.mulf %add3A_13, %logistic3A_32 : vector<256x1408xf32>
    %mul3A_33 = arith.mulf %mul3A, %add3A_27 : vector<256x1408xf32>
    %get3A_34 = arith.constant 0 : index
    %get3A_35 = arith.constant 0 : index
    %get3A_36 = arith.constant 0 : index
    %get3A_37 = vector.load %arg7[%get3A_34, %get3A_35, %get3A_36] : memref<1x1408x1024xf32, #tpu.memory_space<vmem>>, vector<1x1408x1024xf32>
    %get3A_38 = vector.shape_cast %get3A_37 : vector<1x1408x1024xf32> to vector<1408x1024xf32>
    %dot_general3A_39 = arith.constant dense<0.000000e+00> : vector<256x1024xf32>
    %dot_general3A_40 = tpu.matmul %mul3A_33, %get3A_38, %dot_general3A_39 {dimension_numbers = #tpu.dot_dimension_numbers<[1], [0], [0], [1], [0, 0, 1, 1], [], []>, transpose_lhs_hint = false} : vector<256x1408xf32>, vector<1408x1024xf32>, vector<256x1024xf32> -> vector<256x1024xf32>
    %get3A_41 = arith.constant 0 : index
    %get3A_42 = arith.constant 0 : index
    %get3A_43 = arith.constant 0 : index
    %get3A_44 = vector.load %arg9[%get3A_41, %get3A_42, %get3A_43] : memref<1x1x256xf32, #tpu.memory_space<vmem>>, vector<1x1x256xf32>
    %get3A_45 = vector.shape_cast %get3A_44 : vector<1x1x256xf32> to vector<256xf32>
    %broadcast_in_dim3A = vector.shape_cast %get3A_45 : vector<256xf32> to vector<256x1xf32>
    %get3A_46 = arith.constant 0 : index
    %get3A_47 = arith.constant 0 : index
    %get3A_48 = vector.load %arg10[%get3A_46, %get3A_47] : memref<256x1024xf32, #tpu.memory_space<vmem>>, vector<256x1024xf32>
    %add3A_49 = arith.addf %get3A_48, %dot_general3A_40 : vector<256x1024xf32>
    %get3A_50 = arith.constant 0 : index
    %get3A_51 = arith.constant 0 : index
    %get3A_52 = arith.constant 0 : index
    %get3A_53 = vector.load %arg8[%get3A_50, %get3A_51, %get3A_52] : memref<1x1x1024xf32, #tpu.memory_space<vmem>>, vector<1x1x1024xf32>
    %get3A_54 = vector.shape_cast %get3A_53 : vector<1x1x1024xf32> to vector<1x1024xf32>
    %add3A_55 = vector.broadcast %get3A_54 : vector<1x1024xf32> to vector<256x1024xf32>
    %add3A_56 = arith.addf %add3A_49, %add3A_55 : vector<256x1024xf32>
    %mul3A_57 = vector.broadcast %broadcast_in_dim3A : vector<256x1xf32> to vector<256x1024xf32>
    %mul3A_58 = arith.mulf %add3A_56, %mul3A_57 : vector<256x1024xf32>
    %swap3A = arith.constant 0 : index
    %swap3A_59 = arith.constant 0 : index
    %swap3A_60 = vector.load %arg11[%swap3A, %swap3A_59] : memref<256x1024xf32, #tpu.memory_space<vmem>>, vector<256x1024xf32>
    tpu.vector_store %arg11[%swap3A, %swap3A_59], %mul3A_58 {strides = array<i32>} : memref<256x1024xf32, #tpu.memory_space<vmem>>, vector<256x1024xf32>,
    return
  }
  func.func @transform_0(%arg0: i32, %arg1: memref<40xi32, #tpu.memory_space<smem>>) -> (i32, i32) {
    %c0_i32 = arith.constant 0 : i32
    %c0_i32_0 = arith.constant 0 : i32
    return %arg0, %c0_i32 : i32, i32
  }
  func.func @transform_1(%arg0: i32, %arg1: memref<40xi32, #tpu.memory_space<smem>>) -> (i32, i32, i32) {
    %add3A = arith.constant 0 : i32
    %add3A_0 = arith.addi %add3A, %arg0 : i32
    %get3A = arith.index_cast %add3A_0 : i32 to index
    %get3A_1 = memref.load %arg1[%get3A] : memref<40xi32, #tpu.memory_space<smem>>
    %c0_i32 = arith.constant 0 : i32
    %c1_i32 = arith.constant 1 : i32
    %c0_i32_2 = arith.constant 0 : i32
    return %get3A_1, %c0_i32, %c1_i32 : i32, i32, i32
  }
  func.func @transform_2(%arg0: i32, %arg1: memref<40xi32, #tpu.memory_space<smem>>) -> (i32, i32, i32) {
    %add3A = arith.constant 0 : i32
    %add3A_0 = arith.addi %add3A, %arg0 : i32
    %get3A = arith.index_cast %add3A_0 : i32 to index
    %get3A_1 = memref.load %arg1[%get3A] : memref<40xi32, #tpu.memory_space<smem>>
    %c0_i32 = arith.constant 0 : i32
    %c1_i32 = arith.constant 1 : i32
    %c0_i32_2 = arith.constant 0 : i32
    return %get3A_1, %c0_i32, %c1_i32 : i32, i32, i32
  }
  func.func @transform_3(%arg0: i32, %arg1: memref<40xi32, #tpu.memory_space<smem>>) -> (i32, i32, i32) {
    %add3A = arith.constant 0 : i32
    %add3A_0 = arith.addi %add3A, %arg0 : i32
    %get3A = arith.index_cast %add3A_0 : i32 to index
    %get3A_1 = memref.load %arg1[%get3A] : memref<40xi32, #tpu.memory_space<smem>>
    %c0_i32 = arith.constant 0 : i32
    %c1_i32 = arith.constant 1 : i32
    %c0_i32_2 = arith.constant 0 : i32
    return %get3A_1, %c0_i32, %c1_i32 : i32, i32, i32
  }
  func.func @transform_4(%arg0: i32, %arg1: memref<40xi32, #tpu.memory_space<smem>>) -> (i32, i32, i32) {
    %add3A = arith.constant 0 : i32
    %add3A_0 = arith.addi %add3A, %arg0 : i32
    %get3A = arith.index_cast %add3A_0 : i32 to index
    %get3A_1 = memref.load %arg1[%get3A] : memref<40xi32, #tpu.memory_space<smem>>
    %c0_i32 = arith.constant 0 : i32
    %c1_i32 = arith.constant 1 : i32
    %c0_i32_2 = arith.constant 0 : i32
    return %get3A_1, %c0_i32, %c1_i32 : i32, i32, i32
  }
  func.func @transform_5(%arg0: i32, %arg1: memref<40xi32, #tpu.memory_space<smem>>) -> (i32, i32, i32) {
    %add3A = arith.constant 0 : i32
    %add3A_0 = arith.addi %add3A, %arg0 : i32
    %get3A = arith.index_cast %add3A_0 : i32 to index
    %get3A_1 = memref.load %arg1[%get3A] : memref<40xi32, #tpu.memory_space<smem>>
    %c1_i32 = arith.constant 1 : i32
    %c0_i32 = arith.constant 0 : i32
    %c0_i32_2 = arith.constant 0 : i32
    return %get3A_1, %c1_i32, %c0_i32 : i32, i32, i32
  }
  func.func @transform_6(%arg0: i32, %arg1: memref<40xi32, #tpu.memory_space<smem>>) -> (i32, i32, i32) {
    %add3A = arith.constant 0 : i32
    %add3A_0 = arith.addi %add3A, %arg0 : i32
    %get3A = arith.index_cast %add3A_0 : i32 to index
    %get3A_1 = memref.load %arg1[%get3A] : memref<40xi32, #tpu.memory_space<smem>>
    %c0_i32 = arith.constant 0 : i32
    %c0_i32_2 = arith.constant 0 : i32
    %c0_i32_3 = arith.constant 0 : i32
    return %get3A_1, %c0_i32, %c0_i32_2 : i32, i32, i32
  }
  func.func @transform_7(%arg0: i32, %arg1: memref<40xi32, #tpu.memory_space<smem>>) -> (i32, i32, i32) {
    %add3A = arith.constant 0 : i32
    %add3A_0 = arith.addi %add3A, %arg0 : i32
    %c0_i32 = arith.constant 0 : i32
    %c0_i32_1 = arith.constant 0 : i32
    %c0_i32_2 = arith.constant 0 : i32
    return %add3A_0, %c0_i32, %c0_i32_1 : i32, i32, i32
  }
  func.func @transform_8(%arg0: i32, %arg1: memref<40xi32, #tpu.memory_space<smem>>) -> (i32, i32) {
    %add3A = arith.constant 0 : i32
    %add3A_0 = arith.addi %add3A, %arg0 : i32
    %c0_i32 = arith.constant 0 : i32
    %c0_i32_1 = arith.constant 0 : i32
    return %add3A_0, %c0_i32 : i32, i32
  }
  func.func @transform_9(%arg0: i32, %arg1: memref<40xi32, #tpu.memory_space<smem>>) -> (i32, i32) {
    %add3A = arith.constant 0 : i32
    %add3A_0 = arith.addi %add3A, %arg0 : i32
    %c0_i32 = arith.constant 0 : i32
    %c0_i32_1 = arith.constant 0 : i32
    return %add3A_0, %c0_i32 : i32, i32
  }
}

module attributes {stable_mosaic.version = 14 : i64} {
  func.func @_gemm_body_h1(%arg0: i32, %arg1: memref<40xi32, #tpu.memory_space<smem>>, %arg2: memref<256x1024xf32, #tpu.memory_space<vmem>>, %arg3: memref<1x1024x1408xf32, #tpu.memory_space<vmem>>, %arg4: memref<1x1x1408xf32, #tpu.memory_space<vmem>>, %arg5: memref<1x1024x1408xf32, #tpu.memory_space<vmem>>, %arg6: memref<1x1x1408xf32, #tpu.memory_space<vmem>>, %arg7: memref<1x1408x1024xf32, #tpu.memory_space<vmem>>, %arg8: memref<1x1x1024xf32, #tpu.memory_space<vmem>>, %arg9: memref<1x1x256xf32, #tpu.memory_space<vmem>>, %arg10: memref<256x1024xf32, #tpu.memory_space<vmem>>, %arg11: memref<256x1024xf32, #tpu.memory_space<vmem>>) attributes {dimension_semantics = [#tpu.dimension_semantics<arbitrary>], iteration_bounds = array<i64: 20>, scalar_prefetch = 1 : i64, scratch_operands = 0 : i64, tpu.core_type = #tpu.core_type<tc>, window_params = [{transform_indices = @transform_0, window_bounds = array<i64: 256, 1024>}, {transform_indices = @transform_1, window_bounds = array<i64: 1, 1024, 1408>}, {transform_indices = @transform_2, window_bounds = array<i64: 1, 1, 1408>}, {transform_indices = @transform_3, window_bounds = array<i64: 1, 1024, 1408>}, {transform_indices = @transform_4, window_bounds = array<i64: 1, 1, 1408>}, {transform_indices = @transform_5, window_bounds = array<i64: 1, 1408, 1024>}, {transform_indices = @transform_6, window_bounds = array<i64: 1, 1, 1024>}, {transform_indices = @transform_7, window_bounds = array<i64: 1, 1, 256>}, {transform_indices = @transform_8, window_bounds = array<i64: 256, 1024>}, {transform_indices = @transform_9, window_bounds = array<i64: 256, 1024>}]} {
    %get3A = arith.constant 0 : index
    %get3A_0 = arith.constant 0 : index
    %get3A_1 = vector.load %arg2[%get3A, %get3A_0] : memref<256x1024xf32, #tpu.memory_space<vmem>>, vector<256x1024xf32>
    %get3A_2 = arith.constant 0 : index
    %get3A_3 = arith.constant 0 : index
    %get3A_4 = arith.constant 0 : index
    %get3A_5 = vector.load %arg3[%get3A_2, %get3A_3, %get3A_4] : memref<1x1024x1408xf32, #tpu.memory_space<vmem>>, vector<1x1024x1408xf32>
    %get3A_6 = vector.shape_cast %get3A_5 : vector<1x1024x1408xf32> to vector<1024x1408xf32>
    %dot_general3A = arith.constant dense<0.000000e+00> : vector<256x1408xf32>
    %dot_general3A_7 = tpu.matmul %get3A_1, %get3A_6, %dot_general3A {dimension_numbers = #tpu.dot_dimension_numbers<[1], [0], [0], [1], [0, 0, 1, 1], [], []>, transpose_lhs_hint = false} : vector<256x1024xf32>, vector<1024x1408xf32>, vector<256x1408xf32> -> vector<256x1408xf32>
    %get3A_8 = arith.constant 0 : index
    %get3A_9 = arith.constant 0 : index
    %get3A_10 = arith.constant 0 : index
    %get3A_11 = vector.load %arg4[%get3A_8, %get3A_9, %get3A_10] : memref<1x1x1408xf32, #tpu.memory_space<vmem>>, vector<1x1x1408xf32>
    %get3A_12 = vector.shape_cast %get3A_11 : vector<1x1x1408xf32> to vector<1x1408xf32>
    %add3A = vector.broadcast %get3A_12 : vector<1x1408xf32> to vector<256x1408xf32>
    %add3A_13 = arith.addf %dot_general3A_7, %add3A : vector<256x1408xf32>
    %get3A_14 = arith.constant 0 : index
    %get3A_15 = arith.constant 0 : index
    %get3A_16 = arith.constant 0 : index
    %get3A_17 = vector.load %arg5[%get3A_14, %get3A_15, %get3A_16] : memref<1x1024x1408xf32, #tpu.memory_space<vmem>>, vector<1x1024x1408xf32>
    %get3A_18 = vector.shape_cast %get3A_17 : vector<1x1024x1408xf32> to vector<1024x1408xf32>
    %dot_general3A_19 = arith.constant dense<0.000000e+00> : vector<256x1408xf32>
    %dot_general3A_20 = tpu.matmul %get3A_1, %get3A_18, %dot_general3A_19 {dimension_numbers = #tpu.dot_dimension_numbers<[1], [0], [0], [1], [0, 0, 1, 1], [], []>, transpose_lhs_hint = false} : vector<256x1024xf32>, vector<1024x1408xf32>, vector<256x1408xf32> -> vector<256x1408xf32>
    %get3A_21 = arith.constant 0 : index
    %get3A_22 = arith.constant 0 : index
    %get3A_23 = arith.constant 0 : index
    %get3A_24 = vector.load %arg6[%get3A_21, %get3A_22, %get3A_23] : memref<1x1x1408xf32, #tpu.memory_space<vmem>>, vector<1x1x1408xf32>
    %get3A_25 = vector.shape_cast %get3A_24 : vector<1x1x1408xf32> to vector<1x1408xf32>
    %add3A_26 = vector.broadcast %get3A_25 : vector<1x1408xf32> to vector<256x1408xf32>
    %add3A_27 = arith.addf %dot_general3A_20, %add3A_26 : vector<256x1408xf32>
    %logistic3A = arith.negf %add3A_13 : vector<256x1408xf32>
    %logistic3A_28 = math.exp %logistic3A : vector<256x1408xf32>
    %logistic3A_29 = arith.constant 1.000000e+00 : f32
    %logistic3A_30 = vector.broadcast %logistic3A_29 : f32 to vector<256x1408xf32>
    %logistic3A_31 = arith.addf %logistic3A_30, %logistic3A_28 : vector<256x1408xf32>
    %logistic3A_32 = arith.divf %logistic3A_30, %logistic3A_31 : vector<256x1408xf32>
    %mul3A = arith.mulf %add3A_13, %logistic3A_32 : vector<256x1408xf32>
    %mul3A_33 = arith.mulf %mul3A, %add3A_27 : vector<256x1408xf32>
    %get3A_34 = arith.constant 0 : index
    %get3A_35 = arith.constant 0 : index
    %get3A_36 = arith.constant 0 : index
    %get3A_37 = vector.load %arg7[%get3A_34, %get3A_35, %get3A_36] : memref<1x1408x1024xf32, #tpu.memory_space<vmem>>, vector<1x1408x1024xf32>
    %get3A_38 = vector.shape_cast %get3A_37 : vector<1x1408x1024xf32> to vector<1408x1024xf32>
    %dot_general3A_39 = arith.constant dense<0.000000e+00> : vector<256x1024xf32>
    %dot_general3A_40 = tpu.matmul %mul3A_33, %get3A_38, %dot_general3A_39 {dimension_numbers = #tpu.dot_dimension_numbers<[1], [0], [0], [1], [0, 0, 1, 1], [], []>, transpose_lhs_hint = false} : vector<256x1408xf32>, vector<1408x1024xf32>, vector<256x1024xf32> -> vector<256x1024xf32>
    %get3A_41 = arith.constant 0 : index
    %get3A_42 = arith.constant 0 : index
    %get3A_43 = arith.constant 0 : index
    %get3A_44 = vector.load %arg9[%get3A_41, %get3A_42, %get3A_43] : memref<1x1x256xf32, #tpu.memory_space<vmem>>, vector<1x1x256xf32>
    %get3A_45 = vector.shape_cast %get3A_44 : vector<1x1x256xf32> to vector<256xf32>
    %broadcast_in_dim3A = vector.shape_cast %get3A_45 : vector<256xf32> to vector<256x1xf32>
    %get3A_46 = arith.constant 0 : index
    %get3A_47 = arith.constant 0 : index
    %get3A_48 = vector.load %arg10[%get3A_46, %get3A_47] : memref<256x1024xf32, #tpu.memory_space<vmem>>, vector<256x1024xf32>
    %add3A_49 = arith.addf %get3A_48, %dot_general3A_40 : vector<256x1024xf32>
    %get3A_50 = arith.constant 0 : index
    %get3A_51 = arith.constant 0 : index
    %get3A_52 = arith.constant 0 : index
    %get3A_53 = vector.load %arg8[%get3A_50, %get3A_51, %get3A_52] : memref<1x1x1024xf32, #tpu.memory_space<vmem>>, vector<1x1x1024xf32>
    %get3A_54 = vector.shape_cast %get3A_53 : vector<1x1x1024xf32> to vector<1x1024xf32>
    %add3A_55 = vector.broadcast %get3A_54 : vector<1x1024xf32> to vector<256x1024xf32>
    %add3A_56 = arith.addf %add3A_49, %add3A_55 : vector<256x1024xf32>
    %mul3A_57 = vector.broadcast %broadcast_in_dim3A : vector<256x1xf32> to vector<256x1024xf32>
    %mul3A_58 = arith.mulf %add3A_56, %mul3A_57 : vector<256x1024xf32>
    %swap3A = arith.constant 0 : index
    %swap3A_59 = arith.constant 0 : index
    %swap3A_60 = vector.load %arg11[%swap3A, %swap3A_59] : memref<256x1024xf32, #tpu.memory_space<vmem>>, vector<256x1024xf32>
    tpu.vector_store %arg11[%swap3A, %swap3A_59], %mul3A_58 {strides = array<i32>} : memref<256x1024xf32, #tpu.memory_space<vmem>>, vector<256x1024xf32>,
    return
  }
  func.func @transform_0(%arg0: i32, %arg1: memref<40xi32, #tpu.memory_space<smem>>) -> (i32, i32) {
    %c0_i32 = arith.constant 0 : i32
    %c0_i32_0 = arith.constant 0 : i32
    return %arg0, %c0_i32 : i32, i32
  }
  func.func @transform_1(%arg0: i32, %arg1: memref<40xi32, #tpu.memory_space<smem>>) -> (i32, i32, i32) {
    %add3A = arith.constant 20 : i32
    %add3A_0 = arith.addi %add3A, %arg0 : i32
    %get3A = arith.index_cast %add3A_0 : i32 to index
    %get3A_1 = memref.load %arg1[%get3A] : memref<40xi32, #tpu.memory_space<smem>>
    %c0_i32 = arith.constant 0 : i32
    %c1_i32 = arith.constant 1 : i32
    %c0_i32_2 = arith.constant 0 : i32
    return %get3A_1, %c0_i32, %c1_i32 : i32, i32, i32
  }
  func.func @transform_2(%arg0: i32, %arg1: memref<40xi32, #tpu.memory_space<smem>>) -> (i32, i32, i32) {
    %add3A = arith.constant 20 : i32
    %add3A_0 = arith.addi %add3A, %arg0 : i32
    %get3A = arith.index_cast %add3A_0 : i32 to index
    %get3A_1 = memref.load %arg1[%get3A] : memref<40xi32, #tpu.memory_space<smem>>
    %c0_i32 = arith.constant 0 : i32
    %c1_i32 = arith.constant 1 : i32
    %c0_i32_2 = arith.constant 0 : i32
    return %get3A_1, %c0_i32, %c1_i32 : i32, i32, i32
  }
  func.func @transform_3(%arg0: i32, %arg1: memref<40xi32, #tpu.memory_space<smem>>) -> (i32, i32, i32) {
    %add3A = arith.constant 20 : i32
    %add3A_0 = arith.addi %add3A, %arg0 : i32
    %get3A = arith.index_cast %add3A_0 : i32 to index
    %get3A_1 = memref.load %arg1[%get3A] : memref<40xi32, #tpu.memory_space<smem>>
    %c0_i32 = arith.constant 0 : i32
    %c1_i32 = arith.constant 1 : i32
    %c0_i32_2 = arith.constant 0 : i32
    return %get3A_1, %c0_i32, %c1_i32 : i32, i32, i32
  }
  func.func @transform_4(%arg0: i32, %arg1: memref<40xi32, #tpu.memory_space<smem>>) -> (i32, i32, i32) {
    %add3A = arith.constant 20 : i32
    %add3A_0 = arith.addi %add3A, %arg0 : i32
    %get3A = arith.index_cast %add3A_0 : i32 to index
    %get3A_1 = memref.load %arg1[%get3A] : memref<40xi32, #tpu.memory_space<smem>>
    %c0_i32 = arith.constant 0 : i32
    %c1_i32 = arith.constant 1 : i32
    %c0_i32_2 = arith.constant 0 : i32
    return %get3A_1, %c0_i32, %c1_i32 : i32, i32, i32
  }
  func.func @transform_5(%arg0: i32, %arg1: memref<40xi32, #tpu.memory_space<smem>>) -> (i32, i32, i32) {
    %add3A = arith.constant 20 : i32
    %add3A_0 = arith.addi %add3A, %arg0 : i32
    %get3A = arith.index_cast %add3A_0 : i32 to index
    %get3A_1 = memref.load %arg1[%get3A] : memref<40xi32, #tpu.memory_space<smem>>
    %c1_i32 = arith.constant 1 : i32
    %c0_i32 = arith.constant 0 : i32
    %c0_i32_2 = arith.constant 0 : i32
    return %get3A_1, %c1_i32, %c0_i32 : i32, i32, i32
  }
  func.func @transform_6(%arg0: i32, %arg1: memref<40xi32, #tpu.memory_space<smem>>) -> (i32, i32, i32) {
    %add3A = arith.constant 20 : i32
    %add3A_0 = arith.addi %add3A, %arg0 : i32
    %get3A = arith.index_cast %add3A_0 : i32 to index
    %get3A_1 = memref.load %arg1[%get3A] : memref<40xi32, #tpu.memory_space<smem>>
    %c0_i32 = arith.constant 0 : i32
    %c0_i32_2 = arith.constant 0 : i32
    %c0_i32_3 = arith.constant 0 : i32
    return %get3A_1, %c0_i32, %c0_i32_2 : i32, i32, i32
  }
  func.func @transform_7(%arg0: i32, %arg1: memref<40xi32, #tpu.memory_space<smem>>) -> (i32, i32, i32) {
    %add3A = arith.constant 20 : i32
    %add3A_0 = arith.addi %add3A, %arg0 : i32
    %c0_i32 = arith.constant 0 : i32
    %c0_i32_1 = arith.constant 0 : i32
    %c0_i32_2 = arith.constant 0 : i32
    return %add3A_0, %c0_i32, %c0_i32_1 : i32, i32, i32
  }
  func.func @transform_8(%arg0: i32, %arg1: memref<40xi32, #tpu.memory_space<smem>>) -> (i32, i32) {
    %add3A = arith.constant 20 : i32
    %add3A_0 = arith.addi %add3A, %arg0 : i32
    %c0_i32 = arith.constant 0 : i32
    %c0_i32_1 = arith.constant 0 : i32
    return %add3A_0, %c0_i32 : i32, i32
  }
  func.func @transform_9(%arg0: i32, %arg1: memref<40xi32, #tpu.memory_space<smem>>) -> (i32, i32) {
    %add3A = arith.constant 20 : i32
    %add3A_0 = arith.addi %add3A, %arg0 : i32
    %c0_i32 = arith.constant 0 : i32
    %c0_i32_1 = arith.constant 0 : i32
    return %add3A_0, %c0_i32 : i32, i32
  }
}

</mosaic_0001>

<sc_bundles>
// kernel: kernel.11.cloned.1.call-start
scs
__scs_entry_jumppad:
0x0: {  	(pc) =	sbr.rel $0x88, $3  }
0x1: {  	(tag) =	ssettag $0x0;
	lr =	simm.s32 $0x1  }
0x2: {  	[smem:$0x3F99] =	sst lr;
	_ =	strace $0xD0000000  }
0x3: {  	_ = 	snop  }
0x4: {  	_ = 	snop  }
0x5: {  	_ = 	snop  }
0x6: {  	_ = 	snop  }
0x7: {  	_ = 	snop  }
__scs_overlays_trampoline_lowered:
0x8: {  	[smem:$0x3FA8] =	sst s0  }
0x9: {  	[smem:$0x3FA9] =	sst s1  }
0xa: {  	[smem:$0x3FAA] =	sst s2  }
0xb: {  	[smem:$0x3FAB] =	sst s3  }
0xc: {  	[smem:$0x3FAC] =	sst s4  }
0xd: {  	[smem:$0x3FAD] =	sst s5  }
0xe: {  	[smem:$0x3FAE] =	sst s6  }
0xf: {  	[smem:$0x3FAF] =	sst s7  }
0x10: {  	[smem:$0x3FB0] =	sst s8  }
0x11: {  	[smem:$0x3FB1] =	sst s9;
	s0 =	simm.s32 @!p0 $0x0  }
0x12: {  	s1 =	sld [smem:$0x3F97];
	s0 =	simm.s32 @p0 $0x1  }
0x13: {  	[smem:$0x3FB2] =	sst s0;
	s0 =	simm.s32 @!p1 $0x0  }
0x14: {  	s2 =	sld [smem:$0x3F96];
	s0 =	simm.s32 @p1 $0x1  }
0x15: {  	[smem:$0x3FB3] =	sst s0;
	s0 =	simm.s32 @!p2 $0x0  }
0x16: {  	s3 =	sld [smem:$0x3FDB];
	s0 =	simm.s32 @p2 $0x1  }
0x17: {  	s4 =	simm.s32 $0x1BF5;
	[smem:$0x3FB5] =	sst s0  }
0x18: {  	s0 =	sld [smem:$0x3F98];
	_ =	swait.ge [sflag:s4], $0x0  }
0x19: {  	s7 =	sld [smem:$0x3F99]  }
0x1a: {  	s8 =	sadd.s32 $0xFFFFE003, lr  }
0x1b: {  	s9 =	sadd.s32 $0xFFFFFEF7, lr;
	s5 =	simm.s32 $0xFFFFFFFF;
	p2 =	slt.u32 s8, $0xFFFFF086  }
0x1c: {  	p1 =	slt.u32 s9, $0xF7A;
	s5 =	simm.s32 @!p2 $0x0  }
0x1d: {  	s5 =	simm.s32 @p1 $0x1;
	p0 =	seq.s32 s7, s2  }
0x1e: {  	s7 =	smul.u32 @!p0 $0xF7A, s2;
	p2 =	seq.s32 @!p0 s5, $0x0  }
0x1f: {  	s9 =	smul.u32 $0xF7A, s1;
	s8 =	simm.s32 @!p0 $0x1BF5;
	p2 =	por !p2, p0  }
0x20: {  	[sflag:s8] =	ssyncset.s32 @!p0 $0xFFFFF086;
	s6 =	sadd.s32 @!p0 s3, s7;
	s7 =	simm.s32 @!p0 $0x108  }
0x21: {  	s3 =	sadd.s32 s3, s9;
	s6 =	sadd.s32 @!p0 $0x88, s6;
	s7 =	simm.s32 @p2 $0x1082  }
0x22: {  	[simem:s7], [sflag:s8] =	dma.local @!p0 [hbm:s6], $0xF7A  }
0x23: {  	s9 =	sor.u32 $0xD0000000, s2;
	s6 =	simm.s32 $0x108;
	_ =	swait.ge @!p0 [sflag:s8], $0x0  }
0x24: {  	s3 =	sadd.s32 $0x88, s3;
	s6 =	simm.s32 @!p1 $0x1082;
	[sflag:s4] =	ssyncset.s32 $0xFFFFF086  }
0x25: {  	[simem:s6], [sflag:s4] =	dma.local [hbm:s3], $0xF7A  }
0x26: {  	[smem:$0x3F99] =	sst s1;
	(tag) =	ssettag s2;
	_ =	strace s9  }
0x27: {  	s1 =	sld [smem:$0x3FA9]  }
0x28: {  	s2 =	sld [smem:$0x3FAA]  }
0x29: {  	s4 =	sld [smem:$0x3FAC]  }
0x2a: {  	p0 =	seq.s32 s5, $0x0;
	s5 =	sld [smem:$0x3FAD]  }
0x2b: {  	s6 =	sld [smem:$0x3FAE]  }
0x2c: {  	s7 =	sld [smem:$0x3FAF]  }
0x2d: {  	s3 =	simm.s32 $0x108;
	s8 =	sld [smem:$0x3FB0]  }
0x2e: {  	s3 =	simm.s32 @!p0 $0x1082;
	s9 =	sld [smem:$0x3FB1]  }
0x2f: {  	lr =	sadd.s32 s0, s3;
	s0 =	sld [smem:$0x3FA8]  }
0x30: {  	s3 =	sld [smem:$0x3FAB]  }
0x31: {  	[smem:$0x3FB4] =	sst s10  }
0x32: {  	s10 =	sld [smem:$0x3FB2];
	_ =	sdelay $0x3  }
0x33: {  	p0 =	seq.s32 s10, $0x1;
	s10 =	sld [smem:$0x3FB4];
	_ =	sdelay $0x3  }
0x34: {  	[smem:$0x3FB4] =	sst s10  }
0x35: {  	s10 =	sld [smem:$0x3FB3];
	_ =	sdelay $0x3  }
0x36: {  	p1 =	seq.s32 s10, $0x1;
	s10 =	sld [smem:$0x3FB4];
	_ =	sdelay $0x3  }
0x37: {  	[smem:$0x3FB4] =	sst s10  }
0x38: {  	s10 =	sld [smem:$0x3FB5]  }
0x39: {  	_ = 	snop;
	(pc) =	sbr.ind lr, $3  }
0x3a: {  	_ = 	snop  }
0x3b: {  	_ = 	snop  }
0x3c: {  	p2 =	seq.s32 s10, $0x1;
	s10 =	sld [smem:$0x3FB4]  }
0x3d: {  	_ =	shalt  }
0x3e: {  	_ =	shalt  }
0x3f: {  	_ =	shalt  }
0x40: {  	_ =	shalt  }
0x41: {  	_ =	shalt  }
0x42: {  	_ =	shalt  }
0x43: {  	_ =	shalt  }
0x44: {  	_ =	shalt  }
0x45: {  	_ =	shalt  }
0x46: {  	_ =	shalt  }
0x47: {  	_ =	shalt  }
0x48: {  	_ =	shalt  }
0x49: {  	_ =	shalt  }
0x4a: {  	_ =	shalt  }
0x4b: {  	_ =	shalt  }
0x4c: {  	_ =	shalt  }
0x4d: {  	_ =	shalt  }
0x4e: {  	_ =	shalt  }
0x4f: {  	_ =	shalt  }
0x50: {  	_ =	shalt  }
0x51: {  	_ =	shalt  }
0x52: {  	_ =	shalt  }
0x53: {  	_ =	shalt  }
0x54: {  	_ =	shalt  }
0x55: {  	_ =	shalt  }
0x56: {  	_ =	shalt  }
0x57: {  	_ =	shalt  }
0x58: {  	_ =	shalt  }
0x59: {  	_ =	shalt  }
0x5a: {  	_ =	shalt  }
0x5b: {  	_ =	shalt  }
0x5c: {  	_ =	shalt  }
0x5d: {  	_ =	shalt  }
0x5e: {  	_ =	shalt  }
0x5f: {  	_ =	shalt  }
0x60: {  	_ =	shalt  }
0x61: {  	_ =	shalt  }
0x62: {  	_ =	shalt  }
0x63: {  	_ =	shalt  }
0x64: {  	_ =	shalt  }
0x65: {  	_ =	shalt  }
0x66: {  	_ =	shalt  }
0x67: {  	_ =	shalt  }
0x68: {  	_ =	shalt  }
0x69: {  	_ =	shalt  }
0x6a: {  	_ =	shalt  }
0x6b: {  	_ =	shalt  }
0x6c: {  	_ =	shalt  }
0x6d: {  	_ =	shalt  }
0x6e: {  	_ =	shalt  }
0x6f: {  	_ =	shalt  }
0x70: {  	_ =	shalt  }
0x71: {  	_ =	shalt  }
0x72: {  	_ =	shalt  }
0x73: {  	_ =	shalt  }
0x74: {  	_ =	shalt  }
0x75: {  	_ =	shalt  }
0x76: {  	_ =	shalt  }
0x77: {  	_ =	shalt  }
0x78: {  	_ =	shalt  }
0x79: {  	_ =	shalt  }
0x7a: {  	_ =	shalt  }
0x7b: {  	_ =	shalt  }
0x7c: {  	_ =	shalt  }
0x7d: {  	_ =	shalt  }
0x7e: {  	_ =	shalt  }
0x7f: {  	_ =	shalt  }
0x80: {  	_ =	shalt  }
0x81: {  	_ =	shalt  }
0x82: {  	_ =	shalt  }
0x83: {  	_ =	shalt  }
0x84: {  	_ =	shalt  }
0x85: {  	_ =	shalt  }
0x86: {  	_ =	shalt  }
0x87: {  	_ =	shalt  }
.Lfunc_end0:
.L_simem_size_0:
called_computation_lowered:
.L_overlay_start_0:
0x88: {  	s2 =	sld [smem:$0x3FD9]  }
0x89: {  	s3 =	sld [smem:$0x3FFE];
	_ =	sdelay $0x1  }
0x8a: {  	s1 =	srdreg.scid  }
0x8b: {  	s0 =	sand.u32 $0x1, s1  }
0x8c: {  	s14 =	sshll.u32 s0, $0xA;
	s2 =	sadd.s32 s3, s2  }
0x8d: {  	s2 =	sadd.s32 s2, s14  }
0x8e: {  	[smem:$0x3FC0] =	sst s2  }
0x8f: {  	_ = 	snop  }
0x90: {  	s2 =	sld [smem:$0x3FD0];
	_ =	sdelay $0x2  }
0x91: {  	s15 =	simm.s32 $0xB;
	s4 =	simm.s32 $0x10  }
0x92: {  	[smem:s4], [sflag:s15] =	dma.local [hbm:s2], $0x1  }
0x93: {  	_ =	swait.eq [sflag:s15], $0x1  }
0x94: {  	[sflag:s15] =	ssyncset.done $0x0  }
0x95: {  	[sflag:s15] =	ssyncadd.s32 $0xFFFFFFFF  }
0x96: {  	s16 =	sld [smem:$0x10];
	(tm) =	ssettm $0x1  }
0x97: {  	s17 =	sld [smem:$0x3FFB];
	_ =	sdelay $0x3  }
0x98: {  	_ =	strace s17  }
0x99: {  	s3 =	sld [smem:$0x3FFC];
	_ =	sdelay $0x3  }
0x9a: {  	_ =	strace s3  }
0x9b: {  	s3 =	sld [smem:$0x3FFD];
	_ =	sdelay $0x3  }
0x9c: {  	_ =	strace s3  }
0x9d: {  	_ =	strace $0x8FFFFFFF  }
0x9e: {  	s18 =	sld [smem:$0x3FDB];
	_ =	sdelay $0x1  }
0x9f: {  	s19 =	simm.s32 $_scs_section_size  }
0xa0: {  	s5 =	simm.s32 $_size__tile_overlayer_lowered;
	s6 =	simm.s32 $_tile_overlayer_lowered  }
0xa1: {  	s22 =	simm.s32 $0x1BFF;
	s21 =	sshll.u32 s6, $0x1;
	s3 =	sadd.s32 s19, s18  }
0xa2: {  	s7 =	simm.s32 $0x0;
	s20 =	sshll.u32 s5, $0x1;
	s5 =	sadd.s32 s21, s3  }
0xa3: {  	[timem:s7], [sflag:s22] =	dma.local [hbm:s5], s20  }
0xa4: {  	_ =	swait.ge [sflag:s22], s20  }
0xa5: {  	s4 =	ssub.s32 $0x0, s20;
	[sflag:s22] =	ssyncset.done $0x0  }
0xa6: {  	[sflag:s22] =	ssyncadd.s32 s4;
	_ =	sdelay $0x1  }
0xa7: {  	s23 =	simm.s32 $0x1B8B  }
0xa8: {  	_ =	swait.ge [sflag:s23], $0x1  }
0xa9: {  	[sflag:s23] =	ssyncset.done $0x0  }
0xaa: {  	s25 =	simm.s32 $0x1B8E;
	s24 =	sld [smem:$0x3FFE];
	[sflag:s23] =	ssyncadd.s32 $0xFFFFFFFF  }
0xab: {  	s26 =	simm.s32 $execute0_lowered;
	[smem:$0x3FD2] =	sst s25  }
0xac: {  	s5 =	sshll.u32 s26, $0x1;
	_ =	strace $0x80000046;
	[dreg:$0x1] =	wrdreg $0xFFFFFFFF  }
0xad: {  	s28 =	simm.s32 $_size_execute0_lowered;
	s3 =	sadd.s32 s3, s5;
	[dreg:$0x0] =	wrdreg $0x0  }
0xae: {  	s5 =	sshll.u32 s28, $0x1;
	[dreg:$0x2] =	wrdreg s3  }
0xaf: {  	[dreg:$0x3] =	wrdreg s5  }
0xb0: {  	[dreg:$0x4] =	wrdreg $0xC0  }
0xb1: {  	_ =	task [dreg:s7], $0x5FFFF  }
0xb2: {  	[dreg:$0x1] =	wrdreg $0xFFFFFFFF  }
0xb3: {  	[dreg:$0x0] =	wrdreg $0x60  }
0xb4: {  	[dreg:$0x2] =	wrdreg s16  }
0xb5: {  	[dreg:$0x3] =	wrdreg s24  }
0xb6: {  	[dreg:$0x4] =	wrdreg $0x9  }
0xb7: {  	_ =	task.clear_ibuf [dreg:s7], $0x5FFFF;
	_ =	strace $0x90000046  }
0xb8: {  	s29 =	simm.s32 $0x9;
	_ =	strace $0x80000048  }
0xb9: {  	_ =	swait.ge [sflag:s29], $0x1  }
0xba: {  	[sflag:s29] =	ssyncadd.s32 $0xFFFFFFFF  }
0xbb: {  	_ =	strace $0x90000048  }
0xbc: {  	_ =	sfence  }
0xbd: {  	s30 =	sld [smem:$0x0];
	_ =	sdelay $0x2  }
0xbe: {  	s31 =	sshll.u32 s1, $0xD;
	s1 =	sshrl.u32 s1, $0x2  }
0xbf: {  	s3 =	sand.u32 $0x4000, s31;
	s1 =	sadd.s32 s1, s30  }
0xc0: {  	s0 =	sor.u32 s3, s0;
	s1 =	sshll.u32 s1, $0x11  }
0xc1: {  	s0 =	sor.u32 s1, s0  }
0xc2: {  	s0 =	sadd.s32 $0x8F2B, s0  }
0xc3: {  	[sflag:s0] =	ssyncadd.remote.s32 $0x1  }
0xc4: {  	_ =	sfence.sel $0xFFFF  }
0xc5: {  	[dreg:$0x0] =	wrdreg $0xFFFFFFFF;
	(pc) =	sbr.abs _section_cstart, $3  }
0xc6: {  	[dreg:$0x1] =	wrdreg $0xFFFFFFFF  }
0xc7: {  	_ =	task.clear_ibuf [dreg:s7], $0x2FFFF;
	_ =	strace $0x9FFFFFFF  }
0xc8: {  	(tm) =	ssettm $0x7FFFFFFF  }
0xc9: {  	_ =	shalt  }
tec
execute0_lowered:
.L_overlay_start_1:
0x0: {  	(tag) =	ssettag $0x1  }
0x1: {  	s0 =	srdreg.scid  }
0x2: {  	s8 =	sand.u32 $0x1, s0;
	s0 =	stileid.u32  }
0x3: {  	s3 =	sshll.u32 s0, $0x1;
	s4 =	ssub.s32 $0x0, s8  }
0x4: {  	p0 =	sne.s32 s3, s4  }
.Ltmp0:
0x5: {  	_ = 	snop;
	(pc) =	sbr.rel @p0 .LBB2_9-.Ltmp0, $4  }
0x6: {  	_ = 	snop  }
0x7: {  	s2 =	rddreg [dreg:$0x0]  }
0x8: {  	s12 =	rddreg [dreg:$0x1]  }
0x9: {  	s1 =	rddreg [dreg:$0x2];
	_ =	strace $0x80000047  }
0xa: {  	s3 =	sadd.s32 $0x2C00, s12;
	s4 =	sadd.s32 $0x2E00, s12;
	s5 =	sadd.s32 $0x3000, s12  }
0xb: {  	s6 =	sadd.s32 $0x3200, s12;
	s7 =	sadd.s32 $0x3400, s12;
	s13 =	ssub.s32 $0x2, s8  }
0xc: {  	s8 =	sadd.s32 $0x3800, s12;
	s9 =	sadd.s32 $0x3A00, s12;
	s10 =	sadd.s32 $0x4000, s12  }
0xd: {  	s11 =	sadd.s32 $0x4600, s12;
	s12 =	sadd.s32 $0x4800, s12;
	s15 =	simm.s32 $0x3000  }
0xe: {  	s16 =	simm.s32 $0x1;
	s17 =	simm.s32 $0x3080;
	s14 =	sshrl.u32 s13, $0x1  }
0xf: {  	s18 =	simm.s32 $0x5880;
	s19 =	simm.s32 $0x8080;
	s13 =	ssub.s32 s13, s14  }
0x10: {  	v0 =	vimm.s32 $0x0;
	v1 =	vimm.f32 $0.0e+00;
	v2 =	vlaneseq.u32;
	s20 =	simm.s32 $0x0;
	s14 =	simm.s32 $0x0;
	s13 =	smax.u32 s13, $0x1  }
.LBB2_2:
0x11: {  	[tilespmem:s15], [sflag:$0x1] =	stream.linear.gather [hbm4b:s8+s14], $0x80, $0x38;
	[tilespmem:$0x9080] =	vst v63  }
0x12: {  	_ =	swait.ge [sflag:s16], $0x80  }
0x13: {  	[sflag:s16] =	ssyncset.done $0x0  }
0x14: {  	s21 =	simm.s32 $0x40;
	s22 =	simm.s32 $0x0;
	[sflag:s16] =	ssyncadd.s32 $0xFFFFFF80  }
.LBB2_3:
0x15: {  	p0 =	sne.s32 s21, $0x9FC0;
	[tilespmem:s22+$0x3080] =	vst v0;
	s23 =	smov.u32 s21;
	s21 =	sadd.s32 $0x40, s21  }
.Ltmp1:
0x16: {  	[tilespmem:s22+$0x5880] =	vst v1;
	(pc) =	sbr.rel @p0 .LBB2_3-.Ltmp1, $2  }
0x17: {  	_ =	sdelay $0x2  }
0x18: {  	s22 =	sshra.s32 s23, $0x2  }
0x19: {  	[tilespmem:s22+$0x3080] =	vst v0  }
0x1a: {  	[tilespmem:s22+$0x5880] =	vst v1;
	s21 =	simm.s32 $0x0  }
0x1b: {  	[tilespmem:s21], [sflag:$0x1] =	stream.linear.gather [hbm4b:s2+s21], $0x1000, $0x38;
	[tilespmem:$0x9080] =	vst v63  }
0x1c: {  	_ =	swait.ge [sflag:s16], $0x1000  }
0x1d: {  	[sflag:s16] =	ssyncset.done $0x0  }
0x1e: {  	s22 =	simm.s32 $0x1000;
	[sflag:s16] =	ssyncadd.s32 $0xFFFFF000  }
0x1f: {  	[tilespmem:s22], [sflag:$0x1] =	stream.linear.gather [hbm4b:s4+s21], $0x1000, $0x38;
	[tilespmem:$0x9080] =	vst v63  }
0x20: {  	_ =	swait.ge [sflag:s16], $0x1000  }
0x21: {  	[sflag:s16] =	ssyncset.done $0x0  }
0x22: {  	s23 =	simm.s32 $0x2000;
	[sflag:s16] =	ssyncadd.s32 $0xFFFFF000  }
0x23: {  	[tilespmem:s23], [sflag:$0x1] =	stream.linear.gather [hbm4b:s6+s21], $0x1000, $0x38;
	[tilespmem:$0x9080] =	vst v63  }
0x24: {  	_ =	swait.ge [sflag:s16], $0x1000  }
0x25: {  	[sflag:s16] =	ssyncset.done $0x0  }
0x26: {  	s24 =	simm.s32 $0x8080;
	s25 =	simm.s32 $0x0;
	[sflag:s16] =	ssyncadd.s32 $0xFFFFF000  }
.LBB2_5:
0x27: {  	v3 =	vld [tilespmem:s21+$0x0];
	_ =	sdelay $0x6  }
0x28: {  	v4 =	vld [tilespmem:s22+$0x0]  }
0x29: {  	v3 =	vld.idx.msk [tilespmem:v3+s15+$0x0], $0xffff;
	_ =	sdelay $0x4  }
0x2a: {  	v3 =	vadd.s32 v3, v4;
	_ =	sdelay $0x3  }
0x2b: {  	v63 =	vor.u32 s25, v2  }
0x2c: {  	[tilespmem:v3+s17+$0x0] =	vst.idx.msk $0xffff, v63  }
0x2d: {  	v4 =	vld [tilespmem:s23+$0x0]  }
0x2e: {  	p0 =	sne.s32 s25, $0xFF0  }
.Ltmp2:
0x2f: {  	_ = 	snop;
	(pc) =	sbr.rel @p0 .LBB2_5-.Ltmp2, $3  }
0x30: {  	_ =	sdelay $0x1  }
0x31: {  	s21 =	sadd.s32 $0x10, s21;
	s22 =	sadd.s32 $0x10, s22;
	[tilespmem:v3+s18+$0x0] =	vst.idx.msk $0xffff, v4  }
0x32: {  	s25 =	sadd.s32 $0x10, s25;
	s23 =	sadd.s32 $0x10, s23;
	[tilespmem:s24+$0x0] =	vst v3;
	s24 =	sadd.s32 $0x10, s24  }
0x33: {  	s21 =	simm.s32 $0x0;
	s22 =	simm.s32 $0x8080  }
0x34: {  	[hbm4b:s11+s21] =	stream.linear.scatter [tilespmem:s22], [sflag:$0x1], $0x1000, $0x38;
	[tilespmem:$0x9080] =	vst v63  }
0x35: {  	_ =	swait.ge [sflag:s16], $0x1000  }
0x36: {  	[sflag:s16] =	ssyncset.done $0x0  }
0x37: {  	[sflag:s16] =	ssyncadd.s32 $0xFFFFF000  }
0x38: {  	[tilespmem:s21], [sflag:$0x1] =	stream.linear.gather [hbm4b:s3+s21], $0x1000, $0x38;
	[tilespmem:$0x9080] =	vst v63  }
0x39: {  	_ =	swait.ge [sflag:s16], $0x1000  }
0x3a: {  	[sflag:s16] =	ssyncset.done $0x0  }
0x3b: {  	s23 =	simm.s32 $0x1000;
	[sflag:s16] =	ssyncadd.s32 $0xFFFFF000  }
0x3c: {  	[tilespmem:s23], [sflag:$0x1] =	stream.linear.gather [hbm4b:s5+s21], $0x1000, $0x38;
	[tilespmem:$0x9080] =	vst v63  }
0x3d: {  	_ =	swait.ge [sflag:s16], $0x1000  }
0x3e: {  	[sflag:s16] =	ssyncset.done $0x0  }
0x3f: {  	s24 =	simm.s32 $0x2000;
	[sflag:s16] =	ssyncadd.s32 $0xFFFFF000  }
0x40: {  	[tilespmem:s24], [sflag:$0x1] =	stream.linear.gather [hbm4b:s7+s21], $0x1000, $0x38;
	[tilespmem:$0x9080] =	vst v63  }
0x41: {  	_ =	swait.ge [sflag:s16], $0x1000  }
0x42: {  	[sflag:s16] =	ssyncset.done $0x0  }
0x43: {  	s25 =	simm.s32 $0x0;
	[sflag:s16] =	ssyncadd.s32 $0xFFFFF000  }
.LBB2_7:
0x44: {  	v3 =	vld [tilespmem:s21+$0x0];
	_ =	sdelay $0x6  }
0x45: {  	v4 =	vld [tilespmem:s23+$0x0]  }
0x46: {  	v3 =	vld.idx.msk [tilespmem:v3+s15+$0x0], $0xffff;
	_ =	sdelay $0x4  }
0x47: {  	v3 =	vadd.s32 v3, v4;
	_ =	sdelay $0x3  }
0x48: {  	v63 =	vor.u32 s25, v2  }
0x49: {  	[tilespmem:v3+s17+$0x0] =	vst.idx.msk $0xffff, v63  }
0x4a: {  	v4 =	vld [tilespmem:s24+$0x0]  }
0x4b: {  	p0 =	sne.s32 s25, $0xFF0  }
.Ltmp3:
0x4c: {  	_ = 	snop;
	(pc) =	sbr.rel @p0 .LBB2_7-.Ltmp3, $3  }
0x4d: {  	_ =	sdelay $0x1  }
0x4e: {  	s21 =	sadd.s32 $0x10, s21;
	s23 =	sadd.s32 $0x10, s23;
	[tilespmem:v3+s18+$0x0] =	vst.idx.msk $0xffff, v4  }
0x4f: {  	s25 =	sadd.s32 $0x10, s25;
	s24 =	sadd.s32 $0x10, s24;
	[tilespmem:s22+$0x0] =	vst v3;
	s22 =	sadd.s32 $0x10, s22  }
0x50: {  	[hbm4b:s12+s14] =	stream.linear.scatter [tilespmem:s19], [sflag:$0x1], $0x1000, $0x38;
	[tilespmem:$0x9080] =	vst v63  }
0x51: {  	_ =	swait.ge [sflag:s16], $0x1000  }
0x52: {  	[sflag:s16] =	ssyncset.done $0x0  }
0x53: {  	[sflag:s16] =	ssyncadd.s32 $0xFFFFF000  }
0x54: {  	[hbm4b:s9+s14] =	stream.linear.scatter [tilespmem:s17], [sflag:$0x1], $0x2800, $0x38;
	[tilespmem:$0x9080] =	vst v63  }
0x55: {  	s20 =	sadd.s32 $0x1, s20;
	_ =	swait.ge [sflag:s16], $0x2800  }
0x56: {  	p0 =	sne.s32 s20, s13;
	[sflag:s16] =	ssyncset.done $0x0  }
.Ltmp4:
0x57: {  	[sflag:s16] =	ssyncadd.s32 $0xFFFFD800;
	(pc) =	sbr.rel @p0 .LBB2_2-.Ltmp4, $4  }
0x58: {  	[hbm4b:s10+s14] =	stream.linear.scatter [tilespmem:s18], [sflag:$0x1], $0x2800, $0x38;
	[tilespmem:$0x9080] =	vst v63  }
0x59: {  	_ =	swait.ge [sflag:s16], $0x2800  }
0x5a: {  	[sflag:s16] =	ssyncset.done $0x0  }
0x5b: {  	[sflag:s16] =	ssyncadd.s32 $0xFFFFD800  }
.LBB2_9:
0x5c: {  	_ =	sfence.sel $0x180000  }
0x5d: {  	[bflag:$0x0] =	sbarrier.arrive $0xFFFF  }
0x5e: {  	p0 =	sne.s32 s0, $0x0;
	_ =	strace $0x90000047  }
0x5f: {  	s0 =	sadd.s32 @!p0 $0x100000, s1;
	[bflag:$0x2] =	sbarrier.arrive $0xFFFF  }
0x60: {  	[sflag:s0] =	ssyncadd.tile.s32 @!p0 $0x1;
	_ =	shalt  }
.Lfunc_end2:
_tile_overlayer_lowered:
.L_overlay_start_2:
0x61: {  	(tag) =	ssettag $0x2  }
0x62: {  	s0 =	rddreg [dreg:$0x0];
	s2 =	stileid.u32  }
0x63: {  	s1 =	rddreg [dreg:$0x1];
	p0 =	sne.s32 s2, $0x0  }
0x64: {  	s3 =	rddreg [dreg:$0x2];
	[bflag:$0x3] =	sbarrier.arrive $0xFFFF;
	s2 =	simm.s32 @!p0 $0x1C01  }
0x65: {  	[timem:s3], [sflag:s2] =	dma.local @!p0 [hbm:s0], s1  }
0x66: {  	s0 =	simm.s32 @!p0 $0x1  }
0x67: {  	_ =	swait.ge @!p0 [sflag:s0], s1  }
0x68: {  	s1 =	ssub.s32 @!p0 $0x0, s1;
	[sflag:s0] =	ssyncset.done @!p0 $0x0  }
0x69: {  	[sflag:s0] =	ssyncadd.s32 @!p0 s1  }
0x6a: {  	[bflag:$0x3] =	sbarrier.arrive $0xFFFF  }
0x6b: {  	_ =	shalt  }

// kernel: kernel.14.cloned.1.call-start
scs
__scs_entry_jumppad:
0x0: {  	(pc) =	sbr.rel $0x88, $3  }
0x1: {  	(tag) =	ssettag $0x0;
	lr =	simm.s32 $0x1  }
0x2: {  	[smem:$0x3F99] =	sst lr;
	_ =	strace $0xD0000000  }
0x3: {  	_ = 	snop  }
0x4: {  	_ = 	snop  }
0x5: {  	_ = 	snop  }
0x6: {  	_ = 	snop  }
0x7: {  	_ = 	snop  }
__scs_overlays_trampoline_lowered:
0x8: {  	[smem:$0x3FA8] =	sst s0  }
0x9: {  	[smem:$0x3FA9] =	sst s1  }
0xa: {  	[smem:$0x3FAA] =	sst s2  }
0xb: {  	[smem:$0x3FAB] =	sst s3  }
0xc: {  	[smem:$0x3FAC] =	sst s4  }
0xd: {  	[smem:$0x3FAD] =	sst s5  }
0xe: {  	[smem:$0x3FAE] =	sst s6  }
0xf: {  	[smem:$0x3FAF] =	sst s7  }
0x10: {  	[smem:$0x3FB0] =	sst s8  }
0x11: {  	[smem:$0x3FB1] =	sst s9;
	s0 =	simm.s32 @!p0 $0x0  }
0x12: {  	s1 =	sld [smem:$0x3F97];
	s0 =	simm.s32 @p0 $0x1  }
0x13: {  	[smem:$0x3FB2] =	sst s0;
	s0 =	simm.s32 @!p1 $0x0  }
0x14: {  	s2 =	sld [smem:$0x3F96];
	s0 =	simm.s32 @p1 $0x1  }
0x15: {  	[smem:$0x3FB3] =	sst s0;
	s0 =	simm.s32 @!p2 $0x0  }
0x16: {  	s3 =	sld [smem:$0x3FDB];
	s0 =	simm.s32 @p2 $0x1  }
0x17: {  	s4 =	simm.s32 $0x1BF5;
	[smem:$0x3FB5] =	sst s0  }
0x18: {  	s0 =	sld [smem:$0x3F98];
	_ =	swait.ge [sflag:s4], $0x0  }
0x19: {  	s7 =	sld [smem:$0x3F99]  }
0x1a: {  	s8 =	sadd.s32 $0xFFFFE003, lr  }
0x1b: {  	s9 =	sadd.s32 $0xFFFFFEF7, lr;
	s5 =	simm.s32 $0xFFFFFFFF;
	p2 =	slt.u32 s8, $0xFFFFF086  }
0x1c: {  	p1 =	slt.u32 s9, $0xF7A;
	s5 =	simm.s32 @!p2 $0x0  }
0x1d: {  	s5 =	simm.s32 @p1 $0x1;
	p0 =	seq.s32 s7, s2  }
0x1e: {  	s7 =	smul.u32 @!p0 $0xF7A, s2;
	p2 =	seq.s32 @!p0 s5, $0x0  }
0x1f: {  	s9 =	smul.u32 $0xF7A, s1;
	s8 =	simm.s32 @!p0 $0x1BF5;
	p2 =	por !p2, p0  }
0x20: {  	[sflag:s8] =	ssyncset.s32 @!p0 $0xFFFFF086;
	s6 =	sadd.s32 @!p0 s3, s7;
	s7 =	simm.s32 @!p0 $0x108  }
0x21: {  	s3 =	sadd.s32 s3, s9;
	s6 =	sadd.s32 @!p0 $0x88, s6;
	s7 =	simm.s32 @p2 $0x1082  }
0x22: {  	[simem:s7], [sflag:s8] =	dma.local @!p0 [hbm:s6], $0xF7A  }
0x23: {  	s9 =	sor.u32 $0xD0000000, s2;
	s6 =	simm.s32 $0x108;
	_ =	swait.ge @!p0 [sflag:s8], $0x0  }
0x24: {  	s3 =	sadd.s32 $0x88, s3;
	s6 =	simm.s32 @!p1 $0x1082;
	[sflag:s4] =	ssyncset.s32 $0xFFFFF086  }
0x25: {  	[simem:s6], [sflag:s4] =	dma.local [hbm:s3], $0xF7A  }
0x26: {  	[smem:$0x3F99] =	sst s1;
	(tag) =	ssettag s2;
	_ =	strace s9  }
0x27: {  	s1 =	sld [smem:$0x3FA9]  }
0x28: {  	s2 =	sld [smem:$0x3FAA]  }
0x29: {  	s4 =	sld [smem:$0x3FAC]  }
0x2a: {  	p0 =	seq.s32 s5, $0x0;
	s5 =	sld [smem:$0x3FAD]  }
0x2b: {  	s6 =	sld [smem:$0x3FAE]  }
0x2c: {  	s7 =	sld [smem:$0x3FAF]  }
0x2d: {  	s3 =	simm.s32 $0x108;
	s8 =	sld [smem:$0x3FB0]  }
0x2e: {  	s3 =	simm.s32 @!p0 $0x1082;
	s9 =	sld [smem:$0x3FB1]  }
0x2f: {  	lr =	sadd.s32 s0, s3;
	s0 =	sld [smem:$0x3FA8]  }
0x30: {  	s3 =	sld [smem:$0x3FAB]  }
0x31: {  	[smem:$0x3FB4] =	sst s10  }
0x32: {  	s10 =	sld [smem:$0x3FB2];
	_ =	sdelay $0x3  }
0x33: {  	p0 =	seq.s32 s10, $0x1;
	s10 =	sld [smem:$0x3FB4];
	_ =	sdelay $0x3  }
0x34: {  	[smem:$0x3FB4] =	sst s10  }
0x35: {  	s10 =	sld [smem:$0x3FB3];
	_ =	sdelay $0x3  }
0x36: {  	p1 =	seq.s32 s10, $0x1;
	s10 =	sld [smem:$0x3FB4];
	_ =	sdelay $0x3  }
0x37: {  	[smem:$0x3FB4] =	sst s10  }
0x38: {  	s10 =	sld [smem:$0x3FB5]  }
0x39: {  	_ = 	snop;
	(pc) =	sbr.ind lr, $3  }
0x3a: {  	_ = 	snop  }
0x3b: {  	_ = 	snop  }
0x3c: {  	p2 =	seq.s32 s10, $0x1;
	s10 =	sld [smem:$0x3FB4]  }
0x3d: {  	_ =	shalt  }
0x3e: {  	_ =	shalt  }
0x3f: {  	_ =	shalt  }
0x40: {  	_ =	shalt  }
0x41: {  	_ =	shalt  }
0x42: {  	_ =	shalt  }
0x43: {  	_ =	shalt  }
0x44: {  	_ =	shalt  }
0x45: {  	_ =	shalt  }
0x46: {  	_ =	shalt  }
0x47: {  	_ =	shalt  }
0x48: {  	_ =	shalt  }
0x49: {  	_ =	shalt  }
0x4a: {  	_ =	shalt  }
0x4b: {  	_ =	shalt  }
0x4c: {  	_ =	shalt  }
0x4d: {  	_ =	shalt  }
0x4e: {  	_ =	shalt  }
0x4f: {  	_ =	shalt  }
0x50: {  	_ =	shalt  }
0x51: {  	_ =	shalt  }
0x52: {  	_ =	shalt  }
0x53: {  	_ =	shalt  }
0x54: {  	_ =	shalt  }
0x55: {  	_ =	shalt  }
0x56: {  	_ =	shalt  }
0x57: {  	_ =	shalt  }
0x58: {  	_ =	shalt  }
0x59: {  	_ =	shalt  }
0x5a: {  	_ =	shalt  }
0x5b: {  	_ =	shalt  }
0x5c: {  	_ =	shalt  }
0x5d: {  	_ =	shalt  }
0x5e: {  	_ =	shalt  }
0x5f: {  	_ =	shalt  }
0x60: {  	_ =	shalt  }
0x61: {  	_ =	shalt  }
0x62: {  	_ =	shalt  }
0x63: {  	_ =	shalt  }
0x64: {  	_ =	shalt  }
0x65: {  	_ =	shalt  }
0x66: {  	_ =	shalt  }
0x67: {  	_ =	shalt  }
0x68: {  	_ =	shalt  }
0x69: {  	_ =	shalt  }
0x6a: {  	_ =	shalt  }
0x6b: {  	_ =	shalt  }
0x6c: {  	_ =	shalt  }
0x6d: {  	_ =	shalt  }
0x6e: {  	_ =	shalt  }
0x6f: {  	_ =	shalt  }
0x70: {  	_ =	shalt  }
0x71: {  	_ =	shalt  }
0x72: {  	_ =	shalt  }
0x73: {  	_ =	shalt  }
0x74: {  	_ =	shalt  }
0x75: {  	_ =	shalt  }
0x76: {  	_ =	shalt  }
0x77: {  	_ =	shalt  }
0x78: {  	_ =	shalt  }
0x79: {  	_ =	shalt  }
0x7a: {  	_ =	shalt  }
0x7b: {  	_ =	shalt  }
0x7c: {  	_ =	shalt  }
0x7d: {  	_ =	shalt  }
0x7e: {  	_ =	shalt  }
0x7f: {  	_ =	shalt  }
0x80: {  	_ =	shalt  }
0x81: {  	_ =	shalt  }
0x82: {  	_ =	shalt  }
0x83: {  	_ =	shalt  }
0x84: {  	_ =	shalt  }
0x85: {  	_ =	shalt  }
0x86: {  	_ =	shalt  }
0x87: {  	_ =	shalt  }
.Lfunc_end0:
.L_simem_size_0:
called_computation.1_lowered:
.L_overlay_start_0:
0x88: {  	s2 =	sld [smem:$0x3FD9]  }
0x89: {  	s3 =	sld [smem:$0x3FFE];
	_ =	sdelay $0x1  }
0x8a: {  	s1 =	srdreg.scid  }
0x8b: {  	s0 =	sand.u32 $0x1, s1  }
0x8c: {  	s17 =	sshll.u32 s0, $0xA;
	s2 =	sadd.s32 s3, s2  }
0x8d: {  	s2 =	sadd.s32 s2, s17  }
0x8e: {  	[smem:$0x3FC0] =	sst s2  }
0x8f: {  	_ = 	snop  }
0x90: {  	s2 =	sld [smem:$0x3FC9];
	(tm) =	ssettm $0x1  }
0x91: {  	s18 =	sld [smem:$0x3FFB];
	_ =	sdelay $0x3  }
0x92: {  	_ =	strace s18  }
0x93: {  	s3 =	sld [smem:$0x3FFC];
	_ =	sdelay $0x3  }
0x94: {  	_ =	strace s3  }
0x95: {  	s3 =	sld [smem:$0x3FFD];
	_ =	sdelay $0x3  }
0x96: {  	_ =	strace s3  }
0x97: {  	_ =	strace $0x8FFFFFFF  }
0x98: {  	s19 =	sld [smem:$0x3FDB];
	_ =	sdelay $0x1  }
0x99: {  	s4 =	simm.s32 $_scs_section_size  }
0x9a: {  	s5 =	simm.s32 $_size__tile_overlayer_lowered;
	s6 =	simm.s32 $_tile_overlayer_lowered  }
0x9b: {  	s22 =	simm.s32 $0x1BFF;
	s21 =	sshll.u32 s6, $0x1;
	s3 =	sadd.s32 s4, s19  }
0x9c: {  	s7 =	simm.s32 $0x0;
	s20 =	sshll.u32 s5, $0x1;
	s5 =	sadd.s32 s21, s3  }
0x9d: {  	[timem:s7], [sflag:s22] =	dma.local [hbm:s5], s20  }
0x9e: {  	_ =	swait.ge [sflag:s22], s20  }
0x9f: {  	s4 =	ssub.s32 $0x0, s20;
	[sflag:s22] =	ssyncset.done $0x0  }
0xa0: {  	[sflag:s22] =	ssyncadd.s32 s4;
	_ =	sdelay $0x1  }
0xa1: {  	s23 =	simm.s32 $0x1B8B  }
0xa2: {  	_ =	swait.ge [sflag:s23], $0x1  }
0xa3: {  	[sflag:s23] =	ssyncset.done $0x0  }
0xa4: {  	s25 =	simm.s32 $0x1B8E;
	s24 =	sld [smem:$0x3FFE];
	[sflag:s23] =	ssyncadd.s32 $0xFFFFFFFF  }
0xa5: {  	s26 =	simm.s32 $execute0_lowered;
	[smem:$0x3FD2] =	sst s25  }
0xa6: {  	s5 =	sshll.u32 s26, $0x1;
	_ =	strace $0x80000049;
	[dreg:$0x1] =	wrdreg $0xFFFFFFFF  }
0xa7: {  	s28 =	simm.s32 $_size_execute0_lowered;
	s3 =	sadd.s32 s3, s5;
	[dreg:$0x0] =	wrdreg $0x0  }
0xa8: {  	s5 =	sshll.u32 s28, $0x1;
	[dreg:$0x2] =	wrdreg s3  }
0xa9: {  	[dreg:$0x3] =	wrdreg s5  }
0xaa: {  	[dreg:$0x4] =	wrdreg $0xC0  }
0xab: {  	_ =	task [dreg:s7], $0x5FFFF  }
0xac: {  	[dreg:$0x1] =	wrdreg $0xFFFFFFFF  }
0xad: {  	[dreg:$0x0] =	wrdreg $0x60  }
0xae: {  	[dreg:$0x2] =	wrdreg s2  }
0xaf: {  	[dreg:$0x3] =	wrdreg s24  }
0xb0: {  	[dreg:$0x4] =	wrdreg $0x9  }
0xb1: {  	_ =	task.clear_ibuf [dreg:s7], $0x5FFFF;
	_ =	strace $0x90000049  }
0xb2: {  	s29 =	simm.s32 $0x9;
	_ =	strace $0x8000004B  }
0xb3: {  	_ =	swait.ge [sflag:s29], $0x1  }
0xb4: {  	[sflag:s29] =	ssyncadd.s32 $0xFFFFFFFF  }
0xb5: {  	_ =	strace $0x9000004B  }
0xb6: {  	_ =	sfence  }
0xb7: {  	s30 =	sld [smem:$0x0];
	_ =	sdelay $0x2  }
0xb8: {  	s31 =	sshll.u32 s1, $0xD;
	s1 =	sshrl.u32 s1, $0x2  }
0xb9: {  	s3 =	sand.u32 $0x4000, s31;
	s1 =	sadd.s32 s1, s30  }
0xba: {  	s0 =	sor.u32 s3, s0;
	s1 =	sshll.u32 s1, $0x11  }
0xbb: {  	s0 =	sor.u32 s1, s0  }
0xbc: {  	s0 =	sadd.s32 $0x8F2B, s0  }
0xbd: {  	[sflag:s0] =	ssyncadd.remote.s32 $0x1  }
0xbe: {  	_ =	sfence.sel $0xFFFF  }
0xbf: {  	[dreg:$0x0] =	wrdreg $0xFFFFFFFF;
	(pc) =	sbr.abs _section_cstart, $3  }
0xc0: {  	[dreg:$0x1] =	wrdreg $0xFFFFFFFF  }
0xc1: {  	_ =	task.clear_ibuf [dreg:s7], $0x2FFFF;
	_ =	strace $0x9FFFFFFF  }
0xc2: {  	(tm) =	ssettm $0x7FFFFFFF  }
0xc3: {  	_ =	shalt  }
tec
execute0_lowered:
.L_overlay_start_1:
0x0: {  	(tag) =	ssettag $0x1  }
0x1: {  	s2 =	rddreg [dreg:$0x0]  }
0x2: {  	s4 =	rddreg [dreg:$0x1];
	s3 =	simm.s32 $0x0  }
0x3: {  	s13 =	simm.s32 $0x10900;
	[smem:$0x7FF] =	sst s3  }
0x4: {  	s14 =	simm.s32 $0x11100;
	_ =	strace $0x8000004A;
	[dreg:$0xd] =	wrdreg s13  }
0x5: {  	s15 =	simm.s32 $0x11900;
	[dreg:$0xe] =	wrdreg s14  }
0x6: {  	s0 =	srdreg.scid;
	s16 =	simm.s32 $0x12100;
	[dreg:$0xf] =	wrdreg s15  }
0x7: {  	s1 =	stileid.u32;
	s17 =	simm.s32 $0x12900;
	[dreg:$0x10] =	wrdreg s16  }
0x8: {  	s18 =	simm.s32 $0x13100;
	s19 =	simm.s32 $0x13900;
	[dreg:$0x11] =	wrdreg s17  }
0x9: {  	s20 =	simm.s32 $0x14900;
	s21 =	simm.s32 $0x15100;
	[dreg:$0x12] =	wrdreg s18  }
0xa: {  	s22 =	simm.s32 $0x15900;
	s23 =	simm.s32 $0x16100;
	[dreg:$0x13] =	wrdreg s19  }
0xb: {  	s24 =	simm.s32 $0x16900;
	s25 =	simm.s32 $0x17100;
	[dreg:$0x14] =	wrdreg s20  }
0xc: {  	s28 =	simm.s32 $0x4;
	s29 =	simm.s32 $0x8;
	[dreg:$0x15] =	wrdreg s21  }
0xd: {  	s31 =	simm.s32 $0x9;
	s30 =	simm.s32 $0x4900;
	[dreg:$0x16] =	wrdreg s22  }
0xe: {  	s0 =	sand.u32 $0x1, s0;
	s1 =	sshll.u32 s1, $0x1;
	[dreg:$0x17] =	wrdreg s23  }
0xf: {  	s1 =	sor.u32 s0, s1;
	s0 =	ssub.s32 $0x2, s0;
	[dreg:$0x18] =	wrdreg s24  }
0x10: {  	[dreg:$0x19] =	wrdreg s25;
	s22 =	simm.s32 $0x2;
	s24 =	simm.s32 $0x3  }
0x11: {  	s25 =	simm.s32 $0x7;
	s18 =	simm.s32 $0x100;
	s5 =	smul.u32 $0x14, s1  }
0x12: {  	s15 =	simm.s32 $0x900;
	s16 =	simm.s32 $0x1100;
	s6 =	smul.u32 $0x5000, s1  }
0x13: {  	s17 =	simm.s32 $0x1900;
	s1 =	smul.u32 $0x28000, s1;
	s5 =	sadd.s32 s5, s4  }
0x14: {  	s19 =	simm.s32 $0x2100;
	s4 =	sadd.s32 $0x4A00, s4;
	s5 =	sadd.s32 $0x3A00, s5  }
0x15: {  	s1 =	sshrl.u32 s1, $0x3;
	s6 =	sadd.s32 s4, s6;
	[dreg:$0x3] =	wrdreg s5  }
0x16: {  	s1 =	sadd.s32 s4, s1;
	[dreg:$0x1b] =	wrdreg s6;
	s26 =	sadd.s32 $0x800, s6  }
0x17: {  	s21 =	simm.s32 $0x2900;
	s4 =	sadd.s32 $0x1000, s1;
	[dreg:$0x4] =	wrdreg s26  }
0x18: {  	s23 =	simm.s32 $0x3100;
	s6 =	sadd.s32 $0x1800, s1;
	[dreg:$0x5] =	wrdreg s4  }
0x19: {  	s20 =	simm.s32 $0x8100;
	s7 =	sadd.s32 $0x2000, s1;
	[dreg:$0x6] =	wrdreg s6  }
0x1a: {  	s9 =	sshrl.u32 s0, $0x1;
	s8 =	sadd.s32 $0x2800, s1;
	[dreg:$0x7] =	wrdreg s7  }
0x1b: {  	s0 =	ssub.s32 s0, s9;
	s10 =	sadd.s32 $0x3000, s1;
	[dreg:$0x8] =	wrdreg s8  }
0x1c: {  	s11 =	sadd.s32 $0x3800, s1;
	s5 =	sadd.s32 $0x100, s2;
	[dreg:$0x9] =	wrdreg s10  }
0x1d: {  	s12 =	sadd.s32 $0x4000, s1;
	s1 =	sadd.s32 $0x4800, s1;
	[dreg:$0xa] =	wrdreg s11  }
0x1e: {  	s6 =	sadd.s32 $0x200, s2;
	[dreg:$0xb] =	wrdreg s12;
	s7 =	sadd.s32 $0x300, s2  }
0x1f: {  	v2 =	vlaneseq.u32;
	[dreg:$0xc] =	wrdreg s1;
	s8 =	smax.u32 s0, $0x1;
	s26 =	simm.s32 $0x17900  }
0x20: {  	vm0 =	vmmov $0xffff;
	v1 =	vshrl.u32 v2, $0x3;
	s11 =	simm.s32 $0x1;
	s0 =	simm.s32 $0xA;
	s12 =	simm.s32 $0x6100  }
0x21: {  	v0 =	vand.u32 $0x7, v2;
	v2 =	vor.u32 $0x8, v2;
	v1 =	vmul.u32 $0x8, v1;
	s10 =	simm.s32 $0x14100;
	[dreg:$0x1a] =	wrdreg s26;
	s26 =	simm.s32 $0x4100  }
.LBB2_1:
0x22: {  	s13 =	rddreg [dreg:$0x3];
	s9 =	simm.s32 $0xD  }
0x23: {  	[tilespmem:s3], [sflag:$0xD] =	stream.linear.gather [hbm4b:s13+s3], $0xA0, $0x38;
	[tilespmem:$0x18100] =	vst v63  }
0x24: {  	_ =	swait.ge [sflag:s9], $0xA0  }
0x25: {  	[sflag:s9] =	ssyncset.done $0x0  }
0x26: {  	[sflag:s9] =	ssyncadd.s32 $0xFFFFFF60  }
0x27: {  	v3 =	vld [tilespmem:$0x0];
	_ =	sdelay $0x4  }
0x28: {  	v4 =	vshll.u32 v3, $0x3  }
0x29: {  	v3 =	vand.u32 $0x7, v3;
	v4 =	vand.u32 $0xFFFFFFC0, v4  }
0x2a: {  	v3 =	vor.u32 v3, v4  }
0x2b: {  	v4 =	vperm.xlane v3, v0;
	_ =	sdelay $0x1  }
0x2c: {  	v4 =	vadd.s32 v1, v4;
	_ =	sdelay $0x4  }
0x2d: {  	[tilespmem:s18], [sflag:$0x1] =	stream.indirect_vreg.gather [hbm4b:s2+s3], $0x80, v4, vm0, $0xb8;
	[tilespmem:$0x18100] =	vst v63  }
0x2e: {  	v3 =	vperm.xlane v3, v2  }
0x2f: {  	[tilespmem:s15], [sflag:$0x1] =	stream.indirect_vreg.gather [hbm4b:s5+s3], $0x80, v4, vm0, $0xb8;
	[tilespmem:$0x18100] =	vst v63  }
0x30: {  	v3 =	vadd.s32 v1, v3  }
0x31: {  	[tilespmem:s16], [sflag:$0x1] =	stream.indirect_vreg.gather [hbm4b:s6+s3], $0x80, v4, vm0, $0xb8;
	[tilespmem:$0x18100] =	vst v63  }
0x32: {  	_ = 	snop  }
0x33: {  	[tilespmem:s17], [sflag:$0x1] =	stream.indirect_vreg.gather [hbm4b:s7+s3], $0x80, v4, vm0, $0xb8;
	[tilespmem:$0x18100] =	vst v63  }
0x34: {  	_ = 	snop  }
0x35: {  	[tilespmem:s19], [sflag:$0x1] =	stream.indirect_vreg.gather [hbm4b:s2+s3], $0x80, v3, vm0, $0xb8;
	[tilespmem:$0x18100] =	vst v63  }
0x36: {  	_ = 	snop  }
0x37: {  	[tilespmem:s21], [sflag:$0x1] =	stream.indirect_vreg.gather [hbm4b:s5+s3], $0x80, v3, vm0, $0xb8;
	[tilespmem:$0x18100] =	vst v63  }
0x38: {  	_ = 	snop  }
0x39: {  	[tilespmem:s23], [sflag:$0x1] =	stream.indirect_vreg.gather [hbm4b:s6+s3], $0x80, v3, vm0, $0xb8;
	[tilespmem:$0x18100] =	vst v63  }
0x3a: {  	s9 =	simm.s32 $0x3900  }
0x3b: {  	[tilespmem:s9], [sflag:$0x1] =	stream.indirect_vreg.gather [hbm4b:s7+s3], $0x80, v3, vm0, $0xb8;
	[tilespmem:$0x18100] =	vst v63  }
0x3c: {  	v3 =	vld [tilespmem:$0x10];
	_ =	sdelay $0x4  }
0x3d: {  	v55 =	vshll.u32 v3, $0x3  }
0x3e: {  	v3 =	vand.u32 $0x7, v3;
	v4 =	vand.u32 $0xFFFFFFC0, v55  }
0x3f: {  	v3 =	vor.u32 v3, v4  }
0x40: {  	v4 =	vperm.xlane v3, v0;
	_ =	sdelay $0x1  }
0x41: {  	v4 =	vadd.s32 v1, v4;
	_ =	sdelay $0x4  }
0x42: {  	[tilespmem:s26], [sflag:$0x2] =	stream.indirect_vreg.gather [hbm4b:s2+s3], $0x80, v4, vm0, $0xb8;
	[tilespmem:$0x18100] =	vst v63  }
0x43: {  	v3 =	vperm.xlane v3, v2  }
0x44: {  	[tilespmem:s30], [sflag:$0x2] =	stream.indirect_vreg.gather [hbm4b:s5+s3], $0x80, v4, vm0, $0xb8;
	[tilespmem:$0x18100] =	vst v63  }
0x45: {  	s1 =	simm.s32 $0x5100;
	v3 =	vadd.s32 v1, v3  }
0x46: {  	[tilespmem:s1], [sflag:$0x2] =	stream.indirect_vreg.gather [hbm4b:s6+s3], $0x80, v4, vm0, $0xb8;
	[tilespmem:$0x18100] =	vst v63  }
0x47: {  	s14 =	simm.s32 $0x5900  }
0x48: {  	[tilespmem:s14], [sflag:$0x2] =	stream.indirect_vreg.gather [hbm4b:s7+s3], $0x80, v4, vm0, $0xb8;
	[tilespmem:$0x18100] =	vst v63  }
0x49: {  	_ = 	snop  }
0x4a: {  	[tilespmem:s12], [sflag:$0x2] =	stream.indirect_vreg.gather [hbm4b:s2+s3], $0x80, v3, vm0, $0xb8;
	[tilespmem:$0x18100] =	vst v63  }
0x4b: {  	s4 =	simm.s32 $0x6900  }
0x4c: {  	[tilespmem:s4], [sflag:$0x2] =	stream.indirect_vreg.gather [hbm4b:s5+s3], $0x80, v3, vm0, $0xb8;
	[tilespmem:$0x18100] =	vst v63  }
0x4d: {  	s13 =	simm.s32 $0x7100  }
0x4e: {  	[tilespmem:s13], [sflag:$0x2] =	stream.indirect_vreg.gather [hbm4b:s6+s3], $0x80, v3, vm0, $0xb8;
	[tilespmem:$0x18100] =	vst v63  }
0x4f: {  	s14 =	simm.s32 $0x7900  }
0x50: {  	[tilespmem:s14], [sflag:$0x2] =	stream.indirect_vreg.gather [hbm4b:s7+s3], $0x80, v3, vm0, $0xb8;
	[tilespmem:$0x18100] =	vst v63  }
0x51: {  	v3 =	vld [tilespmem:$0x20];
	_ =	sdelay $0x4  }
0x52: {  	v56 =	vshll.u32 v3, $0x3  }
0x53: {  	v3 =	vand.u32 $0x7, v3;
	v4 =	vand.u32 $0xFFFFFFC0, v56  }
0x54: {  	v3 =	vor.u32 v3, v4  }
0x55: {  	v4 =	vperm.xlane v3, v0;
	_ =	sdelay $0x1  }
0x56: {  	v4 =	vadd.s32 v1, v4;
	_ =	sdelay $0x4  }
0x57: {  	[tilespmem:s20], [sflag:$0x3] =	stream.indirect_vreg.gather [hbm4b:s2+s3], $0x80, v4, vm0, $0xb8;
	[tilespmem:$0x18100] =	vst v63  }
0x58: {  	s4 =	simm.s32 $0x8900;
	v3 =	vperm.xlane v3, v2  }
0x59: {  	[tilespmem:s4], [sflag:$0x3] =	stream.indirect_vreg.gather [hbm4b:s5+s3], $0x80, v4, vm0, $0xb8;
	[tilespmem:$0x18100] =	vst v63  }
0x5a: {  	s13 =	simm.s32 $0x9100;
	v3 =	vadd.s32 v1, v3  }
0x5b: {  	[tilespmem:s13], [sflag:$0x3] =	stream.indirect_vreg.gather [hbm4b:s6+s3], $0x80, v4, vm0, $0xb8;
	[tilespmem:$0x18100] =	vst v63  }
0x5c: {  	s14 =	simm.s32 $0x9900  }
0x5d: {  	[tilespmem:s14], [sflag:$0x3] =	stream.indirect_vreg.gather [hbm4b:s7+s3], $0x80, v4, vm0, $0xb8;
	[tilespmem:$0x18100] =	vst v63  }
0x5e: {  	s4 =	simm.s32 $0xA100  }
0x5f: {  	[tilespmem:s4], [sflag:$0x3] =	stream.indirect_vreg.gather [hbm4b:s2+s3], $0x80, v3, vm0, $0xb8;
	[tilespmem:$0x18100] =	vst v63  }
0x60: {  	s13 =	simm.s32 $0xA900  }
0x61: {  	[tilespmem:s13], [sflag:$0x3] =	stream.indirect_vreg.gather [hbm4b:s5+s3], $0x80, v3, vm0, $0xb8;
	[tilespmem:$0x18100] =	vst v63  }
0x62: {  	s14 =	simm.s32 $0xB100  }
0x63: {  	[tilespmem:s14], [sflag:$0x3] =	stream.indirect_vreg.gather [hbm4b:s6+s3], $0x80, v3, vm0, $0xb8;
	[tilespmem:$0x18100] =	vst v63  }
0x64: {  	s4 =	simm.s32 $0xB900  }
0x65: {  	[tilespmem:s4], [sflag:$0x3] =	stream.indirect_vreg.gather [hbm4b:s7+s3], $0x80, v3, vm0, $0xb8;
	[tilespmem:$0x18100] =	vst v63  }
0x66: {  	v3 =	vld [tilespmem:$0x30];
	_ =	sdelay $0x4  }
0x67: {  	v57 =	vshll.u32 v3, $0x3  }
0x68: {  	v3 =	vand.u32 $0x7, v3;
	v4 =	vand.u32 $0xFFFFFFC0, v57  }
0x69: {  	v3 =	vor.u32 v3, v4  }
0x6a: {  	v4 =	vperm.xlane v3, v0;
	_ =	sdelay $0x1  }
0x6b: {  	v4 =	vadd.s32 v1, v4;
	_ =	sdelay $0x3  }
0x6c: {  	s1 =	simm.s32 $0xC100  }
0x6d: {  	[tilespmem:s1], [sflag:$0x4] =	stream.indirect_vreg.gather [hbm4b:s2+s3], $0x80, v4, vm0, $0xb8;
	[tilespmem:$0x18100] =	vst v63  }
0x6e: {  	s4 =	simm.s32 $0xC900;
	v3 =	vperm.xlane v3, v2  }
0x6f: {  	[tilespmem:s4], [sflag:$0x4] =	stream.indirect_vreg.gather [hbm4b:s5+s3], $0x80, v4, vm0, $0xb8;
	[tilespmem:$0x18100] =	vst v63  }
0x70: {  	s13 =	simm.s32 $0xD100;
	v3 =	vadd.s32 v1, v3  }
0x71: {  	[tilespmem:s13], [sflag:$0x4] =	stream.indirect_vreg.gather [hbm4b:s6+s3], $0x80, v4, vm0, $0xb8;
	[tilespmem:$0x18100] =	vst v63  }
0x72: {  	s14 =	simm.s32 $0xD900  }
0x73: {  	[tilespmem:s14], [sflag:$0x4] =	stream.indirect_vreg.gather [hbm4b:s7+s3], $0x80, v4, vm0, $0xb8;
	[tilespmem:$0x18100] =	vst v63  }
0x74: {  	s13 =	simm.s32 $0xE100  }
0x75: {  	[tilespmem:s13], [sflag:$0x4] =	stream.indirect_vreg.gather [hbm4b:s2+s3], $0x80, v3, vm0, $0xb8;
	[tilespmem:$0x18100] =	vst v63  }
0x76: {  	s14 =	simm.s32 $0xE900  }
0x77: {  	[tilespmem:s14], [sflag:$0x4] =	stream.indirect_vreg.gather [hbm4b:s5+s3], $0x80, v3, vm0, $0xb8;
	[tilespmem:$0x18100] =	vst v63  }
0x78: {  	s13 =	simm.s32 $0xF100  }
0x79: {  	[tilespmem:s13], [sflag:$0x4] =	stream.indirect_vreg.gather [hbm4b:s6+s3], $0x80, v3, vm0, $0xb8;
	[tilespmem:$0x18100] =	vst v63  }
0x7a: {  	s14 =	simm.s32 $0xF900  }
0x7b: {  	[tilespmem:s14], [sflag:$0x4] =	stream.indirect_vreg.gather [hbm4b:s7+s3], $0x80, v3, vm0, $0xb8;
	[tilespmem:$0x18100] =	vst v63  }
0x7c: {  	_ =	swait.ge [sflag:s11], $0x4000  }
0x7d: {  	[sflag:s11] =	ssyncset.done $0x0  }
0x7e: {  	s4 =	rddreg [dreg:$0x1b];
	[sflag:s11] =	ssyncadd.s32 $0xFFFFC000  }
0x7f: {  	[hbm4b:s4+s3] =	stream.linear.scatter [tilespmem:s18], [sflag:$0x7], $0x4000, $0x38;
	[tilespmem:$0x18100] =	vst v63  }
0x80: {  	v3 =	vld [tilespmem:$0x40];
	_ =	sdelay $0x4  }
0x81: {  	v58 =	vshll.u32 v3, $0x3  }
0x82: {  	v3 =	vand.u32 $0x7, v3;
	v4 =	vand.u32 $0xFFFFFFC0, v58  }
0x83: {  	v3 =	vor.u32 v3, v4  }
0x84: {  	v4 =	vperm.xlane v3, v0;
	_ =	sdelay $0x1  }
0x85: {  	v4 =	vadd.s32 v1, v4;
	_ =	sdelay $0x3  }
0x86: {  	s4 =	simm.s32 $0x10100  }
0x87: {  	[tilespmem:s4], [sflag:$0x5] =	stream.indirect_vreg.gather [hbm4b:s2+s3], $0x80, v4, vm0, $0xb8;
	[tilespmem:$0x18100] =	vst v63  }
0x88: {  	s13 =	rddreg [dreg:$0xd];
	v3 =	vperm.xlane v3, v2  }
0x89: {  	[tilespmem:s13], [sflag:$0x5] =	stream.indirect_vreg.gather [hbm4b:s5+s3], $0x80, v4, vm0, $0xb8;
	[tilespmem:$0x18100] =	vst v63  }
0x8a: {  	s14 =	rddreg [dreg:$0xe];
	v3 =	vadd.s32 v1, v3  }
0x8b: {  	[tilespmem:s14], [sflag:$0x5] =	stream.indirect_vreg.gather [hbm4b:s6+s3], $0x80, v4, vm0, $0xb8;
	[tilespmem:$0x18100] =	vst v63  }
0x8c: {  	s13 =	rddreg [dreg:$0xf]  }
0x8d: {  	[tilespmem:s13], [sflag:$0x5] =	stream.indirect_vreg.gather [hbm4b:s7+s3], $0x80, v4, vm0, $0xb8;
	[tilespmem:$0x18100] =	vst v63  }
0x8e: {  	s14 =	rddreg [dreg:$0x10]  }
0x8f: {  	[tilespmem:s14], [sflag:$0x5] =	stream.indirect_vreg.gather [hbm4b:s2+s3], $0x80, v3, vm0, $0xb8;
	[tilespmem:$0x18100] =	vst v63  }
0x90: {  	s13 =	rddreg [dreg:$0x11]  }
0x91: {  	[tilespmem:s13], [sflag:$0x5] =	stream.indirect_vreg.gather [hbm4b:s5+s3], $0x80, v3, vm0, $0xb8;
	[tilespmem:$0x18100] =	vst v63  }
0x92: {  	s14 =	rddreg [dreg:$0x12]  }
0x93: {  	[tilespmem:s14], [sflag:$0x5] =	stream.indirect_vreg.gather [hbm4b:s6+s3], $0x80, v3, vm0, $0xb8;
	[tilespmem:$0x18100] =	vst v63  }
0x94: {  	s13 =	rddreg [dreg:$0x13]  }
0x95: {  	[tilespmem:s13], [sflag:$0x5] =	stream.indirect_vreg.gather [hbm4b:s7+s3], $0x80, v3, vm0, $0xb8;
	[tilespmem:$0x18100] =	vst v63  }
0x96: {  	_ =	swait.ge [sflag:s22], $0x4000  }
0x97: {  	[sflag:s22] =	ssyncset.done $0x0  }
0x98: {  	s14 =	rddreg [dreg:$0x4];
	[sflag:s22] =	ssyncadd.s32 $0xFFFFC000  }
0x99: {  	[hbm4b:s14+s3] =	stream.linear.scatter [tilespmem:s26], [sflag:$0x8], $0x4000, $0x38;
	[tilespmem:$0x18100] =	vst v63  }
0x9a: {  	v3 =	vld [tilespmem:$0x50];
	_ =	sdelay $0x4  }
0x9b: {  	v59 =	vshll.u32 v3, $0x3  }
0x9c: {  	v3 =	vand.u32 $0x7, v3;
	v4 =	vand.u32 $0xFFFFFFC0, v59  }
0x9d: {  	v3 =	vor.u32 v3, v4  }
0x9e: {  	v4 =	vperm.xlane v3, v0;
	_ =	sdelay $0x1  }
0x9f: {  	v4 =	vadd.s32 v1, v4;
	_ =	sdelay $0x4  }
0xa0: {  	[tilespmem:s10], [sflag:$0x6] =	stream.indirect_vreg.gather [hbm4b:s2+s3], $0x80, v4, vm0, $0xb8;
	[tilespmem:$0x18100] =	vst v63  }
0xa1: {  	s13 =	rddreg [dreg:$0x14];
	v3 =	vperm.xlane v3, v2  }
0xa2: {  	[tilespmem:s13], [sflag:$0x6] =	stream.indirect_vreg.gather [hbm4b:s5+s3], $0x80, v4, vm0, $0xb8;
	[tilespmem:$0x18100] =	vst v63  }
0xa3: {  	s14 =	rddreg [dreg:$0x15];
	v3 =	vadd.s32 v1, v3  }
0xa4: {  	[tilespmem:s14], [sflag:$0x6] =	stream.indirect_vreg.gather [hbm4b:s6+s3], $0x80, v4, vm0, $0xb8;
	[tilespmem:$0x18100] =	vst v63  }
0xa5: {  	s13 =	rddreg [dreg:$0x16]  }
0xa6: {  	[tilespmem:s13], [sflag:$0x6] =	stream.indirect_vreg.gather [hbm4b:s7+s3], $0x80, v4, vm0, $0xb8;
	[tilespmem:$0x18100] =	vst v63  }
0xa7: {  	s14 =	rddreg [dreg:$0x17]  }
0xa8: {  	[tilespmem:s14], [sflag:$0x6] =	stream.indirect_vreg.gather [hbm4b:s2+s3], $0x80, v3, vm0, $0xb8;
	[tilespmem:$0x18100] =	vst v63  }
0xa9: {  	s13 =	rddreg [dreg:$0x18]  }
0xaa: {  	[tilespmem:s13], [sflag:$0x6] =	stream.indirect_vreg.gather [hbm4b:s5+s3], $0x80, v3, vm0, $0xb8;
	[tilespmem:$0x18100] =	vst v63  }
0xab: {  	s14 =	rddreg [dreg:$0x19]  }
0xac: {  	[tilespmem:s14], [sflag:$0x6] =	stream.indirect_vreg.gather [hbm4b:s6+s3], $0x80, v3, vm0, $0xb8;
	[tilespmem:$0x18100] =	vst v63  }
0xad: {  	s13 =	rddreg [dreg:$0x1a]  }
0xae: {  	[tilespmem:s13], [sflag:$0x6] =	stream.indirect_vreg.gather [hbm4b:s7+s3], $0x80, v3, vm0, $0xb8;
	[tilespmem:$0x18100] =	vst v63  }
0xaf: {  	_ =	swait.ge [sflag:s24], $0x4000  }
0xb0: {  	[sflag:s24] =	ssyncset.done $0x0  }
0xb1: {  	s14 =	rddreg [dreg:$0x5];
	[sflag:s24] =	ssyncadd.s32 $0xFFFFC000  }
0xb2: {  	[hbm4b:s14+s3] =	stream.linear.scatter [tilespmem:s20], [sflag:$0x9], $0x4000, $0x38;
	[tilespmem:$0x18100] =	vst v63  }
0xb3: {  	_ =	swait.ge [sflag:s25], $0x4000  }
0xb4: {  	[sflag:s25] =	ssyncset.done $0x0  }
0xb5: {  	[sflag:s25] =	ssyncadd.s32 $0xFFFFC000  }
0xb6: {  	v3 =	vld [tilespmem:$0x60];
	_ =	sdelay $0x4  }
0xb7: {  	v60 =	vshll.u32 v3, $0x3  }
0xb8: {  	v3 =	vand.u32 $0x7, v3;
	v4 =	vand.u32 $0xFFFFFFC0, v60  }
0xb9: {  	v3 =	vor.u32 v3, v4  }
0xba: {  	v4 =	vperm.xlane v3, v0;
	_ =	sdelay $0x1  }
0xbb: {  	v4 =	vadd.s32 v1, v4;
	_ =	sdelay $0x4  }
0xbc: {  	[tilespmem:s18], [sflag:$0x1] =	stream.indirect_vreg.gather [hbm4b:s2+s3], $0x80, v4, vm0, $0xb8;
	[tilespmem:$0x18100] =	vst v63  }
0xbd: {  	v3 =	vperm.xlane v3, v2  }
0xbe: {  	[tilespmem:s15], [sflag:$0x1] =	stream.indirect_vreg.gather [hbm4b:s5+s3], $0x80, v4, vm0, $0xb8;
	[tilespmem:$0x18100] =	vst v63  }
0xbf: {  	v3 =	vadd.s32 v1, v3  }
0xc0: {  	[tilespmem:s16], [sflag:$0x1] =	stream.indirect_vreg.gather [hbm4b:s6+s3], $0x80, v4, vm0, $0xb8;
	[tilespmem:$0x18100] =	vst v63  }
0xc1: {  	_ = 	snop  }
0xc2: {  	[tilespmem:s17], [sflag:$0x1] =	stream.indirect_vreg.gather [hbm4b:s7+s3], $0x80, v4, vm0, $0xb8;
	[tilespmem:$0x18100] =	vst v63  }
0xc3: {  	_ = 	snop  }
0xc4: {  	[tilespmem:s19], [sflag:$0x1] =	stream.indirect_vreg.gather [hbm4b:s2+s3], $0x80, v3, vm0, $0xb8;
	[tilespmem:$0x18100] =	vst v63  }
0xc5: {  	_ = 	snop  }
0xc6: {  	[tilespmem:s21], [sflag:$0x1] =	stream.indirect_vreg.gather [hbm4b:s5+s3], $0x80, v3, vm0, $0xb8;
	[tilespmem:$0x18100] =	vst v63  }
0xc7: {  	_ = 	snop  }
0xc8: {  	[tilespmem:s23], [sflag:$0x1] =	stream.indirect_vreg.gather [hbm4b:s6+s3], $0x80, v3, vm0, $0xb8;
	[tilespmem:$0x18100] =	vst v63  }
0xc9: {  	_ = 	snop  }
0xca: {  	[tilespmem:s9], [sflag:$0x1] =	stream.indirect_vreg.gather [hbm4b:s7+s3], $0x80, v3, vm0, $0xb8;
	[tilespmem:$0x18100] =	vst v63  }
0xcb: {  	_ =	swait.ge [sflag:s28], $0x4000  }
0xcc: {  	[sflag:s28] =	ssyncset.done $0x0  }
0xcd: {  	s9 =	rddreg [dreg:$0x6];
	[sflag:s28] =	ssyncadd.s32 $0xFFFFC000  }
0xce: {  	[hbm4b:s9+s3] =	stream.linear.scatter [tilespmem:s1], [sflag:$0xA], $0x4000, $0x38;
	[tilespmem:$0x18100] =	vst v63  }
0xcf: {  	_ =	swait.ge [sflag:s29], $0x4000  }
0xd0: {  	[sflag:s29] =	ssyncset.done $0x0  }
0xd1: {  	[sflag:s29] =	ssyncadd.s32 $0xFFFFC000  }
0xd2: {  	v3 =	vld [tilespmem:$0x70];
	_ =	sdelay $0x4  }
0xd3: {  	v61 =	vshll.u32 v3, $0x3  }
0xd4: {  	v3 =	vand.u32 $0x7, v3;
	v4 =	vand.u32 $0xFFFFFFC0, v61  }
0xd5: {  	v3 =	vor.u32 v3, v4  }
0xd6: {  	v4 =	vperm.xlane v3, v0;
	_ =	sdelay $0x1  }
0xd7: {  	v4 =	vadd.s32 v1, v4;
	_ =	sdelay $0x4  }
0xd8: {  	[tilespmem:s26], [sflag:$0x2] =	stream.indirect_vreg.gather [hbm4b:s2+s3], $0x80, v4, vm0, $0xb8;
	[tilespmem:$0x18100] =	vst v63  }
0xd9: {  	v3 =	vperm.xlane v3, v2  }
0xda: {  	[tilespmem:s30], [sflag:$0x2] =	stream.indirect_vreg.gather [hbm4b:s5+s3], $0x80, v4, vm0, $0xb8;
	[tilespmem:$0x18100] =	vst v63  }
0xdb: {  	s14 =	simm.s32 $0x5100;
	v3 =	vadd.s32 v1, v3  }
0xdc: {  	[tilespmem:s14], [sflag:$0x2] =	stream.indirect_vreg.gather [hbm4b:s6+s3], $0x80, v4, vm0, $0xb8;
	[tilespmem:$0x18100] =	vst v63  }
0xdd: {  	s13 =	simm.s32 $0x5900  }
0xde: {  	[tilespmem:s13], [sflag:$0x2] =	stream.indirect_vreg.gather [hbm4b:s7+s3], $0x80, v4, vm0, $0xb8;
	[tilespmem:$0x18100] =	vst v63  }
0xdf: {  	_ = 	snop  }
0xe0: {  	[tilespmem:s12], [sflag:$0x2] =	stream.indirect_vreg.gather [hbm4b:s2+s3], $0x80, v3, vm0, $0xb8;
	[tilespmem:$0x18100] =	vst v63  }
0xe1: {  	s14 =	simm.s32 $0x6900  }
0xe2: {  	[tilespmem:s14], [sflag:$0x2] =	stream.indirect_vreg.gather [hbm4b:s5+s3], $0x80, v3, vm0, $0xb8;
	[tilespmem:$0x18100] =	vst v63  }
0xe3: {  	s13 =	simm.s32 $0x7100  }
0xe4: {  	[tilespmem:s13], [sflag:$0x2] =	stream.indirect_vreg.gather [hbm4b:s6+s3], $0x80, v3, vm0, $0xb8;
	[tilespmem:$0x18100] =	vst v63  }
0xe5: {  	s14 =	simm.s32 $0x7900;
	s13 =	simm.s32 $0x5  }
0xe6: {  	[tilespmem:s14], [sflag:$0x2] =	stream.indirect_vreg.gather [hbm4b:s7+s3], $0x80, v3, vm0, $0xb8;
	[tilespmem:$0x18100] =	vst v63  }
0xe7: {  	_ =	swait.ge [sflag:s13], $0x4000  }
0xe8: {  	[sflag:s13] =	ssyncset.done $0x0  }
0xe9: {  	s14 =	rddreg [dreg:$0x7];
	[sflag:s13] =	ssyncadd.s32 $0xFFFFC000  }
0xea: {  	[hbm4b:s14+s3] =	stream.linear.scatter [tilespmem:s4], [sflag:$0xB], $0x4000, $0x38;
	[tilespmem:$0x18100] =	vst v63  }
0xeb: {  	_ =	swait.ge [sflag:s31], $0x4000  }
0xec: {  	[sflag:s31] =	ssyncset.done $0x0  }
0xed: {  	[sflag:s31] =	ssyncadd.s32 $0xFFFFC000  }
0xee: {  	v3 =	vld [tilespmem:$0x80];
	_ =	sdelay $0x4  }
0xef: {  	v62 =	vshll.u32 v3, $0x3  }
0xf0: {  	v3 =	vand.u32 $0x7, v3;
	v4 =	vand.u32 $0xFFFFFFC0, v62  }
0xf1: {  	v3 =	vor.u32 v3, v4  }
0xf2: {  	v4 =	vperm.xlane v3, v0;
	_ =	sdelay $0x1  }
0xf3: {  	v4 =	vadd.s32 v1, v4;
	_ =	sdelay $0x4  }
0xf4: {  	[tilespmem:s20], [sflag:$0x3] =	stream.indirect_vreg.gather [hbm4b:s2+s3], $0x80, v4, vm0, $0xb8;
	[tilespmem:$0x18100] =	vst v63  }
0xf5: {  	s13 =	simm.s32 $0x8900;
	v3 =	vperm.xlane v3, v2  }
0xf6: {  	[tilespmem:s13], [sflag:$0x3] =	stream.indirect_vreg.gather [hbm4b:s5+s3], $0x80, v4, vm0, $0xb8;
	[tilespmem:$0x18100] =	vst v63  }
0xf7: {  	s14 =	simm.s32 $0x9100;
	v3 =	vadd.s32 v1, v3  }
0xf8: {  	[tilespmem:s14], [sflag:$0x3] =	stream.indirect_vreg.gather [hbm4b:s6+s3], $0x80, v4, vm0, $0xb8;
	[tilespmem:$0x18100] =	vst v63  }
0xf9: {  	s9 =	simm.s32 $0x9900  }
0xfa: {  	[tilespmem:s9], [sflag:$0x3] =	stream.indirect_vreg.gather [hbm4b:s7+s3], $0x80, v4, vm0, $0xb8;
	[tilespmem:$0x18100] =	vst v63  }
0xfb: {  	s13 =	simm.s32 $0xA100  }
0xfc: {  	[tilespmem:s13], [sflag:$0x3] =	stream.indirect_vreg.gather [hbm4b:s2+s3], $0x80, v3, vm0, $0xb8;
	[tilespmem:$0x18100] =	vst v63  }
0xfd: {  	s14 =	simm.s32 $0xA900  }
0xfe: {  	[tilespmem:s14], [sflag:$0x3] =	stream.indirect_vreg.gather [hbm4b:s5+s3], $0x80, v3, vm0, $0xb8;
	[tilespmem:$0x18100] =	vst v63  }
0xff: {  	s9 =	simm.s32 $0xB100  }
0x100: {  	[tilespmem:s9], [sflag:$0x3] =	stream.indirect_vreg.gather [hbm4b:s6+s3], $0x80, v3, vm0, $0xb8;
	[tilespmem:$0x18100] =	vst v63  }
0x101: {  	s13 =	simm.s32 $0xB900;
	s14 =	simm.s32 $0x6  }
0x102: {  	[tilespmem:s13], [sflag:$0x3] =	stream.indirect_vreg.gather [hbm4b:s7+s3], $0x80, v3, vm0, $0xb8;
	[tilespmem:$0x18100] =	vst v63  }
0x103: {  	_ =	swait.ge [sflag:s14], $0x4000  }
0x104: {  	[sflag:s14] =	ssyncset.done $0x0  }
0x105: {  	s9 =	rddreg [dreg:$0x8];
	[sflag:s14] =	ssyncadd.s32 $0xFFFFC000  }
0x106: {  	[hbm4b:s9+s3] =	stream.linear.scatter [tilespmem:s10], [sflag:$0xC], $0x4000, $0x38;
	[tilespmem:$0x18100] =	vst v63  }
0x107: {  	_ =	swait.ge [sflag:s0], $0x4000  }
0x108: {  	[sflag:s0] =	ssyncset.done $0x0  }
0x109: {  	[sflag:s0] =	ssyncadd.s32 $0xFFFFC000  }
0x10a: {  	v3 =	vld [tilespmem:$0x90];
	_ =	sdelay $0x4  }
0x10b: {  	v63 =	vshll.u32 v3, $0x3  }
0x10c: {  	v3 =	vand.u32 $0x7, v3;
	v4 =	vand.u32 $0xFFFFFFC0, v63  }
0x10d: {  	v3 =	vor.u32 v3, v4  }
0x10e: {  	v4 =	vperm.xlane v3, v0;
	_ =	sdelay $0x1  }
0x10f: {  	v4 =	vadd.s32 v1, v4;
	_ =	sdelay $0x4  }
0x110: {  	[tilespmem:s1], [sflag:$0x4] =	stream.indirect_vreg.gather [hbm4b:s2+s3], $0x80, v4, vm0, $0xb8;
	[tilespmem:$0x18100] =	vst v63  }
0x111: {  	s14 =	simm.s32 $0xC900;
	v3 =	vperm.xlane v3, v2  }
0x112: {  	[tilespmem:s14], [sflag:$0x4] =	stream.indirect_vreg.gather [hbm4b:s5+s3], $0x80, v4, vm0, $0xb8;
	[tilespmem:$0x18100] =	vst v63  }
0x113: {  	s9 =	simm.s32 $0xD100;
	v3 =	vadd.s32 v1, v3  }
0x114: {  	[tilespmem:s9], [sflag:$0x4] =	stream.indirect_vreg.gather [hbm4b:s6+s3], $0x80, v4, vm0, $0xb8;
	[tilespmem:$0x18100] =	vst v63  }
0x115: {  	s13 =	simm.s32 $0xD900  }
0x116: {  	[tilespmem:s13], [sflag:$0x4] =	stream.indirect_vreg.gather [hbm4b:s7+s3], $0x80, v4, vm0, $0xb8;
	[tilespmem:$0x18100] =	vst v63  }
0x117: {  	s14 =	simm.s32 $0xE100  }
0x118: {  	[tilespmem:s14], [sflag:$0x4] =	stream.indirect_vreg.gather [hbm4b:s2+s3], $0x80, v3, vm0, $0xb8;
	[tilespmem:$0x18100] =	vst v63  }
0x119: {  	s9 =	simm.s32 $0xE900  }
0x11a: {  	[tilespmem:s9], [sflag:$0x4] =	stream.indirect_vreg.gather [hbm4b:s5+s3], $0x80, v3, vm0, $0xb8;
	[tilespmem:$0x18100] =	vst v63  }
0x11b: {  	s13 =	simm.s32 $0xF100  }
0x11c: {  	[tilespmem:s13], [sflag:$0x4] =	stream.indirect_vreg.gather [hbm4b:s6+s3], $0x80, v3, vm0, $0xb8;
	[tilespmem:$0x18100] =	vst v63  }
0x11d: {  	s14 =	simm.s32 $0xF900  }
0x11e: {  	[tilespmem:s14], [sflag:$0x4] =	stream.indirect_vreg.gather [hbm4b:s7+s3], $0x80, v3, vm0, $0xb8;
	[tilespmem:$0x18100] =	vst v63  }
0x11f: {  	_ =	swait.ge [sflag:s11], $0x4000  }
0x120: {  	[sflag:s11] =	ssyncset.done $0x0  }
0x121: {  	s9 =	rddreg [dreg:$0x9];
	[sflag:s11] =	ssyncadd.s32 $0xFFFFC000  }
0x122: {  	[hbm4b:s9+s3] =	stream.linear.scatter [tilespmem:s18], [sflag:$0x7], $0x4000, $0x38;
	[tilespmem:$0x18100] =	vst v63  }
0x123: {  	_ =	swait.ge [sflag:s22], $0x4000  }
0x124: {  	[sflag:s22] =	ssyncset.done $0x0  }
0x125: {  	s14 =	rddreg [dreg:$0xa];
	[sflag:s22] =	ssyncadd.s32 $0xFFFFC000  }
0x126: {  	[hbm4b:s14+s3] =	stream.linear.scatter [tilespmem:s26], [sflag:$0x8], $0x4000, $0x38;
	[tilespmem:$0x18100] =	vst v63  }
0x127: {  	_ =	swait.ge [sflag:s24], $0x4000  }
0x128: {  	[sflag:s24] =	ssyncset.done $0x0  }
0x129: {  	s4 =	rddreg [dreg:$0xb];
	[sflag:s24] =	ssyncadd.s32 $0xFFFFC000  }
0x12a: {  	[hbm4b:s4+s3] =	stream.linear.scatter [tilespmem:s20], [sflag:$0x9], $0x4000, $0x38;
	[tilespmem:$0x18100] =	vst v63  }
0x12b: {  	_ =	swait.ge [sflag:s28], $0x4000  }
0x12c: {  	[sflag:s28] =	ssyncset.done $0x0  }
0x12d: {  	s13 =	simm.s32 $0xB;
	s9 =	rddreg [dreg:$0xc];
	[sflag:s28] =	ssyncadd.s32 $0xFFFFC000  }
0x12e: {  	[hbm4b:s9+s3] =	stream.linear.scatter [tilespmem:s1], [sflag:$0xA], $0x4000, $0x38;
	[tilespmem:$0x18100] =	vst v63  }
0x12f: {  	_ =	swait.ge [sflag:s13], $0x4000  }
0x130: {  	[sflag:s13] =	ssyncset.done $0x0  }
0x131: {  	s14 =	simm.s32 $0xC;
	[sflag:s13] =	ssyncadd.s32 $0xFFFFC000  }
0x132: {  	_ =	swait.ge [sflag:s14], $0x4000  }
0x133: {  	[sflag:s14] =	ssyncset.done $0x0  }
0x134: {  	[sflag:s14] =	ssyncadd.s32 $0xFFFFC000  }
0x135: {  	_ =	swait.ge [sflag:s25], $0x4000  }
0x136: {  	[sflag:s25] =	ssyncset.done $0x0  }
0x137: {  	[sflag:s25] =	ssyncadd.s32 $0xFFFFC000  }
0x138: {  	_ =	swait.ge [sflag:s29], $0x4000  }
0x139: {  	[sflag:s29] =	ssyncset.done $0x0  }
0x13a: {  	[sflag:s29] =	ssyncadd.s32 $0xFFFFC000  }
0x13b: {  	p0 =	sne.s32 s8, $0x1;
	_ =	swait.ge [sflag:s31], $0x4000  }
.Ltmp0:
0x13c: {  	[sflag:s31] =	ssyncset.done $0x0;
	(pc) =	sbr.rel @p0 .LBB2_1-.Ltmp0, $4  }
0x13d: {  	[sflag:s31] =	ssyncadd.s32 $0xFFFFC000  }
0x13e: {  	_ =	swait.ge [sflag:s0], $0x4000  }
0x13f: {  	[sflag:s0] =	ssyncset.done $0x0  }
0x140: {  	s8 =	sadd.s32 $0xFFFFFFFF, s8;
	[sflag:s0] =	ssyncadd.s32 $0xFFFFC000  }
0x141: {  	_ =	sfence.sel $0x180000  }
0x142: {  	[bflag:$0x0] =	sbarrier.arrive $0xFFFF  }
0x143: {  	_ =	strace $0x9000004A  }
0x144: {  	s0 =	stileid.u32;
	[bflag:$0x2] =	sbarrier.arrive $0xFFFF  }
0x145: {  	p0 =	sne.s32 s0, $0x0;
	s0 =	rddreg [dreg:$0x2]  }
0x146: {  	s0 =	sadd.s32 @!p0 $0x100000, s0  }
0x147: {  	[sflag:s0] =	ssyncadd.tile.s32 @!p0 $0x1;
	_ =	shalt  }
.Lfunc_end2:
_tile_overlayer_lowered:
.L_overlay_start_2:
0x148: {  	(tag) =	ssettag $0x2  }
0x149: {  	s0 =	rddreg [dreg:$0x0];
	s2 =	stileid.u32  }
0x14a: {  	s1 =	rddreg [dreg:$0x1];
	p0 =	sne.s32 s2, $0x0  }
0x14b: {  	s3 =	rddreg [dreg:$0x2];
	[bflag:$0x3] =	sbarrier.arrive $0xFFFF;
	s2 =	simm.s32 @!p0 $0x1C0D  }
0x14c: {  	[timem:s3], [sflag:s2] =	dma.local @!p0 [hbm:s0], s1  }
0x14d: {  	s0 =	simm.s32 @!p0 $0xD  }
0x14e: {  	_ =	swait.ge @!p0 [sflag:s0], s1  }
0x14f: {  	s1 =	ssub.s32 @!p0 $0x0, s1;
	[sflag:s0] =	ssyncset.done @!p0 $0x0  }
0x150: {  	[sflag:s0] =	ssyncadd.s32 @!p0 s1  }
0x151: {  	[bflag:$0x3] =	sbarrier.arrive $0xFFFF  }
0x152: {  	_ =	shalt  }

// kernel: kernel.17.cloned.1.call-start
scs
__scs_entry_jumppad:
0x0: {  	(pc) =	sbr.rel $0x88, $3  }
0x1: {  	(tag) =	ssettag $0x0;
	lr =	simm.s32 $0x1  }
0x2: {  	[smem:$0x3F99] =	sst lr;
	_ =	strace $0xD0000000  }
0x3: {  	_ = 	snop  }
0x4: {  	_ = 	snop  }
0x5: {  	_ = 	snop  }
0x6: {  	_ = 	snop  }
0x7: {  	_ = 	snop  }
__scs_overlays_trampoline_lowered:
0x8: {  	[smem:$0x3FA8] =	sst s0  }
0x9: {  	[smem:$0x3FA9] =	sst s1  }
0xa: {  	[smem:$0x3FAA] =	sst s2  }
0xb: {  	[smem:$0x3FAB] =	sst s3  }
0xc: {  	[smem:$0x3FAC] =	sst s4  }
0xd: {  	[smem:$0x3FAD] =	sst s5  }
0xe: {  	[smem:$0x3FAE] =	sst s6  }
0xf: {  	[smem:$0x3FAF] =	sst s7  }
0x10: {  	[smem:$0x3FB0] =	sst s8  }
0x11: {  	[smem:$0x3FB1] =	sst s9;
	s0 =	simm.s32 @!p0 $0x0  }
0x12: {  	s1 =	sld [smem:$0x3F97];
	s0 =	simm.s32 @p0 $0x1  }
0x13: {  	[smem:$0x3FB2] =	sst s0;
	s0 =	simm.s32 @!p1 $0x0  }
0x14: {  	s2 =	sld [smem:$0x3F96];
	s0 =	simm.s32 @p1 $0x1  }
0x15: {  	[smem:$0x3FB3] =	sst s0;
	s0 =	simm.s32 @!p2 $0x0  }
0x16: {  	s3 =	sld [smem:$0x3FDB];
	s0 =	simm.s32 @p2 $0x1  }
0x17: {  	s4 =	simm.s32 $0x1BF5;
	[smem:$0x3FB5] =	sst s0  }
0x18: {  	s0 =	sld [smem:$0x3F98];
	_ =	swait.ge [sflag:s4], $0x0  }
0x19: {  	s7 =	sld [smem:$0x3F99]  }
0x1a: {  	s8 =	sadd.s32 $0xFFFFE003, lr  }
0x1b: {  	s9 =	sadd.s32 $0xFFFFFEF7, lr;
	s5 =	simm.s32 $0xFFFFFFFF;
	p2 =	slt.u32 s8, $0xFFFFF086  }
0x1c: {  	p1 =	slt.u32 s9, $0xF7A;
	s5 =	simm.s32 @!p2 $0x0  }
0x1d: {  	s5 =	simm.s32 @p1 $0x1;
	p0 =	seq.s32 s7, s2  }
0x1e: {  	s7 =	smul.u32 @!p0 $0xF7A, s2;
	p2 =	seq.s32 @!p0 s5, $0x0  }
0x1f: {  	s9 =	smul.u32 $0xF7A, s1;
	s8 =	simm.s32 @!p0 $0x1BF5;
	p2 =	por !p2, p0  }
0x20: {  	[sflag:s8] =	ssyncset.s32 @!p0 $0xFFFFF086;
	s6 =	sadd.s32 @!p0 s3, s7;
	s7 =	simm.s32 @!p0 $0x108  }
0x21: {  	s3 =	sadd.s32 s3, s9;
	s6 =	sadd.s32 @!p0 $0x88, s6;
	s7 =	simm.s32 @p2 $0x1082  }
0x22: {  	[simem:s7], [sflag:s8] =	dma.local @!p0 [hbm:s6], $0xF7A  }
0x23: {  	s9 =	sor.u32 $0xD0000000, s2;
	s6 =	simm.s32 $0x108;
	_ =	swait.ge @!p0 [sflag:s8], $0x0  }
0x24: {  	s3 =	sadd.s32 $0x88, s3;
	s6 =	simm.s32 @!p1 $0x1082;
	[sflag:s4] =	ssyncset.s32 $0xFFFFF086  }
0x25: {  	[simem:s6], [sflag:s4] =	dma.local [hbm:s3], $0xF7A  }
0x26: {  	[smem:$0x3F99] =	sst s1;
	(tag) =	ssettag s2;
	_ =	strace s9  }
0x27: {  	s1 =	sld [smem:$0x3FA9]  }
0x28: {  	s2 =	sld [smem:$0x3FAA]  }
0x29: {  	s4 =	sld [smem:$0x3FAC]  }
0x2a: {  	p0 =	seq.s32 s5, $0x0;
	s5 =	sld [smem:$0x3FAD]  }
0x2b: {  	s6 =	sld [smem:$0x3FAE]  }
0x2c: {  	s7 =	sld [smem:$0x3FAF]  }
0x2d: {  	s3 =	simm.s32 $0x108;
	s8 =	sld [smem:$0x3FB0]  }
0x2e: {  	s3 =	simm.s32 @!p0 $0x1082;
	s9 =	sld [smem:$0x3FB1]  }
0x2f: {  	lr =	sadd.s32 s0, s3;
	s0 =	sld [smem:$0x3FA8]  }
0x30: {  	s3 =	sld [smem:$0x3FAB]  }
0x31: {  	[smem:$0x3FB4] =	sst s10  }
0x32: {  	s10 =	sld [smem:$0x3FB2];
	_ =	sdelay $0x3  }
0x33: {  	p0 =	seq.s32 s10, $0x1;
	s10 =	sld [smem:$0x3FB4];
	_ =	sdelay $0x3  }
0x34: {  	[smem:$0x3FB4] =	sst s10  }
0x35: {  	s10 =	sld [smem:$0x3FB3];
	_ =	sdelay $0x3  }
0x36: {  	p1 =	seq.s32 s10, $0x1;
	s10 =	sld [smem:$0x3FB4];
	_ =	sdelay $0x3  }
0x37: {  	[smem:$0x3FB4] =	sst s10  }
0x38: {  	s10 =	sld [smem:$0x3FB5]  }
0x39: {  	_ = 	snop;
	(pc) =	sbr.ind lr, $3  }
0x3a: {  	_ = 	snop  }
0x3b: {  	_ = 	snop  }
0x3c: {  	p2 =	seq.s32 s10, $0x1;
	s10 =	sld [smem:$0x3FB4]  }
0x3d: {  	_ =	shalt  }
0x3e: {  	_ =	shalt  }
0x3f: {  	_ =	shalt  }
0x40: {  	_ =	shalt  }
0x41: {  	_ =	shalt  }
0x42: {  	_ =	shalt  }
0x43: {  	_ =	shalt  }
0x44: {  	_ =	shalt  }
0x45: {  	_ =	shalt  }
0x46: {  	_ =	shalt  }
0x47: {  	_ =	shalt  }
0x48: {  	_ =	shalt  }
0x49: {  	_ =	shalt  }
0x4a: {  	_ =	shalt  }
0x4b: {  	_ =	shalt  }
0x4c: {  	_ =	shalt  }
0x4d: {  	_ =	shalt  }
0x4e: {  	_ =	shalt  }
0x4f: {  	_ =	shalt  }
0x50: {  	_ =	shalt  }
0x51: {  	_ =	shalt  }
0x52: {  	_ =	shalt  }
0x53: {  	_ =	shalt  }
0x54: {  	_ =	shalt  }
0x55: {  	_ =	shalt  }
0x56: {  	_ =	shalt  }
0x57: {  	_ =	shalt  }
0x58: {  	_ =	shalt  }
0x59: {  	_ =	shalt  }
0x5a: {  	_ =	shalt  }
0x5b: {  	_ =	shalt  }
0x5c: {  	_ =	shalt  }
0x5d: {  	_ =	shalt  }
0x5e: {  	_ =	shalt  }
0x5f: {  	_ =	shalt  }
0x60: {  	_ =	shalt  }
0x61: {  	_ =	shalt  }
0x62: {  	_ =	shalt  }
0x63: {  	_ =	shalt  }
0x64: {  	_ =	shalt  }
0x65: {  	_ =	shalt  }
0x66: {  	_ =	shalt  }
0x67: {  	_ =	shalt  }
0x68: {  	_ =	shalt  }
0x69: {  	_ =	shalt  }
0x6a: {  	_ =	shalt  }
0x6b: {  	_ =	shalt  }
0x6c: {  	_ =	shalt  }
0x6d: {  	_ =	shalt  }
0x6e: {  	_ =	shalt  }
0x6f: {  	_ =	shalt  }
0x70: {  	_ =	shalt  }
0x71: {  	_ =	shalt  }
0x72: {  	_ =	shalt  }
0x73: {  	_ =	shalt  }
0x74: {  	_ =	shalt  }
0x75: {  	_ =	shalt  }
0x76: {  	_ =	shalt  }
0x77: {  	_ =	shalt  }
0x78: {  	_ =	shalt  }
0x79: {  	_ =	shalt  }
0x7a: {  	_ =	shalt  }
0x7b: {  	_ =	shalt  }
0x7c: {  	_ =	shalt  }
0x7d: {  	_ =	shalt  }
0x7e: {  	_ =	shalt  }
0x7f: {  	_ =	shalt  }
0x80: {  	_ =	shalt  }
0x81: {  	_ =	shalt  }
0x82: {  	_ =	shalt  }
0x83: {  	_ =	shalt  }
0x84: {  	_ =	shalt  }
0x85: {  	_ =	shalt  }
0x86: {  	_ =	shalt  }
0x87: {  	_ =	shalt  }
.Lfunc_end0:
.L_simem_size_0:
called_computation.2_lowered:
.L_overlay_start_0:
0x88: {  	s2 =	sld [smem:$0x3FD9]  }
0x89: {  	s3 =	sld [smem:$0x3FFE];
	_ =	sdelay $0x1  }
0x8a: {  	s1 =	srdreg.scid  }
0x8b: {  	s0 =	sand.u32 $0x1, s1  }
0x8c: {  	s17 =	sshll.u32 s0, $0xA;
	s2 =	sadd.s32 s3, s2  }
0x8d: {  	s2 =	sadd.s32 s2, s17  }
0x8e: {  	[smem:$0x3FC0] =	sst s2  }
0x8f: {  	_ = 	snop  }
0x90: {  	s18 =	sld [smem:$0x3FC9];
	(tm) =	ssettm $0x1  }
0x91: {  	s19 =	sld [smem:$0x3FFB];
	_ =	sdelay $0x3  }
0x92: {  	_ =	strace s19  }
0x93: {  	s2 =	sld [smem:$0x3FFC];
	_ =	sdelay $0x3  }
0x94: {  	_ =	strace s2  }
0x95: {  	s2 =	sld [smem:$0x3FFD];
	_ =	sdelay $0x3  }
0x96: {  	_ =	strace s2  }
0x97: {  	_ =	strace $0x8FFFFFFF  }
0x98: {  	s20 =	sld [smem:$0x3FDB];
	_ =	sdelay $0x1  }
0x99: {  	s4 =	simm.s32 $_scs_section_size  }
0x9a: {  	s5 =	simm.s32 $_size__tile_overlayer_lowered;
	s6 =	simm.s32 $_tile_overlayer_lowered  }
0x9b: {  	s7 =	simm.s32 $0x1BFF;
	s21 =	sshll.u32 s6, $0x1;
	s4 =	sadd.s32 s4, s20  }
0x9c: {  	s22 =	simm.s32 $0x0;
	s5 =	sshll.u32 s5, $0x1;
	s6 =	sadd.s32 s21, s4  }
0x9d: {  	[timem:s22], [sflag:s7] =	dma.local [hbm:s6], s5  }
0x9e: {  	_ =	swait.ge [sflag:s7], s5  }
0x9f: {  	s5 =	ssub.s32 $0x0, s5;
	[sflag:s7] =	ssyncset.done $0x0  }
0xa0: {  	[sflag:s7] =	ssyncadd.s32 s5;
	_ =	sdelay $0x1  }
0xa1: {  	s23 =	simm.s32 $0x1B8B  }
0xa2: {  	_ =	swait.ge [sflag:s23], $0x1  }
0xa3: {  	[sflag:s23] =	ssyncset.done $0x0  }
0xa4: {  	[sflag:s23] =	ssyncadd.s32 $0xFFFFFFFF  }
0xa5: {  	s5 =	sld [smem:$0x0]  }
0xa6: {  	s6 =	sand.u32 $0xFFFFFFFE, s1  }
0xa7: {  	p0 =	sne.s32 s1, s6  }
0xa8: {  	s6 =	sshll.u32 @p0 s6, $0xE  }
0xa9: {  	s6 =	sadd.s32 @p0 $0x11B8D, s6;
	s7 =	sshll.u32 @p0 s5, $0x11  }
0xaa: {  	s6 =	sor.u32 @p0 s7, s6  }
0xab: {  	[sflag:s6] =	ssyncadd.remote.s32 @p0 $0x1;
	_ =	sdelay $0x1  }
0xac: {  	s6 =	simm.s32 @p0 $0x1B8D  }
0xad: {  	_ =	swait.eq @p0 [sflag:s6], $0x1  }
0xae: {  	[sflag:s6] =	ssyncadd.s32 @p0 $0xFFFFFFFF  }
0xaf: {  	s7 =	sshll.u32 @!p0 s1, $0xE  }
0xb0: {  	s7 =	sor.u32 @!p0 $0x4000, s7;
	s6 =	simm.s32 @!p0 $0x1B8D  }
0xb1: {  	s5 =	sshll.u32 @!p0 s5, $0x11;
	s7 =	sadd.s32 @!p0 $0x11B8D, s7;
	_ =	swait.eq @!p0 [sflag:s6], $0x1  }
0xb2: {  	s5 =	sor.u32 @!p0 s5, s7;
	[sflag:s6] =	ssyncadd.s32 @!p0 $0xFFFFFFFF  }
0xb3: {  	s25 =	simm.s32 $0x1B8E;
	s24 =	sld [smem:$0x3FFE];
	[sflag:s5] =	ssyncadd.remote.s32 @!p0 $0x1  }
0xb4: {  	s26 =	simm.s32 $execute0_lowered;
	[smem:$0x3FD2] =	sst s25  }
0xb5: {  	s6 =	sshll.u32 s26, $0x1;
	_ =	strace $0x8000004C;
	[dreg:$0x1] =	wrdreg $0xFFFFFFFF  }
0xb6: {  	s28 =	simm.s32 $_size_execute0_lowered;
	s4 =	sadd.s32 s4, s6;
	[dreg:$0x0] =	wrdreg $0x0  }
0xb7: {  	s6 =	sshll.u32 s28, $0x1;
	[dreg:$0x2] =	wrdreg s4  }
0xb8: {  	[dreg:$0x3] =	wrdreg s6  }
0xb9: {  	[dreg:$0x4] =	wrdreg $0xC0  }
0xba: {  	_ =	task [dreg:s22], $0x5FFFF  }
0xbb: {  	[dreg:$0x1] =	wrdreg $0xFFFFFFFF  }
0xbc: {  	[dreg:$0x0] =	wrdreg $0x60  }
0xbd: {  	[dreg:$0x2] =	wrdreg s18  }
0xbe: {  	[dreg:$0x3] =	wrdreg s24  }
0xbf: {  	[dreg:$0x4] =	wrdreg $0xA  }
0xc0: {  	_ =	task.clear_ibuf [dreg:s22], $0x5FFFF;
	_ =	strace $0x9000004C  }
0xc1: {  	s29 =	simm.s32 $0xA;
	_ =	strace $0x8000004E  }
0xc2: {  	_ =	swait.ge [sflag:s29], $0x1  }
0xc3: {  	[sflag:s29] =	ssyncadd.s32 $0xFFFFFFFF  }
0xc4: {  	_ =	strace $0x9000004E  }
0xc5: {  	_ =	sfence  }
0xc6: {  	s30 =	sld [smem:$0x0];
	_ =	sdelay $0x2  }
0xc7: {  	s31 =	sshll.u32 s1, $0xD;
	s1 =	sshrl.u32 s1, $0x2  }
0xc8: {  	s4 =	sand.u32 $0x4000, s31;
	s1 =	sadd.s32 s1, s30  }
0xc9: {  	s0 =	sor.u32 s4, s0;
	s1 =	sshll.u32 s1, $0x11  }
0xca: {  	s0 =	sor.u32 s1, s0  }
0xcb: {  	s0 =	sadd.s32 $0x8F2B, s0  }
0xcc: {  	[sflag:s0] =	ssyncadd.remote.s32 $0x1  }
0xcd: {  	_ =	sfence.sel $0xFFFF  }
0xce: {  	[dreg:$0x0] =	wrdreg $0xFFFFFFFF;
	(pc) =	sbr.abs _section_cstart, $3  }
0xcf: {  	[dreg:$0x1] =	wrdreg $0xFFFFFFFF  }
0xd0: {  	_ =	task.clear_ibuf [dreg:s22], $0x2FFFF;
	_ =	strace $0x9FFFFFFF  }
0xd1: {  	(tm) =	ssettm $0x7FFFFFFF  }
tec
execute0_lowered:
.L_overlay_start_1:
0x0: {  	(tag) =	ssettag $0x1  }
0x1: {  	s2 =	rddreg [dreg:$0x0]  }
0x2: {  	s4 =	rddreg [dreg:$0x1];
	s3 =	simm.s32 $0x0  }
0x3: {  	s13 =	simm.s32 $0x10900;
	[smem:$0x7FF] =	sst s3  }
0x4: {  	s14 =	simm.s32 $0x11100;
	_ =	strace $0x8000004D;
	[dreg:$0xd] =	wrdreg s13  }
0x5: {  	s0 =	srdreg.scid;
	s15 =	simm.s32 $0x11900;
	[dreg:$0xe] =	wrdreg s14  }
0x6: {  	s1 =	stileid.u32;
	s16 =	simm.s32 $0x12100;
	[dreg:$0xf] =	wrdreg s15  }
0x7: {  	s17 =	simm.s32 $0x12900;
	s18 =	simm.s32 $0x13100;
	[dreg:$0x10] =	wrdreg s16  }
0x8: {  	s19 =	simm.s32 $0x13900;
	s20 =	simm.s32 $0x14900;
	[dreg:$0x11] =	wrdreg s17  }
0x9: {  	s21 =	simm.s32 $0x15100;
	s22 =	simm.s32 $0x15900;
	[dreg:$0x12] =	wrdreg s18  }
0xa: {  	s23 =	simm.s32 $0x16100;
	s24 =	simm.s32 $0x16900;
	[dreg:$0x13] =	wrdreg s19  }
0xb: {  	s28 =	simm.s32 $0x4;
	s29 =	simm.s32 $0x8;
	[dreg:$0x14] =	wrdreg s20  }
0xc: {  	s31 =	simm.s32 $0x9;
	s30 =	simm.s32 $0x4900;
	[dreg:$0x15] =	wrdreg s21  }
0xd: {  	s0 =	sand.u32 $0x1, s0;
	s1 =	sshll.u32 s1, $0x1;
	[dreg:$0x16] =	wrdreg s22  }
0xe: {  	s7 =	sadd.s32 $0xA4A00, s4;
	s1 =	sor.u32 s0, s1;
	[dreg:$0x17] =	wrdreg s23  }
0xf: {  	s0 =	ssub.s32 $0x2, s0;
	[dreg:$0x18] =	wrdreg s24;
	s22 =	simm.s32 $0x2  }
0x10: {  	s24 =	simm.s32 $0x3;
	s18 =	simm.s32 $0x100;
	s5 =	smul.u32 $0xA0, s1  }
0x11: {  	s15 =	simm.s32 $0x900;
	s16 =	simm.s32 $0x1100;
	s6 =	smul.u32 $0x5000, s1  }
0x12: {  	s17 =	simm.s32 $0x1900;
	s19 =	simm.s32 $0x2100;
	s1 =	smul.u32 $0x28000, s1  }
0x13: {  	s21 =	simm.s32 $0x2900;
	s5 =	sshrl.u32 s5, $0x3;
	s25 =	sadd.s32 s7, s6  }
0x14: {  	s1 =	sshrl.u32 s1, $0x3;
	[dreg:$0x1b] =	wrdreg s25;
	s26 =	sadd.s32 $0x800, s25  }
0x15: {  	s4 =	sadd.s32 s4, s5;
	s25 =	simm.s32 $0x17100;
	[dreg:$0x4] =	wrdreg s26  }
0x16: {  	s1 =	sadd.s32 s7, s1;
	s4 =	sadd.s32 $0x3C80, s4;
	[dreg:$0x19] =	wrdreg s25  }
0x17: {  	s23 =	simm.s32 $0x3100;
	s5 =	sadd.s32 $0x1000, s1;
	[dreg:$0x3] =	wrdreg s4  }
0x18: {  	s20 =	simm.s32 $0x8100;
	s6 =	sadd.s32 $0x1800, s1;
	[dreg:$0x5] =	wrdreg s5  }
0x19: {  	s9 =	sshrl.u32 s0, $0x1;
	s7 =	sadd.s32 $0x2000, s1;
	[dreg:$0x6] =	wrdreg s6  }
0x1a: {  	s0 =	ssub.s32 s0, s9;
	s8 =	sadd.s32 $0x2800, s1;
	[dreg:$0x7] =	wrdreg s7  }
0x1b: {  	s10 =	sadd.s32 $0x3000, s1;
	s11 =	sadd.s32 $0x3800, s1;
	[dreg:$0x8] =	wrdreg s8  }
0x1c: {  	s12 =	sadd.s32 $0x4000, s1;
	s1 =	sadd.s32 $0x4800, s1;
	[dreg:$0x9] =	wrdreg s10  }
0x1d: {  	s26 =	simm.s32 $0x17900;
	s25 =	simm.s32 $0x7;
	[dreg:$0xa] =	wrdreg s11  }
0x1e: {  	s5 =	sadd.s32 $0x100, s2;
	s6 =	sadd.s32 $0x200, s2;
	[dreg:$0xb] =	wrdreg s12  }
0x1f: {  	v2 =	vlaneseq.u32;
	s7 =	sadd.s32 $0x300, s2;
	[dreg:$0xc] =	wrdreg s1;
	s8 =	smax.u32 s0, $0x1  }
0x20: {  	vm0 =	vmmov $0xffff;
	v1 =	vshrl.u32 v2, $0x3;
	[dreg:$0x1a] =	wrdreg s26;
	s11 =	simm.s32 $0x1;
	s0 =	simm.s32 $0xA  }
0x21: {  	v0 =	vand.u32 $0x7, v2;
	v2 =	vor.u32 $0x8, v2;
	v1 =	vmul.u32 $0x8, v1;
	s26 =	simm.s32 $0x4100;
	s12 =	simm.s32 $0x6100;
	s10 =	simm.s32 $0x14100  }
.LBB2_1:
0x22: {  	s13 =	rddreg [dreg:$0x3];
	s9 =	simm.s32 $0xD  }
0x23: {  	[tilespmem:s3], [sflag:$0xD] =	stream.linear.gather [hbm4b:s13+s3], $0xA0, $0x38;
	[tilespmem:$0x18100] =	vst v63  }
0x24: {  	_ =	swait.ge [sflag:s9], $0xA0  }
0x25: {  	[sflag:s9] =	ssyncset.done $0x0  }
0x26: {  	[sflag:s9] =	ssyncadd.s32 $0xFFFFFF60  }
0x27: {  	v3 =	vld [tilespmem:$0x0];
	_ =	sdelay $0x4  }
0x28: {  	v4 =	vshll.u32 v3, $0x3  }
0x29: {  	v3 =	vand.u32 $0x7, v3;
	v4 =	vand.u32 $0xFFFFFFC0, v4  }
0x2a: {  	v3 =	vor.u32 v3, v4  }
0x2b: {  	v4 =	vperm.xlane v3, v0;
	_ =	sdelay $0x1  }
0x2c: {  	v4 =	vadd.s32 v1, v4;
	_ =	sdelay $0x4  }
0x2d: {  	[tilespmem:s18], [sflag:$0x1] =	stream.indirect_vreg.gather [hbm4b:s2+s3], $0x80, v4, vm0, $0xb8;
	[tilespmem:$0x18100] =	vst v63  }
0x2e: {  	v3 =	vperm.xlane v3, v2  }
0x2f: {  	[tilespmem:s15], [sflag:$0x1] =	stream.indirect_vreg.gather [hbm4b:s5+s3], $0x80, v4, vm0, $0xb8;
	[tilespmem:$0x18100] =	vst v63  }
0x30: {  	v3 =	vadd.s32 v1, v3  }
0x31: {  	[tilespmem:s16], [sflag:$0x1] =	stream.indirect_vreg.gather [hbm4b:s6+s3], $0x80, v4, vm0, $0xb8;
	[tilespmem:$0x18100] =	vst v63  }
0x32: {  	_ = 	snop  }
0x33: {  	[tilespmem:s17], [sflag:$0x1] =	stream.indirect_vreg.gather [hbm4b:s7+s3], $0x80, v4, vm0, $0xb8;
	[tilespmem:$0x18100] =	vst v63  }
0x34: {  	_ = 	snop  }
0x35: {  	[tilespmem:s19], [sflag:$0x1] =	stream.indirect_vreg.gather [hbm4b:s2+s3], $0x80, v3, vm0, $0xb8;
	[tilespmem:$0x18100] =	vst v63  }
0x36: {  	_ = 	snop  }
0x37: {  	[tilespmem:s21], [sflag:$0x1] =	stream.indirect_vreg.gather [hbm4b:s5+s3], $0x80, v3, vm0, $0xb8;
	[tilespmem:$0x18100] =	vst v63  }
0x38: {  	_ = 	snop  }
0x39: {  	[tilespmem:s23], [sflag:$0x1] =	stream.indirect_vreg.gather [hbm4b:s6+s3], $0x80, v3, vm0, $0xb8;
	[tilespmem:$0x18100] =	vst v63  }
0x3a: {  	s9 =	simm.s32 $0x3900  }
0x3b: {  	[tilespmem:s9], [sflag:$0x1] =	stream.indirect_vreg.gather [hbm4b:s7+s3], $0x80, v3, vm0, $0xb8;
	[tilespmem:$0x18100] =	vst v63  }
0x3c: {  	v3 =	vld [tilespmem:$0x10];
	_ =	sdelay $0x4  }
0x3d: {  	v55 =	vshll.u32 v3, $0x3  }
0x3e: {  	v3 =	vand.u32 $0x7, v3;
	v4 =	vand.u32 $0xFFFFFFC0, v55  }
0x3f: {  	v3 =	vor.u32 v3, v4  }
0x40: {  	v4 =	vperm.xlane v3, v0;
	_ =	sdelay $0x1  }
0x41: {  	v4 =	vadd.s32 v1, v4;
	_ =	sdelay $0x4  }
0x42: {  	[tilespmem:s26], [sflag:$0x2] =	stream.indirect_vreg.gather [hbm4b:s2+s3], $0x80, v4, vm0, $0xb8;
	[tilespmem:$0x18100] =	vst v63  }
0x43: {  	v3 =	vperm.xlane v3, v2  }
0x44: {  	[tilespmem:s30], [sflag:$0x2] =	stream.indirect_vreg.gather [hbm4b:s5+s3], $0x80, v4, vm0, $0xb8;
	[tilespmem:$0x18100] =	vst v63  }
0x45: {  	s1 =	simm.s32 $0x5100;
	v3 =	vadd.s32 v1, v3  }
0x46: {  	[tilespmem:s1], [sflag:$0x2] =	stream.indirect_vreg.gather [hbm4b:s6+s3], $0x80, v4, vm0, $0xb8;
	[tilespmem:$0x18100] =	vst v63  }
0x47: {  	s14 =	simm.s32 $0x5900  }
0x48: {  	[tilespmem:s14], [sflag:$0x2] =	stream.indirect_vreg.gather [hbm4b:s7+s3], $0x80, v4, vm0, $0xb8;
	[tilespmem:$0x18100] =	vst v63  }
0x49: {  	_ = 	snop  }
0x4a: {  	[tilespmem:s12], [sflag:$0x2] =	stream.indirect_vreg.gather [hbm4b:s2+s3], $0x80, v3, vm0, $0xb8;
	[tilespmem:$0x18100] =	vst v63  }
0x4b: {  	s4 =	simm.s32 $0x6900  }
0x4c: {  	[tilespmem:s4], [sflag:$0x2] =	stream.indirect_vreg.gather [hbm4b:s5+s3], $0x80, v3, vm0, $0xb8;
	[tilespmem:$0x18100] =	vst v63  }
0x4d: {  	s13 =	simm.s32 $0x7100  }
0x4e: {  	[tilespmem:s13], [sflag:$0x2] =	stream.indirect_vreg.gather [hbm4b:s6+s3], $0x80, v3, vm0, $0xb8;
	[tilespmem:$0x18100] =	vst v63  }
0x4f: {  	s14 =	simm.s32 $0x7900  }
0x50: {  	[tilespmem:s14], [sflag:$0x2] =	stream.indirect_vreg.gather [hbm4b:s7+s3], $0x80, v3, vm0, $0xb8;
	[tilespmem:$0x18100] =	vst v63  }
0x51: {  	v3 =	vld [tilespmem:$0x20];
	_ =	sdelay $0x4  }
0x52: {  	v56 =	vshll.u32 v3, $0x3  }
0x53: {  	v3 =	vand.u32 $0x7, v3;
	v4 =	vand.u32 $0xFFFFFFC0, v56  }
0x54: {  	v3 =	vor.u32 v3, v4  }
0x55: {  	v4 =	vperm.xlane v3, v0;
	_ =	sdelay $0x1  }
0x56: {  	v4 =	vadd.s32 v1, v4;
	_ =	sdelay $0x4  }
0x57: {  	[tilespmem:s20], [sflag:$0x3] =	stream.indirect_vreg.gather [hbm4b:s2+s3], $0x80, v4, vm0, $0xb8;
	[tilespmem:$0x18100] =	vst v63  }
0x58: {  	s4 =	simm.s32 $0x8900;
	v3 =	vperm.xlane v3, v2  }
0x59: {  	[tilespmem:s4], [sflag:$0x3] =	stream.indirect_vreg.gather [hbm4b:s5+s3], $0x80, v4, vm0, $0xb8;
	[tilespmem:$0x18100] =	vst v63  }
0x5a: {  	s13 =	simm.s32 $0x9100;
	v3 =	vadd.s32 v1, v3  }
0x5b: {  	[tilespmem:s13], [sflag:$0x3] =	stream.indirect_vreg.gather [hbm4b:s6+s3], $0x80, v4, vm0, $0xb8;
	[tilespmem:$0x18100] =	vst v63  }
0x5c: {  	s14 =	simm.s32 $0x9900  }
0x5d: {  	[tilespmem:s14], [sflag:$0x3] =	stream.indirect_vreg.gather [hbm4b:s7+s3], $0x80, v4, vm0, $0xb8;
	[tilespmem:$0x18100] =	vst v63  }
0x5e: {  	s4 =	simm.s32 $0xA100  }
0x5f: {  	[tilespmem:s4], [sflag:$0x3] =	stream.indirect_vreg.gather [hbm4b:s2+s3], $0x80, v3, vm0, $0xb8;
	[tilespmem:$0x18100] =	vst v63  }
0x60: {  	s13 =	simm.s32 $0xA900  }
0x61: {  	[tilespmem:s13], [sflag:$0x3] =	stream.indirect_vreg.gather [hbm4b:s5+s3], $0x80, v3, vm0, $0xb8;
	[tilespmem:$0x18100] =	vst v63  }
0x62: {  	s14 =	simm.s32 $0xB100  }
0x63: {  	[tilespmem:s14], [sflag:$0x3] =	stream.indirect_vreg.gather [hbm4b:s6+s3], $0x80, v3, vm0, $0xb8;
	[tilespmem:$0x18100] =	vst v63  }
0x64: {  	s4 =	simm.s32 $0xB900  }
0x65: {  	[tilespmem:s4], [sflag:$0x3] =	stream.indirect_vreg.gather [hbm4b:s7+s3], $0x80, v3, vm0, $0xb8;
	[tilespmem:$0x18100] =	vst v63  }
0x66: {  	v3 =	vld [tilespmem:$0x30];
	_ =	sdelay $0x4  }
0x67: {  	v57 =	vshll.u32 v3, $0x3  }
0x68: {  	v3 =	vand.u32 $0x7, v3;
	v4 =	vand.u32 $0xFFFFFFC0, v57  }
0x69: {  	v3 =	vor.u32 v3, v4  }
0x6a: {  	v4 =	vperm.xlane v3, v0;
	_ =	sdelay $0x1  }
0x6b: {  	v4 =	vadd.s32 v1, v4;
	_ =	sdelay $0x3  }
0x6c: {  	s1 =	simm.s32 $0xC100  }
0x6d: {  	[tilespmem:s1], [sflag:$0x4] =	stream.indirect_vreg.gather [hbm4b:s2+s3], $0x80, v4, vm0, $0xb8;
	[tilespmem:$0x18100] =	vst v63  }
0x6e: {  	s4 =	simm.s32 $0xC900;
	v3 =	vperm.xlane v3, v2  }
0x6f: {  	[tilespmem:s4], [sflag:$0x4] =	stream.indirect_vreg.gather [hbm4b:s5+s3], $0x80, v4, vm0, $0xb8;
	[tilespmem:$0x18100] =	vst v63  }
0x70: {  	s13 =	simm.s32 $0xD100;
	v3 =	vadd.s32 v1, v3  }
0x71: {  	[tilespmem:s13], [sflag:$0x4] =	stream.indirect_vreg.gather [hbm4b:s6+s3], $0x80, v4, vm0, $0xb8;
	[tilespmem:$0x18100] =	vst v63  }
0x72: {  	s14 =	simm.s32 $0xD900  }
0x73: {  	[tilespmem:s14], [sflag:$0x4] =	stream.indirect_vreg.gather [hbm4b:s7+s3], $0x80, v4, vm0, $0xb8;
	[tilespmem:$0x18100] =	vst v63  }
0x74: {  	s13 =	simm.s32 $0xE100  }
0x75: {  	[tilespmem:s13], [sflag:$0x4] =	stream.indirect_vreg.gather [hbm4b:s2+s3], $0x80, v3, vm0, $0xb8;
	[tilespmem:$0x18100] =	vst v63  }
0x76: {  	s14 =	simm.s32 $0xE900  }
0x77: {  	[tilespmem:s14], [sflag:$0x4] =	stream.indirect_vreg.gather [hbm4b:s5+s3], $0x80, v3, vm0, $0xb8;
	[tilespmem:$0x18100] =	vst v63  }
0x78: {  	s13 =	simm.s32 $0xF100  }
0x79: {  	[tilespmem:s13], [sflag:$0x4] =	stream.indirect_vreg.gather [hbm4b:s6+s3], $0x80, v3, vm0, $0xb8;
	[tilespmem:$0x18100] =	vst v63  }
0x7a: {  	s14 =	simm.s32 $0xF900  }
0x7b: {  	[tilespmem:s14], [sflag:$0x4] =	stream.indirect_vreg.gather [hbm4b:s7+s3], $0x80, v3, vm0, $0xb8;
	[tilespmem:$0x18100] =	vst v63  }
0x7c: {  	_ =	swait.ge [sflag:s11], $0x4000  }
0x7d: {  	[sflag:s11] =	ssyncset.done $0x0  }
0x7e: {  	s4 =	rddreg [dreg:$0x1b];
	[sflag:s11] =	ssyncadd.s32 $0xFFFFC000  }
0x7f: {  	[hbm4b:s4+s3] =	stream.linear.scatter [tilespmem:s18], [sflag:$0x7], $0x4000, $0x38;
	[tilespmem:$0x18100] =	vst v63  }
0x80: {  	v3 =	vld [tilespmem:$0x40];
	_ =	sdelay $0x4  }
0x81: {  	v58 =	vshll.u32 v3, $0x3  }
0x82: {  	v3 =	vand.u32 $0x7, v3;
	v4 =	vand.u32 $0xFFFFFFC0, v58  }
0x83: {  	v3 =	vor.u32 v3, v4  }
0x84: {  	v4 =	vperm.xlane v3, v0;
	_ =	sdelay $0x1  }
0x85: {  	v4 =	vadd.s32 v1, v4;
	_ =	sdelay $0x3  }
0x86: {  	s4 =	simm.s32 $0x10100  }
0x87: {  	[tilespmem:s4], [sflag:$0x5] =	stream.indirect_vreg.gather [hbm4b:s2+s3], $0x80, v4, vm0, $0xb8;
	[tilespmem:$0x18100] =	vst v63  }
0x88: {  	s13 =	rddreg [dreg:$0xd];
	v3 =	vperm.xlane v3, v2  }
0x89: {  	[tilespmem:s13], [sflag:$0x5] =	stream.indirect_vreg.gather [hbm4b:s5+s3], $0x80, v4, vm0, $0xb8;
	[tilespmem:$0x18100] =	vst v63  }
0x8a: {  	s14 =	rddreg [dreg:$0xe];
	v3 =	vadd.s32 v1, v3  }
0x8b: {  	[tilespmem:s14], [sflag:$0x5] =	stream.indirect_vreg.gather [hbm4b:s6+s3], $0x80, v4, vm0, $0xb8;
	[tilespmem:$0x18100] =	vst v63  }
0x8c: {  	s13 =	rddreg [dreg:$0xf]  }
0x8d: {  	[tilespmem:s13], [sflag:$0x5] =	stream.indirect_vreg.gather [hbm4b:s7+s3], $0x80, v4, vm0, $0xb8;
	[tilespmem:$0x18100] =	vst v63  }
0x8e: {  	s14 =	rddreg [dreg:$0x10]  }
0x8f: {  	[tilespmem:s14], [sflag:$0x5] =	stream.indirect_vreg.gather [hbm4b:s2+s3], $0x80, v3, vm0, $0xb8;
	[tilespmem:$0x18100] =	vst v63  }
0x90: {  	s13 =	rddreg [dreg:$0x11]  }
0x91: {  	[tilespmem:s13], [sflag:$0x5] =	stream.indirect_vreg.gather [hbm4b:s5+s3], $0x80, v3, vm0, $0xb8;
	[tilespmem:$0x18100] =	vst v63  }
0x92: {  	s14 =	rddreg [dreg:$0x12]  }
0x93: {  	[tilespmem:s14], [sflag:$0x5] =	stream.indirect_vreg.gather [hbm4b:s6+s3], $0x80, v3, vm0, $0xb8;
	[tilespmem:$0x18100] =	vst v63  }
0x94: {  	s13 =	rddreg [dreg:$0x13]  }
0x95: {  	[tilespmem:s13], [sflag:$0x5] =	stream.indirect_vreg.gather [hbm4b:s7+s3], $0x80, v3, vm0, $0xb8;
	[tilespmem:$0x18100] =	vst v63  }
0x96: {  	_ =	swait.ge [sflag:s22], $0x4000  }
0x97: {  	[sflag:s22] =	ssyncset.done $0x0  }
0x98: {  	s14 =	rddreg [dreg:$0x4];
	[sflag:s22] =	ssyncadd.s32 $0xFFFFC000  }
0x99: {  	[hbm4b:s14+s3] =	stream.linear.scatter [tilespmem:s26], [sflag:$0x8], $0x4000, $0x38;
	[tilespmem:$0x18100] =	vst v63  }
0x9a: {  	v3 =	vld [tilespmem:$0x50];
	_ =	sdelay $0x4  }
0x9b: {  	v59 =	vshll.u32 v3, $0x3  }
0x9c: {  	v3 =	vand.u32 $0x7, v3;
	v4 =	vand.u32 $0xFFFFFFC0, v59  }
0x9d: {  	v3 =	vor.u32 v3, v4  }
0x9e: {  	v4 =	vperm.xlane v3, v0;
	_ =	sdelay $0x1  }
0x9f: {  	v4 =	vadd.s32 v1, v4;
	_ =	sdelay $0x4  }
0xa0: {  	[tilespmem:s10], [sflag:$0x6] =	stream.indirect_vreg.gather [hbm4b:s2+s3], $0x80, v4, vm0, $0xb8;
	[tilespmem:$0x18100] =	vst v63  }
0xa1: {  	s13 =	rddreg [dreg:$0x14];
	v3 =	vperm.xlane v3, v2  }
0xa2: {  	[tilespmem:s13], [sflag:$0x6] =	stream.indirect_vreg.gather [hbm4b:s5+s3], $0x80, v4, vm0, $0xb8;
	[tilespmem:$0x18100] =	vst v63  }
0xa3: {  	s14 =	rddreg [dreg:$0x15];
	v3 =	vadd.s32 v1, v3  }
0xa4: {  	[tilespmem:s14], [sflag:$0x6] =	stream.indirect_vreg.gather [hbm4b:s6+s3], $0x80, v4, vm0, $0xb8;
	[tilespmem:$0x18100] =	vst v63  }
0xa5: {  	s13 =	rddreg [dreg:$0x16]  }
0xa6: {  	[tilespmem:s13], [sflag:$0x6] =	stream.indirect_vreg.gather [hbm4b:s7+s3], $0x80, v4, vm0, $0xb8;
	[tilespmem:$0x18100] =	vst v63  }
0xa7: {  	s14 =	rddreg [dreg:$0x17]  }
0xa8: {  	[tilespmem:s14], [sflag:$0x6] =	stream.indirect_vreg.gather [hbm4b:s2+s3], $0x80, v3, vm0, $0xb8;
	[tilespmem:$0x18100] =	vst v63  }
0xa9: {  	s13 =	rddreg [dreg:$0x18]  }
0xaa: {  	[tilespmem:s13], [sflag:$0x6] =	stream.indirect_vreg.gather [hbm4b:s5+s3], $0x80, v3, vm0, $0xb8;
	[tilespmem:$0x18100] =	vst v63  }
0xab: {  	s14 =	rddreg [dreg:$0x19]  }
0xac: {  	[tilespmem:s14], [sflag:$0x6] =	stream.indirect_vreg.gather [hbm4b:s6+s3], $0x80, v3, vm0, $0xb8;
	[tilespmem:$0x18100] =	vst v63  }
0xad: {  	s13 =	rddreg [dreg:$0x1a]  }
0xae: {  	[tilespmem:s13], [sflag:$0x6] =	stream.indirect_vreg.gather [hbm4b:s7+s3], $0x80, v3, vm0, $0xb8;
	[tilespmem:$0x18100] =	vst v63  }
0xaf: {  	_ =	swait.ge [sflag:s24], $0x4000  }
0xb0: {  	[sflag:s24] =	ssyncset.done $0x0  }
0xb1: {  	s14 =	rddreg [dreg:$0x5];
	[sflag:s24] =	ssyncadd.s32 $0xFFFFC000  }
0xb2: {  	[hbm4b:s14+s3] =	stream.linear.scatter [tilespmem:s20], [sflag:$0x9], $0x4000, $0x38;
	[tilespmem:$0x18100] =	vst v63  }
0xb3: {  	_ =	swait.ge [sflag:s25], $0x4000  }
0xb4: {  	[sflag:s25] =	ssyncset.done $0x0  }
0xb5: {  	[sflag:s25] =	ssyncadd.s32 $0xFFFFC000  }
0xb6: {  	v3 =	vld [tilespmem:$0x60];
	_ =	sdelay $0x4  }
0xb7: {  	v60 =	vshll.u32 v3, $0x3  }
0xb8: {  	v3 =	vand.u32 $0x7, v3;
	v4 =	vand.u32 $0xFFFFFFC0, v60  }
0xb9: {  	v3 =	vor.u32 v3, v4  }
0xba: {  	v4 =	vperm.xlane v3, v0;
	_ =	sdelay $0x1  }
0xbb: {  	v4 =	vadd.s32 v1, v4;
	_ =	sdelay $0x4  }
0xbc: {  	[tilespmem:s18], [sflag:$0x1] =	stream.indirect_vreg.gather [hbm4b:s2+s3], $0x80, v4, vm0, $0xb8;
	[tilespmem:$0x18100] =	vst v63  }
0xbd: {  	v3 =	vperm.xlane v3, v2  }
0xbe: {  	[tilespmem:s15], [sflag:$0x1] =	stream.indirect_vreg.gather [hbm4b:s5+s3], $0x80, v4, vm0, $0xb8;
	[tilespmem:$0x18100] =	vst v63  }
0xbf: {  	v3 =	vadd.s32 v1, v3  }
0xc0: {  	[tilespmem:s16], [sflag:$0x1] =	stream.indirect_vreg.gather [hbm4b:s6+s3], $0x80, v4, vm0, $0xb8;
	[tilespmem:$0x18100] =	vst v63  }
0xc1: {  	_ = 	snop  }
0xc2: {  	[tilespmem:s17], [sflag:$0x1] =	stream.indirect_vreg.gather [hbm4b:s7+s3], $0x80, v4, vm0, $0xb8;
	[tilespmem:$0x18100] =	vst v63  }
0xc3: {  	_ = 	snop  }
0xc4: {  	[tilespmem:s19], [sflag:$0x1] =	stream.indirect_vreg.gather [hbm4b:s2+s3], $0x80, v3, vm0, $0xb8;
	[tilespmem:$0x18100] =	vst v63  }
0xc5: {  	_ = 	snop  }
0xc6: {  	[tilespmem:s21], [sflag:$0x1] =	stream.indirect_vreg.gather [hbm4b:s5+s3], $0x80, v3, vm0, $0xb8;
	[tilespmem:$0x18100] =	vst v63  }
0xc7: {  	_ = 	snop  }
0xc8: {  	[tilespmem:s23], [sflag:$0x1] =	stream.indirect_vreg.gather [hbm4b:s6+s3], $0x80, v3, vm0, $0xb8;
	[tilespmem:$0x18100] =	vst v63  }
0xc9: {  	_ = 	snop  }
0xca: {  	[tilespmem:s9], [sflag:$0x1] =	stream.indirect_vreg.gather [hbm4b:s7+s3], $0x80, v3, vm0, $0xb8;
	[tilespmem:$0x18100] =	vst v63  }
0xcb: {  	_ =	swait.ge [sflag:s28], $0x4000  }
0xcc: {  	[sflag:s28] =	ssyncset.done $0x0  }
0xcd: {  	s9 =	rddreg [dreg:$0x6];
	[sflag:s28] =	ssyncadd.s32 $0xFFFFC000  }
0xce: {  	[hbm4b:s9+s3] =	stream.linear.scatter [tilespmem:s1], [sflag:$0xA], $0x4000, $0x38;
	[tilespmem:$0x18100] =	vst v63  }
0xcf: {  	_ =	swait.ge [sflag:s29], $0x4000  }
0xd0: {  	[sflag:s29] =	ssyncset.done $0x0  }
0xd1: {  	[sflag:s29] =	ssyncadd.s32 $0xFFFFC000  }
0xd2: {  	v3 =	vld [tilespmem:$0x70];
	_ =	sdelay $0x4  }
0xd3: {  	v61 =	vshll.u32 v3, $0x3  }
0xd4: {  	v3 =	vand.u32 $0x7, v3;
	v4 =	vand.u32 $0xFFFFFFC0, v61  }
0xd5: {  	v3 =	vor.u32 v3, v4  }
0xd6: {  	v4 =	vperm.xlane v3, v0;
	_ =	sdelay $0x1  }
0xd7: {  	v4 =	vadd.s32 v1, v4;
	_ =	sdelay $0x4  }
0xd8: {  	[tilespmem:s26], [sflag:$0x2] =	stream.indirect_vreg.gather [hbm4b:s2+s3], $0x80, v4, vm0, $0xb8;
	[tilespmem:$0x18100] =	vst v63  }
0xd9: {  	v3 =	vperm.xlane v3, v2  }
0xda: {  	[tilespmem:s30], [sflag:$0x2] =	stream.indirect_vreg.gather [hbm4b:s5+s3], $0x80, v4, vm0, $0xb8;
	[tilespmem:$0x18100] =	vst v63  }
0xdb: {  	s14 =	simm.s32 $0x5100;
	v3 =	vadd.s32 v1, v3  }
0xdc: {  	[tilespmem:s14], [sflag:$0x2] =	stream.indirect_vreg.gather [hbm4b:s6+s3], $0x80, v4, vm0, $0xb8;
	[tilespmem:$0x18100] =	vst v63  }
0xdd: {  	s13 =	simm.s32 $0x5900  }
0xde: {  	[tilespmem:s13], [sflag:$0x2] =	stream.indirect_vreg.gather [hbm4b:s7+s3], $0x80, v4, vm0, $0xb8;
	[tilespmem:$0x18100] =	vst v63  }
0xdf: {  	_ = 	snop  }
0xe0: {  	[tilespmem:s12], [sflag:$0x2] =	stream.indirect_vreg.gather [hbm4b:s2+s3], $0x80, v3, vm0, $0xb8;
	[tilespmem:$0x18100] =	vst v63  }
0xe1: {  	s14 =	simm.s32 $0x6900  }
0xe2: {  	[tilespmem:s14], [sflag:$0x2] =	stream.indirect_vreg.gather [hbm4b:s5+s3], $0x80, v3, vm0, $0xb8;
	[tilespmem:$0x18100] =	vst v63  }
0xe3: {  	s13 =	simm.s32 $0x7100  }
0xe4: {  	[tilespmem:s13], [sflag:$0x2] =	stream.indirect_vreg.gather [hbm4b:s6+s3], $0x80, v3, vm0, $0xb8;
	[tilespmem:$0x18100] =	vst v63  }
0xe5: {  	s14 =	simm.s32 $0x7900;
	s13 =	simm.s32 $0x5  }
0xe6: {  	[tilespmem:s14], [sflag:$0x2] =	stream.indirect_vreg.gather [hbm4b:s7+s3], $0x80, v3, vm0, $0xb8;
	[tilespmem:$0x18100] =	vst v63  }
0xe7: {  	_ =	swait.ge [sflag:s13], $0x4000  }
0xe8: {  	[sflag:s13] =	ssyncset.done $0x0  }
0xe9: {  	s14 =	rddreg [dreg:$0x7];
	[sflag:s13] =	ssyncadd.s32 $0xFFFFC000  }
0xea: {  	[hbm4b:s14+s3] =	stream.linear.scatter [tilespmem:s4], [sflag:$0xB], $0x4000, $0x38;
	[tilespmem:$0x18100] =	vst v63  }
0xeb: {  	_ =	swait.ge [sflag:s31], $0x4000  }
0xec: {  	[sflag:s31] =	ssyncset.done $0x0  }
0xed: {  	[sflag:s31] =	ssyncadd.s32 $0xFFFFC000  }
0xee: {  	v3 =	vld [tilespmem:$0x80];
	_ =	sdelay $0x4  }
0xef: {  	v62 =	vshll.u32 v3, $0x3  }
0xf0: {  	v3 =	vand.u32 $0x7, v3;
	v4 =	vand.u32 $0xFFFFFFC0, v62  }
0xf1: {  	v3 =	vor.u32 v3, v4  }
0xf2: {  	v4 =	vperm.xlane v3, v0;
	_ =	sdelay $0x1  }
0xf3: {  	v4 =	vadd.s32 v1, v4;
	_ =	sdelay $0x4  }
0xf4: {  	[tilespmem:s20], [sflag:$0x3] =	stream.indirect_vreg.gather [hbm4b:s2+s3], $0x80, v4, vm0, $0xb8;
	[tilespmem:$0x18100] =	vst v63  }
0xf5: {  	s13 =	simm.s32 $0x8900;
	v3 =	vperm.xlane v3, v2  }
0xf6: {  	[tilespmem:s13], [sflag:$0x3] =	stream.indirect_vreg.gather [hbm4b:s5+s3], $0x80, v4, vm0, $0xb8;
	[tilespmem:$0x18100] =	vst v63  }
0xf7: {  	s14 =	simm.s32 $0x9100;
	v3 =	vadd.s32 v1, v3  }
0xf8: {  	[tilespmem:s14], [sflag:$0x3] =	stream.indirect_vreg.gather [hbm4b:s6+s3], $0x80, v4, vm0, $0xb8;
	[tilespmem:$0x18100] =	vst v63  }
0xf9: {  	s9 =	simm.s32 $0x9900  }
0xfa: {  	[tilespmem:s9], [sflag:$0x3] =	stream.indirect_vreg.gather [hbm4b:s7+s3], $0x80, v4, vm0, $0xb8;
	[tilespmem:$0x18100] =	vst v63  }
0xfb: {  	s13 =	simm.s32 $0xA100  }
0xfc: {  	[tilespmem:s13], [sflag:$0x3] =	stream.indirect_vreg.gather [hbm4b:s2+s3], $0x80, v3, vm0, $0xb8;
	[tilespmem:$0x18100] =	vst v63  }
0xfd: {  	s14 =	simm.s32 $0xA900  }
0xfe: {  	[tilespmem:s14], [sflag:$0x3] =	stream.indirect_vreg.gather [hbm4b:s5+s3], $0x80, v3, vm0, $0xb8;
	[tilespmem:$0x18100] =	vst v63  }
0xff: {  	s9 =	simm.s32 $0xB100  }
0x100: {  	[tilespmem:s9], [sflag:$0x3] =	stream.indirect_vreg.gather [hbm4b:s6+s3], $0x80, v3, vm0, $0xb8;
	[tilespmem:$0x18100] =	vst v63  }
0x101: {  	s13 =	simm.s32 $0xB900;
	s14 =	simm.s32 $0x6  }
0x102: {  	[tilespmem:s13], [sflag:$0x3] =	stream.indirect_vreg.gather [hbm4b:s7+s3], $0x80, v3, vm0, $0xb8;
	[tilespmem:$0x18100] =	vst v63  }
0x103: {  	_ =	swait.ge [sflag:s14], $0x4000  }
0x104: {  	[sflag:s14] =	ssyncset.done $0x0  }
0x105: {  	s9 =	rddreg [dreg:$0x8];
	[sflag:s14] =	ssyncadd.s32 $0xFFFFC000  }
0x106: {  	[hbm4b:s9+s3] =	stream.linear.scatter [tilespmem:s10], [sflag:$0xC], $0x4000, $0x38;
	[tilespmem:$0x18100] =	vst v63  }
0x107: {  	_ =	swait.ge [sflag:s0], $0x4000  }
0x108: {  	[sflag:s0] =	ssyncset.done $0x0  }
0x109: {  	[sflag:s0] =	ssyncadd.s32 $0xFFFFC000  }
0x10a: {  	v3 =	vld [tilespmem:$0x90];
	_ =	sdelay $0x4  }
0x10b: {  	v63 =	vshll.u32 v3, $0x3  }
0x10c: {  	v3 =	vand.u32 $0x7, v3;
	v4 =	vand.u32 $0xFFFFFFC0, v63  }
0x10d: {  	v3 =	vor.u32 v3, v4  }
0x10e: {  	v4 =	vperm.xlane v3, v0;
	_ =	sdelay $0x1  }
0x10f: {  	v4 =	vadd.s32 v1, v4;
	_ =	sdelay $0x4  }
0x110: {  	[tilespmem:s1], [sflag:$0x4] =	stream.indirect_vreg.gather [hbm4b:s2+s3], $0x80, v4, vm0, $0xb8;
	[tilespmem:$0x18100] =	vst v63  }
0x111: {  	s14 =	simm.s32 $0xC900;
	v3 =	vperm.xlane v3, v2  }
0x112: {  	[tilespmem:s14], [sflag:$0x4] =	stream.indirect_vreg.gather [hbm4b:s5+s3], $0x80, v4, vm0, $0xb8;
	[tilespmem:$0x18100] =	vst v63  }
0x113: {  	s9 =	simm.s32 $0xD100;
	v3 =	vadd.s32 v1, v3  }
0x114: {  	[tilespmem:s9], [sflag:$0x4] =	stream.indirect_vreg.gather [hbm4b:s6+s3], $0x80, v4, vm0, $0xb8;
	[tilespmem:$0x18100] =	vst v63  }
0x115: {  	s13 =	simm.s32 $0xD900  }
0x116: {  	[tilespmem:s13], [sflag:$0x4] =	stream.indirect_vreg.gather [hbm4b:s7+s3], $0x80, v4, vm0, $0xb8;
	[tilespmem:$0x18100] =	vst v63  }
0x117: {  	s14 =	simm.s32 $0xE100  }
0x118: {  	[tilespmem:s14], [sflag:$0x4] =	stream.indirect_vreg.gather [hbm4b:s2+s3], $0x80, v3, vm0, $0xb8;
	[tilespmem:$0x18100] =	vst v63  }
0x119: {  	s9 =	simm.s32 $0xE900  }
0x11a: {  	[tilespmem:s9], [sflag:$0x4] =	stream.indirect_vreg.gather [hbm4b:s5+s3], $0x80, v3, vm0, $0xb8;
	[tilespmem:$0x18100] =	vst v63  }
0x11b: {  	s13 =	simm.s32 $0xF100  }
0x11c: {  	[tilespmem:s13], [sflag:$0x4] =	stream.indirect_vreg.gather [hbm4b:s6+s3], $0x80, v3, vm0, $0xb8;
	[tilespmem:$0x18100] =	vst v63  }
0x11d: {  	s14 =	simm.s32 $0xF900  }
0x11e: {  	[tilespmem:s14], [sflag:$0x4] =	stream.indirect_vreg.gather [hbm4b:s7+s3], $0x80, v3, vm0, $0xb8;
	[tilespmem:$0x18100] =	vst v63  }
0x11f: {  	_ =	swait.ge [sflag:s11], $0x4000  }
0x120: {  	[sflag:s11] =	ssyncset.done $0x0  }
0x121: {  	s9 =	rddreg [dreg:$0x9];
	[sflag:s11] =	ssyncadd.s32 $0xFFFFC000  }
0x122: {  	[hbm4b:s9+s3] =	stream.linear.scatter [tilespmem:s18], [sflag:$0x7], $0x4000, $0x38;
	[tilespmem:$0x18100] =	vst v63  }
0x123: {  	_ =	swait.ge [sflag:s22], $0x4000  }
0x124: {  	[sflag:s22] =	ssyncset.done $0x0  }
0x125: {  	s14 =	rddreg [dreg:$0xa];
	[sflag:s22] =	ssyncadd.s32 $0xFFFFC000  }
0x126: {  	[hbm4b:s14+s3] =	stream.linear.scatter [tilespmem:s26], [sflag:$0x8], $0x4000, $0x38;
	[tilespmem:$0x18100] =	vst v63  }
0x127: {  	_ =	swait.ge [sflag:s24], $0x4000  }
0x128: {  	[sflag:s24] =	ssyncset.done $0x0  }
0x129: {  	s4 =	rddreg [dreg:$0xb];
	[sflag:s24] =	ssyncadd.s32 $0xFFFFC000  }
0x12a: {  	[hbm4b:s4+s3] =	stream.linear.scatter [tilespmem:s20], [sflag:$0x9], $0x4000, $0x38;
	[tilespmem:$0x18100] =	vst v63  }
0x12b: {  	_ =	swait.ge [sflag:s28], $0x4000  }
0x12c: {  	[sflag:s28] =	ssyncset.done $0x0  }
0x12d: {  	s13 =	simm.s32 $0xB;
	s9 =	rddreg [dreg:$0xc];
	[sflag:s28] =	ssyncadd.s32 $0xFFFFC000  }
0x12e: {  	[hbm4b:s9+s3] =	stream.linear.scatter [tilespmem:s1], [sflag:$0xA], $0x4000, $0x38;
	[tilespmem:$0x18100] =	vst v63  }
0x12f: {  	_ =	swait.ge [sflag:s13], $0x4000  }
0x130: {  	[sflag:s13] =	ssyncset.done $0x0  }
0x131: {  	s14 =	simm.s32 $0xC;
	[sflag:s13] =	ssyncadd.s32 $0xFFFFC000  }
0x132: {  	_ =	swait.ge [sflag:s14], $0x4000  }
0x133: {  	[sflag:s14] =	ssyncset.done $0x0  }
0x134: {  	[sflag:s14] =	ssyncadd.s32 $0xFFFFC000  }
0x135: {  	_ =	swait.ge [sflag:s25], $0x4000  }
0x136: {  	[sflag:s25] =	ssyncset.done $0x0  }
0x137: {  	[sflag:s25] =	ssyncadd.s32 $0xFFFFC000  }
0x138: {  	_ =	swait.ge [sflag:s29], $0x4000  }
0x139: {  	[sflag:s29] =	ssyncset.done $0x0  }
0x13a: {  	[sflag:s29] =	ssyncadd.s32 $0xFFFFC000  }
0x13b: {  	p0 =	sne.s32 s8, $0x1;
	_ =	swait.ge [sflag:s31], $0x4000  }
.Ltmp0:
0x13c: {  	[sflag:s31] =	ssyncset.done $0x0;
	(pc) =	sbr.rel @p0 .LBB2_1-.Ltmp0, $4  }
0x13d: {  	[sflag:s31] =	ssyncadd.s32 $0xFFFFC000  }
0x13e: {  	_ =	swait.ge [sflag:s0], $0x4000  }
0x13f: {  	[sflag:s0] =	ssyncset.done $0x0  }
0x140: {  	s8 =	sadd.s32 $0xFFFFFFFF, s8;
	[sflag:s0] =	ssyncadd.s32 $0xFFFFC000  }
0x141: {  	_ =	sfence.sel $0x180000  }
0x142: {  	[bflag:$0x0] =	sbarrier.arrive $0xFFFF  }
0x143: {  	_ =	strace $0x9000004D  }
0x144: {  	s0 =	stileid.u32;
	[bflag:$0x2] =	sbarrier.arrive $0xFFFF  }
0x145: {  	p0 =	sne.s32 s0, $0x0;
	s0 =	rddreg [dreg:$0x2]  }
0x146: {  	s0 =	sadd.s32 @!p0 $0x100000, s0  }
0x147: {  	[sflag:s0] =	ssyncadd.tile.s32 @!p0 $0x1;
	_ =	shalt  }
.Lfunc_end2:
_tile_overlayer_lowered:
.L_overlay_start_2:
0x148: {  	(tag) =	ssettag $0x2  }
0x149: {  	s0 =	rddreg [dreg:$0x0];
	s2 =	stileid.u32  }
0x14a: {  	s1 =	rddreg [dreg:$0x1];
	p0 =	sne.s32 s2, $0x0  }
0x14b: {  	s3 =	rddreg [dreg:$0x2];
	[bflag:$0x3] =	sbarrier.arrive $0xFFFF;
	s2 =	simm.s32 @!p0 $0x1C0D  }
0x14c: {  	[timem:s3], [sflag:s2] =	dma.local @!p0 [hbm:s0], s1  }
0x14d: {  	s0 =	simm.s32 @!p0 $0xD  }
0x14e: {  	_ =	swait.ge @!p0 [sflag:s0], s1  }
0x14f: {  	s1 =	ssub.s32 @!p0 $0x0, s1;
	[sflag:s0] =	ssyncset.done @!p0 $0x0  }
0x150: {  	[sflag:s0] =	ssyncadd.s32 @!p0 s1  }
0x151: {  	[bflag:$0x3] =	sbarrier.arrive $0xFFFF  }
0x152: {  	_ =	shalt  }

// kernel: kernel.20.cloned.1.call-start
scs
__scs_entry_jumppad:
0x0: {  	(pc) =	sbr.rel $0x88, $3  }
0x1: {  	(tag) =	ssettag $0x0;
	lr =	simm.s32 $0x1  }
0x2: {  	[smem:$0x3F99] =	sst lr;
	_ =	strace $0xD0000000  }
0x3: {  	_ = 	snop  }
0x4: {  	_ = 	snop  }
0x5: {  	_ = 	snop  }
0x6: {  	_ = 	snop  }
0x7: {  	_ = 	snop  }
__scs_overlays_trampoline_lowered:
0x8: {  	[smem:$0x3FA8] =	sst s0  }
0x9: {  	[smem:$0x3FA9] =	sst s1  }
0xa: {  	[smem:$0x3FAA] =	sst s2  }
0xb: {  	[smem:$0x3FAB] =	sst s3  }
0xc: {  	[smem:$0x3FAC] =	sst s4  }
0xd: {  	[smem:$0x3FAD] =	sst s5  }
0xe: {  	[smem:$0x3FAE] =	sst s6  }
0xf: {  	[smem:$0x3FAF] =	sst s7  }
0x10: {  	[smem:$0x3FB0] =	sst s8  }
0x11: {  	[smem:$0x3FB1] =	sst s9;
	s0 =	simm.s32 @!p0 $0x0  }
0x12: {  	s1 =	sld [smem:$0x3F97];
	s0 =	simm.s32 @p0 $0x1  }
0x13: {  	[smem:$0x3FB2] =	sst s0;
	s0 =	simm.s32 @!p1 $0x0  }
0x14: {  	s2 =	sld [smem:$0x3F96];
	s0 =	simm.s32 @p1 $0x1  }
0x15: {  	[smem:$0x3FB3] =	sst s0;
	s0 =	simm.s32 @!p2 $0x0  }
0x16: {  	s3 =	sld [smem:$0x3FDB];
	s0 =	simm.s32 @p2 $0x1  }
0x17: {  	s4 =	simm.s32 $0x1BF5;
	[smem:$0x3FB5] =	sst s0  }
0x18: {  	s0 =	sld [smem:$0x3F98];
	_ =	swait.ge [sflag:s4], $0x0  }
0x19: {  	s7 =	sld [smem:$0x3F99]  }
0x1a: {  	s8 =	sadd.s32 $0xFFFFE003, lr  }
0x1b: {  	s9 =	sadd.s32 $0xFFFFFEF7, lr;
	s5 =	simm.s32 $0xFFFFFFFF;
	p2 =	slt.u32 s8, $0xFFFFF086  }
0x1c: {  	p1 =	slt.u32 s9, $0xF7A;
	s5 =	simm.s32 @!p2 $0x0  }
0x1d: {  	s5 =	simm.s32 @p1 $0x1;
	p0 =	seq.s32 s7, s2  }
0x1e: {  	s7 =	smul.u32 @!p0 $0xF7A, s2;
	p2 =	seq.s32 @!p0 s5, $0x0  }
0x1f: {  	s9 =	smul.u32 $0xF7A, s1;
	s8 =	simm.s32 @!p0 $0x1BF5;
	p2 =	por !p2, p0  }
0x20: {  	[sflag:s8] =	ssyncset.s32 @!p0 $0xFFFFF086;
	s6 =	sadd.s32 @!p0 s3, s7;
	s7 =	simm.s32 @!p0 $0x108  }
0x21: {  	s3 =	sadd.s32 s3, s9;
	s6 =	sadd.s32 @!p0 $0x88, s6;
	s7 =	simm.s32 @p2 $0x1082  }
0x22: {  	[simem:s7], [sflag:s8] =	dma.local @!p0 [hbm:s6], $0xF7A  }
0x23: {  	s9 =	sor.u32 $0xD0000000, s2;
	s6 =	simm.s32 $0x108;
	_ =	swait.ge @!p0 [sflag:s8], $0x0  }
0x24: {  	s3 =	sadd.s32 $0x88, s3;
	s6 =	simm.s32 @!p1 $0x1082;
	[sflag:s4] =	ssyncset.s32 $0xFFFFF086  }
0x25: {  	[simem:s6], [sflag:s4] =	dma.local [hbm:s3], $0xF7A  }
0x26: {  	[smem:$0x3F99] =	sst s1;
	(tag) =	ssettag s2;
	_ =	strace s9  }
0x27: {  	s1 =	sld [smem:$0x3FA9]  }
0x28: {  	s2 =	sld [smem:$0x3FAA]  }
0x29: {  	s4 =	sld [smem:$0x3FAC]  }
0x2a: {  	p0 =	seq.s32 s5, $0x0;
	s5 =	sld [smem:$0x3FAD]  }
0x2b: {  	s6 =	sld [smem:$0x3FAE]  }
0x2c: {  	s7 =	sld [smem:$0x3FAF]  }
0x2d: {  	s3 =	simm.s32 $0x108;
	s8 =	sld [smem:$0x3FB0]  }
0x2e: {  	s3 =	simm.s32 @!p0 $0x1082;
	s9 =	sld [smem:$0x3FB1]  }
0x2f: {  	lr =	sadd.s32 s0, s3;
	s0 =	sld [smem:$0x3FA8]  }
0x30: {  	s3 =	sld [smem:$0x3FAB]  }
0x31: {  	[smem:$0x3FB4] =	sst s10  }
0x32: {  	s10 =	sld [smem:$0x3FB2];
	_ =	sdelay $0x3  }
0x33: {  	p0 =	seq.s32 s10, $0x1;
	s10 =	sld [smem:$0x3FB4];
	_ =	sdelay $0x3  }
0x34: {  	[smem:$0x3FB4] =	sst s10  }
0x35: {  	s10 =	sld [smem:$0x3FB3];
	_ =	sdelay $0x3  }
0x36: {  	p1 =	seq.s32 s10, $0x1;
	s10 =	sld [smem:$0x3FB4];
	_ =	sdelay $0x3  }
0x37: {  	[smem:$0x3FB4] =	sst s10  }
0x38: {  	s10 =	sld [smem:$0x3FB5]  }
0x39: {  	_ = 	snop;
	(pc) =	sbr.ind lr, $3  }
0x3a: {  	_ = 	snop  }
0x3b: {  	_ = 	snop  }
0x3c: {  	p2 =	seq.s32 s10, $0x1;
	s10 =	sld [smem:$0x3FB4]  }
0x3d: {  	_ =	shalt  }
0x3e: {  	_ =	shalt  }
0x3f: {  	_ =	shalt  }
0x40: {  	_ =	shalt  }
0x41: {  	_ =	shalt  }
0x42: {  	_ =	shalt  }
0x43: {  	_ =	shalt  }
0x44: {  	_ =	shalt  }
0x45: {  	_ =	shalt  }
0x46: {  	_ =	shalt  }
0x47: {  	_ =	shalt  }
0x48: {  	_ =	shalt  }
0x49: {  	_ =	shalt  }
0x4a: {  	_ =	shalt  }
0x4b: {  	_ =	shalt  }
0x4c: {  	_ =	shalt  }
0x4d: {  	_ =	shalt  }
0x4e: {  	_ =	shalt  }
0x4f: {  	_ =	shalt  }
0x50: {  	_ =	shalt  }
0x51: {  	_ =	shalt  }
0x52: {  	_ =	shalt  }
0x53: {  	_ =	shalt  }
0x54: {  	_ =	shalt  }
0x55: {  	_ =	shalt  }
0x56: {  	_ =	shalt  }
0x57: {  	_ =	shalt  }
0x58: {  	_ =	shalt  }
0x59: {  	_ =	shalt  }
0x5a: {  	_ =	shalt  }
0x5b: {  	_ =	shalt  }
0x5c: {  	_ =	shalt  }
0x5d: {  	_ =	shalt  }
0x5e: {  	_ =	shalt  }
0x5f: {  	_ =	shalt  }
0x60: {  	_ =	shalt  }
0x61: {  	_ =	shalt  }
0x62: {  	_ =	shalt  }
0x63: {  	_ =	shalt  }
0x64: {  	_ =	shalt  }
0x65: {  	_ =	shalt  }
0x66: {  	_ =	shalt  }
0x67: {  	_ =	shalt  }
0x68: {  	_ =	shalt  }
0x69: {  	_ =	shalt  }
0x6a: {  	_ =	shalt  }
0x6b: {  	_ =	shalt  }
0x6c: {  	_ =	shalt  }
0x6d: {  	_ =	shalt  }
0x6e: {  	_ =	shalt  }
0x6f: {  	_ =	shalt  }
0x70: {  	_ =	shalt  }
0x71: {  	_ =	shalt  }
0x72: {  	_ =	shalt  }
0x73: {  	_ =	shalt  }
0x74: {  	_ =	shalt  }
0x75: {  	_ =	shalt  }
0x76: {  	_ =	shalt  }
0x77: {  	_ =	shalt  }
0x78: {  	_ =	shalt  }
0x79: {  	_ =	shalt  }
0x7a: {  	_ =	shalt  }
0x7b: {  	_ =	shalt  }
0x7c: {  	_ =	shalt  }
0x7d: {  	_ =	shalt  }
0x7e: {  	_ =	shalt  }
0x7f: {  	_ =	shalt  }
0x80: {  	_ =	shalt  }
0x81: {  	_ =	shalt  }
0x82: {  	_ =	shalt  }
0x83: {  	_ =	shalt  }
0x84: {  	_ =	shalt  }
0x85: {  	_ =	shalt  }
0x86: {  	_ =	shalt  }
0x87: {  	_ =	shalt  }
.Lfunc_end0:
.L_simem_size_0:
called_computation.3_lowered:
.L_overlay_start_0:
0x88: {  	s2 =	sld [smem:$0x3FD9]  }
0x89: {  	s3 =	sld [smem:$0x3FFE];
	_ =	sdelay $0x1  }
0x8a: {  	s1 =	srdreg.scid  }
0x8b: {  	s0 =	sand.u32 $0x1, s1  }
0x8c: {  	s14 =	sshll.u32 s0, $0xA;
	s2 =	sadd.s32 s3, s2  }
0x8d: {  	s2 =	sadd.s32 s2, s14  }
0x8e: {  	[smem:$0x3FC0] =	sst s2  }
0x8f: {  	_ = 	snop  }
0x90: {  	s2 =	sld [smem:$0x3FD0];
	_ =	sdelay $0x2  }
0x91: {  	s15 =	simm.s32 $0xB;
	s4 =	simm.s32 $0x10  }
0x92: {  	[smem:s4], [sflag:s15] =	dma.local [hbm:s2], $0x1  }
0x93: {  	_ =	swait.eq [sflag:s15], $0x1  }
0x94: {  	[sflag:s15] =	ssyncset.done $0x0  }
0x95: {  	[sflag:s15] =	ssyncadd.s32 $0xFFFFFFFF  }
0x96: {  	s16 =	sld [smem:$0x10];
	(tm) =	ssettm $0x1  }
0x97: {  	s17 =	sld [smem:$0x3FFB];
	_ =	sdelay $0x3  }
0x98: {  	_ =	strace s17  }
0x99: {  	s3 =	sld [smem:$0x3FFC];
	_ =	sdelay $0x3  }
0x9a: {  	_ =	strace s3  }
0x9b: {  	s3 =	sld [smem:$0x3FFD];
	_ =	sdelay $0x3  }
0x9c: {  	_ =	strace s3  }
0x9d: {  	_ =	strace $0x8FFFFFFF  }
0x9e: {  	s18 =	sld [smem:$0x3FDB];
	_ =	sdelay $0x1  }
0x9f: {  	s19 =	simm.s32 $_scs_section_size  }
0xa0: {  	s5 =	simm.s32 $_size__tile_overlayer_lowered;
	s6 =	simm.s32 $_tile_overlayer_lowered  }
0xa1: {  	s22 =	simm.s32 $0x1BFF;
	s21 =	sshll.u32 s6, $0x1;
	s3 =	sadd.s32 s19, s18  }
0xa2: {  	s7 =	simm.s32 $0x0;
	s20 =	sshll.u32 s5, $0x1;
	s5 =	sadd.s32 s21, s3  }
0xa3: {  	[timem:s7], [sflag:s22] =	dma.local [hbm:s5], s20  }
0xa4: {  	_ =	swait.ge [sflag:s22], s20  }
0xa5: {  	s4 =	ssub.s32 $0x0, s20;
	[sflag:s22] =	ssyncset.done $0x0  }
0xa6: {  	[sflag:s22] =	ssyncadd.s32 s4;
	_ =	sdelay $0x1  }
0xa7: {  	s23 =	simm.s32 $0x1B8B  }
0xa8: {  	_ =	swait.ge [sflag:s23], $0x1  }
0xa9: {  	[sflag:s23] =	ssyncset.done $0x0  }
0xaa: {  	s25 =	simm.s32 $0x1B8E;
	s24 =	sld [smem:$0x3FFE];
	[sflag:s23] =	ssyncadd.s32 $0xFFFFFFFF  }
0xab: {  	s26 =	simm.s32 $execute0_lowered;
	[smem:$0x3FD2] =	sst s25  }
0xac: {  	s5 =	sshll.u32 s26, $0x1;
	_ =	strace $0x8000004F;
	[dreg:$0x1] =	wrdreg $0xFFFFFFFF  }
0xad: {  	s28 =	simm.s32 $_size_execute0_lowered;
	s3 =	sadd.s32 s3, s5;
	[dreg:$0x0] =	wrdreg $0x0  }
0xae: {  	s5 =	sshll.u32 s28, $0x1;
	[dreg:$0x2] =	wrdreg s3  }
0xaf: {  	[dreg:$0x3] =	wrdreg s5  }
0xb0: {  	[dreg:$0x4] =	wrdreg $0xC0  }
0xb1: {  	_ =	task [dreg:s7], $0x5FFFF  }
0xb2: {  	[dreg:$0x1] =	wrdreg $0xFFFFFFFF  }
0xb3: {  	[dreg:$0x0] =	wrdreg $0x60  }
0xb4: {  	[dreg:$0x2] =	wrdreg s24  }
0xb5: {  	[dreg:$0x3] =	wrdreg s16  }
0xb6: {  	[dreg:$0x4] =	wrdreg $0x9  }
0xb7: {  	_ =	task.clear_ibuf [dreg:s7], $0x5FFFF;
	_ =	strace $0x9000004F  }
0xb8: {  	s29 =	simm.s32 $0x9;
	_ =	strace $0x80000051  }
0xb9: {  	_ =	swait.ge [sflag:s29], $0x1  }
0xba: {  	[sflag:s29] =	ssyncadd.s32 $0xFFFFFFFF  }
0xbb: {  	_ =	strace $0x90000051  }
0xbc: {  	_ =	sfence  }
0xbd: {  	s30 =	sld [smem:$0x0];
	_ =	sdelay $0x2  }
0xbe: {  	s31 =	sshll.u32 s1, $0xD;
	s1 =	sshrl.u32 s1, $0x2  }
0xbf: {  	s3 =	sand.u32 $0x4000, s31;
	s1 =	sadd.s32 s1, s30  }
0xc0: {  	s0 =	sor.u32 s3, s0;
	s1 =	sshll.u32 s1, $0x11  }
0xc1: {  	s0 =	sor.u32 s1, s0  }
0xc2: {  	s0 =	sadd.s32 $0x8F2B, s0  }
0xc3: {  	[sflag:s0] =	ssyncadd.remote.s32 $0x1  }
0xc4: {  	_ =	sfence.sel $0xFFFF  }
0xc5: {  	[dreg:$0x0] =	wrdreg $0xFFFFFFFF;
	(pc) =	sbr.abs _section_cstart, $3  }
0xc6: {  	[dreg:$0x1] =	wrdreg $0xFFFFFFFF  }
0xc7: {  	_ =	task.clear_ibuf [dreg:s7], $0x2FFFF;
	_ =	strace $0x9FFFFFFF  }
0xc8: {  	(tm) =	ssettm $0x7FFFFFFF  }
0xc9: {  	_ =	shalt  }
tec
execute0_lowered:
.L_overlay_start_1:
0x0: {  	(tag) =	ssettag $0x1  }
0x1: {  	s0 =	rddreg [dreg:$0x0]  }
0x2: {  	s1 =	rddreg [dreg:$0x1];
	s2 =	srdreg.scid  }
0x3: {  	s4 =	stileid.u32;
	s10 =	simm.s32 $0x4100;
	s28 =	simm.s32 $0x13900  }
0x4: {  	s29 =	simm.s32 $0x1;
	s30 =	simm.s32 $0x4;
	s31 =	simm.s32 $0x8100  }
0x5: {  	s11 =	simm.s32 $0x8;
	s12 =	simm.s32 $0x9;
	s3 =	sand.u32 $0x1, s2  }
0x6: {  	s2 =	simm.s32 $0x0;
	s4 =	sshll.u32 s4, $0x8;
	s5 =	sshll.u32 s3, $0x7  }
0x7: {  	[smem:$0x7FF] =	sst s2;
	s17 =	ssub.s32 $0x2, s3;
	s4 =	sor.u32 s5, s4  }
0x8: {  	s7 =	sshrl.u32 s17, $0x1;
	s6 =	sshrl.u32 s4, $0x3;
	s4 =	sshll.u32 s4, $0x7  }
0x9: {  	_ =	strace $0x80000050;
	s5 =	ssub.s32 s17, s7;
	s1 =	sadd.s32 s1, s4  }
0xa: {  	s6 =	sadd.s32 s6, s0;
	s26 =	smax.u32 s5, $0x1;
	[dreg:$0x5] =	wrdreg s1  }
0xb: {  	s13 =	simm.s32 $0x0;
	s18 =	sadd.s32 $0x4600, s6;
	[dreg:$0xd] =	wrdreg s26  }
0xc: {  	s9 =	sadd.s32 $0x145900, s0;
	s6 =	sadd.s32 $0x4800, s6;
	[dreg:$0x3] =	wrdreg s18  }
0xd: {  	s3 =	sadd.s32 $0x145600, s0;
	s19 =	sadd.s32 $0x800, s1;
	[dreg:$0x4] =	wrdreg s6  }
0xe: {  	s7 =	sadd.s32 $0x145800, s0;
	s20 =	sadd.s32 $0x1000, s1;
	[dreg:$0x6] =	wrdreg s19  }
0xf: {  	s4 =	simm.s32 $0x3;
	s21 =	sadd.s32 $0x1800, s1;
	[dreg:$0x7] =	wrdreg s20  }
0x10: {  	s5 =	simm.s32 $0x6;
	s22 =	sadd.s32 $0x2000, s1;
	[dreg:$0x8] =	wrdreg s21  }
0x11: {  	s23 =	sadd.s32 $0x2800, s1;
	s24 =	sadd.s32 $0x3000, s1;
	[dreg:$0x9] =	wrdreg s22  }
0x12: {  	s25 =	sadd.s32 $0x3800, s1;
	s26 =	simm.s32 $0x13100;
	[dreg:$0xa] =	wrdreg s23  }
0x13: {  	v2 =	vlaneseq.u32;
	s1 =	simm.s32 $0x5;
	s6 =	sadd.s32 $0x145700, s0;
	[dreg:$0xb] =	wrdreg s24  }
0x14: {  	vm0 =	vmmov $0xffff;
	v1 =	vshrl.u32 v2, $0x3;
	[dreg:$0xc] =	wrdreg s25;
	s18 =	simm.s32 $0xA;
	s20 =	simm.s32 $0x100  }
0x15: {  	v0 =	vand.u32 $0x7, v2;
	v2 =	vor.u32 $0x8, v2;
	v1 =	vmul.u32 $0x8, v1;
	s25 =	simm.s32 $0x12900;
	s0 =	simm.s32 $0x2;
	s19 =	simm.s32 $0x7  }
.LBB2_1:
0x16: {  	s8 =	rddreg [dreg:$0x3]  }
0x17: {  	[tilespmem:s2], [sflag:$0xA] =	stream.linear.gather [hbm4b:s8+s2], $0x80, $0x38;
	[tilespmem:$0x18100] =	vst v63  }
0x18: {  	_ =	swait.ge [sflag:s18], $0x80  }
0x19: {  	[sflag:s18] =	ssyncset.done $0x0  }
0x1a: {  	s14 =	simm.s32 $0x80;
	s17 =	rddreg [dreg:$0x4];
	[sflag:s18] =	ssyncadd.s32 $0xFFFFFF80  }
0x1b: {  	[tilespmem:s14], [sflag:$0xA] =	stream.linear.gather [hbm4b:s17+s2], $0x80, $0x38;
	[tilespmem:$0x18100] =	vst v63  }
0x1c: {  	_ =	swait.ge [sflag:s18], $0x80  }
0x1d: {  	[sflag:s18] =	ssyncset.done $0x0  }
0x1e: {  	[sflag:s18] =	ssyncadd.s32 $0xFFFFFF80  }
0x1f: {  	v3 =	vld [tilespmem:$0x0];
	_ =	sdelay $0x4  }
0x20: {  	v4 =	vshll.u32 v3, $0x3  }
0x21: {  	v3 =	vand.u32 $0x7, v3;
	v4 =	vand.u32 $0xFFFFFFC0, v4  }
0x22: {  	v3 =	vor.u32 v3, v4  }
0x23: {  	v4 =	vperm.xlane v3, v0;
	_ =	sdelay $0x1  }
0x24: {  	v4 =	vadd.s32 v1, v4;
	_ =	sdelay $0x4  }
0x25: {  	[tilespmem:s20], [sflag:$0x1] =	stream.indirect_vreg.gather [hbm4b:s3+s2], $0x80, v4, vm0, $0xb8;
	[tilespmem:$0x18100] =	vst v63  }
0x26: {  	s21 =	simm.s32 $0x900;
	v3 =	vperm.xlane v3, v2  }
0x27: {  	[tilespmem:s21], [sflag:$0x1] =	stream.indirect_vreg.gather [hbm4b:s6+s2], $0x80, v4, vm0, $0xb8;
	[tilespmem:$0x18100] =	vst v63  }
0x28: {  	s22 =	simm.s32 $0x1100;
	v3 =	vadd.s32 v1, v3  }
0x29: {  	[tilespmem:s22], [sflag:$0x1] =	stream.indirect_vreg.gather [hbm4b:s7+s2], $0x80, v4, vm0, $0xb8;
	[tilespmem:$0x18100] =	vst v63  }
0x2a: {  	s23 =	simm.s32 $0x1900  }
0x2b: {  	[tilespmem:s23], [sflag:$0x1] =	stream.indirect_vreg.gather [hbm4b:s9+s2], $0x80, v4, vm0, $0xb8;
	[tilespmem:$0x18100] =	vst v63  }
0x2c: {  	s24 =	simm.s32 $0x2100  }
0x2d: {  	[tilespmem:s24], [sflag:$0x1] =	stream.indirect_vreg.gather [hbm4b:s3+s2], $0x80, v3, vm0, $0xb8;
	[tilespmem:$0x18100] =	vst v63  }
0x2e: {  	s14 =	simm.s32 $0x2900  }
0x2f: {  	[tilespmem:s14], [sflag:$0x1] =	stream.indirect_vreg.gather [hbm4b:s6+s2], $0x80, v3, vm0, $0xb8;
	[tilespmem:$0x18100] =	vst v63  }
0x30: {  	s15 =	simm.s32 $0x3100  }
0x31: {  	[tilespmem:s15], [sflag:$0x1] =	stream.indirect_vreg.gather [hbm4b:s7+s2], $0x80, v3, vm0, $0xb8;
	[tilespmem:$0x18100] =	vst v63  }
0x32: {  	s16 =	simm.s32 $0x3900  }
0x33: {  	[tilespmem:s16], [sflag:$0x1] =	stream.indirect_vreg.gather [hbm4b:s9+s2], $0x80, v3, vm0, $0xb8;
	[tilespmem:$0x18100] =	vst v63  }
0x34: {  	v3 =	vld [tilespmem:$0x80];
	_ =	sdelay $0x4  }
0x35: {  	v4 =	vshll.u32 v3, $0x3  }
0x36: {  	v3 =	vand.u32 $0x7, v3;
	v4 =	vand.u32 $0xFFFFFFC0, v4  }
0x37: {  	v3 =	vor.u32 v3, v4  }
0x38: {  	v4 =	vperm.xlane v3, v0;
	_ =	sdelay $0x1  }
0x39: {  	v4 =	vadd.s32 v1, v4;
	_ =	sdelay $0x3  }
0x3a: {  	s17 =	simm.s32 $0xC100  }
0x3b: {  	[tilespmem:s17], [sflag:$0x4] =	stream.indirect_vreg.gather [hbm4b:s3+s2], $0x80, v4, vm0, $0xb8;
	[tilespmem:$0x18100] =	vst v63  }
0x3c: {  	s21 =	simm.s32 $0xC900;
	v3 =	vperm.xlane v3, v2  }
0x3d: {  	[tilespmem:s21], [sflag:$0x4] =	stream.indirect_vreg.gather [hbm4b:s6+s2], $0x80, v4, vm0, $0xb8;
	[tilespmem:$0x18100] =	vst v63  }
0x3e: {  	s22 =	simm.s32 $0xD100;
	v3 =	vadd.s32 v1, v3  }
0x3f: {  	[tilespmem:s22], [sflag:$0x4] =	stream.indirect_vreg.gather [hbm4b:s7+s2], $0x80, v4, vm0, $0xb8;
	[tilespmem:$0x18100] =	vst v63  }
0x40: {  	s23 =	simm.s32 $0xD900  }
0x41: {  	[tilespmem:s23], [sflag:$0x4] =	stream.indirect_vreg.gather [hbm4b:s9+s2], $0x80, v4, vm0, $0xb8;
	[tilespmem:$0x18100] =	vst v63  }
0x42: {  	s24 =	simm.s32 $0xE100  }
0x43: {  	[tilespmem:s24], [sflag:$0x4] =	stream.indirect_vreg.gather [hbm4b:s3+s2], $0x80, v3, vm0, $0xb8;
	[tilespmem:$0x18100] =	vst v63  }
0x44: {  	s14 =	simm.s32 $0xE900  }
0x45: {  	[tilespmem:s14], [sflag:$0x4] =	stream.indirect_vreg.gather [hbm4b:s6+s2], $0x80, v3, vm0, $0xb8;
	[tilespmem:$0x18100] =	vst v63  }
0x46: {  	s15 =	simm.s32 $0xF100  }
0x47: {  	[tilespmem:s15], [sflag:$0x4] =	stream.indirect_vreg.gather [hbm4b:s7+s2], $0x80, v3, vm0, $0xb8;
	[tilespmem:$0x18100] =	vst v63  }
0x48: {  	s16 =	simm.s32 $0xF900  }
0x49: {  	[tilespmem:s16], [sflag:$0x4] =	stream.indirect_vreg.gather [hbm4b:s9+s2], $0x80, v3, vm0, $0xb8;
	[tilespmem:$0x18100] =	vst v63  }
0x4a: {  	v3 =	vld [tilespmem:$0x10];
	_ =	sdelay $0x4  }
0x4b: {  	v4 =	vshll.u32 v3, $0x3  }
0x4c: {  	v3 =	vand.u32 $0x7, v3;
	v4 =	vand.u32 $0xFFFFFFC0, v4  }
0x4d: {  	v3 =	vor.u32 v3, v4  }
0x4e: {  	v4 =	vperm.xlane v3, v0;
	_ =	sdelay $0x1  }
0x4f: {  	v4 =	vadd.s32 v1, v4;
	_ =	sdelay $0x4  }
0x50: {  	[tilespmem:s10], [sflag:$0x2] =	stream.indirect_vreg.gather [hbm4b:s3+s2], $0x80, v4, vm0, $0xb8;
	[tilespmem:$0x18100] =	vst v63  }
0x51: {  	s17 =	simm.s32 $0x4900;
	v3 =	vperm.xlane v3, v2  }
0x52: {  	[tilespmem:s17], [sflag:$0x2] =	stream.indirect_vreg.gather [hbm4b:s6+s2], $0x80, v4, vm0, $0xb8;
	[tilespmem:$0x18100] =	vst v63  }
0x53: {  	s21 =	simm.s32 $0x5100;
	v3 =	vadd.s32 v1, v3  }
0x54: {  	[tilespmem:s21], [sflag:$0x2] =	stream.indirect_vreg.gather [hbm4b:s7+s2], $0x80, v4, vm0, $0xb8;
	[tilespmem:$0x18100] =	vst v63  }
0x55: {  	s22 =	simm.s32 $0x5900  }
0x56: {  	[tilespmem:s22], [sflag:$0x2] =	stream.indirect_vreg.gather [hbm4b:s9+s2], $0x80, v4, vm0, $0xb8;
	[tilespmem:$0x18100] =	vst v63  }
0x57: {  	s23 =	simm.s32 $0x6100  }
0x58: {  	[tilespmem:s23], [sflag:$0x2] =	stream.indirect_vreg.gather [hbm4b:s3+s2], $0x80, v3, vm0, $0xb8;
	[tilespmem:$0x18100] =	vst v63  }
0x59: {  	s24 =	simm.s32 $0x6900  }
0x5a: {  	[tilespmem:s24], [sflag:$0x2] =	stream.indirect_vreg.gather [hbm4b:s6+s2], $0x80, v3, vm0, $0xb8;
	[tilespmem:$0x18100] =	vst v63  }
0x5b: {  	s14 =	simm.s32 $0x7100  }
0x5c: {  	[tilespmem:s14], [sflag:$0x2] =	stream.indirect_vreg.gather [hbm4b:s7+s2], $0x80, v3, vm0, $0xb8;
	[tilespmem:$0x18100] =	vst v63  }
0x5d: {  	s15 =	simm.s32 $0x7900  }
0x5e: {  	[tilespmem:s15], [sflag:$0x2] =	stream.indirect_vreg.gather [hbm4b:s9+s2], $0x80, v3, vm0, $0xb8;
	[tilespmem:$0x18100] =	vst v63  }
0x5f: {  	v3 =	vld [tilespmem:$0x90];
	_ =	sdelay $0x4  }
0x60: {  	v4 =	vshll.u32 v3, $0x3  }
0x61: {  	v3 =	vand.u32 $0x7, v3;
	v4 =	vand.u32 $0xFFFFFFC0, v4  }
0x62: {  	v3 =	vor.u32 v3, v4  }
0x63: {  	v4 =	vperm.xlane v3, v0;
	_ =	sdelay $0x1  }
0x64: {  	v4 =	vadd.s32 v1, v4;
	_ =	sdelay $0x3  }
0x65: {  	s16 =	simm.s32 $0x10100  }
0x66: {  	[tilespmem:s16], [sflag:$0x5] =	stream.indirect_vreg.gather [hbm4b:s3+s2], $0x80, v4, vm0, $0xb8;
	[tilespmem:$0x18100] =	vst v63  }
0x67: {  	s17 =	simm.s32 $0x10900;
	v3 =	vperm.xlane v3, v2  }
0x68: {  	[tilespmem:s17], [sflag:$0x5] =	stream.indirect_vreg.gather [hbm4b:s6+s2], $0x80, v4, vm0, $0xb8;
	[tilespmem:$0x18100] =	vst v63  }
0x69: {  	s21 =	simm.s32 $0x11100;
	v3 =	vadd.s32 v1, v3  }
0x6a: {  	[tilespmem:s21], [sflag:$0x5] =	stream.indirect_vreg.gather [hbm4b:s7+s2], $0x80, v4, vm0, $0xb8;
	[tilespmem:$0x18100] =	vst v63  }
0x6b: {  	s22 =	simm.s32 $0x11900  }
0x6c: {  	[tilespmem:s22], [sflag:$0x5] =	stream.indirect_vreg.gather [hbm4b:s9+s2], $0x80, v4, vm0, $0xb8;
	[tilespmem:$0x18100] =	vst v63  }
0x6d: {  	s23 =	simm.s32 $0x12100  }
0x6e: {  	[tilespmem:s23], [sflag:$0x5] =	stream.indirect_vreg.gather [hbm4b:s3+s2], $0x80, v3, vm0, $0xb8;
	[tilespmem:$0x18100] =	vst v63  }
0x6f: {  	_ = 	snop  }
0x70: {  	[tilespmem:s25], [sflag:$0x5] =	stream.indirect_vreg.gather [hbm4b:s6+s2], $0x80, v3, vm0, $0xb8;
	[tilespmem:$0x18100] =	vst v63  }
0x71: {  	_ = 	snop  }
0x72: {  	[tilespmem:s26], [sflag:$0x5] =	stream.indirect_vreg.gather [hbm4b:s7+s2], $0x80, v3, vm0, $0xb8;
	[tilespmem:$0x18100] =	vst v63  }
0x73: {  	_ = 	snop  }
0x74: {  	[tilespmem:s28], [sflag:$0x5] =	stream.indirect_vreg.gather [hbm4b:s9+s2], $0x80, v3, vm0, $0xb8;
	[tilespmem:$0x18100] =	vst v63  }
0x75: {  	_ =	swait.ge [sflag:s29], $0x4000  }
0x76: {  	s24 =	sand.u32 $0x40, s2;
	s15 =	sand.u32 $0x1C00, s2;
	[sflag:s29] =	ssyncset.done $0x0  }
0x77: {  	s8 =	sor.u32 s24, s15;
	s16 =	simm.s32 $0x0;
	[sflag:s29] =	ssyncadd.s32 $0xFFFFC000  }
0x78: {  	s14 =	sand.u32 $0x2000, s16;
	s16 =	simm.s32 $0x0;
	_ =	swait.ge [sflag:s30], $0x4000  }
0x79: {  	s17 =	sand.u32 $0x380, s16;
	s8 =	sor.u32 s14, s8;
	[sflag:s30] =	ssyncset.done $0x0  }
0x7a: {  	s14 =	sor.u32 s17, s8;
	[sflag:s30] =	ssyncadd.s32 $0xFFFFC000  }
0x7b: {  	v4 =	vld [tilespmem:s14+$0xC130]  }
0x7c: {  	v5 =	vld [tilespmem:s14+$0xC120]  }
0x7d: {  	v6 =	vld [tilespmem:s14+$0x130]  }
0x7e: {  	s21 =	simm.s32 $0x200;
	s22 =	simm.s32 $0x40;
	v9 =	vld [tilespmem:s14+$0xC100]  }
0x7f: {  	s8 =	sand.u32 $0x1C00, s21;
	s15 =	sand.u32 $0x40, s22;
	s23 =	simm.s32 $0x40;
	v3 =	vld [tilespmem:s14+$0xC110]  }
0x80: {  	s17 =	simm.s32 $0x8;
	s8 =	sor.u32 s15, s8;
	s16 =	sand.u32 $0x2000, s23;
	v10 =	vld [tilespmem:s14+$0x120]  }
0x81: {  	s24 =	sand.u32 $0x380, s17;
	s8 =	sor.u32 s16, s8;
	v11 =	vld [tilespmem:s14+$0x100]  }
0x82: {  	s15 =	sor.u32 s24, s8;
	v8 =	vld [tilespmem:s14+$0x110];
	v7 =	vadd.f32 v4, v6  }
0x83: {  	v4 =	vld [tilespmem:s15+$0xC130]  }
0x84: {  	v6 =	vld [tilespmem:s15+$0xC120];
	[tilespmem:s14+$0x130] =	vst v7  }
0x85: {  	v7 =	vld [tilespmem:s15+$0x130]  }
0x86: {  	s17 =	simm.s32 $0x80;
	s16 =	simm.s32 $0x400;
	s8 =	simm.s32 $0x2;
	v10 =	vadd.f32 v5, v10;
	v9 =	vadd.f32 v9, v11;
	v5 =	vld [tilespmem:s15+$0xC100]  }
.LBB2_2:
0x87: {  	s21 =	sand.u32 $0x40, s17;
	s22 =	sshll.u32 s8, $0x6  }
0x88: {  	s23 =	sand.u32 $0x1C00, s16;
	v8 =	vadd.f32 v3, v8;
	v3 =	vld [tilespmem:s15+$0xC110];
	[tilespmem:s14+$0x120] =	vst v10;
	s24 =	smov.u32 s8;
	p0 =	sne.s32 s8, $0xFF  }
0x89: {  	s22 =	sand.u32 $0x2000, s22;
	s24 =	sshll.u32 s8, $0x3;
	s21 =	sor.u32 s21, s23;
	v10 =	vld [tilespmem:s15+$0x120];
	[tilespmem:s14+$0x100] =	vst v9  }
0x8a: {  	s23 =	sand.u32 $0x380, s24;
	s21 =	sor.u32 s22, s21;
	s22 =	sadd.s32 $0x1, s8;
	v9 =	vld [tilespmem:s15+$0x100];
	[tilespmem:s14+$0x110] =	vst v8;
	v11 =	vmov v6  }
.Ltmp0:
0x8b: {  	s21 =	sor.u32 s23, s21;
	v8 =	vld [tilespmem:s15+$0x110];
	v7 =	vadd.f32 v4, v7;
	(pc) =	sbr.rel @p0 .LBB2_2-.Ltmp0, $4  }
0x8c: {  	s14 =	smov.u32 s15;
	v4 =	vld [tilespmem:s21+$0xC130];
	s15 =	smov.u32 s21  }
0x8d: {  	v6 =	vld [tilespmem:s15+$0xC120];
	[tilespmem:s14+$0x130] =	vst v7  }
0x8e: {  	v7 =	vld [tilespmem:s15+$0x130];
	v10 =	vadd.f32 v11, v10  }
0x8f: {  	s16 =	sadd.s32 $0x200, s16;
	s17 =	sadd.s32 $0x40, s17;
	s8 =	smov.u32 s22;
	v9 =	vadd.f32 v5, v9;
	v5 =	vld [tilespmem:s15+$0xC100]  }
0x90: {  	v11 =	vld [tilespmem:s15+$0xC110];
	[tilespmem:s14+$0x120] =	vst v10;
	v3 =	vadd.f32 v3, v8  }
0x91: {  	v10 =	vld [tilespmem:s15+$0x120];
	[tilespmem:s14+$0x100] =	vst v9  }
0x92: {  	v8 =	vld [tilespmem:s15+$0x100];
	[tilespmem:s14+$0x110] =	vst v3  }
0x93: {  	v3 =	vld [tilespmem:s15+$0x110];
	_ =	sdelay $0x1  }
0x94: {  	v4 =	vadd.f32 v4, v7  }
0x95: {  	v6 =	vadd.f32 v6, v10  }
0x96: {  	[tilespmem:s15+$0x130] =	vst v4;
	v4 =	vadd.f32 v5, v8  }
0x97: {  	v3 =	vadd.f32 v11, v3;
	[tilespmem:s15+$0x120] =	vst v6  }
0x98: {  	[tilespmem:s15+$0x100] =	vst v4  }
0x99: {  	s8 =	simm.s32 $0x0;
	s22 =	rddreg [dreg:$0x5];
	[tilespmem:s15+$0x110] =	vst v3  }
0x9a: {  	[hbm4b:s22+s8] =	stream.linear.scatter [tilespmem:s20], [sflag:$0x7], $0x4000, $0x38;
	[tilespmem:$0x18100] =	vst v63  }
0x9b: {  	v3 =	vld [tilespmem:$0x20];
	_ =	sdelay $0x4  }
0x9c: {  	v4 =	vshll.u32 v3, $0x3  }
0x9d: {  	v3 =	vand.u32 $0x7, v3;
	v4 =	vand.u32 $0xFFFFFFC0, v4  }
0x9e: {  	v3 =	vor.u32 v3, v4  }
0x9f: {  	v4 =	vperm.xlane v3, v0;
	_ =	sdelay $0x1  }
0xa0: {  	v4 =	vadd.s32 v1, v4;
	_ =	sdelay $0x4  }
0xa1: {  	[tilespmem:s31], [sflag:$0x3] =	stream.indirect_vreg.gather [hbm4b:s3+s8], $0x80, v4, vm0, $0xb8;
	[tilespmem:$0x18100] =	vst v63  }
0xa2: {  	s23 =	simm.s32 $0x8900;
	v3 =	vperm.xlane v3, v2  }
0xa3: {  	[tilespmem:s23], [sflag:$0x3] =	stream.indirect_vreg.gather [hbm4b:s6+s8], $0x80, v4, vm0, $0xb8;
	[tilespmem:$0x18100] =	vst v63  }
0xa4: {  	s24 =	simm.s32 $0x9100;
	v3 =	vadd.s32 v1, v3  }
0xa5: {  	[tilespmem:s24], [sflag:$0x3] =	stream.indirect_vreg.gather [hbm4b:s7+s8], $0x80, v4, vm0, $0xb8;
	[tilespmem:$0x18100] =	vst v63  }
0xa6: {  	s15 =	simm.s32 $0x9900  }
0xa7: {  	[tilespmem:s15], [sflag:$0x3] =	stream.indirect_vreg.gather [hbm4b:s9+s8], $0x80, v4, vm0, $0xb8;
	[tilespmem:$0x18100] =	vst v63  }
0xa8: {  	s16 =	simm.s32 $0xA100  }
0xa9: {  	[tilespmem:s16], [sflag:$0x3] =	stream.indirect_vreg.gather [hbm4b:s3+s8], $0x80, v3, vm0, $0xb8;
	[tilespmem:$0x18100] =	vst v63  }
0xaa: {  	s17 =	simm.s32 $0xA900  }
0xab: {  	[tilespmem:s17], [sflag:$0x3] =	stream.indirect_vreg.gather [hbm4b:s6+s8], $0x80, v3, vm0, $0xb8;
	[tilespmem:$0x18100] =	vst v63  }
0xac: {  	s21 =	simm.s32 $0xB100  }
0xad: {  	[tilespmem:s21], [sflag:$0x3] =	stream.indirect_vreg.gather [hbm4b:s7+s8], $0x80, v3, vm0, $0xb8;
	[tilespmem:$0x18100] =	vst v63  }
0xae: {  	s22 =	simm.s32 $0xB900  }
0xaf: {  	[tilespmem:s22], [sflag:$0x3] =	stream.indirect_vreg.gather [hbm4b:s9+s8], $0x80, v3, vm0, $0xb8;
	[tilespmem:$0x18100] =	vst v63  }
0xb0: {  	v3 =	vld [tilespmem:$0xA0];
	_ =	sdelay $0x4  }
0xb1: {  	v4 =	vshll.u32 v3, $0x3  }
0xb2: {  	v3 =	vand.u32 $0x7, v3;
	v4 =	vand.u32 $0xFFFFFFC0, v4  }
0xb3: {  	v3 =	vor.u32 v3, v4  }
0xb4: {  	v4 =	vperm.xlane v3, v0;
	_ =	sdelay $0x1  }
0xb5: {  	v4 =	vadd.s32 v1, v4;
	_ =	sdelay $0x3  }
0xb6: {  	s23 =	simm.s32 $0x14100  }
0xb7: {  	[tilespmem:s23], [sflag:$0x6] =	stream.indirect_vreg.gather [hbm4b:s3+s8], $0x80, v4, vm0, $0xb8;
	[tilespmem:$0x18100] =	vst v63  }
0xb8: {  	s24 =	simm.s32 $0x14900;
	v3 =	vperm.xlane v3, v2  }
0xb9: {  	[tilespmem:s24], [sflag:$0x6] =	stream.indirect_vreg.gather [hbm4b:s6+s8], $0x80, v4, vm0, $0xb8;
	[tilespmem:$0x18100] =	vst v63  }
0xba: {  	s15 =	simm.s32 $0x15100;
	v3 =	vadd.s32 v1, v3  }
0xbb: {  	[tilespmem:s15], [sflag:$0x6] =	stream.indirect_vreg.gather [hbm4b:s7+s8], $0x80, v4, vm0, $0xb8;
	[tilespmem:$0x18100] =	vst v63  }
0xbc: {  	s16 =	simm.s32 $0x15900  }
0xbd: {  	[tilespmem:s16], [sflag:$0x6] =	stream.indirect_vreg.gather [hbm4b:s9+s8], $0x80, v4, vm0, $0xb8;
	[tilespmem:$0x18100] =	vst v63  }
0xbe: {  	s17 =	simm.s32 $0x16100  }
0xbf: {  	[tilespmem:s17], [sflag:$0x6] =	stream.indirect_vreg.gather [hbm4b:s3+s8], $0x80, v3, vm0, $0xb8;
	[tilespmem:$0x18100] =	vst v63  }
0xc0: {  	s21 =	simm.s32 $0x16900  }
0xc1: {  	[tilespmem:s21], [sflag:$0x6] =	stream.indirect_vreg.gather [hbm4b:s6+s8], $0x80, v3, vm0, $0xb8;
	[tilespmem:$0x18100] =	vst v63  }
0xc2: {  	s22 =	simm.s32 $0x17100  }
0xc3: {  	[tilespmem:s22], [sflag:$0x6] =	stream.indirect_vreg.gather [hbm4b:s7+s8], $0x80, v3, vm0, $0xb8;
	[tilespmem:$0x18100] =	vst v63  }
0xc4: {  	s23 =	simm.s32 $0x17900  }
0xc5: {  	[tilespmem:s23], [sflag:$0x6] =	stream.indirect_vreg.gather [hbm4b:s9+s8], $0x80, v3, vm0, $0xb8;
	[tilespmem:$0x18100] =	vst v63  }
0xc6: {  	_ =	swait.ge [sflag:s0], $0x4000  }
0xc7: {  	s24 =	sand.u32 $0x40, s8;
	s16 =	simm.s32 $0x0;
	[sflag:s0] =	ssyncset.done $0x0  }
0xc8: {  	s15 =	sand.u32 $0x2000, s16;
	s8 =	sand.u32 $0x1C00, s8;
	[sflag:s0] =	ssyncadd.s32 $0xFFFFC000  }
0xc9: {  	s16 =	simm.s32 $0x0;
	s8 =	sor.u32 s24, s8;
	_ =	swait.ge [sflag:s1], $0x4000  }
0xca: {  	s17 =	sand.u32 $0x380, s16;
	s8 =	sor.u32 s15, s8;
	[sflag:s1] =	ssyncset.done $0x0  }
0xcb: {  	s14 =	sor.u32 s17, s8;
	[sflag:s1] =	ssyncadd.s32 $0xFFFFC000  }
0xcc: {  	v4 =	vld [tilespmem:s14+$0x10130]  }
0xcd: {  	v5 =	vld [tilespmem:s14+$0x10120]  }
0xce: {  	v6 =	vld [tilespmem:s14+$0x4130]  }
0xcf: {  	s21 =	simm.s32 $0x200;
	s22 =	simm.s32 $0x40;
	v9 =	vld [tilespmem:s14+$0x10100]  }
0xd0: {  	s23 =	simm.s32 $0x40;
	s15 =	sand.u32 $0x40, s22;
	s8 =	sand.u32 $0x1C00, s21;
	v3 =	vld [tilespmem:s14+$0x10110]  }
0xd1: {  	s16 =	sand.u32 $0x2000, s23;
	s17 =	simm.s32 $0x8;
	s8 =	sor.u32 s15, s8;
	v10 =	vld [tilespmem:s14+$0x4120]  }
0xd2: {  	s24 =	sand.u32 $0x380, s17;
	s8 =	sor.u32 s16, s8;
	v11 =	vld [tilespmem:s14+$0x4100]  }
0xd3: {  	s15 =	sor.u32 s24, s8;
	v8 =	vld [tilespmem:s14+$0x4110];
	v7 =	vadd.f32 v4, v6  }
0xd4: {  	v4 =	vld [tilespmem:s15+$0x10130]  }
0xd5: {  	v6 =	vld [tilespmem:s15+$0x10120];
	[tilespmem:s14+$0x4130] =	vst v7  }
0xd6: {  	v7 =	vld [tilespmem:s15+$0x4130]  }
0xd7: {  	s17 =	simm.s32 $0x80;
	s16 =	simm.s32 $0x400;
	s8 =	simm.s32 $0x2;
	v10 =	vadd.f32 v5, v10;
	v9 =	vadd.f32 v9, v11;
	v5 =	vld [tilespmem:s15+$0x10100]  }
.LBB2_4:
0xd8: {  	s21 =	sand.u32 $0x40, s17;
	s22 =	sshll.u32 s8, $0x6  }
0xd9: {  	s23 =	sand.u32 $0x1C00, s16;
	v8 =	vadd.f32 v3, v8;
	v3 =	vld [tilespmem:s15+$0x10110];
	[tilespmem:s14+$0x4120] =	vst v10;
	s24 =	smov.u32 s8;
	p0 =	sne.s32 s8, $0xFF  }
0xda: {  	s22 =	sand.u32 $0x2000, s22;
	s24 =	sshll.u32 s8, $0x3;
	s21 =	sor.u32 s21, s23;
	v10 =	vld [tilespmem:s15+$0x4120];
	[tilespmem:s14+$0x4100] =	vst v9  }
0xdb: {  	s23 =	sand.u32 $0x380, s24;
	s21 =	sor.u32 s22, s21;
	s22 =	sadd.s32 $0x1, s8;
	v9 =	vld [tilespmem:s15+$0x4100];
	[tilespmem:s14+$0x4110] =	vst v8;
	v11 =	vmov v6  }
.Ltmp1:
0xdc: {  	s21 =	sor.u32 s23, s21;
	v8 =	vld [tilespmem:s15+$0x4110];
	v7 =	vadd.f32 v4, v7;
	(pc) =	sbr.rel @p0 .LBB2_4-.Ltmp1, $4  }
0xdd: {  	s14 =	smov.u32 s15;
	v4 =	vld [tilespmem:s21+$0x10130];
	s15 =	smov.u32 s21  }
0xde: {  	v6 =	vld [tilespmem:s15+$0x10120];
	[tilespmem:s14+$0x4130] =	vst v7  }
0xdf: {  	v7 =	vld [tilespmem:s15+$0x4130];
	v10 =	vadd.f32 v11, v10  }
0xe0: {  	s16 =	sadd.s32 $0x200, s16;
	s17 =	sadd.s32 $0x40, s17;
	s8 =	smov.u32 s22;
	v9 =	vadd.f32 v5, v9;
	v5 =	vld [tilespmem:s15+$0x10100]  }
0xe1: {  	v11 =	vld [tilespmem:s15+$0x10110];
	[tilespmem:s14+$0x4120] =	vst v10;
	v3 =	vadd.f32 v3, v8  }
0xe2: {  	v10 =	vld [tilespmem:s15+$0x4120];
	[tilespmem:s14+$0x4100] =	vst v9  }
0xe3: {  	v8 =	vld [tilespmem:s15+$0x4100];
	[tilespmem:s14+$0x4110] =	vst v3  }
0xe4: {  	v3 =	vld [tilespmem:s15+$0x4110];
	_ =	sdelay $0x1  }
0xe5: {  	v4 =	vadd.f32 v4, v7  }
0xe6: {  	v6 =	vadd.f32 v6, v10  }
0xe7: {  	[tilespmem:s15+$0x4130] =	vst v4;
	v4 =	vadd.f32 v5, v8  }
0xe8: {  	v3 =	vadd.f32 v11, v3;
	[tilespmem:s15+$0x4120] =	vst v6  }
0xe9: {  	[tilespmem:s15+$0x4100] =	vst v4  }
0xea: {  	s8 =	simm.s32 $0x0;
	s22 =	rddreg [dreg:$0x6];
	[tilespmem:s15+$0x4110] =	vst v3  }
0xeb: {  	[hbm4b:s22+s8] =	stream.linear.scatter [tilespmem:s10], [sflag:$0x8], $0x4000, $0x38;
	[tilespmem:$0x18100] =	vst v63  }
0xec: {  	_ =	swait.ge [sflag:s19], $0x4000  }
0xed: {  	[sflag:s19] =	ssyncset.done $0x0  }
0xee: {  	[sflag:s19] =	ssyncadd.s32 $0xFFFFC000  }
0xef: {  	v3 =	vld [tilespmem:$0x30];
	_ =	sdelay $0x4  }
0xf0: {  	v4 =	vshll.u32 v3, $0x3  }
0xf1: {  	v3 =	vand.u32 $0x7, v3;
	v4 =	vand.u32 $0xFFFFFFC0, v4  }
0xf2: {  	v3 =	vor.u32 v3, v4  }
0xf3: {  	v4 =	vperm.xlane v3, v0;
	_ =	sdelay $0x1  }
0xf4: {  	v4 =	vadd.s32 v1, v4;
	_ =	sdelay $0x4  }
0xf5: {  	[tilespmem:s20], [sflag:$0x1] =	stream.indirect_vreg.gather [hbm4b:s3+s8], $0x80, v4, vm0, $0xb8;
	[tilespmem:$0x18100] =	vst v63  }
0xf6: {  	s23 =	simm.s32 $0x900;
	v3 =	vperm.xlane v3, v2  }
0xf7: {  	[tilespmem:s23], [sflag:$0x1] =	stream.indirect_vreg.gather [hbm4b:s6+s8], $0x80, v4, vm0, $0xb8;
	[tilespmem:$0x18100] =	vst v63  }
0xf8: {  	s24 =	simm.s32 $0x1100;
	v3 =	vadd.s32 v1, v3  }
0xf9: {  	[tilespmem:s24], [sflag:$0x1] =	stream.indirect_vreg.gather [hbm4b:s7+s8], $0x80, v4, vm0, $0xb8;
	[tilespmem:$0x18100] =	vst v63  }
0xfa: {  	s15 =	simm.s32 $0x1900  }
0xfb: {  	[tilespmem:s15], [sflag:$0x1] =	stream.indirect_vreg.gather [hbm4b:s9+s8], $0x80, v4, vm0, $0xb8;
	[tilespmem:$0x18100] =	vst v63  }
0xfc: {  	s16 =	simm.s32 $0x2100  }
0xfd: {  	[tilespmem:s16], [sflag:$0x1] =	stream.indirect_vreg.gather [hbm4b:s3+s8], $0x80, v3, vm0, $0xb8;
	[tilespmem:$0x18100] =	vst v63  }
0xfe: {  	s17 =	simm.s32 $0x2900  }
0xff: {  	[tilespmem:s17], [sflag:$0x1] =	stream.indirect_vreg.gather [hbm4b:s6+s8], $0x80, v3, vm0, $0xb8;
	[tilespmem:$0x18100] =	vst v63  }
0x100: {  	s21 =	simm.s32 $0x3100  }
0x101: {  	[tilespmem:s21], [sflag:$0x1] =	stream.indirect_vreg.gather [hbm4b:s7+s8], $0x80, v3, vm0, $0xb8;
	[tilespmem:$0x18100] =	vst v63  }
0x102: {  	s22 =	simm.s32 $0x3900  }
0x103: {  	[tilespmem:s22], [sflag:$0x1] =	stream.indirect_vreg.gather [hbm4b:s9+s8], $0x80, v3, vm0, $0xb8;
	[tilespmem:$0x18100] =	vst v63  }
0x104: {  	v3 =	vld [tilespmem:$0xB0];
	_ =	sdelay $0x4  }
0x105: {  	v4 =	vshll.u32 v3, $0x3  }
0x106: {  	v3 =	vand.u32 $0x7, v3;
	v4 =	vand.u32 $0xFFFFFFC0, v4  }
0x107: {  	v3 =	vor.u32 v3, v4  }
0x108: {  	v4 =	vperm.xlane v3, v0;
	_ =	sdelay $0x1  }
0x109: {  	v4 =	vadd.s32 v1, v4;
	_ =	sdelay $0x3  }
0x10a: {  	s23 =	simm.s32 $0xC100  }
0x10b: {  	[tilespmem:s23], [sflag:$0x4] =	stream.indirect_vreg.gather [hbm4b:s3+s8], $0x80, v4, vm0, $0xb8;
	[tilespmem:$0x18100] =	vst v63  }
0x10c: {  	s24 =	simm.s32 $0xC900;
	v3 =	vperm.xlane v3, v2  }
0x10d: {  	[tilespmem:s24], [sflag:$0x4] =	stream.indirect_vreg.gather [hbm4b:s6+s8], $0x80, v4, vm0, $0xb8;
	[tilespmem:$0x18100] =	vst v63  }
0x10e: {  	s15 =	simm.s32 $0xD100;
	v3 =	vadd.s32 v1, v3  }
0x10f: {  	[tilespmem:s15], [sflag:$0x4] =	stream.indirect_vreg.gather [hbm4b:s7+s8], $0x80, v4, vm0, $0xb8;
	[tilespmem:$0x18100] =	vst v63  }
0x110: {  	s16 =	simm.s32 $0xD900  }
0x111: {  	[tilespmem:s16], [sflag:$0x4] =	stream.indirect_vreg.gather [hbm4b:s9+s8], $0x80, v4, vm0, $0xb8;
	[tilespmem:$0x18100] =	vst v63  }
0x112: {  	s17 =	simm.s32 $0xE100  }
0x113: {  	[tilespmem:s17], [sflag:$0x4] =	stream.indirect_vreg.gather [hbm4b:s3+s8], $0x80, v3, vm0, $0xb8;
	[tilespmem:$0x18100] =	vst v63  }
0x114: {  	s21 =	simm.s32 $0xE900  }
0x115: {  	[tilespmem:s21], [sflag:$0x4] =	stream.indirect_vreg.gather [hbm4b:s6+s8], $0x80, v3, vm0, $0xb8;
	[tilespmem:$0x18100] =	vst v63  }
0x116: {  	s22 =	simm.s32 $0xF100  }
0x117: {  	[tilespmem:s22], [sflag:$0x4] =	stream.indirect_vreg.gather [hbm4b:s7+s8], $0x80, v3, vm0, $0xb8;
	[tilespmem:$0x18100] =	vst v63  }
0x118: {  	s23 =	simm.s32 $0xF900  }
0x119: {  	[tilespmem:s23], [sflag:$0x4] =	stream.indirect_vreg.gather [hbm4b:s9+s8], $0x80, v3, vm0, $0xb8;
	[tilespmem:$0x18100] =	vst v63  }
0x11a: {  	_ =	swait.ge [sflag:s4], $0x4000  }
0x11b: {  	s24 =	sand.u32 $0x40, s8;
	s16 =	simm.s32 $0x0;
	[sflag:s4] =	ssyncset.done $0x0  }
0x11c: {  	s15 =	sand.u32 $0x2000, s16;
	s8 =	sand.u32 $0x1C00, s8;
	[sflag:s4] =	ssyncadd.s32 $0xFFFFC000  }
0x11d: {  	s16 =	simm.s32 $0x0;
	s8 =	sor.u32 s24, s8;
	_ =	swait.ge [sflag:s5], $0x4000  }
0x11e: {  	s17 =	sand.u32 $0x380, s16;
	s8 =	sor.u32 s15, s8;
	[sflag:s5] =	ssyncset.done $0x0  }
0x11f: {  	s14 =	sor.u32 s17, s8;
	[sflag:s5] =	ssyncadd.s32 $0xFFFFC000  }
0x120: {  	v4 =	vld [tilespmem:s14+$0x14130]  }
0x121: {  	v5 =	vld [tilespmem:s14+$0x14120]  }
0x122: {  	v6 =	vld [tilespmem:s14+$0x8130]  }
0x123: {  	s21 =	simm.s32 $0x200;
	s22 =	simm.s32 $0x40;
	v9 =	vld [tilespmem:s14+$0x14100]  }
0x124: {  	s23 =	simm.s32 $0x40;
	s15 =	sand.u32 $0x40, s22;
	s8 =	sand.u32 $0x1C00, s21;
	v3 =	vld [tilespmem:s14+$0x14110]  }
0x125: {  	s16 =	sand.u32 $0x2000, s23;
	s17 =	simm.s32 $0x8;
	s8 =	sor.u32 s15, s8;
	v10 =	vld [tilespmem:s14+$0x8120]  }
0x126: {  	s24 =	sand.u32 $0x380, s17;
	s8 =	sor.u32 s16, s8;
	v11 =	vld [tilespmem:s14+$0x8100]  }
0x127: {  	s15 =	sor.u32 s24, s8;
	v8 =	vld [tilespmem:s14+$0x8110];
	v7 =	vadd.f32 v4, v6  }
0x128: {  	v4 =	vld [tilespmem:s15+$0x14130]  }
0x129: {  	v6 =	vld [tilespmem:s15+$0x14120];
	[tilespmem:s14+$0x8130] =	vst v7  }
0x12a: {  	v7 =	vld [tilespmem:s15+$0x8130]  }
0x12b: {  	s17 =	simm.s32 $0x80;
	s16 =	simm.s32 $0x400;
	s8 =	simm.s32 $0x2;
	v10 =	vadd.f32 v5, v10;
	v9 =	vadd.f32 v9, v11;
	v5 =	vld [tilespmem:s15+$0x14100]  }
.LBB2_6:
0x12c: {  	s21 =	sand.u32 $0x40, s17;
	s22 =	sshll.u32 s8, $0x6  }
0x12d: {  	s23 =	sand.u32 $0x1C00, s16;
	v8 =	vadd.f32 v3, v8;
	v3 =	vld [tilespmem:s15+$0x14110];
	[tilespmem:s14+$0x8120] =	vst v10;
	s24 =	smov.u32 s8;
	p0 =	sne.s32 s8, $0xFF  }
0x12e: {  	s22 =	sand.u32 $0x2000, s22;
	s24 =	sshll.u32 s8, $0x3;
	s21 =	sor.u32 s21, s23;
	v10 =	vld [tilespmem:s15+$0x8120];
	[tilespmem:s14+$0x8100] =	vst v9  }
0x12f: {  	s23 =	sand.u32 $0x380, s24;
	s21 =	sor.u32 s22, s21;
	s22 =	sadd.s32 $0x1, s8;
	v9 =	vld [tilespmem:s15+$0x8100];
	[tilespmem:s14+$0x8110] =	vst v8;
	v11 =	vmov v6  }
.Ltmp2:
0x130: {  	s21 =	sor.u32 s23, s21;
	v8 =	vld [tilespmem:s15+$0x8110];
	v7 =	vadd.f32 v4, v7;
	(pc) =	sbr.rel @p0 .LBB2_6-.Ltmp2, $4  }
0x131: {  	s14 =	smov.u32 s15;
	v4 =	vld [tilespmem:s21+$0x14130];
	s15 =	smov.u32 s21  }
0x132: {  	v6 =	vld [tilespmem:s15+$0x14120];
	[tilespmem:s14+$0x8130] =	vst v7  }
0x133: {  	v7 =	vld [tilespmem:s15+$0x8130];
	v10 =	vadd.f32 v11, v10  }
0x134: {  	s16 =	sadd.s32 $0x200, s16;
	s17 =	sadd.s32 $0x40, s17;
	s8 =	smov.u32 s22;
	v9 =	vadd.f32 v5, v9;
	v5 =	vld [tilespmem:s15+$0x14100]  }
0x135: {  	v11 =	vld [tilespmem:s15+$0x14110];
	[tilespmem:s14+$0x8120] =	vst v10;
	v3 =	vadd.f32 v3, v8  }
0x136: {  	v10 =	vld [tilespmem:s15+$0x8120];
	[tilespmem:s14+$0x8100] =	vst v9  }
0x137: {  	v8 =	vld [tilespmem:s15+$0x8100];
	[tilespmem:s14+$0x8110] =	vst v3  }
0x138: {  	v3 =	vld [tilespmem:s15+$0x8110];
	_ =	sdelay $0x1  }
0x139: {  	v4 =	vadd.f32 v4, v7  }
0x13a: {  	v6 =	vadd.f32 v6, v10  }
0x13b: {  	[tilespmem:s15+$0x8130] =	vst v4;
	v4 =	vadd.f32 v5, v8  }
0x13c: {  	v3 =	vadd.f32 v11, v3;
	[tilespmem:s15+$0x8120] =	vst v6  }
0x13d: {  	[tilespmem:s15+$0x8100] =	vst v4  }
0x13e: {  	s8 =	simm.s32 $0x0;
	[tilespmem:s15+$0x8110] =	vst v3;
	s15 =	rddreg [dreg:$0x7]  }
0x13f: {  	[hbm4b:s15+s8] =	stream.linear.scatter [tilespmem:s31], [sflag:$0x9], $0x4000, $0x38;
	[tilespmem:$0x18100] =	vst v63  }
0x140: {  	_ =	swait.ge [sflag:s11], $0x4000  }
0x141: {  	[sflag:s11] =	ssyncset.done $0x0  }
0x142: {  	[sflag:s11] =	ssyncadd.s32 $0xFFFFC000  }
0x143: {  	v3 =	vld [tilespmem:$0x40];
	_ =	sdelay $0x4  }
0x144: {  	v4 =	vshll.u32 v3, $0x3  }
0x145: {  	v3 =	vand.u32 $0x7, v3;
	v4 =	vand.u32 $0xFFFFFFC0, v4  }
0x146: {  	v3 =	vor.u32 v3, v4  }
0x147: {  	v4 =	vperm.xlane v3, v0;
	_ =	sdelay $0x1  }
0x148: {  	v4 =	vadd.s32 v1, v4;
	_ =	sdelay $0x4  }
0x149: {  	[tilespmem:s10], [sflag:$0x2] =	stream.indirect_vreg.gather [hbm4b:s3+s8], $0x80, v4, vm0, $0xb8;
	[tilespmem:$0x18100] =	vst v63  }
0x14a: {  	s16 =	simm.s32 $0x4900;
	v3 =	vperm.xlane v3, v2  }
0x14b: {  	[tilespmem:s16], [sflag:$0x2] =	stream.indirect_vreg.gather [hbm4b:s6+s8], $0x80, v4, vm0, $0xb8;
	[tilespmem:$0x18100] =	vst v63  }
0x14c: {  	s17 =	simm.s32 $0x5100;
	v3 =	vadd.s32 v1, v3  }
0x14d: {  	[tilespmem:s17], [sflag:$0x2] =	stream.indirect_vreg.gather [hbm4b:s7+s8], $0x80, v4, vm0, $0xb8;
	[tilespmem:$0x18100] =	vst v63  }
0x14e: {  	s21 =	simm.s32 $0x5900  }
0x14f: {  	[tilespmem:s21], [sflag:$0x2] =	stream.indirect_vreg.gather [hbm4b:s9+s8], $0x80, v4, vm0, $0xb8;
	[tilespmem:$0x18100] =	vst v63  }
0x150: {  	s22 =	simm.s32 $0x6100  }
0x151: {  	[tilespmem:s22], [sflag:$0x2] =	stream.indirect_vreg.gather [hbm4b:s3+s8], $0x80, v3, vm0, $0xb8;
	[tilespmem:$0x18100] =	vst v63  }
0x152: {  	s23 =	simm.s32 $0x6900  }
0x153: {  	[tilespmem:s23], [sflag:$0x2] =	stream.indirect_vreg.gather [hbm4b:s6+s8], $0x80, v3, vm0, $0xb8;
	[tilespmem:$0x18100] =	vst v63  }
0x154: {  	s24 =	simm.s32 $0x7100  }
0x155: {  	[tilespmem:s24], [sflag:$0x2] =	stream.indirect_vreg.gather [hbm4b:s7+s8], $0x80, v3, vm0, $0xb8;
	[tilespmem:$0x18100] =	vst v63  }
0x156: {  	s15 =	simm.s32 $0x7900  }
0x157: {  	[tilespmem:s15], [sflag:$0x2] =	stream.indirect_vreg.gather [hbm4b:s9+s8], $0x80, v3, vm0, $0xb8;
	[tilespmem:$0x18100] =	vst v63  }
0x158: {  	v3 =	vld [tilespmem:$0xC0];
	_ =	sdelay $0x4  }
0x159: {  	v4 =	vshll.u32 v3, $0x3  }
0x15a: {  	v3 =	vand.u32 $0x7, v3;
	v4 =	vand.u32 $0xFFFFFFC0, v4  }
0x15b: {  	v3 =	vor.u32 v3, v4  }
0x15c: {  	v4 =	vperm.xlane v3, v0;
	_ =	sdelay $0x1  }
0x15d: {  	v4 =	vadd.s32 v1, v4;
	_ =	sdelay $0x3  }
0x15e: {  	s16 =	simm.s32 $0x10100  }
0x15f: {  	[tilespmem:s16], [sflag:$0x5] =	stream.indirect_vreg.gather [hbm4b:s3+s8], $0x80, v4, vm0, $0xb8;
	[tilespmem:$0x18100] =	vst v63  }
0x160: {  	s17 =	simm.s32 $0x10900;
	v3 =	vperm.xlane v3, v2  }
0x161: {  	[tilespmem:s17], [sflag:$0x5] =	stream.indirect_vreg.gather [hbm4b:s6+s8], $0x80, v4, vm0, $0xb8;
	[tilespmem:$0x18100] =	vst v63  }
0x162: {  	s21 =	simm.s32 $0x11100;
	v3 =	vadd.s32 v1, v3  }
0x163: {  	[tilespmem:s21], [sflag:$0x5] =	stream.indirect_vreg.gather [hbm4b:s7+s8], $0x80, v4, vm0, $0xb8;
	[tilespmem:$0x18100] =	vst v63  }
0x164: {  	s22 =	simm.s32 $0x11900  }
0x165: {  	[tilespmem:s22], [sflag:$0x5] =	stream.indirect_vreg.gather [hbm4b:s9+s8], $0x80, v4, vm0, $0xb8;
	[tilespmem:$0x18100] =	vst v63  }
0x166: {  	s23 =	simm.s32 $0x12100  }
0x167: {  	[tilespmem:s23], [sflag:$0x5] =	stream.indirect_vreg.gather [hbm4b:s3+s8], $0x80, v3, vm0, $0xb8;
	[tilespmem:$0x18100] =	vst v63  }
0x168: {  	_ = 	snop  }
0x169: {  	[tilespmem:s25], [sflag:$0x5] =	stream.indirect_vreg.gather [hbm4b:s6+s8], $0x80, v3, vm0, $0xb8;
	[tilespmem:$0x18100] =	vst v63  }
0x16a: {  	_ = 	snop  }
0x16b: {  	[tilespmem:s26], [sflag:$0x5] =	stream.indirect_vreg.gather [hbm4b:s7+s8], $0x80, v3, vm0, $0xb8;
	[tilespmem:$0x18100] =	vst v63  }
0x16c: {  	_ = 	snop  }
0x16d: {  	[tilespmem:s28], [sflag:$0x5] =	stream.indirect_vreg.gather [hbm4b:s9+s8], $0x80, v3, vm0, $0xb8;
	[tilespmem:$0x18100] =	vst v63  }
0x16e: {  	_ =	swait.ge [sflag:s29], $0x4000  }
0x16f: {  	s24 =	sand.u32 $0x40, s8;
	s16 =	simm.s32 $0x0;
	[sflag:s29] =	ssyncset.done $0x0  }
0x170: {  	s15 =	sand.u32 $0x2000, s16;
	s8 =	sand.u32 $0x1C00, s8;
	[sflag:s29] =	ssyncadd.s32 $0xFFFFC000  }
0x171: {  	s16 =	simm.s32 $0x0;
	s8 =	sor.u32 s24, s8;
	_ =	swait.ge [sflag:s30], $0x4000  }
0x172: {  	s17 =	sand.u32 $0x380, s16;
	s8 =	sor.u32 s15, s8;
	[sflag:s30] =	ssyncset.done $0x0  }
0x173: {  	s14 =	sor.u32 s17, s8;
	[sflag:s30] =	ssyncadd.s32 $0xFFFFC000  }
0x174: {  	v4 =	vld [tilespmem:s14+$0xC130]  }
0x175: {  	v5 =	vld [tilespmem:s14+$0xC120]  }
0x176: {  	v6 =	vld [tilespmem:s14+$0x130]  }
0x177: {  	s21 =	simm.s32 $0x200;
	s22 =	simm.s32 $0x40;
	v9 =	vld [tilespmem:s14+$0xC100]  }
0x178: {  	s23 =	simm.s32 $0x40;
	s15 =	sand.u32 $0x40, s22;
	s8 =	sand.u32 $0x1C00, s21;
	v3 =	vld [tilespmem:s14+$0xC110]  }
0x179: {  	s16 =	sand.u32 $0x2000, s23;
	s17 =	simm.s32 $0x8;
	s8 =	sor.u32 s15, s8;
	v10 =	vld [tilespmem:s14+$0x120]  }
0x17a: {  	s24 =	sand.u32 $0x380, s17;
	s8 =	sor.u32 s16, s8;
	v11 =	vld [tilespmem:s14+$0x100]  }
0x17b: {  	s15 =	sor.u32 s24, s8;
	v8 =	vld [tilespmem:s14+$0x110];
	v7 =	vadd.f32 v4, v6  }
0x17c: {  	v4 =	vld [tilespmem:s15+$0xC130]  }
0x17d: {  	v6 =	vld [tilespmem:s15+$0xC120];
	[tilespmem:s14+$0x130] =	vst v7  }
0x17e: {  	v7 =	vld [tilespmem:s15+$0x130]  }
0x17f: {  	s17 =	simm.s32 $0x80;
	s16 =	simm.s32 $0x400;
	s8 =	simm.s32 $0x2;
	v10 =	vadd.f32 v5, v10;
	v9 =	vadd.f32 v9, v11;
	v5 =	vld [tilespmem:s15+$0xC100]  }
.LBB2_8:
0x180: {  	s21 =	sand.u32 $0x40, s17;
	s22 =	sshll.u32 s8, $0x6  }
0x181: {  	s23 =	sand.u32 $0x1C00, s16;
	v8 =	vadd.f32 v3, v8;
	v3 =	vld [tilespmem:s15+$0xC110];
	[tilespmem:s14+$0x120] =	vst v10;
	s24 =	smov.u32 s8;
	p0 =	sne.s32 s8, $0xFF  }
0x182: {  	s22 =	sand.u32 $0x2000, s22;
	s24 =	sshll.u32 s8, $0x3;
	s21 =	sor.u32 s21, s23;
	v10 =	vld [tilespmem:s15+$0x120];
	[tilespmem:s14+$0x100] =	vst v9  }
0x183: {  	s23 =	sand.u32 $0x380, s24;
	s21 =	sor.u32 s22, s21;
	s22 =	sadd.s32 $0x1, s8;
	v9 =	vld [tilespmem:s15+$0x100];
	[tilespmem:s14+$0x110] =	vst v8;
	v11 =	vmov v6  }
.Ltmp3:
0x184: {  	s21 =	sor.u32 s23, s21;
	v8 =	vld [tilespmem:s15+$0x110];
	v7 =	vadd.f32 v4, v7;
	(pc) =	sbr.rel @p0 .LBB2_8-.Ltmp3, $4  }
0x185: {  	s14 =	smov.u32 s15;
	v4 =	vld [tilespmem:s21+$0xC130];
	s15 =	smov.u32 s21  }
0x186: {  	v6 =	vld [tilespmem:s15+$0xC120];
	[tilespmem:s14+$0x130] =	vst v7  }
0x187: {  	v7 =	vld [tilespmem:s15+$0x130];
	v10 =	vadd.f32 v11, v10  }
0x188: {  	s16 =	sadd.s32 $0x200, s16;
	s17 =	sadd.s32 $0x40, s17;
	s8 =	smov.u32 s22;
	v9 =	vadd.f32 v5, v9;
	v5 =	vld [tilespmem:s15+$0xC100]  }
0x189: {  	v11 =	vld [tilespmem:s15+$0xC110];
	[tilespmem:s14+$0x120] =	vst v10;
	v3 =	vadd.f32 v3, v8  }
0x18a: {  	v10 =	vld [tilespmem:s15+$0x120];
	[tilespmem:s14+$0x100] =	vst v9  }
0x18b: {  	v8 =	vld [tilespmem:s15+$0x100];
	[tilespmem:s14+$0x110] =	vst v3  }
0x18c: {  	v3 =	vld [tilespmem:s15+$0x110];
	_ =	sdelay $0x1  }
0x18d: {  	v4 =	vadd.f32 v4, v7  }
0x18e: {  	v6 =	vadd.f32 v6, v10  }
0x18f: {  	[tilespmem:s15+$0x130] =	vst v4;
	v4 =	vadd.f32 v5, v8  }
0x190: {  	v3 =	vadd.f32 v11, v3;
	[tilespmem:s15+$0x120] =	vst v6  }
0x191: {  	[tilespmem:s15+$0x100] =	vst v4  }
0x192: {  	s8 =	simm.s32 $0x0;
	s22 =	rddreg [dreg:$0x8];
	[tilespmem:s15+$0x110] =	vst v3  }
0x193: {  	[hbm4b:s22+s8] =	stream.linear.scatter [tilespmem:s20], [sflag:$0x7], $0x4000, $0x38;
	[tilespmem:$0x18100] =	vst v63  }
0x194: {  	_ =	swait.ge [sflag:s12], $0x4000  }
0x195: {  	[sflag:s12] =	ssyncset.done $0x0  }
0x196: {  	[sflag:s12] =	ssyncadd.s32 $0xFFFFC000  }
0x197: {  	v3 =	vld [tilespmem:$0x50];
	_ =	sdelay $0x4  }
0x198: {  	v4 =	vshll.u32 v3, $0x3  }
0x199: {  	v3 =	vand.u32 $0x7, v3;
	v4 =	vand.u32 $0xFFFFFFC0, v4  }
0x19a: {  	v3 =	vor.u32 v3, v4  }
0x19b: {  	v4 =	vperm.xlane v3, v0;
	_ =	sdelay $0x1  }
0x19c: {  	v4 =	vadd.s32 v1, v4;
	_ =	sdelay $0x4  }
0x19d: {  	[tilespmem:s31], [sflag:$0x3] =	stream.indirect_vreg.gather [hbm4b:s3+s8], $0x80, v4, vm0, $0xb8;
	[tilespmem:$0x18100] =	vst v63  }
0x19e: {  	s23 =	simm.s32 $0x8900;
	v3 =	vperm.xlane v3, v2  }
0x19f: {  	[tilespmem:s23], [sflag:$0x3] =	stream.indirect_vreg.gather [hbm4b:s6+s8], $0x80, v4, vm0, $0xb8;
	[tilespmem:$0x18100] =	vst v63  }
0x1a0: {  	s24 =	simm.s32 $0x9100;
	v3 =	vadd.s32 v1, v3  }
0x1a1: {  	[tilespmem:s24], [sflag:$0x3] =	stream.indirect_vreg.gather [hbm4b:s7+s8], $0x80, v4, vm0, $0xb8;
	[tilespmem:$0x18100] =	vst v63  }
0x1a2: {  	s15 =	simm.s32 $0x9900  }
0x1a3: {  	[tilespmem:s15], [sflag:$0x3] =	stream.indirect_vreg.gather [hbm4b:s9+s8], $0x80, v4, vm0, $0xb8;
	[tilespmem:$0x18100] =	vst v63  }
0x1a4: {  	s16 =	simm.s32 $0xA100  }
0x1a5: {  	[tilespmem:s16], [sflag:$0x3] =	stream.indirect_vreg.gather [hbm4b:s3+s8], $0x80, v3, vm0, $0xb8;
	[tilespmem:$0x18100] =	vst v63  }
0x1a6: {  	s17 =	simm.s32 $0xA900  }
0x1a7: {  	[tilespmem:s17], [sflag:$0x3] =	stream.indirect_vreg.gather [hbm4b:s6+s8], $0x80, v3, vm0, $0xb8;
	[tilespmem:$0x18100] =	vst v63  }
0x1a8: {  	s21 =	simm.s32 $0xB100  }
0x1a9: {  	[tilespmem:s21], [sflag:$0x3] =	stream.indirect_vreg.gather [hbm4b:s7+s8], $0x80, v3, vm0, $0xb8;
	[tilespmem:$0x18100] =	vst v63  }
0x1aa: {  	s22 =	simm.s32 $0xB900  }
0x1ab: {  	[tilespmem:s22], [sflag:$0x3] =	stream.indirect_vreg.gather [hbm4b:s9+s8], $0x80, v3, vm0, $0xb8;
	[tilespmem:$0x18100] =	vst v63  }
0x1ac: {  	v3 =	vld [tilespmem:$0xD0];
	_ =	sdelay $0x4  }
0x1ad: {  	v4 =	vshll.u32 v3, $0x3  }
0x1ae: {  	v3 =	vand.u32 $0x7, v3;
	v4 =	vand.u32 $0xFFFFFFC0, v4  }
0x1af: {  	v3 =	vor.u32 v3, v4  }
0x1b0: {  	v4 =	vperm.xlane v3, v0;
	_ =	sdelay $0x1  }
0x1b1: {  	v4 =	vadd.s32 v1, v4;
	_ =	sdelay $0x3  }
0x1b2: {  	s23 =	simm.s32 $0x14100  }
0x1b3: {  	[tilespmem:s23], [sflag:$0x6] =	stream.indirect_vreg.gather [hbm4b:s3+s8], $0x80, v4, vm0, $0xb8;
	[tilespmem:$0x18100] =	vst v63  }
0x1b4: {  	s24 =	simm.s32 $0x14900;
	v3 =	vperm.xlane v3, v2  }
0x1b5: {  	[tilespmem:s24], [sflag:$0x6] =	stream.indirect_vreg.gather [hbm4b:s6+s8], $0x80, v4, vm0, $0xb8;
	[tilespmem:$0x18100] =	vst v63  }
0x1b6: {  	s15 =	simm.s32 $0x15100;
	v3 =	vadd.s32 v1, v3  }
0x1b7: {  	[tilespmem:s15], [sflag:$0x6] =	stream.indirect_vreg.gather [hbm4b:s7+s8], $0x80, v4, vm0, $0xb8;
	[tilespmem:$0x18100] =	vst v63  }
0x1b8: {  	s16 =	simm.s32 $0x15900  }
0x1b9: {  	[tilespmem:s16], [sflag:$0x6] =	stream.indirect_vreg.gather [hbm4b:s9+s8], $0x80, v4, vm0, $0xb8;
	[tilespmem:$0x18100] =	vst v63  }
0x1ba: {  	s17 =	simm.s32 $0x16100  }
0x1bb: {  	[tilespmem:s17], [sflag:$0x6] =	stream.indirect_vreg.gather [hbm4b:s3+s8], $0x80, v3, vm0, $0xb8;
	[tilespmem:$0x18100] =	vst v63  }
0x1bc: {  	s21 =	simm.s32 $0x16900  }
0x1bd: {  	[tilespmem:s21], [sflag:$0x6] =	stream.indirect_vreg.gather [hbm4b:s6+s8], $0x80, v3, vm0, $0xb8;
	[tilespmem:$0x18100] =	vst v63  }
0x1be: {  	s22 =	simm.s32 $0x17100  }
0x1bf: {  	[tilespmem:s22], [sflag:$0x6] =	stream.indirect_vreg.gather [hbm4b:s7+s8], $0x80, v3, vm0, $0xb8;
	[tilespmem:$0x18100] =	vst v63  }
0x1c0: {  	s23 =	simm.s32 $0x17900  }
0x1c1: {  	[tilespmem:s23], [sflag:$0x6] =	stream.indirect_vreg.gather [hbm4b:s9+s8], $0x80, v3, vm0, $0xb8;
	[tilespmem:$0x18100] =	vst v63  }
0x1c2: {  	_ =	swait.ge [sflag:s0], $0x4000  }
0x1c3: {  	s24 =	sand.u32 $0x40, s8;
	s16 =	simm.s32 $0x0;
	[sflag:s0] =	ssyncset.done $0x0  }
0x1c4: {  	s15 =	sand.u32 $0x2000, s16;
	s8 =	sand.u32 $0x1C00, s8;
	[sflag:s0] =	ssyncadd.s32 $0xFFFFC000  }
0x1c5: {  	s16 =	simm.s32 $0x0;
	s8 =	sor.u32 s24, s8;
	_ =	swait.ge [sflag:s1], $0x4000  }
0x1c6: {  	s17 =	sand.u32 $0x380, s16;
	s8 =	sor.u32 s15, s8;
	[sflag:s1] =	ssyncset.done $0x0  }
0x1c7: {  	s14 =	sor.u32 s17, s8;
	[sflag:s1] =	ssyncadd.s32 $0xFFFFC000  }
0x1c8: {  	v4 =	vld [tilespmem:s14+$0x10130]  }
0x1c9: {  	v5 =	vld [tilespmem:s14+$0x10120]  }
0x1ca: {  	v6 =	vld [tilespmem:s14+$0x4130]  }
0x1cb: {  	s21 =	simm.s32 $0x200;
	s22 =	simm.s32 $0x40;
	v9 =	vld [tilespmem:s14+$0x10100]  }
0x1cc: {  	s23 =	simm.s32 $0x40;
	s15 =	sand.u32 $0x40, s22;
	s8 =	sand.u32 $0x1C00, s21;
	v3 =	vld [tilespmem:s14+$0x10110]  }
0x1cd: {  	s16 =	sand.u32 $0x2000, s23;
	s17 =	simm.s32 $0x8;
	s8 =	sor.u32 s15, s8;
	v10 =	vld [tilespmem:s14+$0x4120]  }
0x1ce: {  	s24 =	sand.u32 $0x380, s17;
	s8 =	sor.u32 s16, s8;
	v11 =	vld [tilespmem:s14+$0x4100]  }
0x1cf: {  	s15 =	sor.u32 s24, s8;
	v8 =	vld [tilespmem:s14+$0x4110];
	v7 =	vadd.f32 v4, v6  }
0x1d0: {  	v4 =	vld [tilespmem:s15+$0x10130]  }
0x1d1: {  	v6 =	vld [tilespmem:s15+$0x10120];
	[tilespmem:s14+$0x4130] =	vst v7  }
0x1d2: {  	v7 =	vld [tilespmem:s15+$0x4130]  }
0x1d3: {  	s17 =	simm.s32 $0x80;
	s16 =	simm.s32 $0x400;
	s8 =	simm.s32 $0x2;
	v10 =	vadd.f32 v5, v10;
	v9 =	vadd.f32 v9, v11;
	v5 =	vld [tilespmem:s15+$0x10100]  }
.LBB2_10:
0x1d4: {  	s21 =	sand.u32 $0x40, s17;
	s22 =	sshll.u32 s8, $0x6  }
0x1d5: {  	s23 =	sand.u32 $0x1C00, s16;
	v8 =	vadd.f32 v3, v8;
	v3 =	vld [tilespmem:s15+$0x10110];
	[tilespmem:s14+$0x4120] =	vst v10;
	s24 =	smov.u32 s8;
	p0 =	sne.s32 s8, $0xFF  }
0x1d6: {  	s22 =	sand.u32 $0x2000, s22;
	s24 =	sshll.u32 s8, $0x3;
	s21 =	sor.u32 s21, s23;
	v10 =	vld [tilespmem:s15+$0x4120];
	[tilespmem:s14+$0x4100] =	vst v9  }
0x1d7: {  	s23 =	sand.u32 $0x380, s24;
	s21 =	sor.u32 s22, s21;
	s22 =	sadd.s32 $0x1, s8;
	v9 =	vld [tilespmem:s15+$0x4100];
	[tilespmem:s14+$0x4110] =	vst v8;
	v11 =	vmov v6  }
.Ltmp4:
0x1d8: {  	s21 =	sor.u32 s23, s21;
	v8 =	vld [tilespmem:s15+$0x4110];
	v7 =	vadd.f32 v4, v7;
	(pc) =	sbr.rel @p0 .LBB2_10-.Ltmp4, $4  }
0x1d9: {  	s14 =	smov.u32 s15;
	v4 =	vld [tilespmem:s21+$0x10130];
	s15 =	smov.u32 s21  }
0x1da: {  	v6 =	vld [tilespmem:s15+$0x10120];
	[tilespmem:s14+$0x4130] =	vst v7  }
0x1db: {  	v7 =	vld [tilespmem:s15+$0x4130];
	v10 =	vadd.f32 v11, v10  }
0x1dc: {  	s16 =	sadd.s32 $0x200, s16;
	s17 =	sadd.s32 $0x40, s17;
	s8 =	smov.u32 s22;
	v9 =	vadd.f32 v5, v9;
	v5 =	vld [tilespmem:s15+$0x10100]  }
0x1dd: {  	v11 =	vld [tilespmem:s15+$0x10110];
	[tilespmem:s14+$0x4120] =	vst v10;
	v3 =	vadd.f32 v3, v8  }
0x1de: {  	v10 =	vld [tilespmem:s15+$0x4120];
	[tilespmem:s14+$0x4100] =	vst v9  }
0x1df: {  	v8 =	vld [tilespmem:s15+$0x4100];
	[tilespmem:s14+$0x4110] =	vst v3  }
0x1e0: {  	v3 =	vld [tilespmem:s15+$0x4110];
	_ =	sdelay $0x1  }
0x1e1: {  	v4 =	vadd.f32 v4, v7  }
0x1e2: {  	v6 =	vadd.f32 v6, v10  }
0x1e3: {  	[tilespmem:s15+$0x4130] =	vst v4;
	v4 =	vadd.f32 v5, v8  }
0x1e4: {  	v3 =	vadd.f32 v11, v3;
	[tilespmem:s15+$0x4120] =	vst v6  }
0x1e5: {  	[tilespmem:s15+$0x4100] =	vst v4  }
0x1e6: {  	s8 =	simm.s32 $0x0;
	s22 =	rddreg [dreg:$0x9];
	[tilespmem:s15+$0x4110] =	vst v3  }
0x1e7: {  	[hbm4b:s22+s8] =	stream.linear.scatter [tilespmem:s10], [sflag:$0x8], $0x4000, $0x38;
	[tilespmem:$0x18100] =	vst v63  }
0x1e8: {  	_ =	swait.ge [sflag:s19], $0x4000  }
0x1e9: {  	[sflag:s19] =	ssyncset.done $0x0  }
0x1ea: {  	[sflag:s19] =	ssyncadd.s32 $0xFFFFC000  }
0x1eb: {  	v3 =	vld [tilespmem:$0x60];
	_ =	sdelay $0x4  }
0x1ec: {  	v4 =	vshll.u32 v3, $0x3  }
0x1ed: {  	v3 =	vand.u32 $0x7, v3;
	v4 =	vand.u32 $0xFFFFFFC0, v4  }
0x1ee: {  	v3 =	vor.u32 v3, v4  }
0x1ef: {  	v4 =	vperm.xlane v3, v0;
	_ =	sdelay $0x1  }
0x1f0: {  	v4 =	vadd.s32 v1, v4;
	_ =	sdelay $0x4  }
0x1f1: {  	[tilespmem:s20], [sflag:$0x1] =	stream.indirect_vreg.gather [hbm4b:s3+s8], $0x80, v4, vm0, $0xb8;
	[tilespmem:$0x18100] =	vst v63  }
0x1f2: {  	s23 =	simm.s32 $0x900;
	v3 =	vperm.xlane v3, v2  }
0x1f3: {  	[tilespmem:s23], [sflag:$0x1] =	stream.indirect_vreg.gather [hbm4b:s6+s8], $0x80, v4, vm0, $0xb8;
	[tilespmem:$0x18100] =	vst v63  }
0x1f4: {  	s24 =	simm.s32 $0x1100;
	v3 =	vadd.s32 v1, v3  }
0x1f5: {  	[tilespmem:s24], [sflag:$0x1] =	stream.indirect_vreg.gather [hbm4b:s7+s8], $0x80, v4, vm0, $0xb8;
	[tilespmem:$0x18100] =	vst v63  }
0x1f6: {  	s15 =	simm.s32 $0x1900  }
0x1f7: {  	[tilespmem:s15], [sflag:$0x1] =	stream.indirect_vreg.gather [hbm4b:s9+s8], $0x80, v4, vm0, $0xb8;
	[tilespmem:$0x18100] =	vst v63  }
0x1f8: {  	s16 =	simm.s32 $0x2100  }
0x1f9: {  	[tilespmem:s16], [sflag:$0x1] =	stream.indirect_vreg.gather [hbm4b:s3+s8], $0x80, v3, vm0, $0xb8;
	[tilespmem:$0x18100] =	vst v63  }
0x1fa: {  	s17 =	simm.s32 $0x2900  }
0x1fb: {  	[tilespmem:s17], [sflag:$0x1] =	stream.indirect_vreg.gather [hbm4b:s6+s8], $0x80, v3, vm0, $0xb8;
	[tilespmem:$0x18100] =	vst v63  }
0x1fc: {  	s21 =	simm.s32 $0x3100  }
0x1fd: {  	[tilespmem:s21], [sflag:$0x1] =	stream.indirect_vreg.gather [hbm4b:s7+s8], $0x80, v3, vm0, $0xb8;
	[tilespmem:$0x18100] =	vst v63  }
0x1fe: {  	s22 =	simm.s32 $0x3900  }
0x1ff: {  	[tilespmem:s22], [sflag:$0x1] =	stream.indirect_vreg.gather [hbm4b:s9+s8], $0x80, v3, vm0, $0xb8;
	[tilespmem:$0x18100] =	vst v63  }
0x200: {  	v3 =	vld [tilespmem:$0xE0];
	_ =	sdelay $0x4  }
0x201: {  	v4 =	vshll.u32 v3, $0x3  }
0x202: {  	v3 =	vand.u32 $0x7, v3;
	v4 =	vand.u32 $0xFFFFFFC0, v4  }
0x203: {  	v3 =	vor.u32 v3, v4  }
0x204: {  	v4 =	vperm.xlane v3, v0;
	_ =	sdelay $0x1  }
0x205: {  	v4 =	vadd.s32 v1, v4;
	_ =	sdelay $0x3  }
0x206: {  	s23 =	simm.s32 $0xC100  }
0x207: {  	[tilespmem:s23], [sflag:$0x4] =	stream.indirect_vreg.gather [hbm4b:s3+s8], $0x80, v4, vm0, $0xb8;
	[tilespmem:$0x18100] =	vst v63  }
0x208: {  	s24 =	simm.s32 $0xC900;
	v3 =	vperm.xlane v3, v2  }
0x209: {  	[tilespmem:s24], [sflag:$0x4] =	stream.indirect_vreg.gather [hbm4b:s6+s8], $0x80, v4, vm0, $0xb8;
	[tilespmem:$0x18100] =	vst v63  }
0x20a: {  	s15 =	simm.s32 $0xD100;
	v3 =	vadd.s32 v1, v3  }
0x20b: {  	[tilespmem:s15], [sflag:$0x4] =	stream.indirect_vreg.gather [hbm4b:s7+s8], $0x80, v4, vm0, $0xb8;
	[tilespmem:$0x18100] =	vst v63  }
0x20c: {  	s16 =	simm.s32 $0xD900  }
0x20d: {  	[tilespmem:s16], [sflag:$0x4] =	stream.indirect_vreg.gather [hbm4b:s9+s8], $0x80, v4, vm0, $0xb8;
	[tilespmem:$0x18100] =	vst v63  }
0x20e: {  	s17 =	simm.s32 $0xE100  }
0x20f: {  	[tilespmem:s17], [sflag:$0x4] =	stream.indirect_vreg.gather [hbm4b:s3+s8], $0x80, v3, vm0, $0xb8;
	[tilespmem:$0x18100] =	vst v63  }
0x210: {  	s21 =	simm.s32 $0xE900  }
0x211: {  	[tilespmem:s21], [sflag:$0x4] =	stream.indirect_vreg.gather [hbm4b:s6+s8], $0x80, v3, vm0, $0xb8;
	[tilespmem:$0x18100] =	vst v63  }
0x212: {  	s22 =	simm.s32 $0xF100  }
0x213: {  	[tilespmem:s22], [sflag:$0x4] =	stream.indirect_vreg.gather [hbm4b:s7+s8], $0x80, v3, vm0, $0xb8;
	[tilespmem:$0x18100] =	vst v63  }
0x214: {  	s23 =	simm.s32 $0xF900  }
0x215: {  	[tilespmem:s23], [sflag:$0x4] =	stream.indirect_vreg.gather [hbm4b:s9+s8], $0x80, v3, vm0, $0xb8;
	[tilespmem:$0x18100] =	vst v63  }
0x216: {  	_ =	swait.ge [sflag:s4], $0x4000  }
0x217: {  	s24 =	sand.u32 $0x40, s8;
	s16 =	simm.s32 $0x0;
	[sflag:s4] =	ssyncset.done $0x0  }
0x218: {  	s15 =	sand.u32 $0x2000, s16;
	s8 =	sand.u32 $0x1C00, s8;
	[sflag:s4] =	ssyncadd.s32 $0xFFFFC000  }
0x219: {  	s16 =	simm.s32 $0x0;
	s8 =	sor.u32 s24, s8;
	_ =	swait.ge [sflag:s5], $0x4000  }
0x21a: {  	s17 =	sand.u32 $0x380, s16;
	s8 =	sor.u32 s15, s8;
	[sflag:s5] =	ssyncset.done $0x0  }
0x21b: {  	s14 =	sor.u32 s17, s8;
	[sflag:s5] =	ssyncadd.s32 $0xFFFFC000  }
0x21c: {  	v4 =	vld [tilespmem:s14+$0x14130]  }
0x21d: {  	v5 =	vld [tilespmem:s14+$0x14120]  }
0x21e: {  	v6 =	vld [tilespmem:s14+$0x8130]  }
0x21f: {  	s21 =	simm.s32 $0x200;
	s22 =	simm.s32 $0x40;
	v9 =	vld [tilespmem:s14+$0x14100]  }
0x220: {  	s23 =	simm.s32 $0x40;
	s15 =	sand.u32 $0x40, s22;
	s8 =	sand.u32 $0x1C00, s21;
	v3 =	vld [tilespmem:s14+$0x14110]  }
0x221: {  	s16 =	sand.u32 $0x2000, s23;
	s17 =	simm.s32 $0x8;
	s8 =	sor.u32 s15, s8;
	v10 =	vld [tilespmem:s14+$0x8120]  }
0x222: {  	s24 =	sand.u32 $0x380, s17;
	s8 =	sor.u32 s16, s8;
	v11 =	vld [tilespmem:s14+$0x8100]  }
0x223: {  	s15 =	sor.u32 s24, s8;
	v8 =	vld [tilespmem:s14+$0x8110];
	v7 =	vadd.f32 v4, v6  }
0x224: {  	v4 =	vld [tilespmem:s15+$0x14130]  }
0x225: {  	v6 =	vld [tilespmem:s15+$0x14120];
	[tilespmem:s14+$0x8130] =	vst v7  }
0x226: {  	v7 =	vld [tilespmem:s15+$0x8130]  }
0x227: {  	s17 =	simm.s32 $0x80;
	s16 =	simm.s32 $0x400;
	s8 =	simm.s32 $0x2;
	v10 =	vadd.f32 v5, v10;
	v9 =	vadd.f32 v9, v11;
	v5 =	vld [tilespmem:s15+$0x14100]  }
.LBB2_12:
0x228: {  	s21 =	sand.u32 $0x40, s17;
	s22 =	sshll.u32 s8, $0x6  }
0x229: {  	s23 =	sand.u32 $0x1C00, s16;
	v8 =	vadd.f32 v3, v8;
	v3 =	vld [tilespmem:s15+$0x14110];
	[tilespmem:s14+$0x8120] =	vst v10;
	s24 =	smov.u32 s8;
	p0 =	sne.s32 s8, $0xFF  }
0x22a: {  	s22 =	sand.u32 $0x2000, s22;
	s24 =	sshll.u32 s8, $0x3;
	s21 =	sor.u32 s21, s23;
	v10 =	vld [tilespmem:s15+$0x8120];
	[tilespmem:s14+$0x8100] =	vst v9  }
0x22b: {  	s23 =	sand.u32 $0x380, s24;
	s21 =	sor.u32 s22, s21;
	s22 =	sadd.s32 $0x1, s8;
	v9 =	vld [tilespmem:s15+$0x8100];
	[tilespmem:s14+$0x8110] =	vst v8;
	v11 =	vmov v6  }
.Ltmp5:
0x22c: {  	s21 =	sor.u32 s23, s21;
	v8 =	vld [tilespmem:s15+$0x8110];
	v7 =	vadd.f32 v4, v7;
	(pc) =	sbr.rel @p0 .LBB2_12-.Ltmp5, $4  }
0x22d: {  	s14 =	smov.u32 s15;
	v4 =	vld [tilespmem:s21+$0x14130];
	s15 =	smov.u32 s21  }
0x22e: {  	v6 =	vld [tilespmem:s15+$0x14120];
	[tilespmem:s14+$0x8130] =	vst v7  }
0x22f: {  	v7 =	vld [tilespmem:s15+$0x8130];
	v10 =	vadd.f32 v11, v10  }
0x230: {  	s16 =	sadd.s32 $0x200, s16;
	s17 =	sadd.s32 $0x40, s17;
	s8 =	smov.u32 s22;
	v9 =	vadd.f32 v5, v9;
	v5 =	vld [tilespmem:s15+$0x14100]  }
0x231: {  	v11 =	vld [tilespmem:s15+$0x14110];
	[tilespmem:s14+$0x8120] =	vst v10;
	v3 =	vadd.f32 v3, v8  }
0x232: {  	v10 =	vld [tilespmem:s15+$0x8120];
	[tilespmem:s14+$0x8100] =	vst v9  }
0x233: {  	v8 =	vld [tilespmem:s15+$0x8100];
	[tilespmem:s14+$0x8110] =	vst v3  }
0x234: {  	v3 =	vld [tilespmem:s15+$0x8110];
	_ =	sdelay $0x1  }
0x235: {  	v4 =	vadd.f32 v4, v7  }
0x236: {  	v6 =	vadd.f32 v6, v10  }
0x237: {  	[tilespmem:s15+$0x8130] =	vst v4;
	v4 =	vadd.f32 v5, v8  }
0x238: {  	v3 =	vadd.f32 v11, v3;
	[tilespmem:s15+$0x8120] =	vst v6  }
0x239: {  	[tilespmem:s15+$0x8100] =	vst v4  }
0x23a: {  	s8 =	simm.s32 $0x0;
	[tilespmem:s15+$0x8110] =	vst v3;
	s15 =	rddreg [dreg:$0xa]  }
0x23b: {  	[hbm4b:s15+s8] =	stream.linear.scatter [tilespmem:s31], [sflag:$0x9], $0x4000, $0x38;
	[tilespmem:$0x18100] =	vst v63  }
0x23c: {  	_ =	swait.ge [sflag:s11], $0x4000  }
0x23d: {  	[sflag:s11] =	ssyncset.done $0x0  }
0x23e: {  	[sflag:s11] =	ssyncadd.s32 $0xFFFFC000  }
0x23f: {  	v3 =	vld [tilespmem:$0x70];
	_ =	sdelay $0x4  }
0x240: {  	v4 =	vshll.u32 v3, $0x3  }
0x241: {  	v3 =	vand.u32 $0x7, v3;
	v4 =	vand.u32 $0xFFFFFFC0, v4  }
0x242: {  	v3 =	vor.u32 v3, v4  }
0x243: {  	v4 =	vperm.xlane v3, v0;
	_ =	sdelay $0x1  }
0x244: {  	v4 =	vadd.s32 v1, v4;
	_ =	sdelay $0x4  }
0x245: {  	[tilespmem:s10], [sflag:$0x2] =	stream.indirect_vreg.gather [hbm4b:s3+s8], $0x80, v4, vm0, $0xb8;
	[tilespmem:$0x18100] =	vst v63  }
0x246: {  	s16 =	simm.s32 $0x4900;
	v3 =	vperm.xlane v3, v2  }
0x247: {  	[tilespmem:s16], [sflag:$0x2] =	stream.indirect_vreg.gather [hbm4b:s6+s8], $0x80, v4, vm0, $0xb8;
	[tilespmem:$0x18100] =	vst v63  }
0x248: {  	s17 =	simm.s32 $0x5100;
	v3 =	vadd.s32 v1, v3  }
0x249: {  	[tilespmem:s17], [sflag:$0x2] =	stream.indirect_vreg.gather [hbm4b:s7+s8], $0x80, v4, vm0, $0xb8;
	[tilespmem:$0x18100] =	vst v63  }
0x24a: {  	s21 =	simm.s32 $0x5900  }
0x24b: {  	[tilespmem:s21], [sflag:$0x2] =	stream.indirect_vreg.gather [hbm4b:s9+s8], $0x80, v4, vm0, $0xb8;
	[tilespmem:$0x18100] =	vst v63  }
0x24c: {  	s22 =	simm.s32 $0x6100  }
0x24d: {  	[tilespmem:s22], [sflag:$0x2] =	stream.indirect_vreg.gather [hbm4b:s3+s8], $0x80, v3, vm0, $0xb8;
	[tilespmem:$0x18100] =	vst v63  }
0x24e: {  	s23 =	simm.s32 $0x6900  }
0x24f: {  	[tilespmem:s23], [sflag:$0x2] =	stream.indirect_vreg.gather [hbm4b:s6+s8], $0x80, v3, vm0, $0xb8;
	[tilespmem:$0x18100] =	vst v63  }
0x250: {  	s24 =	simm.s32 $0x7100  }
0x251: {  	[tilespmem:s24], [sflag:$0x2] =	stream.indirect_vreg.gather [hbm4b:s7+s8], $0x80, v3, vm0, $0xb8;
	[tilespmem:$0x18100] =	vst v63  }
0x252: {  	s15 =	simm.s32 $0x7900  }
0x253: {  	[tilespmem:s15], [sflag:$0x2] =	stream.indirect_vreg.gather [hbm4b:s9+s8], $0x80, v3, vm0, $0xb8;
	[tilespmem:$0x18100] =	vst v63  }
0x254: {  	v3 =	vld [tilespmem:$0xF0];
	_ =	sdelay $0x4  }
0x255: {  	v4 =	vshll.u32 v3, $0x3  }
0x256: {  	v3 =	vand.u32 $0x7, v3;
	v4 =	vand.u32 $0xFFFFFFC0, v4  }
0x257: {  	v3 =	vor.u32 v3, v4  }
0x258: {  	v4 =	vperm.xlane v3, v0;
	_ =	sdelay $0x1  }
0x259: {  	v4 =	vadd.s32 v1, v4;
	_ =	sdelay $0x3  }
0x25a: {  	s16 =	simm.s32 $0x10100  }
0x25b: {  	[tilespmem:s16], [sflag:$0x5] =	stream.indirect_vreg.gather [hbm4b:s3+s8], $0x80, v4, vm0, $0xb8;
	[tilespmem:$0x18100] =	vst v63  }
0x25c: {  	s17 =	simm.s32 $0x10900;
	v3 =	vperm.xlane v3, v2  }
0x25d: {  	[tilespmem:s17], [sflag:$0x5] =	stream.indirect_vreg.gather [hbm4b:s6+s8], $0x80, v4, vm0, $0xb8;
	[tilespmem:$0x18100] =	vst v63  }
0x25e: {  	s21 =	simm.s32 $0x11100;
	v3 =	vadd.s32 v1, v3  }
0x25f: {  	[tilespmem:s21], [sflag:$0x5] =	stream.indirect_vreg.gather [hbm4b:s7+s8], $0x80, v4, vm0, $0xb8;
	[tilespmem:$0x18100] =	vst v63  }
0x260: {  	s22 =	simm.s32 $0x11900  }
0x261: {  	[tilespmem:s22], [sflag:$0x5] =	stream.indirect_vreg.gather [hbm4b:s9+s8], $0x80, v4, vm0, $0xb8;
	[tilespmem:$0x18100] =	vst v63  }
0x262: {  	s23 =	simm.s32 $0x12100  }
0x263: {  	[tilespmem:s23], [sflag:$0x5] =	stream.indirect_vreg.gather [hbm4b:s3+s8], $0x80, v3, vm0, $0xb8;
	[tilespmem:$0x18100] =	vst v63  }
0x264: {  	_ = 	snop  }
0x265: {  	[tilespmem:s25], [sflag:$0x5] =	stream.indirect_vreg.gather [hbm4b:s6+s8], $0x80, v3, vm0, $0xb8;
	[tilespmem:$0x18100] =	vst v63  }
0x266: {  	_ = 	snop  }
0x267: {  	[tilespmem:s26], [sflag:$0x5] =	stream.indirect_vreg.gather [hbm4b:s7+s8], $0x80, v3, vm0, $0xb8;
	[tilespmem:$0x18100] =	vst v63  }
0x268: {  	_ = 	snop  }
0x269: {  	[tilespmem:s28], [sflag:$0x5] =	stream.indirect_vreg.gather [hbm4b:s9+s8], $0x80, v3, vm0, $0xb8;
	[tilespmem:$0x18100] =	vst v63  }
0x26a: {  	_ =	swait.ge [sflag:s29], $0x4000  }
0x26b: {  	s24 =	sand.u32 $0x40, s8;
	s16 =	simm.s32 $0x0;
	[sflag:s29] =	ssyncset.done $0x0  }
0x26c: {  	s15 =	sand.u32 $0x2000, s16;
	s8 =	sand.u32 $0x1C00, s8;
	[sflag:s29] =	ssyncadd.s32 $0xFFFFC000  }
0x26d: {  	s16 =	simm.s32 $0x0;
	s8 =	sor.u32 s24, s8;
	_ =	swait.ge [sflag:s30], $0x4000  }
0x26e: {  	s17 =	sand.u32 $0x380, s16;
	s8 =	sor.u32 s15, s8;
	[sflag:s30] =	ssyncset.done $0x0  }
0x26f: {  	s14 =	sor.u32 s17, s8;
	[sflag:s30] =	ssyncadd.s32 $0xFFFFC000  }
0x270: {  	v4 =	vld [tilespmem:s14+$0xC130]  }
0x271: {  	v5 =	vld [tilespmem:s14+$0xC120]  }
0x272: {  	v6 =	vld [tilespmem:s14+$0x130]  }
0x273: {  	s21 =	simm.s32 $0x200;
	s22 =	simm.s32 $0x40;
	v9 =	vld [tilespmem:s14+$0xC100]  }
0x274: {  	s23 =	simm.s32 $0x40;
	s15 =	sand.u32 $0x40, s22;
	s8 =	sand.u32 $0x1C00, s21;
	v3 =	vld [tilespmem:s14+$0xC110]  }
0x275: {  	s16 =	sand.u32 $0x2000, s23;
	s17 =	simm.s32 $0x8;
	s8 =	sor.u32 s15, s8;
	v10 =	vld [tilespmem:s14+$0x120]  }
0x276: {  	s24 =	sand.u32 $0x380, s17;
	s8 =	sor.u32 s16, s8;
	v11 =	vld [tilespmem:s14+$0x100]  }
0x277: {  	s15 =	sor.u32 s24, s8;
	v8 =	vld [tilespmem:s14+$0x110];
	v7 =	vadd.f32 v4, v6  }
0x278: {  	v4 =	vld [tilespmem:s15+$0xC130]  }
0x279: {  	v6 =	vld [tilespmem:s15+$0xC120];
	[tilespmem:s14+$0x130] =	vst v7  }
0x27a: {  	v7 =	vld [tilespmem:s15+$0x130]  }
0x27b: {  	s17 =	simm.s32 $0x80;
	s16 =	simm.s32 $0x400;
	s8 =	simm.s32 $0x2;
	v10 =	vadd.f32 v5, v10;
	v9 =	vadd.f32 v9, v11;
	v5 =	vld [tilespmem:s15+$0xC100]  }
.LBB2_14:
0x27c: {  	s21 =	sand.u32 $0x40, s17;
	s22 =	sshll.u32 s8, $0x6  }
0x27d: {  	s23 =	sand.u32 $0x1C00, s16;
	v8 =	vadd.f32 v3, v8;
	v3 =	vld [tilespmem:s15+$0xC110];
	[tilespmem:s14+$0x120] =	vst v10;
	s24 =	smov.u32 s8;
	p0 =	sne.s32 s8, $0xFF  }
0x27e: {  	s22 =	sand.u32 $0x2000, s22;
	s24 =	sshll.u32 s8, $0x3;
	s21 =	sor.u32 s21, s23;
	v10 =	vld [tilespmem:s15+$0x120];
	[tilespmem:s14+$0x100] =	vst v9  }
0x27f: {  	s23 =	sand.u32 $0x380, s24;
	s21 =	sor.u32 s22, s21;
	s22 =	sadd.s32 $0x1, s8;
	v9 =	vld [tilespmem:s15+$0x100];
	[tilespmem:s14+$0x110] =	vst v8;
	v11 =	vmov v6  }
.Ltmp6:
0x280: {  	s21 =	sor.u32 s23, s21;
	v8 =	vld [tilespmem:s15+$0x110];
	v7 =	vadd.f32 v4, v7;
	(pc) =	sbr.rel @p0 .LBB2_14-.Ltmp6, $4  }
0x281: {  	s14 =	smov.u32 s15;
	v4 =	vld [tilespmem:s21+$0xC130];
	s15 =	smov.u32 s21  }
0x282: {  	v6 =	vld [tilespmem:s15+$0xC120];
	[tilespmem:s14+$0x130] =	vst v7  }
0x283: {  	v7 =	vld [tilespmem:s15+$0x130];
	v10 =	vadd.f32 v11, v10  }
0x284: {  	s16 =	sadd.s32 $0x200, s16;
	s17 =	sadd.s32 $0x40, s17;
	s8 =	smov.u32 s22;
	v9 =	vadd.f32 v5, v9;
	v5 =	vld [tilespmem:s15+$0xC100]  }
0x285: {  	v11 =	vld [tilespmem:s15+$0xC110];
	[tilespmem:s14+$0x120] =	vst v10;
	v3 =	vadd.f32 v3, v8  }
0x286: {  	v10 =	vld [tilespmem:s15+$0x120];
	[tilespmem:s14+$0x100] =	vst v9  }
0x287: {  	v8 =	vld [tilespmem:s15+$0x100];
	[tilespmem:s14+$0x110] =	vst v3  }
0x288: {  	v3 =	vld [tilespmem:s15+$0x110];
	_ =	sdelay $0x1  }
0x289: {  	v4 =	vadd.f32 v4, v7  }
0x28a: {  	v6 =	vadd.f32 v6, v10  }
0x28b: {  	[tilespmem:s15+$0x130] =	vst v4;
	v4 =	vadd.f32 v5, v8  }
0x28c: {  	v3 =	vadd.f32 v11, v3;
	[tilespmem:s15+$0x120] =	vst v6  }
0x28d: {  	[tilespmem:s15+$0x100] =	vst v4  }
0x28e: {  	s8 =	simm.s32 $0x0;
	s23 =	rddreg [dreg:$0xb];
	[tilespmem:s15+$0x110] =	vst v3  }
0x28f: {  	[hbm4b:s23+s8] =	stream.linear.scatter [tilespmem:s20], [sflag:$0x7], $0x4000, $0x38;
	[tilespmem:$0x18100] =	vst v63  }
0x290: {  	_ =	swait.ge [sflag:s0], $0x4000  }
0x291: {  	s16 =	simm.s32 $0x0;
	s24 =	sand.u32 $0x40, s8;
	[sflag:s0] =	ssyncset.done $0x0  }
0x292: {  	s15 =	sand.u32 $0x2000, s16;
	s8 =	sand.u32 $0x1C00, s8;
	[sflag:s0] =	ssyncadd.s32 $0xFFFFC000  }
0x293: {  	s16 =	simm.s32 $0x0;
	s8 =	sor.u32 s24, s8;
	_ =	swait.ge [sflag:s1], $0x4000  }
0x294: {  	s17 =	sand.u32 $0x380, s16;
	s8 =	sor.u32 s15, s8;
	[sflag:s1] =	ssyncset.done $0x0  }
0x295: {  	s14 =	sor.u32 s17, s8;
	[sflag:s1] =	ssyncadd.s32 $0xFFFFC000  }
0x296: {  	v4 =	vld [tilespmem:s14+$0x10130]  }
0x297: {  	v5 =	vld [tilespmem:s14+$0x10120]  }
0x298: {  	v6 =	vld [tilespmem:s14+$0x4130]  }
0x299: {  	s21 =	simm.s32 $0x200;
	s22 =	simm.s32 $0x40;
	v9 =	vld [tilespmem:s14+$0x10100]  }
0x29a: {  	s23 =	simm.s32 $0x40;
	s15 =	sand.u32 $0x40, s22;
	s8 =	sand.u32 $0x1C00, s21;
	v3 =	vld [tilespmem:s14+$0x10110]  }
0x29b: {  	s16 =	sand.u32 $0x2000, s23;
	s17 =	simm.s32 $0x8;
	s8 =	sor.u32 s15, s8;
	v10 =	vld [tilespmem:s14+$0x4120]  }
0x29c: {  	s24 =	sand.u32 $0x380, s17;
	s8 =	sor.u32 s16, s8;
	v11 =	vld [tilespmem:s14+$0x4100]  }
0x29d: {  	s15 =	sor.u32 s24, s8;
	v8 =	vld [tilespmem:s14+$0x4110];
	v7 =	vadd.f32 v4, v6  }
0x29e: {  	v4 =	vld [tilespmem:s15+$0x10130]  }
0x29f: {  	v6 =	vld [tilespmem:s15+$0x10120];
	[tilespmem:s14+$0x4130] =	vst v7  }
0x2a0: {  	v7 =	vld [tilespmem:s15+$0x4130]  }
0x2a1: {  	s17 =	simm.s32 $0x80;
	s16 =	simm.s32 $0x400;
	s8 =	simm.s32 $0x2;
	v10 =	vadd.f32 v5, v10;
	v9 =	vadd.f32 v9, v11;
	v5 =	vld [tilespmem:s15+$0x10100]  }
.LBB2_16:
0x2a2: {  	s21 =	sand.u32 $0x40, s17;
	s22 =	sshll.u32 s8, $0x6  }
0x2a3: {  	s23 =	sand.u32 $0x1C00, s16;
	v8 =	vadd.f32 v3, v8;
	v3 =	vld [tilespmem:s15+$0x10110];
	[tilespmem:s14+$0x4120] =	vst v10;
	s24 =	smov.u32 s8;
	p0 =	sne.s32 s8, $0xFF  }
0x2a4: {  	s22 =	sand.u32 $0x2000, s22;
	s24 =	sshll.u32 s8, $0x3;
	s21 =	sor.u32 s21, s23;
	v10 =	vld [tilespmem:s15+$0x4120];
	[tilespmem:s14+$0x4100] =	vst v9  }
0x2a5: {  	s23 =	sand.u32 $0x380, s24;
	s21 =	sor.u32 s22, s21;
	s22 =	sadd.s32 $0x1, s8;
	v9 =	vld [tilespmem:s15+$0x4100];
	[tilespmem:s14+$0x4110] =	vst v8;
	v11 =	vmov v6  }
.Ltmp7:
0x2a6: {  	s21 =	sor.u32 s23, s21;
	v8 =	vld [tilespmem:s15+$0x4110];
	v7 =	vadd.f32 v4, v7;
	(pc) =	sbr.rel @p0 .LBB2_16-.Ltmp7, $4  }
0x2a7: {  	s14 =	smov.u32 s15;
	v4 =	vld [tilespmem:s21+$0x10130];
	s15 =	smov.u32 s21  }
0x2a8: {  	v6 =	vld [tilespmem:s15+$0x10120];
	[tilespmem:s14+$0x4130] =	vst v7  }
0x2a9: {  	v7 =	vld [tilespmem:s15+$0x4130];
	v10 =	vadd.f32 v11, v10  }
0x2aa: {  	s16 =	sadd.s32 $0x200, s16;
	s17 =	sadd.s32 $0x40, s17;
	s8 =	smov.u32 s22;
	v9 =	vadd.f32 v5, v9;
	v5 =	vld [tilespmem:s15+$0x10100]  }
0x2ab: {  	v11 =	vld [tilespmem:s15+$0x10110];
	[tilespmem:s14+$0x4120] =	vst v10;
	v3 =	vadd.f32 v3, v8  }
0x2ac: {  	v10 =	vld [tilespmem:s15+$0x4120];
	[tilespmem:s14+$0x4100] =	vst v9  }
0x2ad: {  	v62 =	vld [tilespmem:s15+$0x4100];
	[tilespmem:s14+$0x4110] =	vst v3  }
0x2ae: {  	v3 =	vld [tilespmem:s15+$0x4110];
	_ =	sdelay $0x1  }
0x2af: {  	v4 =	vadd.f32 v4, v7  }
0x2b0: {  	v6 =	vadd.f32 v6, v10  }
0x2b1: {  	[tilespmem:s15+$0x4130] =	vst v4;
	v63 =	vadd.f32 v5, v62  }
0x2b2: {  	v3 =	vadd.f32 v11, v3;
	[tilespmem:s15+$0x4120] =	vst v6  }
0x2b3: {  	[tilespmem:s15+$0x4100] =	vst v63  }
0x2b4: {  	s8 =	rddreg [dreg:$0xc];
	[tilespmem:s15+$0x4110] =	vst v3  }
0x2b5: {  	[hbm4b:s8+s2] =	stream.linear.scatter [tilespmem:s10], [sflag:$0x8], $0x4000, $0x38;
	[tilespmem:$0x18100] =	vst v63  }
0x2b6: {  	_ =	swait.ge [sflag:s12], $0x4000  }
0x2b7: {  	[sflag:s12] =	ssyncset.done $0x0  }
0x2b8: {  	[sflag:s12] =	ssyncadd.s32 $0xFFFFC000  }
0x2b9: {  	_ =	swait.ge [sflag:s19], $0x4000  }
0x2ba: {  	[sflag:s19] =	ssyncset.done $0x0  }
0x2bb: {  	[sflag:s19] =	ssyncadd.s32 $0xFFFFC000  }
0x2bc: {  	_ =	swait.ge [sflag:s11], $0x4000  }
0x2bd: {  	s13 =	sadd.s32 $0x1, s13;
	s24 =	rddreg [dreg:$0xd]  }
0x2be: {  	p0 =	sne.s32 s13, s24  }
.Ltmp8:
0x2bf: {  	_ = 	snop;
	(pc) =	sbr.rel @p0 .LBB2_1-.Ltmp8, $3  }
0x2c0: {  	_ =	sdelay $0x1  }
0x2c1: {  	[sflag:s11] =	ssyncset.done $0x0  }
0x2c2: {  	[sflag:s11] =	ssyncadd.s32 $0xFFFFC000  }
0x2c3: {  	_ =	sfence.sel $0x180000  }
0x2c4: {  	[bflag:$0x0] =	sbarrier.arrive $0xFFFF  }
0x2c5: {  	_ =	strace $0x90000050  }
0x2c6: {  	s0 =	stileid.u32;
	[bflag:$0x2] =	sbarrier.arrive $0xFFFF  }
0x2c7: {  	p0 =	sne.s32 s0, $0x0;
	s0 =	rddreg [dreg:$0x2]  }
0x2c8: {  	s0 =	sadd.s32 @!p0 $0x100000, s0  }
0x2c9: {  	[sflag:s0] =	ssyncadd.tile.s32 @!p0 $0x1;
	_ =	shalt  }
.Lfunc_end2:
_tile_overlayer_lowered:
.L_overlay_start_2:
0x2ca: {  	(tag) =	ssettag $0x2  }
0x2cb: {  	s0 =	rddreg [dreg:$0x0];
	s2 =	stileid.u32  }
0x2cc: {  	s1 =	rddreg [dreg:$0x1];
	p0 =	sne.s32 s2, $0x0  }
0x2cd: {  	s3 =	rddreg [dreg:$0x2];
	[bflag:$0x3] =	sbarrier.arrive $0xFFFF;
	s2 =	simm.s32 @!p0 $0x1C0A  }
0x2ce: {  	[timem:s3], [sflag:s2] =	dma.local @!p0 [hbm:s0], s1  }
0x2cf: {  	s0 =	simm.s32 @!p0 $0xA  }
0x2d0: {  	_ =	swait.ge @!p0 [sflag:s0], s1  }
0x2d1: {  	s1 =	ssub.s32 @!p0 $0x0, s1;
	[sflag:s0] =	ssyncset.done @!p0 $0x0  }
0x2d2: {  	[sflag:s0] =	ssyncadd.s32 @!p0 s1  }
0x2d3: {  	[bflag:$0x3] =	sbarrier.arrive $0xFFFF  }
0x2d4: {  	_ =	shalt  }

</sc_bundles>
